<compile_context>
chip_gen: v7x
topology: tpu7x:2x2x1
jax: 0.10.2.dev20260603
libtpu: 0.0.44.dev20260713+nightly
codegen_flags: <defaults>
</compile_context>

<pallas_src>
import functools

import jax
import jax.numpy as jnp
from jax import lax
from jax.experimental import pallas as pl
from jax.experimental.pallas import tpu as pltpu
from jax.experimental.pallas import tpu_sc as plsc

N = 10000
E = 320000
D = 128
H = 128
O = 10
G = 64

NC = 2
NS = 16
NW = NC * NS

K = 128
CPW = 80
CH_TOT = NW * CPW
E_PAD = CH_TOT * K

NP = 10112
RPT = NP // NS

_sc_mesh = plsc.VectorSubcoreMesh(
    core_axis_name="c", subcore_axis_name="s", num_cores=NC, num_subcores=NS)


@functools.partial(
    pl.kernel,
    out_type=jax.ShapeDtypeStruct((NC, NP, H // 2), jnp.float32),
    mesh=_sc_mesh,
    compiler_params=pltpu.CompilerParams(use_tc_tiling_on_sc=False),
    scratch_types=[
        pltpu.VMEM((CPW, K), jnp.int32),
        pltpu.VMEM((K, H // 2), jnp.float32),
        pltpu.VMEM_SHARED((NP, H // 2), jnp.float32),
        pltpu.SemaphoreType.DMA,
    ],
)
def _sc_degree(dst_hbm, zeros_hbm, ones_hbm, out_hbm, dst_v, ones_v, acc,
               sem):
    c = lax.axis_index("c")
    s = lax.axis_index("s")
    w = c * NS + s
    pltpu.sync_copy(zeros_hbm.at[pl.ds(s * RPT, RPT)],
                    acc.at[pl.ds(s * RPT, RPT)])
    pltpu.sync_copy(ones_hbm, ones_v)
    pltpu.sync_copy(dst_hbm.at[pl.ds(w * CPW, CPW)], dst_v)
    plsc.subcore_barrier()

    W = 8

    def issue(j, _):
        pltpu.async_copy(ones_v, acc.at[dst_v.at[j]], sem, add=True)
        return _

    def issue_drain(j, _):
        pltpu.async_copy(ones_v, acc.at[dst_v.at[j]], sem, add=True)
        pltpu.make_async_copy(ones_v, acc.at[dst_v.at[j]], sem).wait()
        return _

    lax.fori_loop(0, W, issue, None)
    lax.fori_loop(W, CPW, issue_drain, None)
    for _ in range(W):
        pltpu.make_async_copy(ones_v, acc.at[dst_v.at[0]], sem).wait()
    plsc.subcore_barrier()
    pltpu.sync_copy(acc.at[pl.ds(s * RPT, RPT)],
                    out_hbm.at[c].at[pl.ds(s * RPT, RPT)])


HH = H // 2
CPT = CH_TOT // NS
NBUF = 4
NPH = 4
CPP = CPT // NPH
ZRT = N // NS


@functools.partial(
    pl.kernel,
    out_type=jax.ShapeDtypeStruct((NC, NP, HH), jnp.float32),
    mesh=_sc_mesh,
    compiler_params=pltpu.CompilerParams(use_tc_tiling_on_sc=False),
    scratch_types=[
        pltpu.VMEM((CPP, K), jnp.int32),
        pltpu.VMEM((CPP, K), jnp.int32),
    ] + [pltpu.VMEM((K, HH), jnp.float32) for _ in range(NBUF)] + [
        pltpu.VMEM_SHARED((N, HH), jnp.float32),
        pltpu.VMEM_SHARED((NP, HH), jnp.float32),
    ] + [pltpu.SemaphoreType.DMA for _ in range(2 * NBUF)],
)
def _sc_scatter(src_hbm, dst_hbm, z_hbm, zeros_hbm, out_hbm,
                src_v, dst_v, *rest):
    bufs = rest[:NBUF]
    zsp = rest[NBUF]
    acc = rest[NBUF + 1]
    gsems = rest[NBUF + 2:NBUF + 2 + NBUF]
    ssems = rest[NBUF + 2 + NBUF:]
    c = lax.axis_index("c")
    s = lax.axis_index("s")
    pltpu.sync_copy(zeros_hbm.at[pl.ds(s * RPT, RPT)],
                    acc.at[pl.ds(s * RPT, RPT)])
    pltpu.sync_copy(z_hbm.at[c].at[pl.ds(s * ZRT, ZRT)],
                    zsp.at[pl.ds(s * ZRT, ZRT)])
    plsc.subcore_barrier()

    def wg(b, j):
        pltpu.make_async_copy(zsp.at[src_v.at[j]], bufs[b], gsems[b]).wait()

    def ss(b, j):
        pltpu.async_copy(bufs[b], acc.at[dst_v.at[j]], ssems[b], add=True)

    def ws(b, j):
        pltpu.make_async_copy(bufs[b], acc.at[dst_v.at[j]], ssems[b]).wait()

    for p in range(NPH):
        base = s * CPT + p * CPP
        pltpu.sync_copy(src_hbm.at[pl.ds(base, CPP)], src_v)
        pltpu.sync_copy(dst_hbm.at[pl.ds(base, CPP)], dst_v)

        for b in range(NBUF):
            pltpu.async_copy(zsp.at[src_v.at[b]], bufs[b], gsems[b])
        wg(0, 0)
        ss(0, 0)

        def body(t, _):
            jb = NBUF * t + 1
            for b in range(NBUF):
                j = jb + b
                wg((b + 1) % NBUF, j)
                ss((b + 1) % NBUF, j)
                ws(b, j - 1)
                pltpu.async_copy(zsp.at[src_v.at[j + NBUF - 1]],
                                 bufs[b], gsems[b])
            return _

        lax.fori_loop(0, (CPP - NBUF) // NBUF, body, None)
        for j in range(CPP - NBUF + 1, CPP):
            wg(j % NBUF, j)
            ss(j % NBUF, j)
            ws((j - 1) % NBUF, j - 1)
        ws((CPP - 1) % NBUF, CPP - 1)

    plsc.subcore_barrier()
    pltpu.sync_copy(acc.at[pl.ds(s * RPT, RPT)],
                    out_hbm.at[c].at[pl.ds(s * RPT, RPT)])


def _halves(ref):
    return jnp.concatenate([ref[0, :N, :], ref[1, :N, :]], axis=1)


def _split(ref, val):
    ref[0, :, :] = val[:, :HH]
    ref[1, :, :] = val[:, HH:]


def _tc_mm1(x_ref, w1_ref, u1_ref):
    u1_ref[...] = jnp.dot(x_ref[...], w1_ref[...],
                          preferred_element_type=jnp.float32)


def _tc_first(deg2_ref, u1_ref, z1_ref, dis_ref):
    degh = deg2_ref[0, :N, :] + deg2_ref[1, :N, :] + 1.0
    dish = lax.rsqrt(degh)
    dis = jnp.concatenate([dish, dish], axis=1)
    dis_ref[...] = dis
    _split(z1_ref, u1_ref[...] * dis)


def _tc_mid(dis_ref, s1_ref, z1_ref, b1_ref, w2_ref, z2_ref):
    dis = dis_ref[...]
    agg = _halves(s1_ref) + _halves(z1_ref)
    h1 = jnp.maximum(agg * dis + b1_ref[...], 0.0)
    _split(z2_ref, jnp.dot(h1, w2_ref[...],
                           preferred_element_type=jnp.float32) * dis)


def _tc_last(dis_ref, s2_ref, z2_ref, b2_ref, batch_ref, wlin_ref, blin_ref,
             out_ref):
    dis = dis_ref[...]
    agg = _halves(s2_ref) + _halves(z2_ref)
    h2 = jnp.maximum(agg * dis + b2_ref[...], 0.0)
    gid = lax.broadcasted_iota(jnp.int32, (G, N), 0)
    onehot = (batch_ref[...] == gid).astype(jnp.float32)
    sums = jnp.dot(onehot, h2, preferred_element_type=jnp.float32)
    cnt = jnp.sum(onehot, axis=1, keepdims=True)
    g = sums / jnp.maximum(cnt, 1.0)
    out_ref[...] = jnp.dot(g, wlin_ref[...],
                           preferred_element_type=jnp.float32) + blin_ref[...]


def _tc_call(body, out_shape, *args):
    return pl.pallas_call(body, out_shape=out_shape)(*args)


def _tc_first_call(deg2, u1):
    return _tc_call(_tc_first,
                    (jax.ShapeDtypeStruct((NC, N, HH), jnp.float32),
                     jax.ShapeDtypeStruct((N, H), jnp.float32)),
                    deg2, u1)


def _tc_mid_call(dis, s1, z1, b1, W2):
    return _tc_call(_tc_mid, jax.ShapeDtypeStruct((NC, N, HH), jnp.float32),
                    dis, s1, z1, b1, W2)


def kernel(x, edge_index, batch, W1, b1, W2, b2, Wlin, blin):
    src = edge_index[0]
    dst = edge_index[1]
    pad = E_PAD - E
    srcp = jnp.concatenate([src, jnp.zeros((pad,), jnp.int32)]).reshape(CH_TOT, K)
    dstp = jnp.concatenate([dst, jnp.full((pad,), N, jnp.int32)]).reshape(CH_TOT, K)

    zeros_h_hbm = jnp.zeros((NP, HH), jnp.float32)
    ones_hbm = jnp.ones((K, HH), jnp.float32)

    deg2 = _sc_degree(dstp, zeros_h_hbm, ones_hbm)
    u1 = _tc_call(_tc_mm1, jax.ShapeDtypeStruct((N, H), jnp.float32), x, W1)

    z1, dis = _tc_first_call(deg2, u1)
    s1 = _sc_scatter(srcp, dstp, z1, zeros_h_hbm)
    z2 = _tc_mid_call(dis, s1, z1, b1.reshape(1, H), W2)
    s2 = _sc_scatter(srcp, dstp, z2, zeros_h_hbm)
    out = _tc_call(_tc_last, jax.ShapeDtypeStruct((G, O), jnp.float32),
                   dis, s2, z2, b2.reshape(1, H), batch.reshape(1, N),
                   Wlin, blin.reshape(1, O))
    return out

# --- scband reference (transcript-rebuilt; emitter-appended) ---
"""Pipeline reference for scband-simple-gnn-91018946937353 (READ-ONLY COPY).

The authoritative reference and input builder live on the scoring server;
editing this copy changes nothing except your own understanding.
"""

import jax, jax.numpy as jnp
import numpy as np

N = 10000
E = 320000
D = 128
H = 128
O = 10
G = 64


def setup_inputs(seed: int = 0) -> dict:
    key = jax.random.key(seed)
    ks = jax.random.split(key, 10)
    x = jax.random.normal(ks[0], (N, D), dtype=jnp.float32)
    edge_index = jax.random.randint(ks[1], (2, E), 0, N, dtype=jnp.int32)
    batch = jnp.sort(jax.random.randint(ks[2], (N,), 0, G, dtype=jnp.int32))
    # GCNConv weights (PyG-style: linear then normalized aggregation, bias after)
    W1 = jax.random.normal(ks[3], (D, H), dtype=jnp.float32) * 0.05
    b1 = jnp.zeros((H,), dtype=jnp.float32)
    W2 = jax.random.normal(ks[4], (H, H), dtype=jnp.float32) * 0.05
    b2 = jnp.zeros((H,), dtype=jnp.float32)
    Wlin = jax.random.normal(ks[5], (H, O), dtype=jnp.float32) * 0.05
    blin = jnp.zeros((O,), dtype=jnp.float32)
    return {"x": x, "edge_index": edge_index, "batch": batch,
            "W1": W1, "b1": b1, "W2": W2, "b2": b2,
            "Wlin": Wlin, "blin": blin}


def _gcn_conv(x, edge_index, W, b):
    n = x.shape[0]
    src = edge_index[0]
    dst = edge_index[1]
    loop = jnp.arange(n, dtype=src.dtype)
    src = jnp.concatenate([src, loop])
    dst = jnp.concatenate([dst, loop])
    deg = jnp.zeros((n,), dtype=x.dtype).at[dst].add(1.0)
    dis = jax.lax.rsqrt(jnp.maximum(deg, 1.0))
    norm = dis[src] * dis[dst]
    h = x @ W
    msg = h[src] * norm[:, None]
    out = jnp.zeros((n, W.shape[1]), dtype=x.dtype).at[dst].add(msg)
    return out + b


def _global_mean_pool(x, batch, num_graphs):
    sums = jax.ops.segment_sum(x, batch, num_segments=num_graphs)
    cnt = jax.ops.segment_sum(jnp.ones((x.shape[0],), dtype=x.dtype), batch, num_segments=num_graphs)
    return sums / jnp.maximum(cnt, 1.0)[:, None]


def reference(x, edge_index, batch, W1, b1, W2, b2, Wlin, blin):
    h = _gcn_conv(x, edge_index, W1, b1)
    h = jax.nn.relu(h)
    h = _gcn_conv(h, edge_index, W2, b2)
    h = jax.nn.relu(h)
    g = _global_mean_pool(h, batch, G)
    return g @ Wlin + blin

if __name__ == "__main__":
    import jax
    _d = setup_inputs()
    print(jax.jit(kernel)(*tuple(_d.values())))

</pallas_src>

<mosaic_0001>
#map = affine_map<(d0, d1) -> (0, 0)>
#map1 = affine_map<(d0, d1) -> (0, 0, 0)>
module attributes {stable_mosaic.version = 14 : i64} {
  func.func @_sc_scatter(%arg0: i32, %arg1: i32, %arg2: memref<2560x128xi32, #tpu.memory_space<hbm>>, %arg3: memref<2560x128xi32, #tpu.memory_space<hbm>>, %arg4: memref<2x10000x64xf32, #tpu.memory_space<hbm>>, %arg5: memref<10112x64xf32, #tpu.memory_space<hbm>>, %arg6: memref<2x10112x64xf32, #tpu.memory_space<hbm>>, %arg7: memref<40x128xi32, #tpu.memory_space<vmem>>, %arg8: memref<40x128xi32, #tpu.memory_space<vmem>>, %arg9: memref<128x64xf32, #tpu.memory_space<vmem>>, %arg10: memref<128x64xf32, #tpu.memory_space<vmem>>, %arg11: memref<128x64xf32, #tpu.memory_space<vmem>>, %arg12: memref<128x64xf32, #tpu.memory_space<vmem>>, %arg13: memref<10000x64xf32, #tpu.memory_space<vmem_shared>>, %arg14: memref<10112x64xf32, #tpu.memory_space<vmem_shared>>, %arg15: memref<!tpu.dma_semaphore, #tpu.memory_space<semaphore_mem>>, %arg16: memref<!tpu.dma_semaphore, #tpu.memory_space<semaphore_mem>>, %arg17: memref<!tpu.dma_semaphore, #tpu.memory_space<semaphore_mem>>, %arg18: memref<!tpu.dma_semaphore, #tpu.memory_space<semaphore_mem>>, %arg19: memref<!tpu.dma_semaphore, #tpu.memory_space<semaphore_mem>>, %arg20: memref<!tpu.dma_semaphore, #tpu.memory_space<semaphore_mem>>, %arg21: memref<!tpu.dma_semaphore, #tpu.memory_space<semaphore_mem>>, %arg22: memref<!tpu.dma_semaphore, #tpu.memory_space<semaphore_mem>>) attributes {dimension_semantics = [#tpu.dimension_semantics<core_parallel>, #tpu.dimension_semantics<subcore_parallel>], iteration_bounds = array<i64: 2, 16>, scalar_prefetch = 0 : i64, scratch_operands = 16 : i64, tpu.core_type = #tpu.core_type<sc_vector_subcore>, window_params = [{transform_indices = #map}, {transform_indices = #map}, {transform_indices = #map1}, {transform_indices = #map}, {transform_indices = #map1}]} {
    %mul3A = arith.constant 632 : i32
    %mul3A_0 = arith.muli %arg1, %mul3A : i32
    %mul3A_1 = arith.constant 632 : i32
    %mul3A_2 = arith.muli %arg1, %mul3A_1 : i32
    "tpu.region"() ({
      %run_scoped3A = tpu.sem_alloc : memref<!tpu.dma_semaphore, #tpu.memory_space<semaphore_mem>>
      %dma_start3A_492 = arith.constant 0 : i32
      %dma_start3A_493 = tpu.memref_slice %arg14[%mul3A_2, %dma_start3A_492] : memref<10112x64xf32, #tpu.memory_space<vmem_shared>> -> memref<632x64xf32, #tpu.memory_space<vmem_shared>>
      %dma_start3A_494 = arith.constant 0 : i32
      %dma_start3A_495 = tpu.memref_slice %arg5[%mul3A_0, %dma_start3A_494] : memref<10112x64xf32, #tpu.memory_space<hbm>> -> memref<632x64xf32, #tpu.memory_space<hbm>>
      tpu.enqueue_dma source(%dma_start3A_495 : memref<632x64xf32, #tpu.memory_space<hbm>>) target(%dma_start3A_493 : memref<632x64xf32, #tpu.memory_space<vmem_shared>>) target_semaphore(%run_scoped3A : memref<!tpu.dma_semaphore, #tpu.memory_space<semaphore_mem>>)
      %dma_wait3A_496 = arith.constant 0 : i32
      %dma_wait3A_497 = tpu.memref_slice %arg14[%mul3A_2, %dma_wait3A_496] : memref<10112x64xf32, #tpu.memory_space<vmem_shared>> -> memref<632x64xf32, #tpu.memory_space<vmem_shared>>
      %dma_wait3A_498 = arith.constant 0 : i32
      %dma_wait3A_499 = tpu.memref_slice %arg5[%mul3A_0, %dma_wait3A_498] : memref<10112x64xf32, #tpu.memory_space<hbm>> -> memref<632x64xf32, #tpu.memory_space<hbm>>
      tpu.wait_dma2 semaphore(%run_scoped3A : memref<!tpu.dma_semaphore, #tpu.memory_space<semaphore_mem>>) src(%dma_wait3A_499 : memref<632x64xf32, #tpu.memory_space<hbm>>) dst(%dma_wait3A_497 : memref<632x64xf32, #tpu.memory_space<vmem_shared>>)
      tpu.yield
    }) : () -> ()
    %mul3A_3 = arith.constant 625 : i32
    %mul3A_4 = arith.muli %arg1, %mul3A_3 : i32
    %mul3A_5 = arith.constant 625 : i32
    %mul3A_6 = arith.muli %arg1, %mul3A_5 : i32
    "tpu.region"() ({
      %run_scoped3A = tpu.sem_alloc : memref<!tpu.dma_semaphore, #tpu.memory_space<semaphore_mem>>
      %dma_start3A_492 = arith.constant 0 : i32
      %dma_start3A_493 = tpu.memref_slice %arg13[%mul3A_6, %dma_start3A_492] : memref<10000x64xf32, #tpu.memory_space<vmem_shared>> -> memref<625x64xf32, #tpu.memory_space<vmem_shared>>
      %dma_start3A_494 = arith.constant 0 : i32
      %dma_start3A_495 = arith.constant 0 : i32
      %dma_start3A_496 = tpu.memref_slice %arg4[%arg0, %dma_start3A_494, %dma_start3A_495] : memref<2x10000x64xf32, #tpu.memory_space<hbm>> -> memref<1x10000x64xf32, #tpu.memory_space<hbm>>
      %dma_start3A_497 = tpu.memref_squeeze %dma_start3A_496 : memref<1x10000x64xf32, #tpu.memory_space<hbm>> -> memref<10000x64xf32, #tpu.memory_space<hbm>>
      %dma_start3A_498 = arith.constant 0 : i32
      %dma_start3A_499 = tpu.memref_slice %dma_start3A_497[%mul3A_4, %dma_start3A_498] : memref<10000x64xf32, #tpu.memory_space<hbm>> -> memref<625x64xf32, #tpu.memory_space<hbm>>
      tpu.enqueue_dma source(%dma_start3A_499 : memref<625x64xf32, #tpu.memory_space<hbm>>) target(%dma_start3A_493 : memref<625x64xf32, #tpu.memory_space<vmem_shared>>) target_semaphore(%run_scoped3A : memref<!tpu.dma_semaphore, #tpu.memory_space<semaphore_mem>>)
      %dma_wait3A_500 = arith.constant 0 : i32
      %dma_wait3A_501 = tpu.memref_slice %arg13[%mul3A_6, %dma_wait3A_500] : memref<10000x64xf32, #tpu.memory_space<vmem_shared>> -> memref<625x64xf32, #tpu.memory_space<vmem_shared>>
      %dma_wait3A_502 = arith.constant 0 : i32
      %dma_wait3A_503 = arith.constant 0 : i32
      %dma_wait3A_504 = tpu.memref_slice %arg4[%arg0, %dma_wait3A_502, %dma_wait3A_503] : memref<2x10000x64xf32, #tpu.memory_space<hbm>> -> memref<1x10000x64xf32, #tpu.memory_space<hbm>>
      %dma_wait3A_505 = tpu.memref_squeeze %dma_wait3A_504 : memref<1x10000x64xf32, #tpu.memory_space<hbm>> -> memref<10000x64xf32, #tpu.memory_space<hbm>>
      %dma_wait3A_506 = arith.constant 0 : i32
      %dma_wait3A_507 = tpu.memref_slice %dma_wait3A_505[%mul3A_4, %dma_wait3A_506] : memref<10000x64xf32, #tpu.memory_space<hbm>> -> memref<625x64xf32, #tpu.memory_space<hbm>>
      tpu.wait_dma2 semaphore(%run_scoped3A : memref<!tpu.dma_semaphore, #tpu.memory_space<semaphore_mem>>) src(%dma_wait3A_507 : memref<625x64xf32, #tpu.memory_space<hbm>>) dst(%dma_wait3A_501 : memref<625x64xf32, #tpu.memory_space<vmem_shared>>)
      tpu.yield
    }) : () -> ()
    %barrier3A = arith.constant 0 : index
    tpu.barrier barrier_id(%barrier3A)
    %mul3A_7 = arith.constant 160 : i32
    %mul3A_8 = arith.muli %arg1, %mul3A_7 : i32
    %add3A = arith.constant 0 : i32
    %add3A_9 = arith.addi %mul3A_8, %add3A : i32
    "tpu.region"() ({
      %run_scoped3A = tpu.sem_alloc : memref<!tpu.dma_semaphore, #tpu.memory_space<semaphore_mem>>
      %dma_start3A_492 = arith.constant 0 : i32
      %dma_start3A_493 = tpu.memref_slice %arg2[%add3A_9, %dma_start3A_492] : memref<2560x128xi32, #tpu.memory_space<hbm>> -> memref<40x128xi32, #tpu.memory_space<hbm>>
      %dma_start3A_494 = arith.constant 0 : i32
      %dma_start3A_495 = tpu.memref_slice %arg2[%add3A_9, %dma_start3A_494] : memref<2560x128xi32, #tpu.memory_space<hbm>> -> memref<40x128xi32, #tpu.memory_space<hbm>>
      tpu.enqueue_dma source(%dma_start3A_495 : memref<40x128xi32, #tpu.memory_space<hbm>>) target(%arg7 : memref<40x128xi32, #tpu.memory_space<vmem>>) target_semaphore(%run_scoped3A : memref<!tpu.dma_semaphore, #tpu.memory_space<semaphore_mem>>)
      %dma_wait3A_496 = arith.constant 0 : i32
      %dma_wait3A_497 = tpu.memref_slice %arg2[%add3A_9, %dma_wait3A_496] : memref<2560x128xi32, #tpu.memory_space<hbm>> -> memref<40x128xi32, #tpu.memory_space<hbm>>
      %dma_wait3A_498 = arith.constant 0 : i32
      %dma_wait3A_499 = tpu.memref_slice %arg2[%add3A_9, %dma_wait3A_498] : memref<2560x128xi32, #tpu.memory_space<hbm>> -> memref<40x128xi32, #tpu.memory_space<hbm>>
      tpu.wait_dma2 semaphore(%run_scoped3A : memref<!tpu.dma_semaphore, #tpu.memory_space<semaphore_mem>>) src(%dma_wait3A_499 : memref<40x128xi32, #tpu.memory_space<hbm>>) dst(%arg7 : memref<40x128xi32, #tpu.memory_space<vmem>>)
      tpu.yield
    }) : () -> ()
    "tpu.region"() ({
      %run_scoped3A = tpu.sem_alloc : memref<!tpu.dma_semaphore, #tpu.memory_space<semaphore_mem>>
      %dma_start3A_492 = arith.constant 0 : i32
      %dma_start3A_493 = tpu.memref_slice %arg3[%add3A_9, %dma_start3A_492] : memref<2560x128xi32, #tpu.memory_space<hbm>> -> memref<40x128xi32, #tpu.memory_space<hbm>>
      %dma_start3A_494 = arith.constant 0 : i32
      %dma_start3A_495 = tpu.memref_slice %arg3[%add3A_9, %dma_start3A_494] : memref<2560x128xi32, #tpu.memory_space<hbm>> -> memref<40x128xi32, #tpu.memory_space<hbm>>
      tpu.enqueue_dma source(%dma_start3A_495 : memref<40x128xi32, #tpu.memory_space<hbm>>) target(%arg8 : memref<40x128xi32, #tpu.memory_space<vmem>>) target_semaphore(%run_scoped3A : memref<!tpu.dma_semaphore, #tpu.memory_space<semaphore_mem>>)
      %dma_wait3A_496 = arith.constant 0 : i32
      %dma_wait3A_497 = tpu.memref_slice %arg3[%add3A_9, %dma_wait3A_496] : memref<2560x128xi32, #tpu.memory_space<hbm>> -> memref<40x128xi32, #tpu.memory_space<hbm>>
      %dma_wait3A_498 = arith.constant 0 : i32
      %dma_wait3A_499 = tpu.memref_slice %arg3[%add3A_9, %dma_wait3A_498] : memref<2560x128xi32, #tpu.memory_space<hbm>> -> memref<40x128xi32, #tpu.memory_space<hbm>>
      tpu.wait_dma2 semaphore(%run_scoped3A : memref<!tpu.dma_semaphore, #tpu.memory_space<semaphore_mem>>) src(%dma_wait3A_499 : memref<40x128xi32, #tpu.memory_space<hbm>>) dst(%arg8 : memref<40x128xi32, #tpu.memory_space<vmem>>)
      tpu.yield
    }) : () -> ()
    %dma_start3A = arith.constant 0 : i32
    %dma_start3A_10 = arith.constant 0 : i32
    %dma_start3A_11 = tpu.memref_slice %arg7[%dma_start3A, %dma_start3A_10] : memref<40x128xi32, #tpu.memory_space<vmem>> -> memref<1x128xi32, #tpu.memory_space<vmem>>
    %dma_start3A_12 = tpu.memref_squeeze %dma_start3A_11 : memref<1x128xi32, #tpu.memory_space<vmem>> -> memref<128xi32, #tpu.memory_space<vmem>>
    %dma_start3A_13 = arith.constant 0 : i32
    %dma_start3A_14 = arith.constant 0 : i32
    %dma_start3A_15 = tpu.memref_slice %arg13[%dma_start3A_13, %dma_start3A_14] : memref<10000x64xf32, #tpu.memory_space<vmem_shared>> -> memref<10000x64xf32, #tpu.memory_space<vmem_shared>>
    tpu.enqueue_indirect_dma source(%dma_start3A_15 : memref<10000x64xf32, #tpu.memory_space<vmem_shared>>) target(%arg9 : memref<128x64xf32, #tpu.memory_space<vmem>>) offsets(%dma_start3A_12 : memref<128xi32, #tpu.memory_space<vmem>>) semaphore(%arg15 : memref<!tpu.dma_semaphore, #tpu.memory_space<semaphore_mem>>)
    %dma_start3A_16 = arith.constant 1 : i32
    %dma_start3A_17 = arith.constant 0 : i32
    %dma_start3A_18 = tpu.memref_slice %arg7[%dma_start3A_16, %dma_start3A_17] : memref<40x128xi32, #tpu.memory_space<vmem>> -> memref<1x128xi32, #tpu.memory_space<vmem>>
    %dma_start3A_19 = tpu.memref_squeeze %dma_start3A_18 : memref<1x128xi32, #tpu.memory_space<vmem>> -> memref<128xi32, #tpu.memory_space<vmem>>
    %dma_start3A_20 = arith.constant 0 : i32
    %dma_start3A_21 = arith.constant 0 : i32
    %dma_start3A_22 = tpu.memref_slice %arg13[%dma_start3A_20, %dma_start3A_21] : memref<10000x64xf32, #tpu.memory_space<vmem_shared>> -> memref<10000x64xf32, #tpu.memory_space<vmem_shared>>
    tpu.enqueue_indirect_dma source(%dma_start3A_22 : memref<10000x64xf32, #tpu.memory_space<vmem_shared>>) target(%arg10 : memref<128x64xf32, #tpu.memory_space<vmem>>) offsets(%dma_start3A_19 : memref<128xi32, #tpu.memory_space<vmem>>) semaphore(%arg16 : memref<!tpu.dma_semaphore, #tpu.memory_space<semaphore_mem>>)
    %dma_start3A_23 = arith.constant 2 : i32
    %dma_start3A_24 = arith.constant 0 : i32
    %dma_start3A_25 = tpu.memref_slice %arg7[%dma_start3A_23, %dma_start3A_24] : memref<40x128xi32, #tpu.memory_space<vmem>> -> memref<1x128xi32, #tpu.memory_space<vmem>>
    %dma_start3A_26 = tpu.memref_squeeze %dma_start3A_25 : memref<1x128xi32, #tpu.memory_space<vmem>> -> memref<128xi32, #tpu.memory_space<vmem>>
    %dma_start3A_27 = arith.constant 0 : i32
    %dma_start3A_28 = arith.constant 0 : i32
    %dma_start3A_29 = tpu.memref_slice %arg13[%dma_start3A_27, %dma_start3A_28] : memref<10000x64xf32, #tpu.memory_space<vmem_shared>> -> memref<10000x64xf32, #tpu.memory_space<vmem_shared>>
    tpu.enqueue_indirect_dma source(%dma_start3A_29 : memref<10000x64xf32, #tpu.memory_space<vmem_shared>>) target(%arg11 : memref<128x64xf32, #tpu.memory_space<vmem>>) offsets(%dma_start3A_26 : memref<128xi32, #tpu.memory_space<vmem>>) semaphore(%arg17 : memref<!tpu.dma_semaphore, #tpu.memory_space<semaphore_mem>>)
    %dma_start3A_30 = arith.constant 3 : i32
    %dma_start3A_31 = arith.constant 0 : i32
    %dma_start3A_32 = tpu.memref_slice %arg7[%dma_start3A_30, %dma_start3A_31] : memref<40x128xi32, #tpu.memory_space<vmem>> -> memref<1x128xi32, #tpu.memory_space<vmem>>
    %dma_start3A_33 = tpu.memref_squeeze %dma_start3A_32 : memref<1x128xi32, #tpu.memory_space<vmem>> -> memref<128xi32, #tpu.memory_space<vmem>>
    %dma_start3A_34 = arith.constant 0 : i32
    %dma_start3A_35 = arith.constant 0 : i32
    %dma_start3A_36 = tpu.memref_slice %arg13[%dma_start3A_34, %dma_start3A_35] : memref<10000x64xf32, #tpu.memory_space<vmem_shared>> -> memref<10000x64xf32, #tpu.memory_space<vmem_shared>>
    tpu.enqueue_indirect_dma source(%dma_start3A_36 : memref<10000x64xf32, #tpu.memory_space<vmem_shared>>) target(%arg12 : memref<128x64xf32, #tpu.memory_space<vmem>>) offsets(%dma_start3A_33 : memref<128xi32, #tpu.memory_space<vmem>>) semaphore(%arg18 : memref<!tpu.dma_semaphore, #tpu.memory_space<semaphore_mem>>)
    %dma_wait3A = arith.constant 0 : i32
    %dma_wait3A_37 = arith.constant 0 : i32
    %dma_wait3A_38 = tpu.memref_slice %arg7[%dma_wait3A, %dma_wait3A_37] : memref<40x128xi32, #tpu.memory_space<vmem>> -> memref<1x128xi32, #tpu.memory_space<vmem>>
    %dma_wait3A_39 = tpu.memref_squeeze %dma_wait3A_38 : memref<1x128xi32, #tpu.memory_space<vmem>> -> memref<128xi32, #tpu.memory_space<vmem>>
    %dma_wait3A_40 = arith.constant 0 : i32
    %dma_wait3A_41 = arith.constant 0 : i32
    %dma_wait3A_42 = tpu.memref_slice %arg13[%dma_wait3A_40, %dma_wait3A_41] : memref<10000x64xf32, #tpu.memory_space<vmem_shared>> -> memref<10000x64xf32, #tpu.memory_space<vmem_shared>>
    tpu.wait_indirect_dma semaphore(%arg15 : memref<!tpu.dma_semaphore, #tpu.memory_space<semaphore_mem>>) src(%dma_wait3A_42 : memref<10000x64xf32, #tpu.memory_space<vmem_shared>>) dst(%arg9 : memref<128x64xf32, #tpu.memory_space<vmem>>)
    %dma_start3A_43 = arith.constant 0 : i32
    %dma_start3A_44 = arith.constant 0 : i32
    %dma_start3A_45 = tpu.memref_slice %arg8[%dma_start3A_43, %dma_start3A_44] : memref<40x128xi32, #tpu.memory_space<vmem>> -> memref<1x128xi32, #tpu.memory_space<vmem>>
    %dma_start3A_46 = tpu.memref_squeeze %dma_start3A_45 : memref<1x128xi32, #tpu.memory_space<vmem>> -> memref<128xi32, #tpu.memory_space<vmem>>
    %dma_start3A_47 = arith.constant 0 : i32
    %dma_start3A_48 = arith.constant 0 : i32
    %dma_start3A_49 = tpu.memref_slice %arg14[%dma_start3A_47, %dma_start3A_48] : memref<10112x64xf32, #tpu.memory_space<vmem_shared>> -> memref<10112x64xf32, #tpu.memory_space<vmem_shared>>
    tpu.enqueue_indirect_dma source(%arg9 : memref<128x64xf32, #tpu.memory_space<vmem>>) target(%dma_start3A_49 : memref<10112x64xf32, #tpu.memory_space<vmem_shared>>) offsets(%dma_start3A_46 : memref<128xi32, #tpu.memory_space<vmem>>) semaphore(%arg19 : memref<!tpu.dma_semaphore, #tpu.memory_space<semaphore_mem>>) {add = true}
    %scan3A = arith.constant 0 : i32
    %scan3A_50 = arith.constant 9 : i32
    %scan3A_51 = arith.addi %scan3A, %scan3A_50 : i32
    %scan3A_52 = arith.constant 1 : i32
    scf.for %scan3A_492 = %scan3A to %scan3A_51 step %scan3A_52  : i32 {
      %mul3A_493 = arith.constant 4 : i32
      %mul3A_494 = arith.muli %mul3A_493, %scan3A_492 : i32
      %add3A_495 = arith.constant 1 : i32
      %add3A_496 = arith.addi %mul3A_494, %add3A_495 : i32
      %add3A_497 = arith.constant 0 : i32
      %add3A_498 = arith.addi %add3A_496, %add3A_497 : i32
      %dma_wait3A_499 = arith.constant 0 : i32
      %dma_wait3A_500 = tpu.memref_slice %arg7[%add3A_498, %dma_wait3A_499] : memref<40x128xi32, #tpu.memory_space<vmem>> -> memref<1x128xi32, #tpu.memory_space<vmem>>
      %dma_wait3A_501 = tpu.memref_squeeze %dma_wait3A_500 : memref<1x128xi32, #tpu.memory_space<vmem>> -> memref<128xi32, #tpu.memory_space<vmem>>
      %dma_wait3A_502 = arith.constant 0 : i32
      %dma_wait3A_503 = arith.constant 0 : i32
      %dma_wait3A_504 = tpu.memref_slice %arg13[%dma_wait3A_502, %dma_wait3A_503] : memref<10000x64xf32, #tpu.memory_space<vmem_shared>> -> memref<10000x64xf32, #tpu.memory_space<vmem_shared>>
      tpu.wait_indirect_dma semaphore(%arg16 : memref<!tpu.dma_semaphore, #tpu.memory_space<semaphore_mem>>) src(%dma_wait3A_504 : memref<10000x64xf32, #tpu.memory_space<vmem_shared>>) dst(%arg10 : memref<128x64xf32, #tpu.memory_space<vmem>>)
      %dma_start3A_505 = arith.constant 0 : i32
      %dma_start3A_506 = tpu.memref_slice %arg8[%add3A_498, %dma_start3A_505] : memref<40x128xi32, #tpu.memory_space<vmem>> -> memref<1x128xi32, #tpu.memory_space<vmem>>
      %dma_start3A_507 = tpu.memref_squeeze %dma_start3A_506 : memref<1x128xi32, #tpu.memory_space<vmem>> -> memref<128xi32, #tpu.memory_space<vmem>>
      %dma_start3A_508 = arith.constant 0 : i32
      %dma_start3A_509 = arith.constant 0 : i32
      %dma_start3A_510 = tpu.memref_slice %arg14[%dma_start3A_508, %dma_start3A_509] : memref<10112x64xf32, #tpu.memory_space<vmem_shared>> -> memref<10112x64xf32, #tpu.memory_space<vmem_shared>>
      tpu.enqueue_indirect_dma source(%arg10 : memref<128x64xf32, #tpu.memory_space<vmem>>) target(%dma_start3A_510 : memref<10112x64xf32, #tpu.memory_space<vmem_shared>>) offsets(%dma_start3A_507 : memref<128xi32, #tpu.memory_space<vmem>>) semaphore(%arg20 : memref<!tpu.dma_semaphore, #tpu.memory_space<semaphore_mem>>) {add = true}
      %sub3A = arith.constant 1 : i32
      %sub3A_511 = arith.subi %add3A_498, %sub3A : i32
      %dma_wait3A_512 = arith.constant 0 : i32
      %dma_wait3A_513 = tpu.memref_slice %arg8[%sub3A_511, %dma_wait3A_512] : memref<40x128xi32, #tpu.memory_space<vmem>> -> memref<1x128xi32, #tpu.memory_space<vmem>>
      %dma_wait3A_514 = tpu.memref_squeeze %dma_wait3A_513 : memref<1x128xi32, #tpu.memory_space<vmem>> -> memref<128xi32, #tpu.memory_space<vmem>>
      %dma_wait3A_515 = arith.constant 0 : i32
      %dma_wait3A_516 = arith.constant 0 : i32
      %dma_wait3A_517 = tpu.memref_slice %arg14[%dma_wait3A_515, %dma_wait3A_516] : memref<10112x64xf32, #tpu.memory_space<vmem_shared>> -> memref<10112x64xf32, #tpu.memory_space<vmem_shared>>
      tpu.wait_indirect_dma semaphore(%arg19 : memref<!tpu.dma_semaphore, #tpu.memory_space<semaphore_mem>>) src(%arg9 : memref<128x64xf32, #tpu.memory_space<vmem>>) dst(%dma_wait3A_517 : memref<10112x64xf32, #tpu.memory_space<vmem_shared>>)
      %add3A_518 = arith.constant 4 : i32
      %add3A_519 = arith.addi %add3A_498, %add3A_518 : i32
      %sub3A_520 = arith.constant 1 : i32
      %sub3A_521 = arith.subi %add3A_519, %sub3A_520 : i32
      %dma_start3A_522 = arith.constant 0 : i32
      %dma_start3A_523 = tpu.memref_slice %arg7[%sub3A_521, %dma_start3A_522] : memref<40x128xi32, #tpu.memory_space<vmem>> -> memref<1x128xi32, #tpu.memory_space<vmem>>
      %dma_start3A_524 = tpu.memref_squeeze %dma_start3A_523 : memref<1x128xi32, #tpu.memory_space<vmem>> -> memref<128xi32, #tpu.memory_space<vmem>>
      %dma_start3A_525 = arith.constant 0 : i32
      %dma_start3A_526 = arith.constant 0 : i32
      %dma_start3A_527 = tpu.memref_slice %arg13[%dma_start3A_525, %dma_start3A_526] : memref<10000x64xf32, #tpu.memory_space<vmem_shared>> -> memref<10000x64xf32, #tpu.memory_space<vmem_shared>>
      tpu.enqueue_indirect_dma source(%dma_start3A_527 : memref<10000x64xf32, #tpu.memory_space<vmem_shared>>) target(%arg9 : memref<128x64xf32, #tpu.memory_space<vmem>>) offsets(%dma_start3A_524 : memref<128xi32, #tpu.memory_space<vmem>>) semaphore(%arg15 : memref<!tpu.dma_semaphore, #tpu.memory_space<semaphore_mem>>)
      %add3A_528 = arith.constant 1 : i32
      %add3A_529 = arith.addi %add3A_496, %add3A_528 : i32
      %dma_wait3A_530 = arith.constant 0 : i32
      %dma_wait3A_531 = tpu.memref_slice %arg7[%add3A_529, %dma_wait3A_530] : memref<40x128xi32, #tpu.memory_space<vmem>> -> memref<1x128xi32, #tpu.memory_space<vmem>>
      %dma_wait3A_532 = tpu.memref_squeeze %dma_wait3A_531 : memref<1x128xi32, #tpu.memory_space<vmem>> -> memref<128xi32, #tpu.memory_space<vmem>>
      %dma_wait3A_533 = arith.constant 0 : i32
      %dma_wait3A_534 = arith.constant 0 : i32
      %dma_wait3A_535 = tpu.memref_slice %arg13[%dma_wait3A_533, %dma_wait3A_534] : memref<10000x64xf32, #tpu.memory_space<vmem_shared>> -> memref<10000x64xf32, #tpu.memory_space<vmem_shared>>
      tpu.wait_indirect_dma semaphore(%arg17 : memref<!tpu.dma_semaphore, #tpu.memory_space<semaphore_mem>>) src(%dma_wait3A_535 : memref<10000x64xf32, #tpu.memory_space<vmem_shared>>) dst(%arg11 : memref<128x64xf32, #tpu.memory_space<vmem>>)
      %dma_start3A_536 = arith.constant 0 : i32
      %dma_start3A_537 = tpu.memref_slice %arg8[%add3A_529, %dma_start3A_536] : memref<40x128xi32, #tpu.memory_space<vmem>> -> memref<1x128xi32, #tpu.memory_space<vmem>>
      %dma_start3A_538 = tpu.memref_squeeze %dma_start3A_537 : memref<1x128xi32, #tpu.memory_space<vmem>> -> memref<128xi32, #tpu.memory_space<vmem>>
      %dma_start3A_539 = arith.constant 0 : i32
      %dma_start3A_540 = arith.constant 0 : i32
      %dma_start3A_541 = tpu.memref_slice %arg14[%dma_start3A_539, %dma_start3A_540] : memref<10112x64xf32, #tpu.memory_space<vmem_shared>> -> memref<10112x64xf32, #tpu.memory_space<vmem_shared>>
      tpu.enqueue_indirect_dma source(%arg11 : memref<128x64xf32, #tpu.memory_space<vmem>>) target(%dma_start3A_541 : memref<10112x64xf32, #tpu.memory_space<vmem_shared>>) offsets(%dma_start3A_538 : memref<128xi32, #tpu.memory_space<vmem>>) semaphore(%arg21 : memref<!tpu.dma_semaphore, #tpu.memory_space<semaphore_mem>>) {add = true}
      %sub3A_542 = arith.constant 1 : i32
      %sub3A_543 = arith.subi %add3A_529, %sub3A_542 : i32
      %dma_wait3A_544 = arith.constant 0 : i32
      %dma_wait3A_545 = tpu.memref_slice %arg8[%sub3A_543, %dma_wait3A_544] : memref<40x128xi32, #tpu.memory_space<vmem>> -> memref<1x128xi32, #tpu.memory_space<vmem>>
      %dma_wait3A_546 = tpu.memref_squeeze %dma_wait3A_545 : memref<1x128xi32, #tpu.memory_space<vmem>> -> memref<128xi32, #tpu.memory_space<vmem>>
      %dma_wait3A_547 = arith.constant 0 : i32
      %dma_wait3A_548 = arith.constant 0 : i32
      %dma_wait3A_549 = tpu.memref_slice %arg14[%dma_wait3A_547, %dma_wait3A_548] : memref<10112x64xf32, #tpu.memory_space<vmem_shared>> -> memref<10112x64xf32, #tpu.memory_space<vmem_shared>>
      tpu.wait_indirect_dma semaphore(%arg20 : memref<!tpu.dma_semaphore, #tpu.memory_space<semaphore_mem>>) src(%arg10 : memref<128x64xf32, #tpu.memory_space<vmem>>) dst(%dma_wait3A_549 : memref<10112x64xf32, #tpu.memory_space<vmem_shared>>)
      %add3A_550 = arith.constant 4 : i32
      %add3A_551 = arith.addi %add3A_529, %add3A_550 : i32
      %sub3A_552 = arith.constant 1 : i32
      %sub3A_553 = arith.subi %add3A_551, %sub3A_552 : i32
      %dma_start3A_554 = arith.constant 0 : i32
      %dma_start3A_555 = tpu.memref_slice %arg7[%sub3A_553, %dma_start3A_554] : memref<40x128xi32, #tpu.memory_space<vmem>> -> memref<1x128xi32, #tpu.memory_space<vmem>>
      %dma_start3A_556 = tpu.memref_squeeze %dma_start3A_555 : memref<1x128xi32, #tpu.memory_space<vmem>> -> memref<128xi32, #tpu.memory_space<vmem>>
      %dma_start3A_557 = arith.constant 0 : i32
      %dma_start3A_558 = arith.constant 0 : i32
      %dma_start3A_559 = tpu.memref_slice %arg13[%dma_start3A_557, %dma_start3A_558] : memref<10000x64xf32, #tpu.memory_space<vmem_shared>> -> memref<10000x64xf32, #tpu.memory_space<vmem_shared>>
      tpu.enqueue_indirect_dma source(%dma_start3A_559 : memref<10000x64xf32, #tpu.memory_space<vmem_shared>>) target(%arg10 : memref<128x64xf32, #tpu.memory_space<vmem>>) offsets(%dma_start3A_556 : memref<128xi32, #tpu.memory_space<vmem>>) semaphore(%arg16 : memref<!tpu.dma_semaphore, #tpu.memory_space<semaphore_mem>>)
      %add3A_560 = arith.constant 2 : i32
      %add3A_561 = arith.addi %add3A_496, %add3A_560 : i32
      %dma_wait3A_562 = arith.constant 0 : i32
      %dma_wait3A_563 = tpu.memref_slice %arg7[%add3A_561, %dma_wait3A_562] : memref<40x128xi32, #tpu.memory_space<vmem>> -> memref<1x128xi32, #tpu.memory_space<vmem>>
      %dma_wait3A_564 = tpu.memref_squeeze %dma_wait3A_563 : memref<1x128xi32, #tpu.memory_space<vmem>> -> memref<128xi32, #tpu.memory_space<vmem>>
      %dma_wait3A_565 = arith.constant 0 : i32
      %dma_wait3A_566 = arith.constant 0 : i32
      %dma_wait3A_567 = tpu.memref_slice %arg13[%dma_wait3A_565, %dma_wait3A_566] : memref<10000x64xf32, #tpu.memory_space<vmem_shared>> -> memref<10000x64xf32, #tpu.memory_space<vmem_shared>>
      tpu.wait_indirect_dma semaphore(%arg18 : memref<!tpu.dma_semaphore, #tpu.memory_space<semaphore_mem>>) src(%dma_wait3A_567 : memref<10000x64xf32, #tpu.memory_space<vmem_shared>>) dst(%arg12 : memref<128x64xf32, #tpu.memory_space<vmem>>)
      %dma_start3A_568 = arith.constant 0 : i32
      %dma_start3A_569 = tpu.memref_slice %arg8[%add3A_561, %dma_start3A_568] : memref<40x128xi32, #tpu.memory_space<vmem>> -> memref<1x128xi32, #tpu.memory_space<vmem>>
      %dma_start3A_570 = tpu.memref_squeeze %dma_start3A_569 : memref<1x128xi32, #tpu.memory_space<vmem>> -> memref<128xi32, #tpu.memory_space<vmem>>
      %dma_start3A_571 = arith.constant 0 : i32
      %dma_start3A_572 = arith.constant 0 : i32
      %dma_start3A_573 = tpu.memref_slice %arg14[%dma_start3A_571, %dma_start3A_572] : memref<10112x64xf32, #tpu.memory_space<vmem_shared>> -> memref<10112x64xf32, #tpu.memory_space<vmem_shared>>
      tpu.enqueue_indirect_dma source(%arg12 : memref<128x64xf32, #tpu.memory_space<vmem>>) target(%dma_start3A_573 : memref<10112x64xf32, #tpu.memory_space<vmem_shared>>) offsets(%dma_start3A_570 : memref<128xi32, #tpu.memory_space<vmem>>) semaphore(%arg22 : memref<!tpu.dma_semaphore, #tpu.memory_space<semaphore_mem>>) {add = true}
      %sub3A_574 = arith.constant 1 : i32
      %sub3A_575 = arith.subi %add3A_561, %sub3A_574 : i32
      %dma_wait3A_576 = arith.constant 0 : i32
      %dma_wait3A_577 = tpu.memref_slice %arg8[%sub3A_575, %dma_wait3A_576] : memref<40x128xi32, #tpu.memory_space<vmem>> -> memref<1x128xi32, #tpu.memory_space<vmem>>
      %dma_wait3A_578 = tpu.memref_squeeze %dma_wait3A_577 : memref<1x128xi32, #tpu.memory_space<vmem>> -> memref<128xi32, #tpu.memory_space<vmem>>
      %dma_wait3A_579 = arith.constant 0 : i32
      %dma_wait3A_580 = arith.constant 0 : i32
      %dma_wait3A_581 = tpu.memref_slice %arg14[%dma_wait3A_579, %dma_wait3A_580] : memref<10112x64xf32, #tpu.memory_space<vmem_shared>> -> memref<10112x64xf32, #tpu.memory_space<vmem_shared>>
      tpu.wait_indirect_dma semaphore(%arg21 : memref<!tpu.dma_semaphore, #tpu.memory_space<semaphore_mem>>) src(%arg11 : memref<128x64xf32, #tpu.memory_space<vmem>>) dst(%dma_wait3A_581 : memref<10112x64xf32, #tpu.memory_space<vmem_shared>>)
      %add3A_582 = arith.constant 4 : i32
      %add3A_583 = arith.addi %add3A_561, %add3A_582 : i32
      %sub3A_584 = arith.constant 1 : i32
      %sub3A_585 = arith.subi %add3A_583, %sub3A_584 : i32
      %dma_start3A_586 = arith.constant 0 : i32
      %dma_start3A_587 = tpu.memref_slice %arg7[%sub3A_585, %dma_start3A_586] : memref<40x128xi32, #tpu.memory_space<vmem>> -> memref<1x128xi32, #tpu.memory_space<vmem>>
      %dma_start3A_588 = tpu.memref_squeeze %dma_start3A_587 : memref<1x128xi32, #tpu.memory_space<vmem>> -> memref<128xi32, #tpu.memory_space<vmem>>
      %dma_start3A_589 = arith.constant 0 : i32
      %dma_start3A_590 = arith.constant 0 : i32
      %dma_start3A_591 = tpu.memref_slice %arg13[%dma_start3A_589, %dma_start3A_590] : memref<10000x64xf32, #tpu.memory_space<vmem_shared>> -> memref<10000x64xf32, #tpu.memory_space<vmem_shared>>
      tpu.enqueue_indirect_dma source(%dma_start3A_591 : memref<10000x64xf32, #tpu.memory_space<vmem_shared>>) target(%arg11 : memref<128x64xf32, #tpu.memory_space<vmem>>) offsets(%dma_start3A_588 : memref<128xi32, #tpu.memory_space<vmem>>) semaphore(%arg17 : memref<!tpu.dma_semaphore, #tpu.memory_space<semaphore_mem>>)
      %add3A_592 = arith.constant 3 : i32
      %add3A_593 = arith.addi %add3A_496, %add3A_592 : i32
      %dma_wait3A_594 = arith.constant 0 : i32
      %dma_wait3A_595 = tpu.memref_slice %arg7[%add3A_593, %dma_wait3A_594] : memref<40x128xi32, #tpu.memory_space<vmem>> -> memref<1x128xi32, #tpu.memory_space<vmem>>
      %dma_wait3A_596 = tpu.memref_squeeze %dma_wait3A_595 : memref<1x128xi32, #tpu.memory_space<vmem>> -> memref<128xi32, #tpu.memory_space<vmem>>
      %dma_wait3A_597 = arith.constant 0 : i32
      %dma_wait3A_598 = arith.constant 0 : i32
      %dma_wait3A_599 = tpu.memref_slice %arg13[%dma_wait3A_597, %dma_wait3A_598] : memref<10000x64xf32, #tpu.memory_space<vmem_shared>> -> memref<10000x64xf32, #tpu.memory_space<vmem_shared>>
      tpu.wait_indirect_dma semaphore(%arg15 : memref<!tpu.dma_semaphore, #tpu.memory_space<semaphore_mem>>) src(%dma_wait3A_599 : memref<10000x64xf32, #tpu.memory_space<vmem_shared>>) dst(%arg9 : memref<128x64xf32, #tpu.memory_space<vmem>>)
      %dma_start3A_600 = arith.constant 0 : i32
      %dma_start3A_601 = tpu.memref_slice %arg8[%add3A_593, %dma_start3A_600] : memref<40x128xi32, #tpu.memory_space<vmem>> -> memref<1x128xi32, #tpu.memory_space<vmem>>
      %dma_start3A_602 = tpu.memref_squeeze %dma_start3A_601 : memref<1x128xi32, #tpu.memory_space<vmem>> -> memref<128xi32, #tpu.memory_space<vmem>>
      %dma_start3A_603 = arith.constant 0 : i32
      %dma_start3A_604 = arith.constant 0 : i32
      %dma_start3A_605 = tpu.memref_slice %arg14[%dma_start3A_603, %dma_start3A_604] : memref<10112x64xf32, #tpu.memory_space<vmem_shared>> -> memref<10112x64xf32, #tpu.memory_space<vmem_shared>>
      tpu.enqueue_indirect_dma source(%arg9 : memref<128x64xf32, #tpu.memory_space<vmem>>) target(%dma_start3A_605 : memref<10112x64xf32, #tpu.memory_space<vmem_shared>>) offsets(%dma_start3A_602 : memref<128xi32, #tpu.memory_space<vmem>>) semaphore(%arg19 : memref<!tpu.dma_semaphore, #tpu.memory_space<semaphore_mem>>) {add = true}
      %sub3A_606 = arith.constant 1 : i32
      %sub3A_607 = arith.subi %add3A_593, %sub3A_606 : i32
      %dma_wait3A_608 = arith.constant 0 : i32
      %dma_wait3A_609 = tpu.memref_slice %arg8[%sub3A_607, %dma_wait3A_608] : memref<40x128xi32, #tpu.memory_space<vmem>> -> memref<1x128xi32, #tpu.memory_space<vmem>>
      %dma_wait3A_610 = tpu.memref_squeeze %dma_wait3A_609 : memref<1x128xi32, #tpu.memory_space<vmem>> -> memref<128xi32, #tpu.memory_space<vmem>>
      %dma_wait3A_611 = arith.constant 0 : i32
      %dma_wait3A_612 = arith.constant 0 : i32
      %dma_wait3A_613 = tpu.memref_slice %arg14[%dma_wait3A_611, %dma_wait3A_612] : memref<10112x64xf32, #tpu.memory_space<vmem_shared>> -> memref<10112x64xf32, #tpu.memory_space<vmem_shared>>
      tpu.wait_indirect_dma semaphore(%arg22 : memref<!tpu.dma_semaphore, #tpu.memory_space<semaphore_mem>>) src(%arg12 : memref<128x64xf32, #tpu.memory_space<vmem>>) dst(%dma_wait3A_613 : memref<10112x64xf32, #tpu.memory_space<vmem_shared>>)
      %add3A_614 = arith.constant 4 : i32
      %add3A_615 = arith.addi %add3A_593, %add3A_614 : i32
      %sub3A_616 = arith.constant 1 : i32
      %sub3A_617 = arith.subi %add3A_615, %sub3A_616 : i32
      %dma_start3A_618 = arith.constant 0 : i32
      %dma_start3A_619 = tpu.memref_slice %arg7[%sub3A_617, %dma_start3A_618] : memref<40x128xi32, #tpu.memory_space<vmem>> -> memref<1x128xi32, #tpu.memory_space<vmem>>
      %dma_start3A_620 = tpu.memref_squeeze %dma_start3A_619 : memref<1x128xi32, #tpu.memory_space<vmem>> -> memref<128xi32, #tpu.memory_space<vmem>>
      %dma_start3A_621 = arith.constant 0 : i32
      %dma_start3A_622 = arith.constant 0 : i32
      %dma_start3A_623 = tpu.memref_slice %arg13[%dma_start3A_621, %dma_start3A_622] : memref<10000x64xf32, #tpu.memory_space<vmem_shared>> -> memref<10000x64xf32, #tpu.memory_space<vmem_shared>>
      tpu.enqueue_indirect_dma source(%dma_start3A_623 : memref<10000x64xf32, #tpu.memory_space<vmem_shared>>) target(%arg12 : memref<128x64xf32, #tpu.memory_space<vmem>>) offsets(%dma_start3A_620 : memref<128xi32, #tpu.memory_space<vmem>>) semaphore(%arg18 : memref<!tpu.dma_semaphore, #tpu.memory_space<semaphore_mem>>)
    }
    %scan3A_53 = arith.constant 9 : i32
    %dma_wait3A_54 = arith.constant 37 : i32
    %dma_wait3A_55 = arith.constant 0 : i32
    %dma_wait3A_56 = tpu.memref_slice %arg7[%dma_wait3A_54, %dma_wait3A_55] : memref<40x128xi32, #tpu.memory_space<vmem>> -> memref<1x128xi32, #tpu.memory_space<vmem>>
    %dma_wait3A_57 = tpu.memref_squeeze %dma_wait3A_56 : memref<1x128xi32, #tpu.memory_space<vmem>> -> memref<128xi32, #tpu.memory_space<vmem>>
    %dma_wait3A_58 = arith.constant 0 : i32
    %dma_wait3A_59 = arith.constant 0 : i32
    %dma_wait3A_60 = tpu.memref_slice %arg13[%dma_wait3A_58, %dma_wait3A_59] : memref<10000x64xf32, #tpu.memory_space<vmem_shared>> -> memref<10000x64xf32, #tpu.memory_space<vmem_shared>>
    tpu.wait_indirect_dma semaphore(%arg16 : memref<!tpu.dma_semaphore, #tpu.memory_space<semaphore_mem>>) src(%dma_wait3A_60 : memref<10000x64xf32, #tpu.memory_space<vmem_shared>>) dst(%arg10 : memref<128x64xf32, #tpu.memory_space<vmem>>)
    %dma_start3A_61 = arith.constant 37 : i32
    %dma_start3A_62 = arith.constant 0 : i32
    %dma_start3A_63 = tpu.memref_slice %arg8[%dma_start3A_61, %dma_start3A_62] : memref<40x128xi32, #tpu.memory_space<vmem>> -> memref<1x128xi32, #tpu.memory_space<vmem>>
    %dma_start3A_64 = tpu.memref_squeeze %dma_start3A_63 : memref<1x128xi32, #tpu.memory_space<vmem>> -> memref<128xi32, #tpu.memory_space<vmem>>
    %dma_start3A_65 = arith.constant 0 : i32
    %dma_start3A_66 = arith.constant 0 : i32
    %dma_start3A_67 = tpu.memref_slice %arg14[%dma_start3A_65, %dma_start3A_66] : memref<10112x64xf32, #tpu.memory_space<vmem_shared>> -> memref<10112x64xf32, #tpu.memory_space<vmem_shared>>
    tpu.enqueue_indirect_dma source(%arg10 : memref<128x64xf32, #tpu.memory_space<vmem>>) target(%dma_start3A_67 : memref<10112x64xf32, #tpu.memory_space<vmem_shared>>) offsets(%dma_start3A_64 : memref<128xi32, #tpu.memory_space<vmem>>) semaphore(%arg20 : memref<!tpu.dma_semaphore, #tpu.memory_space<semaphore_mem>>) {add = true}
    %dma_wait3A_68 = arith.constant 36 : i32
    %dma_wait3A_69 = arith.constant 0 : i32
    %dma_wait3A_70 = tpu.memref_slice %arg8[%dma_wait3A_68, %dma_wait3A_69] : memref<40x128xi32, #tpu.memory_space<vmem>> -> memref<1x128xi32, #tpu.memory_space<vmem>>
    %dma_wait3A_71 = tpu.memref_squeeze %dma_wait3A_70 : memref<1x128xi32, #tpu.memory_space<vmem>> -> memref<128xi32, #tpu.memory_space<vmem>>
    %dma_wait3A_72 = arith.constant 0 : i32
    %dma_wait3A_73 = arith.constant 0 : i32
    %dma_wait3A_74 = tpu.memref_slice %arg14[%dma_wait3A_72, %dma_wait3A_73] : memref<10112x64xf32, #tpu.memory_space<vmem_shared>> -> memref<10112x64xf32, #tpu.memory_space<vmem_shared>>
    tpu.wait_indirect_dma semaphore(%arg19 : memref<!tpu.dma_semaphore, #tpu.memory_space<semaphore_mem>>) src(%arg9 : memref<128x64xf32, #tpu.memory_space<vmem>>) dst(%dma_wait3A_74 : memref<10112x64xf32, #tpu.memory_space<vmem_shared>>)
    %dma_wait3A_75 = arith.constant 38 : i32
    %dma_wait3A_76 = arith.constant 0 : i32
    %dma_wait3A_77 = tpu.memref_slice %arg7[%dma_wait3A_75, %dma_wait3A_76] : memref<40x128xi32, #tpu.memory_space<vmem>> -> memref<1x128xi32, #tpu.memory_space<vmem>>
    %dma_wait3A_78 = tpu.memref_squeeze %dma_wait3A_77 : memref<1x128xi32, #tpu.memory_space<vmem>> -> memref<128xi32, #tpu.memory_space<vmem>>
    %dma_wait3A_79 = arith.constant 0 : i32
    %dma_wait3A_80 = arith.constant 0 : i32
    %dma_wait3A_81 = tpu.memref_slice %arg13[%dma_wait3A_79, %dma_wait3A_80] : memref<10000x64xf32, #tpu.memory_space<vmem_shared>> -> memref<10000x64xf32, #tpu.memory_space<vmem_shared>>
    tpu.wait_indirect_dma semaphore(%arg17 : memref<!tpu.dma_semaphore, #tpu.memory_space<semaphore_mem>>) src(%dma_wait3A_81 : memref<10000x64xf32, #tpu.memory_space<vmem_shared>>) dst(%arg11 : memref<128x64xf32, #tpu.memory_space<vmem>>)
    %dma_start3A_82 = arith.constant 38 : i32
    %dma_start3A_83 = arith.constant 0 : i32
    %dma_start3A_84 = tpu.memref_slice %arg8[%dma_start3A_82, %dma_start3A_83] : memref<40x128xi32, #tpu.memory_space<vmem>> -> memref<1x128xi32, #tpu.memory_space<vmem>>
    %dma_start3A_85 = tpu.memref_squeeze %dma_start3A_84 : memref<1x128xi32, #tpu.memory_space<vmem>> -> memref<128xi32, #tpu.memory_space<vmem>>
    %dma_start3A_86 = arith.constant 0 : i32
    %dma_start3A_87 = arith.constant 0 : i32
    %dma_start3A_88 = tpu.memref_slice %arg14[%dma_start3A_86, %dma_start3A_87] : memref<10112x64xf32, #tpu.memory_space<vmem_shared>> -> memref<10112x64xf32, #tpu.memory_space<vmem_shared>>
    tpu.enqueue_indirect_dma source(%arg11 : memref<128x64xf32, #tpu.memory_space<vmem>>) target(%dma_start3A_88 : memref<10112x64xf32, #tpu.memory_space<vmem_shared>>) offsets(%dma_start3A_85 : memref<128xi32, #tpu.memory_space<vmem>>) semaphore(%arg21 : memref<!tpu.dma_semaphore, #tpu.memory_space<semaphore_mem>>) {add = true}
    %dma_wait3A_89 = arith.constant 37 : i32
    %dma_wait3A_90 = arith.constant 0 : i32
    %dma_wait3A_91 = tpu.memref_slice %arg8[%dma_wait3A_89, %dma_wait3A_90] : memref<40x128xi32, #tpu.memory_space<vmem>> -> memref<1x128xi32, #tpu.memory_space<vmem>>
    %dma_wait3A_92 = tpu.memref_squeeze %dma_wait3A_91 : memref<1x128xi32, #tpu.memory_space<vmem>> -> memref<128xi32, #tpu.memory_space<vmem>>
    %dma_wait3A_93 = arith.constant 0 : i32
    %dma_wait3A_94 = arith.constant 0 : i32
    %dma_wait3A_95 = tpu.memref_slice %arg14[%dma_wait3A_93, %dma_wait3A_94] : memref<10112x64xf32, #tpu.memory_space<vmem_shared>> -> memref<10112x64xf32, #tpu.memory_space<vmem_shared>>
    tpu.wait_indirect_dma semaphore(%arg20 : memref<!tpu.dma_semaphore, #tpu.memory_space<semaphore_mem>>) src(%arg10 : memref<128x64xf32, #tpu.memory_space<vmem>>) dst(%dma_wait3A_95 : memref<10112x64xf32, #tpu.memory_space<vmem_shared>>)
    %dma_wait3A_96 = arith.constant 39 : i32
    %dma_wait3A_97 = arith.constant 0 : i32
    %dma_wait3A_98 = tpu.memref_slice %arg7[%dma_wait3A_96, %dma_wait3A_97] : memref<40x128xi32, #tpu.memory_space<vmem>> -> memref<1x128xi32, #tpu.memory_space<vmem>>
    %dma_wait3A_99 = tpu.memref_squeeze %dma_wait3A_98 : memref<1x128xi32, #tpu.memory_space<vmem>> -> memref<128xi32, #tpu.memory_space<vmem>>
    %dma_wait3A_100 = arith.constant 0 : i32
    %dma_wait3A_101 = arith.constant 0 : i32
    %dma_wait3A_102 = tpu.memref_slice %arg13[%dma_wait3A_100, %dma_wait3A_101] : memref<10000x64xf32, #tpu.memory_space<vmem_shared>> -> memref<10000x64xf32, #tpu.memory_space<vmem_shared>>
    tpu.wait_indirect_dma semaphore(%arg18 : memref<!tpu.dma_semaphore, #tpu.memory_space<semaphore_mem>>) src(%dma_wait3A_102 : memref<10000x64xf32, #tpu.memory_space<vmem_shared>>) dst(%arg12 : memref<128x64xf32, #tpu.memory_space<vmem>>)
    %dma_start3A_103 = arith.constant 39 : i32
    %dma_start3A_104 = arith.constant 0 : i32
    %dma_start3A_105 = tpu.memref_slice %arg8[%dma_start3A_103, %dma_start3A_104] : memref<40x128xi32, #tpu.memory_space<vmem>> -> memref<1x128xi32, #tpu.memory_space<vmem>>
    %dma_start3A_106 = tpu.memref_squeeze %dma_start3A_105 : memref<1x128xi32, #tpu.memory_space<vmem>> -> memref<128xi32, #tpu.memory_space<vmem>>
    %dma_start3A_107 = arith.constant 0 : i32
    %dma_start3A_108 = arith.constant 0 : i32
    %dma_start3A_109 = tpu.memref_slice %arg14[%dma_start3A_107, %dma_start3A_108] : memref<10112x64xf32, #tpu.memory_space<vmem_shared>> -> memref<10112x64xf32, #tpu.memory_space<vmem_shared>>
    tpu.enqueue_indirect_dma source(%arg12 : memref<128x64xf32, #tpu.memory_space<vmem>>) target(%dma_start3A_109 : memref<10112x64xf32, #tpu.memory_space<vmem_shared>>) offsets(%dma_start3A_106 : memref<128xi32, #tpu.memory_space<vmem>>) semaphore(%arg22 : memref<!tpu.dma_semaphore, #tpu.memory_space<semaphore_mem>>) {add = true}
    %dma_wait3A_110 = arith.constant 38 : i32
    %dma_wait3A_111 = arith.constant 0 : i32
    %dma_wait3A_112 = tpu.memref_slice %arg8[%dma_wait3A_110, %dma_wait3A_111] : memref<40x128xi32, #tpu.memory_space<vmem>> -> memref<1x128xi32, #tpu.memory_space<vmem>>
    %dma_wait3A_113 = tpu.memref_squeeze %dma_wait3A_112 : memref<1x128xi32, #tpu.memory_space<vmem>> -> memref<128xi32, #tpu.memory_space<vmem>>
    %dma_wait3A_114 = arith.constant 0 : i32
    %dma_wait3A_115 = arith.constant 0 : i32
    %dma_wait3A_116 = tpu.memref_slice %arg14[%dma_wait3A_114, %dma_wait3A_115] : memref<10112x64xf32, #tpu.memory_space<vmem_shared>> -> memref<10112x64xf32, #tpu.memory_space<vmem_shared>>
    tpu.wait_indirect_dma semaphore(%arg21 : memref<!tpu.dma_semaphore, #tpu.memory_space<semaphore_mem>>) src(%arg11 : memref<128x64xf32, #tpu.memory_space<vmem>>) dst(%dma_wait3A_116 : memref<10112x64xf32, #tpu.memory_space<vmem_shared>>)
    %dma_wait3A_117 = arith.constant 39 : i32
    %dma_wait3A_118 = arith.constant 0 : i32
    %dma_wait3A_119 = tpu.memref_slice %arg8[%dma_wait3A_117, %dma_wait3A_118] : memref<40x128xi32, #tpu.memory_space<vmem>> -> memref<1x128xi32, #tpu.memory_space<vmem>>
    %dma_wait3A_120 = tpu.memref_squeeze %dma_wait3A_119 : memref<1x128xi32, #tpu.memory_space<vmem>> -> memref<128xi32, #tpu.memory_space<vmem>>
    %dma_wait3A_121 = arith.constant 0 : i32
    %dma_wait3A_122 = arith.constant 0 : i32
    %dma_wait3A_123 = tpu.memref_slice %arg14[%dma_wait3A_121, %dma_wait3A_122] : memref<10112x64xf32, #tpu.memory_space<vmem_shared>> -> memref<10112x64xf32, #tpu.memory_space<vmem_shared>>
    tpu.wait_indirect_dma semaphore(%arg22 : memref<!tpu.dma_semaphore, #tpu.memory_space<semaphore_mem>>) src(%arg12 : memref<128x64xf32, #tpu.memory_space<vmem>>) dst(%dma_wait3A_123 : memref<10112x64xf32, #tpu.memory_space<vmem_shared>>)
    %mul3A_124 = arith.constant 160 : i32
    %mul3A_125 = arith.muli %arg1, %mul3A_124 : i32
    %add3A_126 = arith.constant 40 : i32
    %add3A_127 = arith.addi %mul3A_125, %add3A_126 : i32
    "tpu.region"() ({
      %run_scoped3A = tpu.sem_alloc : memref<!tpu.dma_semaphore, #tpu.memory_space<semaphore_mem>>
      %dma_start3A_492 = arith.constant 0 : i32
      %dma_start3A_493 = tpu.memref_slice %arg2[%add3A_127, %dma_start3A_492] : memref<2560x128xi32, #tpu.memory_space<hbm>> -> memref<40x128xi32, #tpu.memory_space<hbm>>
      %dma_start3A_494 = arith.constant 0 : i32
      %dma_start3A_495 = tpu.memref_slice %arg2[%add3A_127, %dma_start3A_494] : memref<2560x128xi32, #tpu.memory_space<hbm>> -> memref<40x128xi32, #tpu.memory_space<hbm>>
      tpu.enqueue_dma source(%dma_start3A_495 : memref<40x128xi32, #tpu.memory_space<hbm>>) target(%arg7 : memref<40x128xi32, #tpu.memory_space<vmem>>) target_semaphore(%run_scoped3A : memref<!tpu.dma_semaphore, #tpu.memory_space<semaphore_mem>>)
      %dma_wait3A_496 = arith.constant 0 : i32
      %dma_wait3A_497 = tpu.memref_slice %arg2[%add3A_127, %dma_wait3A_496] : memref<2560x128xi32, #tpu.memory_space<hbm>> -> memref<40x128xi32, #tpu.memory_space<hbm>>
      %dma_wait3A_498 = arith.constant 0 : i32
      %dma_wait3A_499 = tpu.memref_slice %arg2[%add3A_127, %dma_wait3A_498] : memref<2560x128xi32, #tpu.memory_space<hbm>> -> memref<40x128xi32, #tpu.memory_space<hbm>>
      tpu.wait_dma2 semaphore(%run_scoped3A : memref<!tpu.dma_semaphore, #tpu.memory_space<semaphore_mem>>) src(%dma_wait3A_499 : memref<40x128xi32, #tpu.memory_space<hbm>>) dst(%arg7 : memref<40x128xi32, #tpu.memory_space<vmem>>)
      tpu.yield
    }) : () -> ()
    "tpu.region"() ({
      %run_scoped3A = tpu.sem_alloc : memref<!tpu.dma_semaphore, #tpu.memory_space<semaphore_mem>>
      %dma_start3A_492 = arith.constant 0 : i32
      %dma_start3A_493 = tpu.memref_slice %arg3[%add3A_127, %dma_start3A_492] : memref<2560x128xi32, #tpu.memory_space<hbm>> -> memref<40x128xi32, #tpu.memory_space<hbm>>
      %dma_start3A_494 = arith.constant 0 : i32
      %dma_start3A_495 = tpu.memref_slice %arg3[%add3A_127, %dma_start3A_494] : memref<2560x128xi32, #tpu.memory_space<hbm>> -> memref<40x128xi32, #tpu.memory_space<hbm>>
      tpu.enqueue_dma source(%dma_start3A_495 : memref<40x128xi32, #tpu.memory_space<hbm>>) target(%arg8 : memref<40x128xi32, #tpu.memory_space<vmem>>) target_semaphore(%run_scoped3A : memref<!tpu.dma_semaphore, #tpu.memory_space<semaphore_mem>>)
      %dma_wait3A_496 = arith.constant 0 : i32
      %dma_wait3A_497 = tpu.memref_slice %arg3[%add3A_127, %dma_wait3A_496] : memref<2560x128xi32, #tpu.memory_space<hbm>> -> memref<40x128xi32, #tpu.memory_space<hbm>>
      %dma_wait3A_498 = arith.constant 0 : i32
      %dma_wait3A_499 = tpu.memref_slice %arg3[%add3A_127, %dma_wait3A_498] : memref<2560x128xi32, #tpu.memory_space<hbm>> -> memref<40x128xi32, #tpu.memory_space<hbm>>
      tpu.wait_dma2 semaphore(%run_scoped3A : memref<!tpu.dma_semaphore, #tpu.memory_space<semaphore_mem>>) src(%dma_wait3A_499 : memref<40x128xi32, #tpu.memory_space<hbm>>) dst(%arg8 : memref<40x128xi32, #tpu.memory_space<vmem>>)
      tpu.yield
    }) : () -> ()
    %dma_start3A_128 = arith.constant 0 : i32
    %dma_start3A_129 = arith.constant 0 : i32
    %dma_start3A_130 = tpu.memref_slice %arg7[%dma_start3A_128, %dma_start3A_129] : memref<40x128xi32, #tpu.memory_space<vmem>> -> memref<1x128xi32, #tpu.memory_space<vmem>>
    %dma_start3A_131 = tpu.memref_squeeze %dma_start3A_130 : memref<1x128xi32, #tpu.memory_space<vmem>> -> memref<128xi32, #tpu.memory_space<vmem>>
    %dma_start3A_132 = arith.constant 0 : i32
    %dma_start3A_133 = arith.constant 0 : i32
    %dma_start3A_134 = tpu.memref_slice %arg13[%dma_start3A_132, %dma_start3A_133] : memref<10000x64xf32, #tpu.memory_space<vmem_shared>> -> memref<10000x64xf32, #tpu.memory_space<vmem_shared>>
    tpu.enqueue_indirect_dma source(%dma_start3A_134 : memref<10000x64xf32, #tpu.memory_space<vmem_shared>>) target(%arg9 : memref<128x64xf32, #tpu.memory_space<vmem>>) offsets(%dma_start3A_131 : memref<128xi32, #tpu.memory_space<vmem>>) semaphore(%arg15 : memref<!tpu.dma_semaphore, #tpu.memory_space<semaphore_mem>>)
    %dma_start3A_135 = arith.constant 1 : i32
    %dma_start3A_136 = arith.constant 0 : i32
    %dma_start3A_137 = tpu.memref_slice %arg7[%dma_start3A_135, %dma_start3A_136] : memref<40x128xi32, #tpu.memory_space<vmem>> -> memref<1x128xi32, #tpu.memory_space<vmem>>
    %dma_start3A_138 = tpu.memref_squeeze %dma_start3A_137 : memref<1x128xi32, #tpu.memory_space<vmem>> -> memref<128xi32, #tpu.memory_space<vmem>>
    %dma_start3A_139 = arith.constant 0 : i32
    %dma_start3A_140 = arith.constant 0 : i32
    %dma_start3A_141 = tpu.memref_slice %arg13[%dma_start3A_139, %dma_start3A_140] : memref<10000x64xf32, #tpu.memory_space<vmem_shared>> -> memref<10000x64xf32, #tpu.memory_space<vmem_shared>>
    tpu.enqueue_indirect_dma source(%dma_start3A_141 : memref<10000x64xf32, #tpu.memory_space<vmem_shared>>) target(%arg10 : memref<128x64xf32, #tpu.memory_space<vmem>>) offsets(%dma_start3A_138 : memref<128xi32, #tpu.memory_space<vmem>>) semaphore(%arg16 : memref<!tpu.dma_semaphore, #tpu.memory_space<semaphore_mem>>)
    %dma_start3A_142 = arith.constant 2 : i32
    %dma_start3A_143 = arith.constant 0 : i32
    %dma_start3A_144 = tpu.memref_slice %arg7[%dma_start3A_142, %dma_start3A_143] : memref<40x128xi32, #tpu.memory_space<vmem>> -> memref<1x128xi32, #tpu.memory_space<vmem>>
    %dma_start3A_145 = tpu.memref_squeeze %dma_start3A_144 : memref<1x128xi32, #tpu.memory_space<vmem>> -> memref<128xi32, #tpu.memory_space<vmem>>
    %dma_start3A_146 = arith.constant 0 : i32
    %dma_start3A_147 = arith.constant 0 : i32
    %dma_start3A_148 = tpu.memref_slice %arg13[%dma_start3A_146, %dma_start3A_147] : memref<10000x64xf32, #tpu.memory_space<vmem_shared>> -> memref<10000x64xf32, #tpu.memory_space<vmem_shared>>
    tpu.enqueue_indirect_dma source(%dma_start3A_148 : memref<10000x64xf32, #tpu.memory_space<vmem_shared>>) target(%arg11 : memref<128x64xf32, #tpu.memory_space<vmem>>) offsets(%dma_start3A_145 : memref<128xi32, #tpu.memory_space<vmem>>) semaphore(%arg17 : memref<!tpu.dma_semaphore, #tpu.memory_space<semaphore_mem>>)
    %dma_start3A_149 = arith.constant 3 : i32
    %dma_start3A_150 = arith.constant 0 : i32
    %dma_start3A_151 = tpu.memref_slice %arg7[%dma_start3A_149, %dma_start3A_150] : memref<40x128xi32, #tpu.memory_space<vmem>> -> memref<1x128xi32, #tpu.memory_space<vmem>>
    %dma_start3A_152 = tpu.memref_squeeze %dma_start3A_151 : memref<1x128xi32, #tpu.memory_space<vmem>> -> memref<128xi32, #tpu.memory_space<vmem>>
    %dma_start3A_153 = arith.constant 0 : i32
    %dma_start3A_154 = arith.constant 0 : i32
    %dma_start3A_155 = tpu.memref_slice %arg13[%dma_start3A_153, %dma_start3A_154] : memref<10000x64xf32, #tpu.memory_space<vmem_shared>> -> memref<10000x64xf32, #tpu.memory_space<vmem_shared>>
    tpu.enqueue_indirect_dma source(%dma_start3A_155 : memref<10000x64xf32, #tpu.memory_space<vmem_shared>>) target(%arg12 : memref<128x64xf32, #tpu.memory_space<vmem>>) offsets(%dma_start3A_152 : memref<128xi32, #tpu.memory_space<vmem>>) semaphore(%arg18 : memref<!tpu.dma_semaphore, #tpu.memory_space<semaphore_mem>>)
    %dma_wait3A_156 = arith.constant 0 : i32
    %dma_wait3A_157 = arith.constant 0 : i32
    %dma_wait3A_158 = tpu.memref_slice %arg7[%dma_wait3A_156, %dma_wait3A_157] : memref<40x128xi32, #tpu.memory_space<vmem>> -> memref<1x128xi32, #tpu.memory_space<vmem>>
    %dma_wait3A_159 = tpu.memref_squeeze %dma_wait3A_158 : memref<1x128xi32, #tpu.memory_space<vmem>> -> memref<128xi32, #tpu.memory_space<vmem>>
    %dma_wait3A_160 = arith.constant 0 : i32
    %dma_wait3A_161 = arith.constant 0 : i32
    %dma_wait3A_162 = tpu.memref_slice %arg13[%dma_wait3A_160, %dma_wait3A_161] : memref<10000x64xf32, #tpu.memory_space<vmem_shared>> -> memref<10000x64xf32, #tpu.memory_space<vmem_shared>>
    tpu.wait_indirect_dma semaphore(%arg15 : memref<!tpu.dma_semaphore, #tpu.memory_space<semaphore_mem>>) src(%dma_wait3A_162 : memref<10000x64xf32, #tpu.memory_space<vmem_shared>>) dst(%arg9 : memref<128x64xf32, #tpu.memory_space<vmem>>)
    %dma_start3A_163 = arith.constant 0 : i32
    %dma_start3A_164 = arith.constant 0 : i32
    %dma_start3A_165 = tpu.memref_slice %arg8[%dma_start3A_163, %dma_start3A_164] : memref<40x128xi32, #tpu.memory_space<vmem>> -> memref<1x128xi32, #tpu.memory_space<vmem>>
    %dma_start3A_166 = tpu.memref_squeeze %dma_start3A_165 : memref<1x128xi32, #tpu.memory_space<vmem>> -> memref<128xi32, #tpu.memory_space<vmem>>
    %dma_start3A_167 = arith.constant 0 : i32
    %dma_start3A_168 = arith.constant 0 : i32
    %dma_start3A_169 = tpu.memref_slice %arg14[%dma_start3A_167, %dma_start3A_168] : memref<10112x64xf32, #tpu.memory_space<vmem_shared>> -> memref<10112x64xf32, #tpu.memory_space<vmem_shared>>
    tpu.enqueue_indirect_dma source(%arg9 : memref<128x64xf32, #tpu.memory_space<vmem>>) target(%dma_start3A_169 : memref<10112x64xf32, #tpu.memory_space<vmem_shared>>) offsets(%dma_start3A_166 : memref<128xi32, #tpu.memory_space<vmem>>) semaphore(%arg19 : memref<!tpu.dma_semaphore, #tpu.memory_space<semaphore_mem>>) {add = true}
    %scan3A_170 = arith.constant 0 : i32
    %scan3A_171 = arith.constant 9 : i32
    %scan3A_172 = arith.addi %scan3A_170, %scan3A_171 : i32
    %scan3A_173 = arith.constant 1 : i32
    scf.for %scan3A_492 = %scan3A_170 to %scan3A_172 step %scan3A_173  : i32 {
      %mul3A_493 = arith.constant 4 : i32
      %mul3A_494 = arith.muli %mul3A_493, %scan3A_492 : i32
      %add3A_495 = arith.constant 1 : i32
      %add3A_496 = arith.addi %mul3A_494, %add3A_495 : i32
      %add3A_497 = arith.constant 0 : i32
      %add3A_498 = arith.addi %add3A_496, %add3A_497 : i32
      %dma_wait3A_499 = arith.constant 0 : i32
      %dma_wait3A_500 = tpu.memref_slice %arg7[%add3A_498, %dma_wait3A_499] : memref<40x128xi32, #tpu.memory_space<vmem>> -> memref<1x128xi32, #tpu.memory_space<vmem>>
      %dma_wait3A_501 = tpu.memref_squeeze %dma_wait3A_500 : memref<1x128xi32, #tpu.memory_space<vmem>> -> memref<128xi32, #tpu.memory_space<vmem>>
      %dma_wait3A_502 = arith.constant 0 : i32
      %dma_wait3A_503 = arith.constant 0 : i32
      %dma_wait3A_504 = tpu.memref_slice %arg13[%dma_wait3A_502, %dma_wait3A_503] : memref<10000x64xf32, #tpu.memory_space<vmem_shared>> -> memref<10000x64xf32, #tpu.memory_space<vmem_shared>>
      tpu.wait_indirect_dma semaphore(%arg16 : memref<!tpu.dma_semaphore, #tpu.memory_space<semaphore_mem>>) src(%dma_wait3A_504 : memref<10000x64xf32, #tpu.memory_space<vmem_shared>>) dst(%arg10 : memref<128x64xf32, #tpu.memory_space<vmem>>)
      %dma_start3A_505 = arith.constant 0 : i32
      %dma_start3A_506 = tpu.memref_slice %arg8[%add3A_498, %dma_start3A_505] : memref<40x128xi32, #tpu.memory_space<vmem>> -> memref<1x128xi32, #tpu.memory_space<vmem>>
      %dma_start3A_507 = tpu.memref_squeeze %dma_start3A_506 : memref<1x128xi32, #tpu.memory_space<vmem>> -> memref<128xi32, #tpu.memory_space<vmem>>
      %dma_start3A_508 = arith.constant 0 : i32
      %dma_start3A_509 = arith.constant 0 : i32
      %dma_start3A_510 = tpu.memref_slice %arg14[%dma_start3A_508, %dma_start3A_509] : memref<10112x64xf32, #tpu.memory_space<vmem_shared>> -> memref<10112x64xf32, #tpu.memory_space<vmem_shared>>
      tpu.enqueue_indirect_dma source(%arg10 : memref<128x64xf32, #tpu.memory_space<vmem>>) target(%dma_start3A_510 : memref<10112x64xf32, #tpu.memory_space<vmem_shared>>) offsets(%dma_start3A_507 : memref<128xi32, #tpu.memory_space<vmem>>) semaphore(%arg20 : memref<!tpu.dma_semaphore, #tpu.memory_space<semaphore_mem>>) {add = true}
      %sub3A = arith.constant 1 : i32
      %sub3A_511 = arith.subi %add3A_498, %sub3A : i32
      %dma_wait3A_512 = arith.constant 0 : i32
      %dma_wait3A_513 = tpu.memref_slice %arg8[%sub3A_511, %dma_wait3A_512] : memref<40x128xi32, #tpu.memory_space<vmem>> -> memref<1x128xi32, #tpu.memory_space<vmem>>
      %dma_wait3A_514 = tpu.memref_squeeze %dma_wait3A_513 : memref<1x128xi32, #tpu.memory_space<vmem>> -> memref<128xi32, #tpu.memory_space<vmem>>
      %dma_wait3A_515 = arith.constant 0 : i32
      %dma_wait3A_516 = arith.constant 0 : i32
      %dma_wait3A_517 = tpu.memref_slice %arg14[%dma_wait3A_515, %dma_wait3A_516] : memref<10112x64xf32, #tpu.memory_space<vmem_shared>> -> memref<10112x64xf32, #tpu.memory_space<vmem_shared>>
      tpu.wait_indirect_dma semaphore(%arg19 : memref<!tpu.dma_semaphore, #tpu.memory_space<semaphore_mem>>) src(%arg9 : memref<128x64xf32, #tpu.memory_space<vmem>>) dst(%dma_wait3A_517 : memref<10112x64xf32, #tpu.memory_space<vmem_shared>>)
      %add3A_518 = arith.constant 4 : i32
      %add3A_519 = arith.addi %add3A_498, %add3A_518 : i32
      %sub3A_520 = arith.constant 1 : i32
      %sub3A_521 = arith.subi %add3A_519, %sub3A_520 : i32
      %dma_start3A_522 = arith.constant 0 : i32
      %dma_start3A_523 = tpu.memref_slice %arg7[%sub3A_521, %dma_start3A_522] : memref<40x128xi32, #tpu.memory_space<vmem>> -> memref<1x128xi32, #tpu.memory_space<vmem>>
      %dma_start3A_524 = tpu.memref_squeeze %dma_start3A_523 : memref<1x128xi32, #tpu.memory_space<vmem>> -> memref<128xi32, #tpu.memory_space<vmem>>
      %dma_start3A_525 = arith.constant 0 : i32
      %dma_start3A_526 = arith.constant 0 : i32
      %dma_start3A_527 = tpu.memref_slice %arg13[%dma_start3A_525, %dma_start3A_526] : memref<10000x64xf32, #tpu.memory_space<vmem_shared>> -> memref<10000x64xf32, #tpu.memory_space<vmem_shared>>
      tpu.enqueue_indirect_dma source(%dma_start3A_527 : memref<10000x64xf32, #tpu.memory_space<vmem_shared>>) target(%arg9 : memref<128x64xf32, #tpu.memory_space<vmem>>) offsets(%dma_start3A_524 : memref<128xi32, #tpu.memory_space<vmem>>) semaphore(%arg15 : memref<!tpu.dma_semaphore, #tpu.memory_space<semaphore_mem>>)
      %add3A_528 = arith.constant 1 : i32
      %add3A_529 = arith.addi %add3A_496, %add3A_528 : i32
      %dma_wait3A_530 = arith.constant 0 : i32
      %dma_wait3A_531 = tpu.memref_slice %arg7[%add3A_529, %dma_wait3A_530] : memref<40x128xi32, #tpu.memory_space<vmem>> -> memref<1x128xi32, #tpu.memory_space<vmem>>
      %dma_wait3A_532 = tpu.memref_squeeze %dma_wait3A_531 : memref<1x128xi32, #tpu.memory_space<vmem>> -> memref<128xi32, #tpu.memory_space<vmem>>
      %dma_wait3A_533 = arith.constant 0 : i32
      %dma_wait3A_534 = arith.constant 0 : i32
      %dma_wait3A_535 = tpu.memref_slice %arg13[%dma_wait3A_533, %dma_wait3A_534] : memref<10000x64xf32, #tpu.memory_space<vmem_shared>> -> memref<10000x64xf32, #tpu.memory_space<vmem_shared>>
      tpu.wait_indirect_dma semaphore(%arg17 : memref<!tpu.dma_semaphore, #tpu.memory_space<semaphore_mem>>) src(%dma_wait3A_535 : memref<10000x64xf32, #tpu.memory_space<vmem_shared>>) dst(%arg11 : memref<128x64xf32, #tpu.memory_space<vmem>>)
      %dma_start3A_536 = arith.constant 0 : i32
      %dma_start3A_537 = tpu.memref_slice %arg8[%add3A_529, %dma_start3A_536] : memref<40x128xi32, #tpu.memory_space<vmem>> -> memref<1x128xi32, #tpu.memory_space<vmem>>
      %dma_start3A_538 = tpu.memref_squeeze %dma_start3A_537 : memref<1x128xi32, #tpu.memory_space<vmem>> -> memref<128xi32, #tpu.memory_space<vmem>>
      %dma_start3A_539 = arith.constant 0 : i32
      %dma_start3A_540 = arith.constant 0 : i32
      %dma_start3A_541 = tpu.memref_slice %arg14[%dma_start3A_539, %dma_start3A_540] : memref<10112x64xf32, #tpu.memory_space<vmem_shared>> -> memref<10112x64xf32, #tpu.memory_space<vmem_shared>>
      tpu.enqueue_indirect_dma source(%arg11 : memref<128x64xf32, #tpu.memory_space<vmem>>) target(%dma_start3A_541 : memref<10112x64xf32, #tpu.memory_space<vmem_shared>>) offsets(%dma_start3A_538 : memref<128xi32, #tpu.memory_space<vmem>>) semaphore(%arg21 : memref<!tpu.dma_semaphore, #tpu.memory_space<semaphore_mem>>) {add = true}
      %sub3A_542 = arith.constant 1 : i32
      %sub3A_543 = arith.subi %add3A_529, %sub3A_542 : i32
      %dma_wait3A_544 = arith.constant 0 : i32
      %dma_wait3A_545 = tpu.memref_slice %arg8[%sub3A_543, %dma_wait3A_544] : memref<40x128xi32, #tpu.memory_space<vmem>> -> memref<1x128xi32, #tpu.memory_space<vmem>>
      %dma_wait3A_546 = tpu.memref_squeeze %dma_wait3A_545 : memref<1x128xi32, #tpu.memory_space<vmem>> -> memref<128xi32, #tpu.memory_space<vmem>>
      %dma_wait3A_547 = arith.constant 0 : i32
      %dma_wait3A_548 = arith.constant 0 : i32
      %dma_wait3A_549 = tpu.memref_slice %arg14[%dma_wait3A_547, %dma_wait3A_548] : memref<10112x64xf32, #tpu.memory_space<vmem_shared>> -> memref<10112x64xf32, #tpu.memory_space<vmem_shared>>
      tpu.wait_indirect_dma semaphore(%arg20 : memref<!tpu.dma_semaphore, #tpu.memory_space<semaphore_mem>>) src(%arg10 : memref<128x64xf32, #tpu.memory_space<vmem>>) dst(%dma_wait3A_549 : memref<10112x64xf32, #tpu.memory_space<vmem_shared>>)
      %add3A_550 = arith.constant 4 : i32
      %add3A_551 = arith.addi %add3A_529, %add3A_550 : i32
      %sub3A_552 = arith.constant 1 : i32
      %sub3A_553 = arith.subi %add3A_551, %sub3A_552 : i32
      %dma_start3A_554 = arith.constant 0 : i32
      %dma_start3A_555 = tpu.memref_slice %arg7[%sub3A_553, %dma_start3A_554] : memref<40x128xi32, #tpu.memory_space<vmem>> -> memref<1x128xi32, #tpu.memory_space<vmem>>
      %dma_start3A_556 = tpu.memref_squeeze %dma_start3A_555 : memref<1x128xi32, #tpu.memory_space<vmem>> -> memref<128xi32, #tpu.memory_space<vmem>>
      %dma_start3A_557 = arith.constant 0 : i32
      %dma_start3A_558 = arith.constant 0 : i32
      %dma_start3A_559 = tpu.memref_slice %arg13[%dma_start3A_557, %dma_start3A_558] : memref<10000x64xf32, #tpu.memory_space<vmem_shared>> -> memref<10000x64xf32, #tpu.memory_space<vmem_shared>>
      tpu.enqueue_indirect_dma source(%dma_start3A_559 : memref<10000x64xf32, #tpu.memory_space<vmem_shared>>) target(%arg10 : memref<128x64xf32, #tpu.memory_space<vmem>>) offsets(%dma_start3A_556 : memref<128xi32, #tpu.memory_space<vmem>>) semaphore(%arg16 : memref<!tpu.dma_semaphore, #tpu.memory_space<semaphore_mem>>)
      %add3A_560 = arith.constant 2 : i32
      %add3A_561 = arith.addi %add3A_496, %add3A_560 : i32
      %dma_wait3A_562 = arith.constant 0 : i32
      %dma_wait3A_563 = tpu.memref_slice %arg7[%add3A_561, %dma_wait3A_562] : memref<40x128xi32, #tpu.memory_space<vmem>> -> memref<1x128xi32, #tpu.memory_space<vmem>>
      %dma_wait3A_564 = tpu.memref_squeeze %dma_wait3A_563 : memref<1x128xi32, #tpu.memory_space<vmem>> -> memref<128xi32, #tpu.memory_space<vmem>>
      %dma_wait3A_565 = arith.constant 0 : i32
      %dma_wait3A_566 = arith.constant 0 : i32
      %dma_wait3A_567 = tpu.memref_slice %arg13[%dma_wait3A_565, %dma_wait3A_566] : memref<10000x64xf32, #tpu.memory_space<vmem_shared>> -> memref<10000x64xf32, #tpu.memory_space<vmem_shared>>
      tpu.wait_indirect_dma semaphore(%arg18 : memref<!tpu.dma_semaphore, #tpu.memory_space<semaphore_mem>>) src(%dma_wait3A_567 : memref<10000x64xf32, #tpu.memory_space<vmem_shared>>) dst(%arg12 : memref<128x64xf32, #tpu.memory_space<vmem>>)
      %dma_start3A_568 = arith.constant 0 : i32
      %dma_start3A_569 = tpu.memref_slice %arg8[%add3A_561, %dma_start3A_568] : memref<40x128xi32, #tpu.memory_space<vmem>> -> memref<1x128xi32, #tpu.memory_space<vmem>>
      %dma_start3A_570 = tpu.memref_squeeze %dma_start3A_569 : memref<1x128xi32, #tpu.memory_space<vmem>> -> memref<128xi32, #tpu.memory_space<vmem>>
      %dma_start3A_571 = arith.constant 0 : i32
      %dma_start3A_572 = arith.constant 0 : i32
      %dma_start3A_573 = tpu.memref_slice %arg14[%dma_start3A_571, %dma_start3A_572] : memref<10112x64xf32, #tpu.memory_space<vmem_shared>> -> memref<10112x64xf32, #tpu.memory_space<vmem_shared>>
      tpu.enqueue_indirect_dma source(%arg12 : memref<128x64xf32, #tpu.memory_space<vmem>>) target(%dma_start3A_573 : memref<10112x64xf32, #tpu.memory_space<vmem_shared>>) offsets(%dma_start3A_570 : memref<128xi32, #tpu.memory_space<vmem>>) semaphore(%arg22 : memref<!tpu.dma_semaphore, #tpu.memory_space<semaphore_mem>>) {add = true}
      %sub3A_574 = arith.constant 1 : i32
      %sub3A_575 = arith.subi %add3A_561, %sub3A_574 : i32
      %dma_wait3A_576 = arith.constant 0 : i32
      %dma_wait3A_577 = tpu.memref_slice %arg8[%sub3A_575, %dma_wait3A_576] : memref<40x128xi32, #tpu.memory_space<vmem>> -> memref<1x128xi32, #tpu.memory_space<vmem>>
      %dma_wait3A_578 = tpu.memref_squeeze %dma_wait3A_577 : memref<1x128xi32, #tpu.memory_space<vmem>> -> memref<128xi32, #tpu.memory_space<vmem>>
      %dma_wait3A_579 = arith.constant 0 : i32
      %dma_wait3A_580 = arith.constant 0 : i32
      %dma_wait3A_581 = tpu.memref_slice %arg14[%dma_wait3A_579, %dma_wait3A_580] : memref<10112x64xf32, #tpu.memory_space<vmem_shared>> -> memref<10112x64xf32, #tpu.memory_space<vmem_shared>>
      tpu.wait_indirect_dma semaphore(%arg21 : memref<!tpu.dma_semaphore, #tpu.memory_space<semaphore_mem>>) src(%arg11 : memref<128x64xf32, #tpu.memory_space<vmem>>) dst(%dma_wait3A_581 : memref<10112x64xf32, #tpu.memory_space<vmem_shared>>)
      %add3A_582 = arith.constant 4 : i32
      %add3A_583 = arith.addi %add3A_561, %add3A_582 : i32
      %sub3A_584 = arith.constant 1 : i32
      %sub3A_585 = arith.subi %add3A_583, %sub3A_584 : i32
      %dma_start3A_586 = arith.constant 0 : i32
      %dma_start3A_587 = tpu.memref_slice %arg7[%sub3A_585, %dma_start3A_586] : memref<40x128xi32, #tpu.memory_space<vmem>> -> memref<1x128xi32, #tpu.memory_space<vmem>>
      %dma_start3A_588 = tpu.memref_squeeze %dma_start3A_587 : memref<1x128xi32, #tpu.memory_space<vmem>> -> memref<128xi32, #tpu.memory_space<vmem>>
      %dma_start3A_589 = arith.constant 0 : i32
      %dma_start3A_590 = arith.constant 0 : i32
      %dma_start3A_591 = tpu.memref_slice %arg13[%dma_start3A_589, %dma_start3A_590] : memref<10000x64xf32, #tpu.memory_space<vmem_shared>> -> memref<10000x64xf32, #tpu.memory_space<vmem_shared>>
      tpu.enqueue_indirect_dma source(%dma_start3A_591 : memref<10000x64xf32, #tpu.memory_space<vmem_shared>>) target(%arg11 : memref<128x64xf32, #tpu.memory_space<vmem>>) offsets(%dma_start3A_588 : memref<128xi32, #tpu.memory_space<vmem>>) semaphore(%arg17 : memref<!tpu.dma_semaphore, #tpu.memory_space<semaphore_mem>>)
      %add3A_592 = arith.constant 3 : i32
      %add3A_593 = arith.addi %add3A_496, %add3A_592 : i32
      %dma_wait3A_594 = arith.constant 0 : i32
      %dma_wait3A_595 = tpu.memref_slice %arg7[%add3A_593, %dma_wait3A_594] : memref<40x128xi32, #tpu.memory_space<vmem>> -> memref<1x128xi32, #tpu.memory_space<vmem>>
      %dma_wait3A_596 = tpu.memref_squeeze %dma_wait3A_595 : memref<1x128xi32, #tpu.memory_space<vmem>> -> memref<128xi32, #tpu.memory_space<vmem>>
      %dma_wait3A_597 = arith.constant 0 : i32
      %dma_wait3A_598 = arith.constant 0 : i32
      %dma_wait3A_599 = tpu.memref_slice %arg13[%dma_wait3A_597, %dma_wait3A_598] : memref<10000x64xf32, #tpu.memory_space<vmem_shared>> -> memref<10000x64xf32, #tpu.memory_space<vmem_shared>>
      tpu.wait_indirect_dma semaphore(%arg15 : memref<!tpu.dma_semaphore, #tpu.memory_space<semaphore_mem>>) src(%dma_wait3A_599 : memref<10000x64xf32, #tpu.memory_space<vmem_shared>>) dst(%arg9 : memref<128x64xf32, #tpu.memory_space<vmem>>)
      %dma_start3A_600 = arith.constant 0 : i32
      %dma_start3A_601 = tpu.memref_slice %arg8[%add3A_593, %dma_start3A_600] : memref<40x128xi32, #tpu.memory_space<vmem>> -> memref<1x128xi32, #tpu.memory_space<vmem>>
      %dma_start3A_602 = tpu.memref_squeeze %dma_start3A_601 : memref<1x128xi32, #tpu.memory_space<vmem>> -> memref<128xi32, #tpu.memory_space<vmem>>
      %dma_start3A_603 = arith.constant 0 : i32
      %dma_start3A_604 = arith.constant 0 : i32
      %dma_start3A_605 = tpu.memref_slice %arg14[%dma_start3A_603, %dma_start3A_604] : memref<10112x64xf32, #tpu.memory_space<vmem_shared>> -> memref<10112x64xf32, #tpu.memory_space<vmem_shared>>
      tpu.enqueue_indirect_dma source(%arg9 : memref<128x64xf32, #tpu.memory_space<vmem>>) target(%dma_start3A_605 : memref<10112x64xf32, #tpu.memory_space<vmem_shared>>) offsets(%dma_start3A_602 : memref<128xi32, #tpu.memory_space<vmem>>) semaphore(%arg19 : memref<!tpu.dma_semaphore, #tpu.memory_space<semaphore_mem>>) {add = true}
      %sub3A_606 = arith.constant 1 : i32
      %sub3A_607 = arith.subi %add3A_593, %sub3A_606 : i32
      %dma_wait3A_608 = arith.constant 0 : i32
      %dma_wait3A_609 = tpu.memref_slice %arg8[%sub3A_607, %dma_wait3A_608] : memref<40x128xi32, #tpu.memory_space<vmem>> -> memref<1x128xi32, #tpu.memory_space<vmem>>
      %dma_wait3A_610 = tpu.memref_squeeze %dma_wait3A_609 : memref<1x128xi32, #tpu.memory_space<vmem>> -> memref<128xi32, #tpu.memory_space<vmem>>
      %dma_wait3A_611 = arith.constant 0 : i32
      %dma_wait3A_612 = arith.constant 0 : i32
      %dma_wait3A_613 = tpu.memref_slice %arg14[%dma_wait3A_611, %dma_wait3A_612] : memref<10112x64xf32, #tpu.memory_space<vmem_shared>> -> memref<10112x64xf32, #tpu.memory_space<vmem_shared>>
      tpu.wait_indirect_dma semaphore(%arg22 : memref<!tpu.dma_semaphore, #tpu.memory_space<semaphore_mem>>) src(%arg12 : memref<128x64xf32, #tpu.memory_space<vmem>>) dst(%dma_wait3A_613 : memref<10112x64xf32, #tpu.memory_space<vmem_shared>>)
      %add3A_614 = arith.constant 4 : i32
      %add3A_615 = arith.addi %add3A_593, %add3A_614 : i32
      %sub3A_616 = arith.constant 1 : i32
      %sub3A_617 = arith.subi %add3A_615, %sub3A_616 : i32
      %dma_start3A_618 = arith.constant 0 : i32
      %dma_start3A_619 = tpu.memref_slice %arg7[%sub3A_617, %dma_start3A_618] : memref<40x128xi32, #tpu.memory_space<vmem>> -> memref<1x128xi32, #tpu.memory_space<vmem>>
      %dma_start3A_620 = tpu.memref_squeeze %dma_start3A_619 : memref<1x128xi32, #tpu.memory_space<vmem>> -> memref<128xi32, #tpu.memory_space<vmem>>
      %dma_start3A_621 = arith.constant 0 : i32
      %dma_start3A_622 = arith.constant 0 : i32
      %dma_start3A_623 = tpu.memref_slice %arg13[%dma_start3A_621, %dma_start3A_622] : memref<10000x64xf32, #tpu.memory_space<vmem_shared>> -> memref<10000x64xf32, #tpu.memory_space<vmem_shared>>
      tpu.enqueue_indirect_dma source(%dma_start3A_623 : memref<10000x64xf32, #tpu.memory_space<vmem_shared>>) target(%arg12 : memref<128x64xf32, #tpu.memory_space<vmem>>) offsets(%dma_start3A_620 : memref<128xi32, #tpu.memory_space<vmem>>) semaphore(%arg18 : memref<!tpu.dma_semaphore, #tpu.memory_space<semaphore_mem>>)
    }
    %scan3A_174 = arith.constant 9 : i32
    %dma_wait3A_175 = arith.constant 37 : i32
    %dma_wait3A_176 = arith.constant 0 : i32
    %dma_wait3A_177 = tpu.memref_slice %arg7[%dma_wait3A_175, %dma_wait3A_176] : memref<40x128xi32, #tpu.memory_space<vmem>> -> memref<1x128xi32, #tpu.memory_space<vmem>>
    %dma_wait3A_178 = tpu.memref_squeeze %dma_wait3A_177 : memref<1x128xi32, #tpu.memory_space<vmem>> -> memref<128xi32, #tpu.memory_space<vmem>>
    %dma_wait3A_179 = arith.constant 0 : i32
    %dma_wait3A_180 = arith.constant 0 : i32
    %dma_wait3A_181 = tpu.memref_slice %arg13[%dma_wait3A_179, %dma_wait3A_180] : memref<10000x64xf32, #tpu.memory_space<vmem_shared>> -> memref<10000x64xf32, #tpu.memory_space<vmem_shared>>
    tpu.wait_indirect_dma semaphore(%arg16 : memref<!tpu.dma_semaphore, #tpu.memory_space<semaphore_mem>>) src(%dma_wait3A_181 : memref<10000x64xf32, #tpu.memory_space<vmem_shared>>) dst(%arg10 : memref<128x64xf32, #tpu.memory_space<vmem>>)
    %dma_start3A_182 = arith.constant 37 : i32
    %dma_start3A_183 = arith.constant 0 : i32
    %dma_start3A_184 = tpu.memref_slice %arg8[%dma_start3A_182, %dma_start3A_183] : memref<40x128xi32, #tpu.memory_space<vmem>> -> memref<1x128xi32, #tpu.memory_space<vmem>>
    %dma_start3A_185 = tpu.memref_squeeze %dma_start3A_184 : memref<1x128xi32, #tpu.memory_space<vmem>> -> memref<128xi32, #tpu.memory_space<vmem>>
    %dma_start3A_186 = arith.constant 0 : i32
    %dma_start3A_187 = arith.constant 0 : i32
    %dma_start3A_188 = tpu.memref_slice %arg14[%dma_start3A_186, %dma_start3A_187] : memref<10112x64xf32, #tpu.memory_space<vmem_shared>> -> memref<10112x64xf32, #tpu.memory_space<vmem_shared>>
    tpu.enqueue_indirect_dma source(%arg10 : memref<128x64xf32, #tpu.memory_space<vmem>>) target(%dma_start3A_188 : memref<10112x64xf32, #tpu.memory_space<vmem_shared>>) offsets(%dma_start3A_185 : memref<128xi32, #tpu.memory_space<vmem>>) semaphore(%arg20 : memref<!tpu.dma_semaphore, #tpu.memory_space<semaphore_mem>>) {add = true}
    %dma_wait3A_189 = arith.constant 36 : i32
    %dma_wait3A_190 = arith.constant 0 : i32
    %dma_wait3A_191 = tpu.memref_slice %arg8[%dma_wait3A_189, %dma_wait3A_190] : memref<40x128xi32, #tpu.memory_space<vmem>> -> memref<1x128xi32, #tpu.memory_space<vmem>>
    %dma_wait3A_192 = tpu.memref_squeeze %dma_wait3A_191 : memref<1x128xi32, #tpu.memory_space<vmem>> -> memref<128xi32, #tpu.memory_space<vmem>>
    %dma_wait3A_193 = arith.constant 0 : i32
    %dma_wait3A_194 = arith.constant 0 : i32
    %dma_wait3A_195 = tpu.memref_slice %arg14[%dma_wait3A_193, %dma_wait3A_194] : memref<10112x64xf32, #tpu.memory_space<vmem_shared>> -> memref<10112x64xf32, #tpu.memory_space<vmem_shared>>
    tpu.wait_indirect_dma semaphore(%arg19 : memref<!tpu.dma_semaphore, #tpu.memory_space<semaphore_mem>>) src(%arg9 : memref<128x64xf32, #tpu.memory_space<vmem>>) dst(%dma_wait3A_195 : memref<10112x64xf32, #tpu.memory_space<vmem_shared>>)
    %dma_wait3A_196 = arith.constant 38 : i32
    %dma_wait3A_197 = arith.constant 0 : i32
    %dma_wait3A_198 = tpu.memref_slice %arg7[%dma_wait3A_196, %dma_wait3A_197] : memref<40x128xi32, #tpu.memory_space<vmem>> -> memref<1x128xi32, #tpu.memory_space<vmem>>
    %dma_wait3A_199 = tpu.memref_squeeze %dma_wait3A_198 : memref<1x128xi32, #tpu.memory_space<vmem>> -> memref<128xi32, #tpu.memory_space<vmem>>
    %dma_wait3A_200 = arith.constant 0 : i32
    %dma_wait3A_201 = arith.constant 0 : i32
    %dma_wait3A_202 = tpu.memref_slice %arg13[%dma_wait3A_200, %dma_wait3A_201] : memref<10000x64xf32, #tpu.memory_space<vmem_shared>> -> memref<10000x64xf32, #tpu.memory_space<vmem_shared>>
    tpu.wait_indirect_dma semaphore(%arg17 : memref<!tpu.dma_semaphore, #tpu.memory_space<semaphore_mem>>) src(%dma_wait3A_202 : memref<10000x64xf32, #tpu.memory_space<vmem_shared>>) dst(%arg11 : memref<128x64xf32, #tpu.memory_space<vmem>>)
    %dma_start3A_203 = arith.constant 38 : i32
    %dma_start3A_204 = arith.constant 0 : i32
    %dma_start3A_205 = tpu.memref_slice %arg8[%dma_start3A_203, %dma_start3A_204] : memref<40x128xi32, #tpu.memory_space<vmem>> -> memref<1x128xi32, #tpu.memory_space<vmem>>
    %dma_start3A_206 = tpu.memref_squeeze %dma_start3A_205 : memref<1x128xi32, #tpu.memory_space<vmem>> -> memref<128xi32, #tpu.memory_space<vmem>>
    %dma_start3A_207 = arith.constant 0 : i32
    %dma_start3A_208 = arith.constant 0 : i32
    %dma_start3A_209 = tpu.memref_slice %arg14[%dma_start3A_207, %dma_start3A_208] : memref<10112x64xf32, #tpu.memory_space<vmem_shared>> -> memref<10112x64xf32, #tpu.memory_space<vmem_shared>>
    tpu.enqueue_indirect_dma source(%arg11 : memref<128x64xf32, #tpu.memory_space<vmem>>) target(%dma_start3A_209 : memref<10112x64xf32, #tpu.memory_space<vmem_shared>>) offsets(%dma_start3A_206 : memref<128xi32, #tpu.memory_space<vmem>>) semaphore(%arg21 : memref<!tpu.dma_semaphore, #tpu.memory_space<semaphore_mem>>) {add = true}
    %dma_wait3A_210 = arith.constant 37 : i32
    %dma_wait3A_211 = arith.constant 0 : i32
    %dma_wait3A_212 = tpu.memref_slice %arg8[%dma_wait3A_210, %dma_wait3A_211] : memref<40x128xi32, #tpu.memory_space<vmem>> -> memref<1x128xi32, #tpu.memory_space<vmem>>
    %dma_wait3A_213 = tpu.memref_squeeze %dma_wait3A_212 : memref<1x128xi32, #tpu.memory_space<vmem>> -> memref<128xi32, #tpu.memory_space<vmem>>
    %dma_wait3A_214 = arith.constant 0 : i32
    %dma_wait3A_215 = arith.constant 0 : i32
    %dma_wait3A_216 = tpu.memref_slice %arg14[%dma_wait3A_214, %dma_wait3A_215] : memref<10112x64xf32, #tpu.memory_space<vmem_shared>> -> memref<10112x64xf32, #tpu.memory_space<vmem_shared>>
    tpu.wait_indirect_dma semaphore(%arg20 : memref<!tpu.dma_semaphore, #tpu.memory_space<semaphore_mem>>) src(%arg10 : memref<128x64xf32, #tpu.memory_space<vmem>>) dst(%dma_wait3A_216 : memref<10112x64xf32, #tpu.memory_space<vmem_shared>>)
    %dma_wait3A_217 = arith.constant 39 : i32
    %dma_wait3A_218 = arith.constant 0 : i32
    %dma_wait3A_219 = tpu.memref_slice %arg7[%dma_wait3A_217, %dma_wait3A_218] : memref<40x128xi32, #tpu.memory_space<vmem>> -> memref<1x128xi32, #tpu.memory_space<vmem>>
    %dma_wait3A_220 = tpu.memref_squeeze %dma_wait3A_219 : memref<1x128xi32, #tpu.memory_space<vmem>> -> memref<128xi32, #tpu.memory_space<vmem>>
    %dma_wait3A_221 = arith.constant 0 : i32
    %dma_wait3A_222 = arith.constant 0 : i32
    %dma_wait3A_223 = tpu.memref_slice %arg13[%dma_wait3A_221, %dma_wait3A_222] : memref<10000x64xf32, #tpu.memory_space<vmem_shared>> -> memref<10000x64xf32, #tpu.memory_space<vmem_shared>>
    tpu.wait_indirect_dma semaphore(%arg18 : memref<!tpu.dma_semaphore, #tpu.memory_space<semaphore_mem>>) src(%dma_wait3A_223 : memref<10000x64xf32, #tpu.memory_space<vmem_shared>>) dst(%arg12 : memref<128x64xf32, #tpu.memory_space<vmem>>)
    %dma_start3A_224 = arith.constant 39 : i32
    %dma_start3A_225 = arith.constant 0 : i32
    %dma_start3A_226 = tpu.memref_slice %arg8[%dma_start3A_224, %dma_start3A_225] : memref<40x128xi32, #tpu.memory_space<vmem>> -> memref<1x128xi32, #tpu.memory_space<vmem>>
    %dma_start3A_227 = tpu.memref_squeeze %dma_start3A_226 : memref<1x128xi32, #tpu.memory_space<vmem>> -> memref<128xi32, #tpu.memory_space<vmem>>
    %dma_start3A_228 = arith.constant 0 : i32
    %dma_start3A_229 = arith.constant 0 : i32
    %dma_start3A_230 = tpu.memref_slice %arg14[%dma_start3A_228, %dma_start3A_229] : memref<10112x64xf32, #tpu.memory_space<vmem_shared>> -> memref<10112x64xf32, #tpu.memory_space<vmem_shared>>
    tpu.enqueue_indirect_dma source(%arg12 : memref<128x64xf32, #tpu.memory_space<vmem>>) target(%dma_start3A_230 : memref<10112x64xf32, #tpu.memory_space<vmem_shared>>) offsets(%dma_start3A_227 : memref<128xi32, #tpu.memory_space<vmem>>) semaphore(%arg22 : memref<!tpu.dma_semaphore, #tpu.memory_space<semaphore_mem>>) {add = true}
    %dma_wait3A_231 = arith.constant 38 : i32
    %dma_wait3A_232 = arith.constant 0 : i32
    %dma_wait3A_233 = tpu.memref_slice %arg8[%dma_wait3A_231, %dma_wait3A_232] : memref<40x128xi32, #tpu.memory_space<vmem>> -> memref<1x128xi32, #tpu.memory_space<vmem>>
    %dma_wait3A_234 = tpu.memref_squeeze %dma_wait3A_233 : memref<1x128xi32, #tpu.memory_space<vmem>> -> memref<128xi32, #tpu.memory_space<vmem>>
    %dma_wait3A_235 = arith.constant 0 : i32
    %dma_wait3A_236 = arith.constant 0 : i32
    %dma_wait3A_237 = tpu.memref_slice %arg14[%dma_wait3A_235, %dma_wait3A_236] : memref<10112x64xf32, #tpu.memory_space<vmem_shared>> -> memref<10112x64xf32, #tpu.memory_space<vmem_shared>>
    tpu.wait_indirect_dma semaphore(%arg21 : memref<!tpu.dma_semaphore, #tpu.memory_space<semaphore_mem>>) src(%arg11 : memref<128x64xf32, #tpu.memory_space<vmem>>) dst(%dma_wait3A_237 : memref<10112x64xf32, #tpu.memory_space<vmem_shared>>)
    %dma_wait3A_238 = arith.constant 39 : i32
    %dma_wait3A_239 = arith.constant 0 : i32
    %dma_wait3A_240 = tpu.memref_slice %arg8[%dma_wait3A_238, %dma_wait3A_239] : memref<40x128xi32, #tpu.memory_space<vmem>> -> memref<1x128xi32, #tpu.memory_space<vmem>>
    %dma_wait3A_241 = tpu.memref_squeeze %dma_wait3A_240 : memref<1x128xi32, #tpu.memory_space<vmem>> -> memref<128xi32, #tpu.memory_space<vmem>>
    %dma_wait3A_242 = arith.constant 0 : i32
    %dma_wait3A_243 = arith.constant 0 : i32
    %dma_wait3A_244 = tpu.memref_slice %arg14[%dma_wait3A_242, %dma_wait3A_243] : memref<10112x64xf32, #tpu.memory_space<vmem_shared>> -> memref<10112x64xf32, #tpu.memory_space<vmem_shared>>
    tpu.wait_indirect_dma semaphore(%arg22 : memref<!tpu.dma_semaphore, #tpu.memory_space<semaphore_mem>>) src(%arg12 : memref<128x64xf32, #tpu.memory_space<vmem>>) dst(%dma_wait3A_244 : memref<10112x64xf32, #tpu.memory_space<vmem_shared>>)
    %mul3A_245 = arith.constant 160 : i32
    %mul3A_246 = arith.muli %arg1, %mul3A_245 : i32
    %add3A_247 = arith.constant 80 : i32
    %add3A_248 = arith.addi %mul3A_246, %add3A_247 : i32
    "tpu.region"() ({
      %run_scoped3A = tpu.sem_alloc : memref<!tpu.dma_semaphore, #tpu.memory_space<semaphore_mem>>
      %dma_start3A_492 = arith.constant 0 : i32
      %dma_start3A_493 = tpu.memref_slice %arg2[%add3A_248, %dma_start3A_492] : memref<2560x128xi32, #tpu.memory_space<hbm>> -> memref<40x128xi32, #tpu.memory_space<hbm>>
      %dma_start3A_494 = arith.constant 0 : i32
      %dma_start3A_495 = tpu.memref_slice %arg2[%add3A_248, %dma_start3A_494] : memref<2560x128xi32, #tpu.memory_space<hbm>> -> memref<40x128xi32, #tpu.memory_space<hbm>>
      tpu.enqueue_dma source(%dma_start3A_495 : memref<40x128xi32, #tpu.memory_space<hbm>>) target(%arg7 : memref<40x128xi32, #tpu.memory_space<vmem>>) target_semaphore(%run_scoped3A : memref<!tpu.dma_semaphore, #tpu.memory_space<semaphore_mem>>)
      %dma_wait3A_496 = arith.constant 0 : i32
      %dma_wait3A_497 = tpu.memref_slice %arg2[%add3A_248, %dma_wait3A_496] : memref<2560x128xi32, #tpu.memory_space<hbm>> -> memref<40x128xi32, #tpu.memory_space<hbm>>
      %dma_wait3A_498 = arith.constant 0 : i32
      %dma_wait3A_499 = tpu.memref_slice %arg2[%add3A_248, %dma_wait3A_498] : memref<2560x128xi32, #tpu.memory_space<hbm>> -> memref<40x128xi32, #tpu.memory_space<hbm>>
      tpu.wait_dma2 semaphore(%run_scoped3A : memref<!tpu.dma_semaphore, #tpu.memory_space<semaphore_mem>>) src(%dma_wait3A_499 : memref<40x128xi32, #tpu.memory_space<hbm>>) dst(%arg7 : memref<40x128xi32, #tpu.memory_space<vmem>>)
      tpu.yield
    }) : () -> ()
    "tpu.region"() ({
      %run_scoped3A = tpu.sem_alloc : memref<!tpu.dma_semaphore, #tpu.memory_space<semaphore_mem>>
      %dma_start3A_492 = arith.constant 0 : i32
      %dma_start3A_493 = tpu.memref_slice %arg3[%add3A_248, %dma_start3A_492] : memref<2560x128xi32, #tpu.memory_space<hbm>> -> memref<40x128xi32, #tpu.memory_space<hbm>>
      %dma_start3A_494 = arith.constant 0 : i32
      %dma_start3A_495 = tpu.memref_slice %arg3[%add3A_248, %dma_start3A_494] : memref<2560x128xi32, #tpu.memory_space<hbm>> -> memref<40x128xi32, #tpu.memory_space<hbm>>
      tpu.enqueue_dma source(%dma_start3A_495 : memref<40x128xi32, #tpu.memory_space<hbm>>) target(%arg8 : memref<40x128xi32, #tpu.memory_space<vmem>>) target_semaphore(%run_scoped3A : memref<!tpu.dma_semaphore, #tpu.memory_space<semaphore_mem>>)
      %dma_wait3A_496 = arith.constant 0 : i32
      %dma_wait3A_497 = tpu.memref_slice %arg3[%add3A_248, %dma_wait3A_496] : memref<2560x128xi32, #tpu.memory_space<hbm>> -> memref<40x128xi32, #tpu.memory_space<hbm>>
      %dma_wait3A_498 = arith.constant 0 : i32
      %dma_wait3A_499 = tpu.memref_slice %arg3[%add3A_248, %dma_wait3A_498] : memref<2560x128xi32, #tpu.memory_space<hbm>> -> memref<40x128xi32, #tpu.memory_space<hbm>>
      tpu.wait_dma2 semaphore(%run_scoped3A : memref<!tpu.dma_semaphore, #tpu.memory_space<semaphore_mem>>) src(%dma_wait3A_499 : memref<40x128xi32, #tpu.memory_space<hbm>>) dst(%arg8 : memref<40x128xi32, #tpu.memory_space<vmem>>)
      tpu.yield
    }) : () -> ()
    %dma_start3A_249 = arith.constant 0 : i32
    %dma_start3A_250 = arith.constant 0 : i32
    %dma_start3A_251 = tpu.memref_slice %arg7[%dma_start3A_249, %dma_start3A_250] : memref<40x128xi32, #tpu.memory_space<vmem>> -> memref<1x128xi32, #tpu.memory_space<vmem>>
    %dma_start3A_252 = tpu.memref_squeeze %dma_start3A_251 : memref<1x128xi32, #tpu.memory_space<vmem>> -> memref<128xi32, #tpu.memory_space<vmem>>
    %dma_start3A_253 = arith.constant 0 : i32
    %dma_start3A_254 = arith.constant 0 : i32
    %dma_start3A_255 = tpu.memref_slice %arg13[%dma_start3A_253, %dma_start3A_254] : memref<10000x64xf32, #tpu.memory_space<vmem_shared>> -> memref<10000x64xf32, #tpu.memory_space<vmem_shared>>
    tpu.enqueue_indirect_dma source(%dma_start3A_255 : memref<10000x64xf32, #tpu.memory_space<vmem_shared>>) target(%arg9 : memref<128x64xf32, #tpu.memory_space<vmem>>) offsets(%dma_start3A_252 : memref<128xi32, #tpu.memory_space<vmem>>) semaphore(%arg15 : memref<!tpu.dma_semaphore, #tpu.memory_space<semaphore_mem>>)
    %dma_start3A_256 = arith.constant 1 : i32
    %dma_start3A_257 = arith.constant 0 : i32
    %dma_start3A_258 = tpu.memref_slice %arg7[%dma_start3A_256, %dma_start3A_257] : memref<40x128xi32, #tpu.memory_space<vmem>> -> memref<1x128xi32, #tpu.memory_space<vmem>>
    %dma_start3A_259 = tpu.memref_squeeze %dma_start3A_258 : memref<1x128xi32, #tpu.memory_space<vmem>> -> memref<128xi32, #tpu.memory_space<vmem>>
    %dma_start3A_260 = arith.constant 0 : i32
    %dma_start3A_261 = arith.constant 0 : i32
    %dma_start3A_262 = tpu.memref_slice %arg13[%dma_start3A_260, %dma_start3A_261] : memref<10000x64xf32, #tpu.memory_space<vmem_shared>> -> memref<10000x64xf32, #tpu.memory_space<vmem_shared>>
    tpu.enqueue_indirect_dma source(%dma_start3A_262 : memref<10000x64xf32, #tpu.memory_space<vmem_shared>>) target(%arg10 : memref<128x64xf32, #tpu.memory_space<vmem>>) offsets(%dma_start3A_259 : memref<128xi32, #tpu.memory_space<vmem>>) semaphore(%arg16 : memref<!tpu.dma_semaphore, #tpu.memory_space<semaphore_mem>>)
    %dma_start3A_263 = arith.constant 2 : i32
    %dma_start3A_264 = arith.constant 0 : i32
    %dma_start3A_265 = tpu.memref_slice %arg7[%dma_start3A_263, %dma_start3A_264] : memref<40x128xi32, #tpu.memory_space<vmem>> -> memref<1x128xi32, #tpu.memory_space<vmem>>
    %dma_start3A_266 = tpu.memref_squeeze %dma_start3A_265 : memref<1x128xi32, #tpu.memory_space<vmem>> -> memref<128xi32, #tpu.memory_space<vmem>>
    %dma_start3A_267 = arith.constant 0 : i32
    %dma_start3A_268 = arith.constant 0 : i32
    %dma_start3A_269 = tpu.memref_slice %arg13[%dma_start3A_267, %dma_start3A_268] : memref<10000x64xf32, #tpu.memory_space<vmem_shared>> -> memref<10000x64xf32, #tpu.memory_space<vmem_shared>>
    tpu.enqueue_indirect_dma source(%dma_start3A_269 : memref<10000x64xf32, #tpu.memory_space<vmem_shared>>) target(%arg11 : memref<128x64xf32, #tpu.memory_space<vmem>>) offsets(%dma_start3A_266 : memref<128xi32, #tpu.memory_space<vmem>>) semaphore(%arg17 : memref<!tpu.dma_semaphore, #tpu.memory_space<semaphore_mem>>)
    %dma_start3A_270 = arith.constant 3 : i32
    %dma_start3A_271 = arith.constant 0 : i32
    %dma_start3A_272 = tpu.memref_slice %arg7[%dma_start3A_270, %dma_start3A_271] : memref<40x128xi32, #tpu.memory_space<vmem>> -> memref<1x128xi32, #tpu.memory_space<vmem>>
    %dma_start3A_273 = tpu.memref_squeeze %dma_start3A_272 : memref<1x128xi32, #tpu.memory_space<vmem>> -> memref<128xi32, #tpu.memory_space<vmem>>
    %dma_start3A_274 = arith.constant 0 : i32
    %dma_start3A_275 = arith.constant 0 : i32
    %dma_start3A_276 = tpu.memref_slice %arg13[%dma_start3A_274, %dma_start3A_275] : memref<10000x64xf32, #tpu.memory_space<vmem_shared>> -> memref<10000x64xf32, #tpu.memory_space<vmem_shared>>
    tpu.enqueue_indirect_dma source(%dma_start3A_276 : memref<10000x64xf32, #tpu.memory_space<vmem_shared>>) target(%arg12 : memref<128x64xf32, #tpu.memory_space<vmem>>) offsets(%dma_start3A_273 : memref<128xi32, #tpu.memory_space<vmem>>) semaphore(%arg18 : memref<!tpu.dma_semaphore, #tpu.memory_space<semaphore_mem>>)
    %dma_wait3A_277 = arith.constant 0 : i32
    %dma_wait3A_278 = arith.constant 0 : i32
    %dma_wait3A_279 = tpu.memref_slice %arg7[%dma_wait3A_277, %dma_wait3A_278] : memref<40x128xi32, #tpu.memory_space<vmem>> -> memref<1x128xi32, #tpu.memory_space<vmem>>
    %dma_wait3A_280 = tpu.memref_squeeze %dma_wait3A_279 : memref<1x128xi32, #tpu.memory_space<vmem>> -> memref<128xi32, #tpu.memory_space<vmem>>
    %dma_wait3A_281 = arith.constant 0 : i32
    %dma_wait3A_282 = arith.constant 0 : i32
    %dma_wait3A_283 = tpu.memref_slice %arg13[%dma_wait3A_281, %dma_wait3A_282] : memref<10000x64xf32, #tpu.memory_space<vmem_shared>> -> memref<10000x64xf32, #tpu.memory_space<vmem_shared>>
    tpu.wait_indirect_dma semaphore(%arg15 : memref<!tpu.dma_semaphore, #tpu.memory_space<semaphore_mem>>) src(%dma_wait3A_283 : memref<10000x64xf32, #tpu.memory_space<vmem_shared>>) dst(%arg9 : memref<128x64xf32, #tpu.memory_space<vmem>>)
    %dma_start3A_284 = arith.constant 0 : i32
    %dma_start3A_285 = arith.constant 0 : i32
    %dma_start3A_286 = tpu.memref_slice %arg8[%dma_start3A_284, %dma_start3A_285] : memref<40x128xi32, #tpu.memory_space<vmem>> -> memref<1x128xi32, #tpu.memory_space<vmem>>
    %dma_start3A_287 = tpu.memref_squeeze %dma_start3A_286 : memref<1x128xi32, #tpu.memory_space<vmem>> -> memref<128xi32, #tpu.memory_space<vmem>>
    %dma_start3A_288 = arith.constant 0 : i32
    %dma_start3A_289 = arith.constant 0 : i32
    %dma_start3A_290 = tpu.memref_slice %arg14[%dma_start3A_288, %dma_start3A_289] : memref<10112x64xf32, #tpu.memory_space<vmem_shared>> -> memref<10112x64xf32, #tpu.memory_space<vmem_shared>>
    tpu.enqueue_indirect_dma source(%arg9 : memref<128x64xf32, #tpu.memory_space<vmem>>) target(%dma_start3A_290 : memref<10112x64xf32, #tpu.memory_space<vmem_shared>>) offsets(%dma_start3A_287 : memref<128xi32, #tpu.memory_space<vmem>>) semaphore(%arg19 : memref<!tpu.dma_semaphore, #tpu.memory_space<semaphore_mem>>) {add = true}
    %scan3A_291 = arith.constant 0 : i32
    %scan3A_292 = arith.constant 9 : i32
    %scan3A_293 = arith.addi %scan3A_291, %scan3A_292 : i32
    %scan3A_294 = arith.constant 1 : i32
    scf.for %scan3A_492 = %scan3A_291 to %scan3A_293 step %scan3A_294  : i32 {
      %mul3A_493 = arith.constant 4 : i32
      %mul3A_494 = arith.muli %mul3A_493, %scan3A_492 : i32
      %add3A_495 = arith.constant 1 : i32
      %add3A_496 = arith.addi %mul3A_494, %add3A_495 : i32
      %add3A_497 = arith.constant 0 : i32
      %add3A_498 = arith.addi %add3A_496, %add3A_497 : i32
      %dma_wait3A_499 = arith.constant 0 : i32
      %dma_wait3A_500 = tpu.memref_slice %arg7[%add3A_498, %dma_wait3A_499] : memref<40x128xi32, #tpu.memory_space<vmem>> -> memref<1x128xi32, #tpu.memory_space<vmem>>
      %dma_wait3A_501 = tpu.memref_squeeze %dma_wait3A_500 : memref<1x128xi32, #tpu.memory_space<vmem>> -> memref<128xi32, #tpu.memory_space<vmem>>
      %dma_wait3A_502 = arith.constant 0 : i32
      %dma_wait3A_503 = arith.constant 0 : i32
      %dma_wait3A_504 = tpu.memref_slice %arg13[%dma_wait3A_502, %dma_wait3A_503] : memref<10000x64xf32, #tpu.memory_space<vmem_shared>> -> memref<10000x64xf32, #tpu.memory_space<vmem_shared>>
      tpu.wait_indirect_dma semaphore(%arg16 : memref<!tpu.dma_semaphore, #tpu.memory_space<semaphore_mem>>) src(%dma_wait3A_504 : memref<10000x64xf32, #tpu.memory_space<vmem_shared>>) dst(%arg10 : memref<128x64xf32, #tpu.memory_space<vmem>>)
      %dma_start3A_505 = arith.constant 0 : i32
      %dma_start3A_506 = tpu.memref_slice %arg8[%add3A_498, %dma_start3A_505] : memref<40x128xi32, #tpu.memory_space<vmem>> -> memref<1x128xi32, #tpu.memory_space<vmem>>
      %dma_start3A_507 = tpu.memref_squeeze %dma_start3A_506 : memref<1x128xi32, #tpu.memory_space<vmem>> -> memref<128xi32, #tpu.memory_space<vmem>>
      %dma_start3A_508 = arith.constant 0 : i32
      %dma_start3A_509 = arith.constant 0 : i32
      %dma_start3A_510 = tpu.memref_slice %arg14[%dma_start3A_508, %dma_start3A_509] : memref<10112x64xf32, #tpu.memory_space<vmem_shared>> -> memref<10112x64xf32, #tpu.memory_space<vmem_shared>>
      tpu.enqueue_indirect_dma source(%arg10 : memref<128x64xf32, #tpu.memory_space<vmem>>) target(%dma_start3A_510 : memref<10112x64xf32, #tpu.memory_space<vmem_shared>>) offsets(%dma_start3A_507 : memref<128xi32, #tpu.memory_space<vmem>>) semaphore(%arg20 : memref<!tpu.dma_semaphore, #tpu.memory_space<semaphore_mem>>) {add = true}
      %sub3A = arith.constant 1 : i32
      %sub3A_511 = arith.subi %add3A_498, %sub3A : i32
      %dma_wait3A_512 = arith.constant 0 : i32
      %dma_wait3A_513 = tpu.memref_slice %arg8[%sub3A_511, %dma_wait3A_512] : memref<40x128xi32, #tpu.memory_space<vmem>> -> memref<1x128xi32, #tpu.memory_space<vmem>>
      %dma_wait3A_514 = tpu.memref_squeeze %dma_wait3A_513 : memref<1x128xi32, #tpu.memory_space<vmem>> -> memref<128xi32, #tpu.memory_space<vmem>>
      %dma_wait3A_515 = arith.constant 0 : i32
      %dma_wait3A_516 = arith.constant 0 : i32
      %dma_wait3A_517 = tpu.memref_slice %arg14[%dma_wait3A_515, %dma_wait3A_516] : memref<10112x64xf32, #tpu.memory_space<vmem_shared>> -> memref<10112x64xf32, #tpu.memory_space<vmem_shared>>
      tpu.wait_indirect_dma semaphore(%arg19 : memref<!tpu.dma_semaphore, #tpu.memory_space<semaphore_mem>>) src(%arg9 : memref<128x64xf32, #tpu.memory_space<vmem>>) dst(%dma_wait3A_517 : memref<10112x64xf32, #tpu.memory_space<vmem_shared>>)
      %add3A_518 = arith.constant 4 : i32
      %add3A_519 = arith.addi %add3A_498, %add3A_518 : i32
      %sub3A_520 = arith.constant 1 : i32
      %sub3A_521 = arith.subi %add3A_519, %sub3A_520 : i32
      %dma_start3A_522 = arith.constant 0 : i32
      %dma_start3A_523 = tpu.memref_slice %arg7[%sub3A_521, %dma_start3A_522] : memref<40x128xi32, #tpu.memory_space<vmem>> -> memref<1x128xi32, #tpu.memory_space<vmem>>
      %dma_start3A_524 = tpu.memref_squeeze %dma_start3A_523 : memref<1x128xi32, #tpu.memory_space<vmem>> -> memref<128xi32, #tpu.memory_space<vmem>>
      %dma_start3A_525 = arith.constant 0 : i32
      %dma_start3A_526 = arith.constant 0 : i32
      %dma_start3A_527 = tpu.memref_slice %arg13[%dma_start3A_525, %dma_start3A_526] : memref<10000x64xf32, #tpu.memory_space<vmem_shared>> -> memref<10000x64xf32, #tpu.memory_space<vmem_shared>>
      tpu.enqueue_indirect_dma source(%dma_start3A_527 : memref<10000x64xf32, #tpu.memory_space<vmem_shared>>) target(%arg9 : memref<128x64xf32, #tpu.memory_space<vmem>>) offsets(%dma_start3A_524 : memref<128xi32, #tpu.memory_space<vmem>>) semaphore(%arg15 : memref<!tpu.dma_semaphore, #tpu.memory_space<semaphore_mem>>)
      %add3A_528 = arith.constant 1 : i32
      %add3A_529 = arith.addi %add3A_496, %add3A_528 : i32
      %dma_wait3A_530 = arith.constant 0 : i32
      %dma_wait3A_531 = tpu.memref_slice %arg7[%add3A_529, %dma_wait3A_530] : memref<40x128xi32, #tpu.memory_space<vmem>> -> memref<1x128xi32, #tpu.memory_space<vmem>>
      %dma_wait3A_532 = tpu.memref_squeeze %dma_wait3A_531 : memref<1x128xi32, #tpu.memory_space<vmem>> -> memref<128xi32, #tpu.memory_space<vmem>>
      %dma_wait3A_533 = arith.constant 0 : i32
      %dma_wait3A_534 = arith.constant 0 : i32
      %dma_wait3A_535 = tpu.memref_slice %arg13[%dma_wait3A_533, %dma_wait3A_534] : memref<10000x64xf32, #tpu.memory_space<vmem_shared>> -> memref<10000x64xf32, #tpu.memory_space<vmem_shared>>
      tpu.wait_indirect_dma semaphore(%arg17 : memref<!tpu.dma_semaphore, #tpu.memory_space<semaphore_mem>>) src(%dma_wait3A_535 : memref<10000x64xf32, #tpu.memory_space<vmem_shared>>) dst(%arg11 : memref<128x64xf32, #tpu.memory_space<vmem>>)
      %dma_start3A_536 = arith.constant 0 : i32
      %dma_start3A_537 = tpu.memref_slice %arg8[%add3A_529, %dma_start3A_536] : memref<40x128xi32, #tpu.memory_space<vmem>> -> memref<1x128xi32, #tpu.memory_space<vmem>>
      %dma_start3A_538 = tpu.memref_squeeze %dma_start3A_537 : memref<1x128xi32, #tpu.memory_space<vmem>> -> memref<128xi32, #tpu.memory_space<vmem>>
      %dma_start3A_539 = arith.constant 0 : i32
      %dma_start3A_540 = arith.constant 0 : i32
      %dma_start3A_541 = tpu.memref_slice %arg14[%dma_start3A_539, %dma_start3A_540] : memref<10112x64xf32, #tpu.memory_space<vmem_shared>> -> memref<10112x64xf32, #tpu.memory_space<vmem_shared>>
      tpu.enqueue_indirect_dma source(%arg11 : memref<128x64xf32, #tpu.memory_space<vmem>>) target(%dma_start3A_541 : memref<10112x64xf32, #tpu.memory_space<vmem_shared>>) offsets(%dma_start3A_538 : memref<128xi32, #tpu.memory_space<vmem>>) semaphore(%arg21 : memref<!tpu.dma_semaphore, #tpu.memory_space<semaphore_mem>>) {add = true}
      %sub3A_542 = arith.constant 1 : i32
      %sub3A_543 = arith.subi %add3A_529, %sub3A_542 : i32
      %dma_wait3A_544 = arith.constant 0 : i32
      %dma_wait3A_545 = tpu.memref_slice %arg8[%sub3A_543, %dma_wait3A_544] : memref<40x128xi32, #tpu.memory_space<vmem>> -> memref<1x128xi32, #tpu.memory_space<vmem>>
      %dma_wait3A_546 = tpu.memref_squeeze %dma_wait3A_545 : memref<1x128xi32, #tpu.memory_space<vmem>> -> memref<128xi32, #tpu.memory_space<vmem>>
      %dma_wait3A_547 = arith.constant 0 : i32
      %dma_wait3A_548 = arith.constant 0 : i32
      %dma_wait3A_549 = tpu.memref_slice %arg14[%dma_wait3A_547, %dma_wait3A_548] : memref<10112x64xf32, #tpu.memory_space<vmem_shared>> -> memref<10112x64xf32, #tpu.memory_space<vmem_shared>>
      tpu.wait_indirect_dma semaphore(%arg20 : memref<!tpu.dma_semaphore, #tpu.memory_space<semaphore_mem>>) src(%arg10 : memref<128x64xf32, #tpu.memory_space<vmem>>) dst(%dma_wait3A_549 : memref<10112x64xf32, #tpu.memory_space<vmem_shared>>)
      %add3A_550 = arith.constant 4 : i32
      %add3A_551 = arith.addi %add3A_529, %add3A_550 : i32
      %sub3A_552 = arith.constant 1 : i32
      %sub3A_553 = arith.subi %add3A_551, %sub3A_552 : i32
      %dma_start3A_554 = arith.constant 0 : i32
      %dma_start3A_555 = tpu.memref_slice %arg7[%sub3A_553, %dma_start3A_554] : memref<40x128xi32, #tpu.memory_space<vmem>> -> memref<1x128xi32, #tpu.memory_space<vmem>>
      %dma_start3A_556 = tpu.memref_squeeze %dma_start3A_555 : memref<1x128xi32, #tpu.memory_space<vmem>> -> memref<128xi32, #tpu.memory_space<vmem>>
      %dma_start3A_557 = arith.constant 0 : i32
      %dma_start3A_558 = arith.constant 0 : i32
      %dma_start3A_559 = tpu.memref_slice %arg13[%dma_start3A_557, %dma_start3A_558] : memref<10000x64xf32, #tpu.memory_space<vmem_shared>> -> memref<10000x64xf32, #tpu.memory_space<vmem_shared>>
      tpu.enqueue_indirect_dma source(%dma_start3A_559 : memref<10000x64xf32, #tpu.memory_space<vmem_shared>>) target(%arg10 : memref<128x64xf32, #tpu.memory_space<vmem>>) offsets(%dma_start3A_556 : memref<128xi32, #tpu.memory_space<vmem>>) semaphore(%arg16 : memref<!tpu.dma_semaphore, #tpu.memory_space<semaphore_mem>>)
      %add3A_560 = arith.constant 2 : i32
      %add3A_561 = arith.addi %add3A_496, %add3A_560 : i32
      %dma_wait3A_562 = arith.constant 0 : i32
      %dma_wait3A_563 = tpu.memref_slice %arg7[%add3A_561, %dma_wait3A_562] : memref<40x128xi32, #tpu.memory_space<vmem>> -> memref<1x128xi32, #tpu.memory_space<vmem>>
      %dma_wait3A_564 = tpu.memref_squeeze %dma_wait3A_563 : memref<1x128xi32, #tpu.memory_space<vmem>> -> memref<128xi32, #tpu.memory_space<vmem>>
      %dma_wait3A_565 = arith.constant 0 : i32
      %dma_wait3A_566 = arith.constant 0 : i32
      %dma_wait3A_567 = tpu.memref_slice %arg13[%dma_wait3A_565, %dma_wait3A_566] : memref<10000x64xf32, #tpu.memory_space<vmem_shared>> -> memref<10000x64xf32, #tpu.memory_space<vmem_shared>>
      tpu.wait_indirect_dma semaphore(%arg18 : memref<!tpu.dma_semaphore, #tpu.memory_space<semaphore_mem>>) src(%dma_wait3A_567 : memref<10000x64xf32, #tpu.memory_space<vmem_shared>>) dst(%arg12 : memref<128x64xf32, #tpu.memory_space<vmem>>)
      %dma_start3A_568 = arith.constant 0 : i32
      %dma_start3A_569 = tpu.memref_slice %arg8[%add3A_561, %dma_start3A_568] : memref<40x128xi32, #tpu.memory_space<vmem>> -> memref<1x128xi32, #tpu.memory_space<vmem>>
      %dma_start3A_570 = tpu.memref_squeeze %dma_start3A_569 : memref<1x128xi32, #tpu.memory_space<vmem>> -> memref<128xi32, #tpu.memory_space<vmem>>
      %dma_start3A_571 = arith.constant 0 : i32
      %dma_start3A_572 = arith.constant 0 : i32
      %dma_start3A_573 = tpu.memref_slice %arg14[%dma_start3A_571, %dma_start3A_572] : memref<10112x64xf32, #tpu.memory_space<vmem_shared>> -> memref<10112x64xf32, #tpu.memory_space<vmem_shared>>
      tpu.enqueue_indirect_dma source(%arg12 : memref<128x64xf32, #tpu.memory_space<vmem>>) target(%dma_start3A_573 : memref<10112x64xf32, #tpu.memory_space<vmem_shared>>) offsets(%dma_start3A_570 : memref<128xi32, #tpu.memory_space<vmem>>) semaphore(%arg22 : memref<!tpu.dma_semaphore, #tpu.memory_space<semaphore_mem>>) {add = true}
      %sub3A_574 = arith.constant 1 : i32
      %sub3A_575 = arith.subi %add3A_561, %sub3A_574 : i32
      %dma_wait3A_576 = arith.constant 0 : i32
      %dma_wait3A_577 = tpu.memref_slice %arg8[%sub3A_575, %dma_wait3A_576] : memref<40x128xi32, #tpu.memory_space<vmem>> -> memref<1x128xi32, #tpu.memory_space<vmem>>
      %dma_wait3A_578 = tpu.memref_squeeze %dma_wait3A_577 : memref<1x128xi32, #tpu.memory_space<vmem>> -> memref<128xi32, #tpu.memory_space<vmem>>
      %dma_wait3A_579 = arith.constant 0 : i32
      %dma_wait3A_580 = arith.constant 0 : i32
      %dma_wait3A_581 = tpu.memref_slice %arg14[%dma_wait3A_579, %dma_wait3A_580] : memref<10112x64xf32, #tpu.memory_space<vmem_shared>> -> memref<10112x64xf32, #tpu.memory_space<vmem_shared>>
      tpu.wait_indirect_dma semaphore(%arg21 : memref<!tpu.dma_semaphore, #tpu.memory_space<semaphore_mem>>) src(%arg11 : memref<128x64xf32, #tpu.memory_space<vmem>>) dst(%dma_wait3A_581 : memref<10112x64xf32, #tpu.memory_space<vmem_shared>>)
      %add3A_582 = arith.constant 4 : i32
      %add3A_583 = arith.addi %add3A_561, %add3A_582 : i32
      %sub3A_584 = arith.constant 1 : i32
      %sub3A_585 = arith.subi %add3A_583, %sub3A_584 : i32
      %dma_start3A_586 = arith.constant 0 : i32
      %dma_start3A_587 = tpu.memref_slice %arg7[%sub3A_585, %dma_start3A_586] : memref<40x128xi32, #tpu.memory_space<vmem>> -> memref<1x128xi32, #tpu.memory_space<vmem>>
      %dma_start3A_588 = tpu.memref_squeeze %dma_start3A_587 : memref<1x128xi32, #tpu.memory_space<vmem>> -> memref<128xi32, #tpu.memory_space<vmem>>
      %dma_start3A_589 = arith.constant 0 : i32
      %dma_start3A_590 = arith.constant 0 : i32
      %dma_start3A_591 = tpu.memref_slice %arg13[%dma_start3A_589, %dma_start3A_590] : memref<10000x64xf32, #tpu.memory_space<vmem_shared>> -> memref<10000x64xf32, #tpu.memory_space<vmem_shared>>
      tpu.enqueue_indirect_dma source(%dma_start3A_591 : memref<10000x64xf32, #tpu.memory_space<vmem_shared>>) target(%arg11 : memref<128x64xf32, #tpu.memory_space<vmem>>) offsets(%dma_start3A_588 : memref<128xi32, #tpu.memory_space<vmem>>) semaphore(%arg17 : memref<!tpu.dma_semaphore, #tpu.memory_space<semaphore_mem>>)
      %add3A_592 = arith.constant 3 : i32
      %add3A_593 = arith.addi %add3A_496, %add3A_592 : i32
      %dma_wait3A_594 = arith.constant 0 : i32
      %dma_wait3A_595 = tpu.memref_slice %arg7[%add3A_593, %dma_wait3A_594] : memref<40x128xi32, #tpu.memory_space<vmem>> -> memref<1x128xi32, #tpu.memory_space<vmem>>
      %dma_wait3A_596 = tpu.memref_squeeze %dma_wait3A_595 : memref<1x128xi32, #tpu.memory_space<vmem>> -> memref<128xi32, #tpu.memory_space<vmem>>
      %dma_wait3A_597 = arith.constant 0 : i32
      %dma_wait3A_598 = arith.constant 0 : i32
      %dma_wait3A_599 = tpu.memref_slice %arg13[%dma_wait3A_597, %dma_wait3A_598] : memref<10000x64xf32, #tpu.memory_space<vmem_shared>> -> memref<10000x64xf32, #tpu.memory_space<vmem_shared>>
      tpu.wait_indirect_dma semaphore(%arg15 : memref<!tpu.dma_semaphore, #tpu.memory_space<semaphore_mem>>) src(%dma_wait3A_599 : memref<10000x64xf32, #tpu.memory_space<vmem_shared>>) dst(%arg9 : memref<128x64xf32, #tpu.memory_space<vmem>>)
      %dma_start3A_600 = arith.constant 0 : i32
      %dma_start3A_601 = tpu.memref_slice %arg8[%add3A_593, %dma_start3A_600] : memref<40x128xi32, #tpu.memory_space<vmem>> -> memref<1x128xi32, #tpu.memory_space<vmem>>
      %dma_start3A_602 = tpu.memref_squeeze %dma_start3A_601 : memref<1x128xi32, #tpu.memory_space<vmem>> -> memref<128xi32, #tpu.memory_space<vmem>>
      %dma_start3A_603 = arith.constant 0 : i32
      %dma_start3A_604 = arith.constant 0 : i32
      %dma_start3A_605 = tpu.memref_slice %arg14[%dma_start3A_603, %dma_start3A_604] : memref<10112x64xf32, #tpu.memory_space<vmem_shared>> -> memref<10112x64xf32, #tpu.memory_space<vmem_shared>>
      tpu.enqueue_indirect_dma source(%arg9 : memref<128x64xf32, #tpu.memory_space<vmem>>) target(%dma_start3A_605 : memref<10112x64xf32, #tpu.memory_space<vmem_shared>>) offsets(%dma_start3A_602 : memref<128xi32, #tpu.memory_space<vmem>>) semaphore(%arg19 : memref<!tpu.dma_semaphore, #tpu.memory_space<semaphore_mem>>) {add = true}
      %sub3A_606 = arith.constant 1 : i32
      %sub3A_607 = arith.subi %add3A_593, %sub3A_606 : i32
      %dma_wait3A_608 = arith.constant 0 : i32
      %dma_wait3A_609 = tpu.memref_slice %arg8[%sub3A_607, %dma_wait3A_608] : memref<40x128xi32, #tpu.memory_space<vmem>> -> memref<1x128xi32, #tpu.memory_space<vmem>>
      %dma_wait3A_610 = tpu.memref_squeeze %dma_wait3A_609 : memref<1x128xi32, #tpu.memory_space<vmem>> -> memref<128xi32, #tpu.memory_space<vmem>>
      %dma_wait3A_611 = arith.constant 0 : i32
      %dma_wait3A_612 = arith.constant 0 : i32
      %dma_wait3A_613 = tpu.memref_slice %arg14[%dma_wait3A_611, %dma_wait3A_612] : memref<10112x64xf32, #tpu.memory_space<vmem_shared>> -> memref<10112x64xf32, #tpu.memory_space<vmem_shared>>
      tpu.wait_indirect_dma semaphore(%arg22 : memref<!tpu.dma_semaphore, #tpu.memory_space<semaphore_mem>>) src(%arg12 : memref<128x64xf32, #tpu.memory_space<vmem>>) dst(%dma_wait3A_613 : memref<10112x64xf32, #tpu.memory_space<vmem_shared>>)
      %add3A_614 = arith.constant 4 : i32
      %add3A_615 = arith.addi %add3A_593, %add3A_614 : i32
      %sub3A_616 = arith.constant 1 : i32
      %sub3A_617 = arith.subi %add3A_615, %sub3A_616 : i32
      %dma_start3A_618 = arith.constant 0 : i32
      %dma_start3A_619 = tpu.memref_slice %arg7[%sub3A_617, %dma_start3A_618] : memref<40x128xi32, #tpu.memory_space<vmem>> -> memref<1x128xi32, #tpu.memory_space<vmem>>
      %dma_start3A_620 = tpu.memref_squeeze %dma_start3A_619 : memref<1x128xi32, #tpu.memory_space<vmem>> -> memref<128xi32, #tpu.memory_space<vmem>>
      %dma_start3A_621 = arith.constant 0 : i32
      %dma_start3A_622 = arith.constant 0 : i32
      %dma_start3A_623 = tpu.memref_slice %arg13[%dma_start3A_621, %dma_start3A_622] : memref<10000x64xf32, #tpu.memory_space<vmem_shared>> -> memref<10000x64xf32, #tpu.memory_space<vmem_shared>>
      tpu.enqueue_indirect_dma source(%dma_start3A_623 : memref<10000x64xf32, #tpu.memory_space<vmem_shared>>) target(%arg12 : memref<128x64xf32, #tpu.memory_space<vmem>>) offsets(%dma_start3A_620 : memref<128xi32, #tpu.memory_space<vmem>>) semaphore(%arg18 : memref<!tpu.dma_semaphore, #tpu.memory_space<semaphore_mem>>)
    }
    %scan3A_295 = arith.constant 9 : i32
    %dma_wait3A_296 = arith.constant 37 : i32
    %dma_wait3A_297 = arith.constant 0 : i32
    %dma_wait3A_298 = tpu.memref_slice %arg7[%dma_wait3A_296, %dma_wait3A_297] : memref<40x128xi32, #tpu.memory_space<vmem>> -> memref<1x128xi32, #tpu.memory_space<vmem>>
    %dma_wait3A_299 = tpu.memref_squeeze %dma_wait3A_298 : memref<1x128xi32, #tpu.memory_space<vmem>> -> memref<128xi32, #tpu.memory_space<vmem>>
    %dma_wait3A_300 = arith.constant 0 : i32
    %dma_wait3A_301 = arith.constant 0 : i32
    %dma_wait3A_302 = tpu.memref_slice %arg13[%dma_wait3A_300, %dma_wait3A_301] : memref<10000x64xf32, #tpu.memory_space<vmem_shared>> -> memref<10000x64xf32, #tpu.memory_space<vmem_shared>>
    tpu.wait_indirect_dma semaphore(%arg16 : memref<!tpu.dma_semaphore, #tpu.memory_space<semaphore_mem>>) src(%dma_wait3A_302 : memref<10000x64xf32, #tpu.memory_space<vmem_shared>>) dst(%arg10 : memref<128x64xf32, #tpu.memory_space<vmem>>)
    %dma_start3A_303 = arith.constant 37 : i32
    %dma_start3A_304 = arith.constant 0 : i32
    %dma_start3A_305 = tpu.memref_slice %arg8[%dma_start3A_303, %dma_start3A_304] : memref<40x128xi32, #tpu.memory_space<vmem>> -> memref<1x128xi32, #tpu.memory_space<vmem>>
    %dma_start3A_306 = tpu.memref_squeeze %dma_start3A_305 : memref<1x128xi32, #tpu.memory_space<vmem>> -> memref<128xi32, #tpu.memory_space<vmem>>
    %dma_start3A_307 = arith.constant 0 : i32
    %dma_start3A_308 = arith.constant 0 : i32
    %dma_start3A_309 = tpu.memref_slice %arg14[%dma_start3A_307, %dma_start3A_308] : memref<10112x64xf32, #tpu.memory_space<vmem_shared>> -> memref<10112x64xf32, #tpu.memory_space<vmem_shared>>
    tpu.enqueue_indirect_dma source(%arg10 : memref<128x64xf32, #tpu.memory_space<vmem>>) target(%dma_start3A_309 : memref<10112x64xf32, #tpu.memory_space<vmem_shared>>) offsets(%dma_start3A_306 : memref<128xi32, #tpu.memory_space<vmem>>) semaphore(%arg20 : memref<!tpu.dma_semaphore, #tpu.memory_space<semaphore_mem>>) {add = true}
    %dma_wait3A_310 = arith.constant 36 : i32
    %dma_wait3A_311 = arith.constant 0 : i32
    %dma_wait3A_312 = tpu.memref_slice %arg8[%dma_wait3A_310, %dma_wait3A_311] : memref<40x128xi32, #tpu.memory_space<vmem>> -> memref<1x128xi32, #tpu.memory_space<vmem>>
    %dma_wait3A_313 = tpu.memref_squeeze %dma_wait3A_312 : memref<1x128xi32, #tpu.memory_space<vmem>> -> memref<128xi32, #tpu.memory_space<vmem>>
    %dma_wait3A_314 = arith.constant 0 : i32
    %dma_wait3A_315 = arith.constant 0 : i32
    %dma_wait3A_316 = tpu.memref_slice %arg14[%dma_wait3A_314, %dma_wait3A_315] : memref<10112x64xf32, #tpu.memory_space<vmem_shared>> -> memref<10112x64xf32, #tpu.memory_space<vmem_shared>>
    tpu.wait_indirect_dma semaphore(%arg19 : memref<!tpu.dma_semaphore, #tpu.memory_space<semaphore_mem>>) src(%arg9 : memref<128x64xf32, #tpu.memory_space<vmem>>) dst(%dma_wait3A_316 : memref<10112x64xf32, #tpu.memory_space<vmem_shared>>)
    %dma_wait3A_317 = arith.constant 38 : i32
    %dma_wait3A_318 = arith.constant 0 : i32
    %dma_wait3A_319 = tpu.memref_slice %arg7[%dma_wait3A_317, %dma_wait3A_318] : memref<40x128xi32, #tpu.memory_space<vmem>> -> memref<1x128xi32, #tpu.memory_space<vmem>>
    %dma_wait3A_320 = tpu.memref_squeeze %dma_wait3A_319 : memref<1x128xi32, #tpu.memory_space<vmem>> -> memref<128xi32, #tpu.memory_space<vmem>>
    %dma_wait3A_321 = arith.constant 0 : i32
    %dma_wait3A_322 = arith.constant 0 : i32
    %dma_wait3A_323 = tpu.memref_slice %arg13[%dma_wait3A_321, %dma_wait3A_322] : memref<10000x64xf32, #tpu.memory_space<vmem_shared>> -> memref<10000x64xf32, #tpu.memory_space<vmem_shared>>
    tpu.wait_indirect_dma semaphore(%arg17 : memref<!tpu.dma_semaphore, #tpu.memory_space<semaphore_mem>>) src(%dma_wait3A_323 : memref<10000x64xf32, #tpu.memory_space<vmem_shared>>) dst(%arg11 : memref<128x64xf32, #tpu.memory_space<vmem>>)
    %dma_start3A_324 = arith.constant 38 : i32
    %dma_start3A_325 = arith.constant 0 : i32
    %dma_start3A_326 = tpu.memref_slice %arg8[%dma_start3A_324, %dma_start3A_325] : memref<40x128xi32, #tpu.memory_space<vmem>> -> memref<1x128xi32, #tpu.memory_space<vmem>>
    %dma_start3A_327 = tpu.memref_squeeze %dma_start3A_326 : memref<1x128xi32, #tpu.memory_space<vmem>> -> memref<128xi32, #tpu.memory_space<vmem>>
    %dma_start3A_328 = arith.constant 0 : i32
    %dma_start3A_329 = arith.constant 0 : i32
    %dma_start3A_330 = tpu.memref_slice %arg14[%dma_start3A_328, %dma_start3A_329] : memref<10112x64xf32, #tpu.memory_space<vmem_shared>> -> memref<10112x64xf32, #tpu.memory_space<vmem_shared>>
    tpu.enqueue_indirect_dma source(%arg11 : memref<128x64xf32, #tpu.memory_space<vmem>>) target(%dma_start3A_330 : memref<10112x64xf32, #tpu.memory_space<vmem_shared>>) offsets(%dma_start3A_327 : memref<128xi32, #tpu.memory_space<vmem>>) semaphore(%arg21 : memref<!tpu.dma_semaphore, #tpu.memory_space<semaphore_mem>>) {add = true}
    %dma_wait3A_331 = arith.constant 37 : i32
    %dma_wait3A_332 = arith.constant 0 : i32
    %dma_wait3A_333 = tpu.memref_slice %arg8[%dma_wait3A_331, %dma_wait3A_332] : memref<40x128xi32, #tpu.memory_space<vmem>> -> memref<1x128xi32, #tpu.memory_space<vmem>>
    %dma_wait3A_334 = tpu.memref_squeeze %dma_wait3A_333 : memref<1x128xi32, #tpu.memory_space<vmem>> -> memref<128xi32, #tpu.memory_space<vmem>>
    %dma_wait3A_335 = arith.constant 0 : i32
    %dma_wait3A_336 = arith.constant 0 : i32
    %dma_wait3A_337 = tpu.memref_slice %arg14[%dma_wait3A_335, %dma_wait3A_336] : memref<10112x64xf32, #tpu.memory_space<vmem_shared>> -> memref<10112x64xf32, #tpu.memory_space<vmem_shared>>
    tpu.wait_indirect_dma semaphore(%arg20 : memref<!tpu.dma_semaphore, #tpu.memory_space<semaphore_mem>>) src(%arg10 : memref<128x64xf32, #tpu.memory_space<vmem>>) dst(%dma_wait3A_337 : memref<10112x64xf32, #tpu.memory_space<vmem_shared>>)
    %dma_wait3A_338 = arith.constant 39 : i32
    %dma_wait3A_339 = arith.constant 0 : i32
    %dma_wait3A_340 = tpu.memref_slice %arg7[%dma_wait3A_338, %dma_wait3A_339] : memref<40x128xi32, #tpu.memory_space<vmem>> -> memref<1x128xi32, #tpu.memory_space<vmem>>
    %dma_wait3A_341 = tpu.memref_squeeze %dma_wait3A_340 : memref<1x128xi32, #tpu.memory_space<vmem>> -> memref<128xi32, #tpu.memory_space<vmem>>
    %dma_wait3A_342 = arith.constant 0 : i32
    %dma_wait3A_343 = arith.constant 0 : i32
    %dma_wait3A_344 = tpu.memref_slice %arg13[%dma_wait3A_342, %dma_wait3A_343] : memref<10000x64xf32, #tpu.memory_space<vmem_shared>> -> memref<10000x64xf32, #tpu.memory_space<vmem_shared>>
    tpu.wait_indirect_dma semaphore(%arg18 : memref<!tpu.dma_semaphore, #tpu.memory_space<semaphore_mem>>) src(%dma_wait3A_344 : memref<10000x64xf32, #tpu.memory_space<vmem_shared>>) dst(%arg12 : memref<128x64xf32, #tpu.memory_space<vmem>>)
    %dma_start3A_345 = arith.constant 39 : i32
    %dma_start3A_346 = arith.constant 0 : i32
    %dma_start3A_347 = tpu.memref_slice %arg8[%dma_start3A_345, %dma_start3A_346] : memref<40x128xi32, #tpu.memory_space<vmem>> -> memref<1x128xi32, #tpu.memory_space<vmem>>
    %dma_start3A_348 = tpu.memref_squeeze %dma_start3A_347 : memref<1x128xi32, #tpu.memory_space<vmem>> -> memref<128xi32, #tpu.memory_space<vmem>>
    %dma_start3A_349 = arith.constant 0 : i32
    %dma_start3A_350 = arith.constant 0 : i32
    %dma_start3A_351 = tpu.memref_slice %arg14[%dma_start3A_349, %dma_start3A_350] : memref<10112x64xf32, #tpu.memory_space<vmem_shared>> -> memref<10112x64xf32, #tpu.memory_space<vmem_shared>>
    tpu.enqueue_indirect_dma source(%arg12 : memref<128x64xf32, #tpu.memory_space<vmem>>) target(%dma_start3A_351 : memref<10112x64xf32, #tpu.memory_space<vmem_shared>>) offsets(%dma_start3A_348 : memref<128xi32, #tpu.memory_space<vmem>>) semaphore(%arg22 : memref<!tpu.dma_semaphore, #tpu.memory_space<semaphore_mem>>) {add = true}
    %dma_wait3A_352 = arith.constant 38 : i32
    %dma_wait3A_353 = arith.constant 0 : i32
    %dma_wait3A_354 = tpu.memref_slice %arg8[%dma_wait3A_352, %dma_wait3A_353] : memref<40x128xi32, #tpu.memory_space<vmem>> -> memref<1x128xi32, #tpu.memory_space<vmem>>
    %dma_wait3A_355 = tpu.memref_squeeze %dma_wait3A_354 : memref<1x128xi32, #tpu.memory_space<vmem>> -> memref<128xi32, #tpu.memory_space<vmem>>
    %dma_wait3A_356 = arith.constant 0 : i32
    %dma_wait3A_357 = arith.constant 0 : i32
    %dma_wait3A_358 = tpu.memref_slice %arg14[%dma_wait3A_356, %dma_wait3A_357] : memref<10112x64xf32, #tpu.memory_space<vmem_shared>> -> memref<10112x64xf32, #tpu.memory_space<vmem_shared>>
    tpu.wait_indirect_dma semaphore(%arg21 : memref<!tpu.dma_semaphore, #tpu.memory_space<semaphore_mem>>) src(%arg11 : memref<128x64xf32, #tpu.memory_space<vmem>>) dst(%dma_wait3A_358 : memref<10112x64xf32, #tpu.memory_space<vmem_shared>>)
    %dma_wait3A_359 = arith.constant 39 : i32
    %dma_wait3A_360 = arith.constant 0 : i32
    %dma_wait3A_361 = tpu.memref_slice %arg8[%dma_wait3A_359, %dma_wait3A_360] : memref<40x128xi32, #tpu.memory_space<vmem>> -> memref<1x128xi32, #tpu.memory_space<vmem>>
    %dma_wait3A_362 = tpu.memref_squeeze %dma_wait3A_361 : memref<1x128xi32, #tpu.memory_space<vmem>> -> memref<128xi32, #tpu.memory_space<vmem>>
    %dma_wait3A_363 = arith.constant 0 : i32
    %dma_wait3A_364 = arith.constant 0 : i32
    %dma_wait3A_365 = tpu.memref_slice %arg14[%dma_wait3A_363, %dma_wait3A_364] : memref<10112x64xf32, #tpu.memory_space<vmem_shared>> -> memref<10112x64xf32, #tpu.memory_space<vmem_shared>>
    tpu.wait_indirect_dma semaphore(%arg22 : memref<!tpu.dma_semaphore, #tpu.memory_space<semaphore_mem>>) src(%arg12 : memref<128x64xf32, #tpu.memory_space<vmem>>) dst(%dma_wait3A_365 : memref<10112x64xf32, #tpu.memory_space<vmem_shared>>)
    %mul3A_366 = arith.constant 160 : i32
    %mul3A_367 = arith.muli %arg1, %mul3A_366 : i32
    %add3A_368 = arith.constant 120 : i32
    %add3A_369 = arith.addi %mul3A_367, %add3A_368 : i32
    "tpu.region"() ({
      %run_scoped3A = tpu.sem_alloc : memref<!tpu.dma_semaphore, #tpu.memory_space<semaphore_mem>>
      %dma_start3A_492 = arith.constant 0 : i32
      %dma_start3A_493 = tpu.memref_slice %arg2[%add3A_369, %dma_start3A_492] : memref<2560x128xi32, #tpu.memory_space<hbm>> -> memref<40x128xi32, #tpu.memory_space<hbm>>
      %dma_start3A_494 = arith.constant 0 : i32
      %dma_start3A_495 = tpu.memref_slice %arg2[%add3A_369, %dma_start3A_494] : memref<2560x128xi32, #tpu.memory_space<hbm>> -> memref<40x128xi32, #tpu.memory_space<hbm>>
      tpu.enqueue_dma source(%dma_start3A_495 : memref<40x128xi32, #tpu.memory_space<hbm>>) target(%arg7 : memref<40x128xi32, #tpu.memory_space<vmem>>) target_semaphore(%run_scoped3A : memref<!tpu.dma_semaphore, #tpu.memory_space<semaphore_mem>>)
      %dma_wait3A_496 = arith.constant 0 : i32
      %dma_wait3A_497 = tpu.memref_slice %arg2[%add3A_369, %dma_wait3A_496] : memref<2560x128xi32, #tpu.memory_space<hbm>> -> memref<40x128xi32, #tpu.memory_space<hbm>>
      %dma_wait3A_498 = arith.constant 0 : i32
      %dma_wait3A_499 = tpu.memref_slice %arg2[%add3A_369, %dma_wait3A_498] : memref<2560x128xi32, #tpu.memory_space<hbm>> -> memref<40x128xi32, #tpu.memory_space<hbm>>
      tpu.wait_dma2 semaphore(%run_scoped3A : memref<!tpu.dma_semaphore, #tpu.memory_space<semaphore_mem>>) src(%dma_wait3A_499 : memref<40x128xi32, #tpu.memory_space<hbm>>) dst(%arg7 : memref<40x128xi32, #tpu.memory_space<vmem>>)
      tpu.yield
    }) : () -> ()
    "tpu.region"() ({
      %run_scoped3A = tpu.sem_alloc : memref<!tpu.dma_semaphore, #tpu.memory_space<semaphore_mem>>
      %dma_start3A_492 = arith.constant 0 : i32
      %dma_start3A_493 = tpu.memref_slice %arg3[%add3A_369, %dma_start3A_492] : memref<2560x128xi32, #tpu.memory_space<hbm>> -> memref<40x128xi32, #tpu.memory_space<hbm>>
      %dma_start3A_494 = arith.constant 0 : i32
      %dma_start3A_495 = tpu.memref_slice %arg3[%add3A_369, %dma_start3A_494] : memref<2560x128xi32, #tpu.memory_space<hbm>> -> memref<40x128xi32, #tpu.memory_space<hbm>>
      tpu.enqueue_dma source(%dma_start3A_495 : memref<40x128xi32, #tpu.memory_space<hbm>>) target(%arg8 : memref<40x128xi32, #tpu.memory_space<vmem>>) target_semaphore(%run_scoped3A : memref<!tpu.dma_semaphore, #tpu.memory_space<semaphore_mem>>)
      %dma_wait3A_496 = arith.constant 0 : i32
      %dma_wait3A_497 = tpu.memref_slice %arg3[%add3A_369, %dma_wait3A_496] : memref<2560x128xi32, #tpu.memory_space<hbm>> -> memref<40x128xi32, #tpu.memory_space<hbm>>
      %dma_wait3A_498 = arith.constant 0 : i32
      %dma_wait3A_499 = tpu.memref_slice %arg3[%add3A_369, %dma_wait3A_498] : memref<2560x128xi32, #tpu.memory_space<hbm>> -> memref<40x128xi32, #tpu.memory_space<hbm>>
      tpu.wait_dma2 semaphore(%run_scoped3A : memref<!tpu.dma_semaphore, #tpu.memory_space<semaphore_mem>>) src(%dma_wait3A_499 : memref<40x128xi32, #tpu.memory_space<hbm>>) dst(%arg8 : memref<40x128xi32, #tpu.memory_space<vmem>>)
      tpu.yield
    }) : () -> ()
    %dma_start3A_370 = arith.constant 0 : i32
    %dma_start3A_371 = arith.constant 0 : i32
    %dma_start3A_372 = tpu.memref_slice %arg7[%dma_start3A_370, %dma_start3A_371] : memref<40x128xi32, #tpu.memory_space<vmem>> -> memref<1x128xi32, #tpu.memory_space<vmem>>
    %dma_start3A_373 = tpu.memref_squeeze %dma_start3A_372 : memref<1x128xi32, #tpu.memory_space<vmem>> -> memref<128xi32, #tpu.memory_space<vmem>>
    %dma_start3A_374 = arith.constant 0 : i32
    %dma_start3A_375 = arith.constant 0 : i32
    %dma_start3A_376 = tpu.memref_slice %arg13[%dma_start3A_374, %dma_start3A_375] : memref<10000x64xf32, #tpu.memory_space<vmem_shared>> -> memref<10000x64xf32, #tpu.memory_space<vmem_shared>>
    tpu.enqueue_indirect_dma source(%dma_start3A_376 : memref<10000x64xf32, #tpu.memory_space<vmem_shared>>) target(%arg9 : memref<128x64xf32, #tpu.memory_space<vmem>>) offsets(%dma_start3A_373 : memref<128xi32, #tpu.memory_space<vmem>>) semaphore(%arg15 : memref<!tpu.dma_semaphore, #tpu.memory_space<semaphore_mem>>)
    %dma_start3A_377 = arith.constant 1 : i32
    %dma_start3A_378 = arith.constant 0 : i32
    %dma_start3A_379 = tpu.memref_slice %arg7[%dma_start3A_377, %dma_start3A_378] : memref<40x128xi32, #tpu.memory_space<vmem>> -> memref<1x128xi32, #tpu.memory_space<vmem>>
    %dma_start3A_380 = tpu.memref_squeeze %dma_start3A_379 : memref<1x128xi32, #tpu.memory_space<vmem>> -> memref<128xi32, #tpu.memory_space<vmem>>
    %dma_start3A_381 = arith.constant 0 : i32
    %dma_start3A_382 = arith.constant 0 : i32
    %dma_start3A_383 = tpu.memref_slice %arg13[%dma_start3A_381, %dma_start3A_382] : memref<10000x64xf32, #tpu.memory_space<vmem_shared>> -> memref<10000x64xf32, #tpu.memory_space<vmem_shared>>
    tpu.enqueue_indirect_dma source(%dma_start3A_383 : memref<10000x64xf32, #tpu.memory_space<vmem_shared>>) target(%arg10 : memref<128x64xf32, #tpu.memory_space<vmem>>) offsets(%dma_start3A_380 : memref<128xi32, #tpu.memory_space<vmem>>) semaphore(%arg16 : memref<!tpu.dma_semaphore, #tpu.memory_space<semaphore_mem>>)
    %dma_start3A_384 = arith.constant 2 : i32
    %dma_start3A_385 = arith.constant 0 : i32
    %dma_start3A_386 = tpu.memref_slice %arg7[%dma_start3A_384, %dma_start3A_385] : memref<40x128xi32, #tpu.memory_space<vmem>> -> memref<1x128xi32, #tpu.memory_space<vmem>>
    %dma_start3A_387 = tpu.memref_squeeze %dma_start3A_386 : memref<1x128xi32, #tpu.memory_space<vmem>> -> memref<128xi32, #tpu.memory_space<vmem>>
    %dma_start3A_388 = arith.constant 0 : i32
    %dma_start3A_389 = arith.constant 0 : i32
    %dma_start3A_390 = tpu.memref_slice %arg13[%dma_start3A_388, %dma_start3A_389] : memref<10000x64xf32, #tpu.memory_space<vmem_shared>> -> memref<10000x64xf32, #tpu.memory_space<vmem_shared>>
    tpu.enqueue_indirect_dma source(%dma_start3A_390 : memref<10000x64xf32, #tpu.memory_space<vmem_shared>>) target(%arg11 : memref<128x64xf32, #tpu.memory_space<vmem>>) offsets(%dma_start3A_387 : memref<128xi32, #tpu.memory_space<vmem>>) semaphore(%arg17 : memref<!tpu.dma_semaphore, #tpu.memory_space<semaphore_mem>>)
    %dma_start3A_391 = arith.constant 3 : i32
    %dma_start3A_392 = arith.constant 0 : i32
    %dma_start3A_393 = tpu.memref_slice %arg7[%dma_start3A_391, %dma_start3A_392] : memref<40x128xi32, #tpu.memory_space<vmem>> -> memref<1x128xi32, #tpu.memory_space<vmem>>
    %dma_start3A_394 = tpu.memref_squeeze %dma_start3A_393 : memref<1x128xi32, #tpu.memory_space<vmem>> -> memref<128xi32, #tpu.memory_space<vmem>>
    %dma_start3A_395 = arith.constant 0 : i32
    %dma_start3A_396 = arith.constant 0 : i32
    %dma_start3A_397 = tpu.memref_slice %arg13[%dma_start3A_395, %dma_start3A_396] : memref<10000x64xf32, #tpu.memory_space<vmem_shared>> -> memref<10000x64xf32, #tpu.memory_space<vmem_shared>>
    tpu.enqueue_indirect_dma source(%dma_start3A_397 : memref<10000x64xf32, #tpu.memory_space<vmem_shared>>) target(%arg12 : memref<128x64xf32, #tpu.memory_space<vmem>>) offsets(%dma_start3A_394 : memref<128xi32, #tpu.memory_space<vmem>>) semaphore(%arg18 : memref<!tpu.dma_semaphore, #tpu.memory_space<semaphore_mem>>)
    %dma_wait3A_398 = arith.constant 0 : i32
    %dma_wait3A_399 = arith.constant 0 : i32
    %dma_wait3A_400 = tpu.memref_slice %arg7[%dma_wait3A_398, %dma_wait3A_399] : memref<40x128xi32, #tpu.memory_space<vmem>> -> memref<1x128xi32, #tpu.memory_space<vmem>>
    %dma_wait3A_401 = tpu.memref_squeeze %dma_wait3A_400 : memref<1x128xi32, #tpu.memory_space<vmem>> -> memref<128xi32, #tpu.memory_space<vmem>>
    %dma_wait3A_402 = arith.constant 0 : i32
    %dma_wait3A_403 = arith.constant 0 : i32
    %dma_wait3A_404 = tpu.memref_slice %arg13[%dma_wait3A_402, %dma_wait3A_403] : memref<10000x64xf32, #tpu.memory_space<vmem_shared>> -> memref<10000x64xf32, #tpu.memory_space<vmem_shared>>
    tpu.wait_indirect_dma semaphore(%arg15 : memref<!tpu.dma_semaphore, #tpu.memory_space<semaphore_mem>>) src(%dma_wait3A_404 : memref<10000x64xf32, #tpu.memory_space<vmem_shared>>) dst(%arg9 : memref<128x64xf32, #tpu.memory_space<vmem>>)
    %dma_start3A_405 = arith.constant 0 : i32
    %dma_start3A_406 = arith.constant 0 : i32
    %dma_start3A_407 = tpu.memref_slice %arg8[%dma_start3A_405, %dma_start3A_406] : memref<40x128xi32, #tpu.memory_space<vmem>> -> memref<1x128xi32, #tpu.memory_space<vmem>>
    %dma_start3A_408 = tpu.memref_squeeze %dma_start3A_407 : memref<1x128xi32, #tpu.memory_space<vmem>> -> memref<128xi32, #tpu.memory_space<vmem>>
    %dma_start3A_409 = arith.constant 0 : i32
    %dma_start3A_410 = arith.constant 0 : i32
    %dma_start3A_411 = tpu.memref_slice %arg14[%dma_start3A_409, %dma_start3A_410] : memref<10112x64xf32, #tpu.memory_space<vmem_shared>> -> memref<10112x64xf32, #tpu.memory_space<vmem_shared>>
    tpu.enqueue_indirect_dma source(%arg9 : memref<128x64xf32, #tpu.memory_space<vmem>>) target(%dma_start3A_411 : memref<10112x64xf32, #tpu.memory_space<vmem_shared>>) offsets(%dma_start3A_408 : memref<128xi32, #tpu.memory_space<vmem>>) semaphore(%arg19 : memref<!tpu.dma_semaphore, #tpu.memory_space<semaphore_mem>>) {add = true}
    %scan3A_412 = arith.constant 0 : i32
    %scan3A_413 = arith.constant 9 : i32
    %scan3A_414 = arith.addi %scan3A_412, %scan3A_413 : i32
    %scan3A_415 = arith.constant 1 : i32
    scf.for %scan3A_492 = %scan3A_412 to %scan3A_414 step %scan3A_415  : i32 {
      %mul3A_493 = arith.constant 4 : i32
      %mul3A_494 = arith.muli %mul3A_493, %scan3A_492 : i32
      %add3A_495 = arith.constant 1 : i32
      %add3A_496 = arith.addi %mul3A_494, %add3A_495 : i32
      %add3A_497 = arith.constant 0 : i32
      %add3A_498 = arith.addi %add3A_496, %add3A_497 : i32
      %dma_wait3A_499 = arith.constant 0 : i32
      %dma_wait3A_500 = tpu.memref_slice %arg7[%add3A_498, %dma_wait3A_499] : memref<40x128xi32, #tpu.memory_space<vmem>> -> memref<1x128xi32, #tpu.memory_space<vmem>>
      %dma_wait3A_501 = tpu.memref_squeeze %dma_wait3A_500 : memref<1x128xi32, #tpu.memory_space<vmem>> -> memref<128xi32, #tpu.memory_space<vmem>>
      %dma_wait3A_502 = arith.constant 0 : i32
      %dma_wait3A_503 = arith.constant 0 : i32
      %dma_wait3A_504 = tpu.memref_slice %arg13[%dma_wait3A_502, %dma_wait3A_503] : memref<10000x64xf32, #tpu.memory_space<vmem_shared>> -> memref<10000x64xf32, #tpu.memory_space<vmem_shared>>
      tpu.wait_indirect_dma semaphore(%arg16 : memref<!tpu.dma_semaphore, #tpu.memory_space<semaphore_mem>>) src(%dma_wait3A_504 : memref<10000x64xf32, #tpu.memory_space<vmem_shared>>) dst(%arg10 : memref<128x64xf32, #tpu.memory_space<vmem>>)
      %dma_start3A_505 = arith.constant 0 : i32
      %dma_start3A_506 = tpu.memref_slice %arg8[%add3A_498, %dma_start3A_505] : memref<40x128xi32, #tpu.memory_space<vmem>> -> memref<1x128xi32, #tpu.memory_space<vmem>>
      %dma_start3A_507 = tpu.memref_squeeze %dma_start3A_506 : memref<1x128xi32, #tpu.memory_space<vmem>> -> memref<128xi32, #tpu.memory_space<vmem>>
      %dma_start3A_508 = arith.constant 0 : i32
      %dma_start3A_509 = arith.constant 0 : i32
      %dma_start3A_510 = tpu.memref_slice %arg14[%dma_start3A_508, %dma_start3A_509] : memref<10112x64xf32, #tpu.memory_space<vmem_shared>> -> memref<10112x64xf32, #tpu.memory_space<vmem_shared>>
      tpu.enqueue_indirect_dma source(%arg10 : memref<128x64xf32, #tpu.memory_space<vmem>>) target(%dma_start3A_510 : memref<10112x64xf32, #tpu.memory_space<vmem_shared>>) offsets(%dma_start3A_507 : memref<128xi32, #tpu.memory_space<vmem>>) semaphore(%arg20 : memref<!tpu.dma_semaphore, #tpu.memory_space<semaphore_mem>>) {add = true}
      %sub3A = arith.constant 1 : i32
      %sub3A_511 = arith.subi %add3A_498, %sub3A : i32
      %dma_wait3A_512 = arith.constant 0 : i32
      %dma_wait3A_513 = tpu.memref_slice %arg8[%sub3A_511, %dma_wait3A_512] : memref<40x128xi32, #tpu.memory_space<vmem>> -> memref<1x128xi32, #tpu.memory_space<vmem>>
      %dma_wait3A_514 = tpu.memref_squeeze %dma_wait3A_513 : memref<1x128xi32, #tpu.memory_space<vmem>> -> memref<128xi32, #tpu.memory_space<vmem>>
      %dma_wait3A_515 = arith.constant 0 : i32
      %dma_wait3A_516 = arith.constant 0 : i32
      %dma_wait3A_517 = tpu.memref_slice %arg14[%dma_wait3A_515, %dma_wait3A_516] : memref<10112x64xf32, #tpu.memory_space<vmem_shared>> -> memref<10112x64xf32, #tpu.memory_space<vmem_shared>>
      tpu.wait_indirect_dma semaphore(%arg19 : memref<!tpu.dma_semaphore, #tpu.memory_space<semaphore_mem>>) src(%arg9 : memref<128x64xf32, #tpu.memory_space<vmem>>) dst(%dma_wait3A_517 : memref<10112x64xf32, #tpu.memory_space<vmem_shared>>)
      %add3A_518 = arith.constant 4 : i32
      %add3A_519 = arith.addi %add3A_498, %add3A_518 : i32
      %sub3A_520 = arith.constant 1 : i32
      %sub3A_521 = arith.subi %add3A_519, %sub3A_520 : i32
      %dma_start3A_522 = arith.constant 0 : i32
      %dma_start3A_523 = tpu.memref_slice %arg7[%sub3A_521, %dma_start3A_522] : memref<40x128xi32, #tpu.memory_space<vmem>> -> memref<1x128xi32, #tpu.memory_space<vmem>>
      %dma_start3A_524 = tpu.memref_squeeze %dma_start3A_523 : memref<1x128xi32, #tpu.memory_space<vmem>> -> memref<128xi32, #tpu.memory_space<vmem>>
      %dma_start3A_525 = arith.constant 0 : i32
      %dma_start3A_526 = arith.constant 0 : i32
      %dma_start3A_527 = tpu.memref_slice %arg13[%dma_start3A_525, %dma_start3A_526] : memref<10000x64xf32, #tpu.memory_space<vmem_shared>> -> memref<10000x64xf32, #tpu.memory_space<vmem_shared>>
      tpu.enqueue_indirect_dma source(%dma_start3A_527 : memref<10000x64xf32, #tpu.memory_space<vmem_shared>>) target(%arg9 : memref<128x64xf32, #tpu.memory_space<vmem>>) offsets(%dma_start3A_524 : memref<128xi32, #tpu.memory_space<vmem>>) semaphore(%arg15 : memref<!tpu.dma_semaphore, #tpu.memory_space<semaphore_mem>>)
      %add3A_528 = arith.constant 1 : i32
      %add3A_529 = arith.addi %add3A_496, %add3A_528 : i32
      %dma_wait3A_530 = arith.constant 0 : i32
      %dma_wait3A_531 = tpu.memref_slice %arg7[%add3A_529, %dma_wait3A_530] : memref<40x128xi32, #tpu.memory_space<vmem>> -> memref<1x128xi32, #tpu.memory_space<vmem>>
      %dma_wait3A_532 = tpu.memref_squeeze %dma_wait3A_531 : memref<1x128xi32, #tpu.memory_space<vmem>> -> memref<128xi32, #tpu.memory_space<vmem>>
      %dma_wait3A_533 = arith.constant 0 : i32
      %dma_wait3A_534 = arith.constant 0 : i32
      %dma_wait3A_535 = tpu.memref_slice %arg13[%dma_wait3A_533, %dma_wait3A_534] : memref<10000x64xf32, #tpu.memory_space<vmem_shared>> -> memref<10000x64xf32, #tpu.memory_space<vmem_shared>>
      tpu.wait_indirect_dma semaphore(%arg17 : memref<!tpu.dma_semaphore, #tpu.memory_space<semaphore_mem>>) src(%dma_wait3A_535 : memref<10000x64xf32, #tpu.memory_space<vmem_shared>>) dst(%arg11 : memref<128x64xf32, #tpu.memory_space<vmem>>)
      %dma_start3A_536 = arith.constant 0 : i32
      %dma_start3A_537 = tpu.memref_slice %arg8[%add3A_529, %dma_start3A_536] : memref<40x128xi32, #tpu.memory_space<vmem>> -> memref<1x128xi32, #tpu.memory_space<vmem>>
      %dma_start3A_538 = tpu.memref_squeeze %dma_start3A_537 : memref<1x128xi32, #tpu.memory_space<vmem>> -> memref<128xi32, #tpu.memory_space<vmem>>
      %dma_start3A_539 = arith.constant 0 : i32
      %dma_start3A_540 = arith.constant 0 : i32
      %dma_start3A_541 = tpu.memref_slice %arg14[%dma_start3A_539, %dma_start3A_540] : memref<10112x64xf32, #tpu.memory_space<vmem_shared>> -> memref<10112x64xf32, #tpu.memory_space<vmem_shared>>
      tpu.enqueue_indirect_dma source(%arg11 : memref<128x64xf32, #tpu.memory_space<vmem>>) target(%dma_start3A_541 : memref<10112x64xf32, #tpu.memory_space<vmem_shared>>) offsets(%dma_start3A_538 : memref<128xi32, #tpu.memory_space<vmem>>) semaphore(%arg21 : memref<!tpu.dma_semaphore, #tpu.memory_space<semaphore_mem>>) {add = true}
      %sub3A_542 = arith.constant 1 : i32
      %sub3A_543 = arith.subi %add3A_529, %sub3A_542 : i32
      %dma_wait3A_544 = arith.constant 0 : i32
      %dma_wait3A_545 = tpu.memref_slice %arg8[%sub3A_543, %dma_wait3A_544] : memref<40x128xi32, #tpu.memory_space<vmem>> -> memref<1x128xi32, #tpu.memory_space<vmem>>
      %dma_wait3A_546 = tpu.memref_squeeze %dma_wait3A_545 : memref<1x128xi32, #tpu.memory_space<vmem>> -> memref<128xi32, #tpu.memory_space<vmem>>
      %dma_wait3A_547 = arith.constant 0 : i32
      %dma_wait3A_548 = arith.constant 0 : i32
      %dma_wait3A_549 = tpu.memref_slice %arg14[%dma_wait3A_547, %dma_wait3A_548] : memref<10112x64xf32, #tpu.memory_space<vmem_shared>> -> memref<10112x64xf32, #tpu.memory_space<vmem_shared>>
      tpu.wait_indirect_dma semaphore(%arg20 : memref<!tpu.dma_semaphore, #tpu.memory_space<semaphore_mem>>) src(%arg10 : memref<128x64xf32, #tpu.memory_space<vmem>>) dst(%dma_wait3A_549 : memref<10112x64xf32, #tpu.memory_space<vmem_shared>>)
      %add3A_550 = arith.constant 4 : i32
      %add3A_551 = arith.addi %add3A_529, %add3A_550 : i32
      %sub3A_552 = arith.constant 1 : i32
      %sub3A_553 = arith.subi %add3A_551, %sub3A_552 : i32
      %dma_start3A_554 = arith.constant 0 : i32
      %dma_start3A_555 = tpu.memref_slice %arg7[%sub3A_553, %dma_start3A_554] : memref<40x128xi32, #tpu.memory_space<vmem>> -> memref<1x128xi32, #tpu.memory_space<vmem>>
      %dma_start3A_556 = tpu.memref_squeeze %dma_start3A_555 : memref<1x128xi32, #tpu.memory_space<vmem>> -> memref<128xi32, #tpu.memory_space<vmem>>
      %dma_start3A_557 = arith.constant 0 : i32
      %dma_start3A_558 = arith.constant 0 : i32
      %dma_start3A_559 = tpu.memref_slice %arg13[%dma_start3A_557, %dma_start3A_558] : memref<10000x64xf32, #tpu.memory_space<vmem_shared>> -> memref<10000x64xf32, #tpu.memory_space<vmem_shared>>
      tpu.enqueue_indirect_dma source(%dma_start3A_559 : memref<10000x64xf32, #tpu.memory_space<vmem_shared>>) target(%arg10 : memref<128x64xf32, #tpu.memory_space<vmem>>) offsets(%dma_start3A_556 : memref<128xi32, #tpu.memory_space<vmem>>) semaphore(%arg16 : memref<!tpu.dma_semaphore, #tpu.memory_space<semaphore_mem>>)
      %add3A_560 = arith.constant 2 : i32
      %add3A_561 = arith.addi %add3A_496, %add3A_560 : i32
      %dma_wait3A_562 = arith.constant 0 : i32
      %dma_wait3A_563 = tpu.memref_slice %arg7[%add3A_561, %dma_wait3A_562] : memref<40x128xi32, #tpu.memory_space<vmem>> -> memref<1x128xi32, #tpu.memory_space<vmem>>
      %dma_wait3A_564 = tpu.memref_squeeze %dma_wait3A_563 : memref<1x128xi32, #tpu.memory_space<vmem>> -> memref<128xi32, #tpu.memory_space<vmem>>
      %dma_wait3A_565 = arith.constant 0 : i32
      %dma_wait3A_566 = arith.constant 0 : i32
      %dma_wait3A_567 = tpu.memref_slice %arg13[%dma_wait3A_565, %dma_wait3A_566] : memref<10000x64xf32, #tpu.memory_space<vmem_shared>> -> memref<10000x64xf32, #tpu.memory_space<vmem_shared>>
      tpu.wait_indirect_dma semaphore(%arg18 : memref<!tpu.dma_semaphore, #tpu.memory_space<semaphore_mem>>) src(%dma_wait3A_567 : memref<10000x64xf32, #tpu.memory_space<vmem_shared>>) dst(%arg12 : memref<128x64xf32, #tpu.memory_space<vmem>>)
      %dma_start3A_568 = arith.constant 0 : i32
      %dma_start3A_569 = tpu.memref_slice %arg8[%add3A_561, %dma_start3A_568] : memref<40x128xi32, #tpu.memory_space<vmem>> -> memref<1x128xi32, #tpu.memory_space<vmem>>
      %dma_start3A_570 = tpu.memref_squeeze %dma_start3A_569 : memref<1x128xi32, #tpu.memory_space<vmem>> -> memref<128xi32, #tpu.memory_space<vmem>>
      %dma_start3A_571 = arith.constant 0 : i32
      %dma_start3A_572 = arith.constant 0 : i32
      %dma_start3A_573 = tpu.memref_slice %arg14[%dma_start3A_571, %dma_start3A_572] : memref<10112x64xf32, #tpu.memory_space<vmem_shared>> -> memref<10112x64xf32, #tpu.memory_space<vmem_shared>>
      tpu.enqueue_indirect_dma source(%arg12 : memref<128x64xf32, #tpu.memory_space<vmem>>) target(%dma_start3A_573 : memref<10112x64xf32, #tpu.memory_space<vmem_shared>>) offsets(%dma_start3A_570 : memref<128xi32, #tpu.memory_space<vmem>>) semaphore(%arg22 : memref<!tpu.dma_semaphore, #tpu.memory_space<semaphore_mem>>) {add = true}
      %sub3A_574 = arith.constant 1 : i32
      %sub3A_575 = arith.subi %add3A_561, %sub3A_574 : i32
      %dma_wait3A_576 = arith.constant 0 : i32
      %dma_wait3A_577 = tpu.memref_slice %arg8[%sub3A_575, %dma_wait3A_576] : memref<40x128xi32, #tpu.memory_space<vmem>> -> memref<1x128xi32, #tpu.memory_space<vmem>>
      %dma_wait3A_578 = tpu.memref_squeeze %dma_wait3A_577 : memref<1x128xi32, #tpu.memory_space<vmem>> -> memref<128xi32, #tpu.memory_space<vmem>>
      %dma_wait3A_579 = arith.constant 0 : i32
      %dma_wait3A_580 = arith.constant 0 : i32
      %dma_wait3A_581 = tpu.memref_slice %arg14[%dma_wait3A_579, %dma_wait3A_580] : memref<10112x64xf32, #tpu.memory_space<vmem_shared>> -> memref<10112x64xf32, #tpu.memory_space<vmem_shared>>
      tpu.wait_indirect_dma semaphore(%arg21 : memref<!tpu.dma_semaphore, #tpu.memory_space<semaphore_mem>>) src(%arg11 : memref<128x64xf32, #tpu.memory_space<vmem>>) dst(%dma_wait3A_581 : memref<10112x64xf32, #tpu.memory_space<vmem_shared>>)
      %add3A_582 = arith.constant 4 : i32
      %add3A_583 = arith.addi %add3A_561, %add3A_582 : i32
      %sub3A_584 = arith.constant 1 : i32
      %sub3A_585 = arith.subi %add3A_583, %sub3A_584 : i32
      %dma_start3A_586 = arith.constant 0 : i32
      %dma_start3A_587 = tpu.memref_slice %arg7[%sub3A_585, %dma_start3A_586] : memref<40x128xi32, #tpu.memory_space<vmem>> -> memref<1x128xi32, #tpu.memory_space<vmem>>
      %dma_start3A_588 = tpu.memref_squeeze %dma_start3A_587 : memref<1x128xi32, #tpu.memory_space<vmem>> -> memref<128xi32, #tpu.memory_space<vmem>>
      %dma_start3A_589 = arith.constant 0 : i32
      %dma_start3A_590 = arith.constant 0 : i32
      %dma_start3A_591 = tpu.memref_slice %arg13[%dma_start3A_589, %dma_start3A_590] : memref<10000x64xf32, #tpu.memory_space<vmem_shared>> -> memref<10000x64xf32, #tpu.memory_space<vmem_shared>>
      tpu.enqueue_indirect_dma source(%dma_start3A_591 : memref<10000x64xf32, #tpu.memory_space<vmem_shared>>) target(%arg11 : memref<128x64xf32, #tpu.memory_space<vmem>>) offsets(%dma_start3A_588 : memref<128xi32, #tpu.memory_space<vmem>>) semaphore(%arg17 : memref<!tpu.dma_semaphore, #tpu.memory_space<semaphore_mem>>)
      %add3A_592 = arith.constant 3 : i32
      %add3A_593 = arith.addi %add3A_496, %add3A_592 : i32
      %dma_wait3A_594 = arith.constant 0 : i32
      %dma_wait3A_595 = tpu.memref_slice %arg7[%add3A_593, %dma_wait3A_594] : memref<40x128xi32, #tpu.memory_space<vmem>> -> memref<1x128xi32, #tpu.memory_space<vmem>>
      %dma_wait3A_596 = tpu.memref_squeeze %dma_wait3A_595 : memref<1x128xi32, #tpu.memory_space<vmem>> -> memref<128xi32, #tpu.memory_space<vmem>>
      %dma_wait3A_597 = arith.constant 0 : i32
      %dma_wait3A_598 = arith.constant 0 : i32
      %dma_wait3A_599 = tpu.memref_slice %arg13[%dma_wait3A_597, %dma_wait3A_598] : memref<10000x64xf32, #tpu.memory_space<vmem_shared>> -> memref<10000x64xf32, #tpu.memory_space<vmem_shared>>
      tpu.wait_indirect_dma semaphore(%arg15 : memref<!tpu.dma_semaphore, #tpu.memory_space<semaphore_mem>>) src(%dma_wait3A_599 : memref<10000x64xf32, #tpu.memory_space<vmem_shared>>) dst(%arg9 : memref<128x64xf32, #tpu.memory_space<vmem>>)
      %dma_start3A_600 = arith.constant 0 : i32
      %dma_start3A_601 = tpu.memref_slice %arg8[%add3A_593, %dma_start3A_600] : memref<40x128xi32, #tpu.memory_space<vmem>> -> memref<1x128xi32, #tpu.memory_space<vmem>>
      %dma_start3A_602 = tpu.memref_squeeze %dma_start3A_601 : memref<1x128xi32, #tpu.memory_space<vmem>> -> memref<128xi32, #tpu.memory_space<vmem>>
      %dma_start3A_603 = arith.constant 0 : i32
      %dma_start3A_604 = arith.constant 0 : i32
      %dma_start3A_605 = tpu.memref_slice %arg14[%dma_start3A_603, %dma_start3A_604] : memref<10112x64xf32, #tpu.memory_space<vmem_shared>> -> memref<10112x64xf32, #tpu.memory_space<vmem_shared>>
      tpu.enqueue_indirect_dma source(%arg9 : memref<128x64xf32, #tpu.memory_space<vmem>>) target(%dma_start3A_605 : memref<10112x64xf32, #tpu.memory_space<vmem_shared>>) offsets(%dma_start3A_602 : memref<128xi32, #tpu.memory_space<vmem>>) semaphore(%arg19 : memref<!tpu.dma_semaphore, #tpu.memory_space<semaphore_mem>>) {add = true}
      %sub3A_606 = arith.constant 1 : i32
      %sub3A_607 = arith.subi %add3A_593, %sub3A_606 : i32
      %dma_wait3A_608 = arith.constant 0 : i32
      %dma_wait3A_609 = tpu.memref_slice %arg8[%sub3A_607, %dma_wait3A_608] : memref<40x128xi32, #tpu.memory_space<vmem>> -> memref<1x128xi32, #tpu.memory_space<vmem>>
      %dma_wait3A_610 = tpu.memref_squeeze %dma_wait3A_609 : memref<1x128xi32, #tpu.memory_space<vmem>> -> memref<128xi32, #tpu.memory_space<vmem>>
      %dma_wait3A_611 = arith.constant 0 : i32
      %dma_wait3A_612 = arith.constant 0 : i32
      %dma_wait3A_613 = tpu.memref_slice %arg14[%dma_wait3A_611, %dma_wait3A_612] : memref<10112x64xf32, #tpu.memory_space<vmem_shared>> -> memref<10112x64xf32, #tpu.memory_space<vmem_shared>>
      tpu.wait_indirect_dma semaphore(%arg22 : memref<!tpu.dma_semaphore, #tpu.memory_space<semaphore_mem>>) src(%arg12 : memref<128x64xf32, #tpu.memory_space<vmem>>) dst(%dma_wait3A_613 : memref<10112x64xf32, #tpu.memory_space<vmem_shared>>)
      %add3A_614 = arith.constant 4 : i32
      %add3A_615 = arith.addi %add3A_593, %add3A_614 : i32
      %sub3A_616 = arith.constant 1 : i32
      %sub3A_617 = arith.subi %add3A_615, %sub3A_616 : i32
      %dma_start3A_618 = arith.constant 0 : i32
      %dma_start3A_619 = tpu.memref_slice %arg7[%sub3A_617, %dma_start3A_618] : memref<40x128xi32, #tpu.memory_space<vmem>> -> memref<1x128xi32, #tpu.memory_space<vmem>>
      %dma_start3A_620 = tpu.memref_squeeze %dma_start3A_619 : memref<1x128xi32, #tpu.memory_space<vmem>> -> memref<128xi32, #tpu.memory_space<vmem>>
      %dma_start3A_621 = arith.constant 0 : i32
      %dma_start3A_622 = arith.constant 0 : i32
      %dma_start3A_623 = tpu.memref_slice %arg13[%dma_start3A_621, %dma_start3A_622] : memref<10000x64xf32, #tpu.memory_space<vmem_shared>> -> memref<10000x64xf32, #tpu.memory_space<vmem_shared>>
      tpu.enqueue_indirect_dma source(%dma_start3A_623 : memref<10000x64xf32, #tpu.memory_space<vmem_shared>>) target(%arg12 : memref<128x64xf32, #tpu.memory_space<vmem>>) offsets(%dma_start3A_620 : memref<128xi32, #tpu.memory_space<vmem>>) semaphore(%arg18 : memref<!tpu.dma_semaphore, #tpu.memory_space<semaphore_mem>>)
    }
    %scan3A_416 = arith.constant 9 : i32
    %dma_wait3A_417 = arith.constant 37 : i32
    %dma_wait3A_418 = arith.constant 0 : i32
    %dma_wait3A_419 = tpu.memref_slice %arg7[%dma_wait3A_417, %dma_wait3A_418] : memref<40x128xi32, #tpu.memory_space<vmem>> -> memref<1x128xi32, #tpu.memory_space<vmem>>
    %dma_wait3A_420 = tpu.memref_squeeze %dma_wait3A_419 : memref<1x128xi32, #tpu.memory_space<vmem>> -> memref<128xi32, #tpu.memory_space<vmem>>
    %dma_wait3A_421 = arith.constant 0 : i32
    %dma_wait3A_422 = arith.constant 0 : i32
    %dma_wait3A_423 = tpu.memref_slice %arg13[%dma_wait3A_421, %dma_wait3A_422] : memref<10000x64xf32, #tpu.memory_space<vmem_shared>> -> memref<10000x64xf32, #tpu.memory_space<vmem_shared>>
    tpu.wait_indirect_dma semaphore(%arg16 : memref<!tpu.dma_semaphore, #tpu.memory_space<semaphore_mem>>) src(%dma_wait3A_423 : memref<10000x64xf32, #tpu.memory_space<vmem_shared>>) dst(%arg10 : memref<128x64xf32, #tpu.memory_space<vmem>>)
    %dma_start3A_424 = arith.constant 37 : i32
    %dma_start3A_425 = arith.constant 0 : i32
    %dma_start3A_426 = tpu.memref_slice %arg8[%dma_start3A_424, %dma_start3A_425] : memref<40x128xi32, #tpu.memory_space<vmem>> -> memref<1x128xi32, #tpu.memory_space<vmem>>
    %dma_start3A_427 = tpu.memref_squeeze %dma_start3A_426 : memref<1x128xi32, #tpu.memory_space<vmem>> -> memref<128xi32, #tpu.memory_space<vmem>>
    %dma_start3A_428 = arith.constant 0 : i32
    %dma_start3A_429 = arith.constant 0 : i32
    %dma_start3A_430 = tpu.memref_slice %arg14[%dma_start3A_428, %dma_start3A_429] : memref<10112x64xf32, #tpu.memory_space<vmem_shared>> -> memref<10112x64xf32, #tpu.memory_space<vmem_shared>>
    tpu.enqueue_indirect_dma source(%arg10 : memref<128x64xf32, #tpu.memory_space<vmem>>) target(%dma_start3A_430 : memref<10112x64xf32, #tpu.memory_space<vmem_shared>>) offsets(%dma_start3A_427 : memref<128xi32, #tpu.memory_space<vmem>>) semaphore(%arg20 : memref<!tpu.dma_semaphore, #tpu.memory_space<semaphore_mem>>) {add = true}
    %dma_wait3A_431 = arith.constant 36 : i32
    %dma_wait3A_432 = arith.constant 0 : i32
    %dma_wait3A_433 = tpu.memref_slice %arg8[%dma_wait3A_431, %dma_wait3A_432] : memref<40x128xi32, #tpu.memory_space<vmem>> -> memref<1x128xi32, #tpu.memory_space<vmem>>
    %dma_wait3A_434 = tpu.memref_squeeze %dma_wait3A_433 : memref<1x128xi32, #tpu.memory_space<vmem>> -> memref<128xi32, #tpu.memory_space<vmem>>
    %dma_wait3A_435 = arith.constant 0 : i32
    %dma_wait3A_436 = arith.constant 0 : i32
    %dma_wait3A_437 = tpu.memref_slice %arg14[%dma_wait3A_435, %dma_wait3A_436] : memref<10112x64xf32, #tpu.memory_space<vmem_shared>> -> memref<10112x64xf32, #tpu.memory_space<vmem_shared>>
    tpu.wait_indirect_dma semaphore(%arg19 : memref<!tpu.dma_semaphore, #tpu.memory_space<semaphore_mem>>) src(%arg9 : memref<128x64xf32, #tpu.memory_space<vmem>>) dst(%dma_wait3A_437 : memref<10112x64xf32, #tpu.memory_space<vmem_shared>>)
    %dma_wait3A_438 = arith.constant 38 : i32
    %dma_wait3A_439 = arith.constant 0 : i32
    %dma_wait3A_440 = tpu.memref_slice %arg7[%dma_wait3A_438, %dma_wait3A_439] : memref<40x128xi32, #tpu.memory_space<vmem>> -> memref<1x128xi32, #tpu.memory_space<vmem>>
    %dma_wait3A_441 = tpu.memref_squeeze %dma_wait3A_440 : memref<1x128xi32, #tpu.memory_space<vmem>> -> memref<128xi32, #tpu.memory_space<vmem>>
    %dma_wait3A_442 = arith.constant 0 : i32
    %dma_wait3A_443 = arith.constant 0 : i32
    %dma_wait3A_444 = tpu.memref_slice %arg13[%dma_wait3A_442, %dma_wait3A_443] : memref<10000x64xf32, #tpu.memory_space<vmem_shared>> -> memref<10000x64xf32, #tpu.memory_space<vmem_shared>>
    tpu.wait_indirect_dma semaphore(%arg17 : memref<!tpu.dma_semaphore, #tpu.memory_space<semaphore_mem>>) src(%dma_wait3A_444 : memref<10000x64xf32, #tpu.memory_space<vmem_shared>>) dst(%arg11 : memref<128x64xf32, #tpu.memory_space<vmem>>)
    %dma_start3A_445 = arith.constant 38 : i32
    %dma_start3A_446 = arith.constant 0 : i32
    %dma_start3A_447 = tpu.memref_slice %arg8[%dma_start3A_445, %dma_start3A_446] : memref<40x128xi32, #tpu.memory_space<vmem>> -> memref<1x128xi32, #tpu.memory_space<vmem>>
    %dma_start3A_448 = tpu.memref_squeeze %dma_start3A_447 : memref<1x128xi32, #tpu.memory_space<vmem>> -> memref<128xi32, #tpu.memory_space<vmem>>
    %dma_start3A_449 = arith.constant 0 : i32
    %dma_start3A_450 = arith.constant 0 : i32
    %dma_start3A_451 = tpu.memref_slice %arg14[%dma_start3A_449, %dma_start3A_450] : memref<10112x64xf32, #tpu.memory_space<vmem_shared>> -> memref<10112x64xf32, #tpu.memory_space<vmem_shared>>
    tpu.enqueue_indirect_dma source(%arg11 : memref<128x64xf32, #tpu.memory_space<vmem>>) target(%dma_start3A_451 : memref<10112x64xf32, #tpu.memory_space<vmem_shared>>) offsets(%dma_start3A_448 : memref<128xi32, #tpu.memory_space<vmem>>) semaphore(%arg21 : memref<!tpu.dma_semaphore, #tpu.memory_space<semaphore_mem>>) {add = true}
    %dma_wait3A_452 = arith.constant 37 : i32
    %dma_wait3A_453 = arith.constant 0 : i32
    %dma_wait3A_454 = tpu.memref_slice %arg8[%dma_wait3A_452, %dma_wait3A_453] : memref<40x128xi32, #tpu.memory_space<vmem>> -> memref<1x128xi32, #tpu.memory_space<vmem>>
    %dma_wait3A_455 = tpu.memref_squeeze %dma_wait3A_454 : memref<1x128xi32, #tpu.memory_space<vmem>> -> memref<128xi32, #tpu.memory_space<vmem>>
    %dma_wait3A_456 = arith.constant 0 : i32
    %dma_wait3A_457 = arith.constant 0 : i32
    %dma_wait3A_458 = tpu.memref_slice %arg14[%dma_wait3A_456, %dma_wait3A_457] : memref<10112x64xf32, #tpu.memory_space<vmem_shared>> -> memref<10112x64xf32, #tpu.memory_space<vmem_shared>>
    tpu.wait_indirect_dma semaphore(%arg20 : memref<!tpu.dma_semaphore, #tpu.memory_space<semaphore_mem>>) src(%arg10 : memref<128x64xf32, #tpu.memory_space<vmem>>) dst(%dma_wait3A_458 : memref<10112x64xf32, #tpu.memory_space<vmem_shared>>)
    %dma_wait3A_459 = arith.constant 39 : i32
    %dma_wait3A_460 = arith.constant 0 : i32
    %dma_wait3A_461 = tpu.memref_slice %arg7[%dma_wait3A_459, %dma_wait3A_460] : memref<40x128xi32, #tpu.memory_space<vmem>> -> memref<1x128xi32, #tpu.memory_space<vmem>>
    %dma_wait3A_462 = tpu.memref_squeeze %dma_wait3A_461 : memref<1x128xi32, #tpu.memory_space<vmem>> -> memref<128xi32, #tpu.memory_space<vmem>>
    %dma_wait3A_463 = arith.constant 0 : i32
    %dma_wait3A_464 = arith.constant 0 : i32
    %dma_wait3A_465 = tpu.memref_slice %arg13[%dma_wait3A_463, %dma_wait3A_464] : memref<10000x64xf32, #tpu.memory_space<vmem_shared>> -> memref<10000x64xf32, #tpu.memory_space<vmem_shared>>
    tpu.wait_indirect_dma semaphore(%arg18 : memref<!tpu.dma_semaphore, #tpu.memory_space<semaphore_mem>>) src(%dma_wait3A_465 : memref<10000x64xf32, #tpu.memory_space<vmem_shared>>) dst(%arg12 : memref<128x64xf32, #tpu.memory_space<vmem>>)
    %dma_start3A_466 = arith.constant 39 : i32
    %dma_start3A_467 = arith.constant 0 : i32
    %dma_start3A_468 = tpu.memref_slice %arg8[%dma_start3A_466, %dma_start3A_467] : memref<40x128xi32, #tpu.memory_space<vmem>> -> memref<1x128xi32, #tpu.memory_space<vmem>>
    %dma_start3A_469 = tpu.memref_squeeze %dma_start3A_468 : memref<1x128xi32, #tpu.memory_space<vmem>> -> memref<128xi32, #tpu.memory_space<vmem>>
    %dma_start3A_470 = arith.constant 0 : i32
    %dma_start3A_471 = arith.constant 0 : i32
    %dma_start3A_472 = tpu.memref_slice %arg14[%dma_start3A_470, %dma_start3A_471] : memref<10112x64xf32, #tpu.memory_space<vmem_shared>> -> memref<10112x64xf32, #tpu.memory_space<vmem_shared>>
    tpu.enqueue_indirect_dma source(%arg12 : memref<128x64xf32, #tpu.memory_space<vmem>>) target(%dma_start3A_472 : memref<10112x64xf32, #tpu.memory_space<vmem_shared>>) offsets(%dma_start3A_469 : memref<128xi32, #tpu.memory_space<vmem>>) semaphore(%arg22 : memref<!tpu.dma_semaphore, #tpu.memory_space<semaphore_mem>>) {add = true}
    %dma_wait3A_473 = arith.constant 38 : i32
    %dma_wait3A_474 = arith.constant 0 : i32
    %dma_wait3A_475 = tpu.memref_slice %arg8[%dma_wait3A_473, %dma_wait3A_474] : memref<40x128xi32, #tpu.memory_space<vmem>> -> memref<1x128xi32, #tpu.memory_space<vmem>>
    %dma_wait3A_476 = tpu.memref_squeeze %dma_wait3A_475 : memref<1x128xi32, #tpu.memory_space<vmem>> -> memref<128xi32, #tpu.memory_space<vmem>>
    %dma_wait3A_477 = arith.constant 0 : i32
    %dma_wait3A_478 = arith.constant 0 : i32
    %dma_wait3A_479 = tpu.memref_slice %arg14[%dma_wait3A_477, %dma_wait3A_478] : memref<10112x64xf32, #tpu.memory_space<vmem_shared>> -> memref<10112x64xf32, #tpu.memory_space<vmem_shared>>
    tpu.wait_indirect_dma semaphore(%arg21 : memref<!tpu.dma_semaphore, #tpu.memory_space<semaphore_mem>>) src(%arg11 : memref<128x64xf32, #tpu.memory_space<vmem>>) dst(%dma_wait3A_479 : memref<10112x64xf32, #tpu.memory_space<vmem_shared>>)
    %dma_wait3A_480 = arith.constant 39 : i32
    %dma_wait3A_481 = arith.constant 0 : i32
    %dma_wait3A_482 = tpu.memref_slice %arg8[%dma_wait3A_480, %dma_wait3A_481] : memref<40x128xi32, #tpu.memory_space<vmem>> -> memref<1x128xi32, #tpu.memory_space<vmem>>
    %dma_wait3A_483 = tpu.memref_squeeze %dma_wait3A_482 : memref<1x128xi32, #tpu.memory_space<vmem>> -> memref<128xi32, #tpu.memory_space<vmem>>
    %dma_wait3A_484 = arith.constant 0 : i32
    %dma_wait3A_485 = arith.constant 0 : i32
    %dma_wait3A_486 = tpu.memref_slice %arg14[%dma_wait3A_484, %dma_wait3A_485] : memref<10112x64xf32, #tpu.memory_space<vmem_shared>> -> memref<10112x64xf32, #tpu.memory_space<vmem_shared>>
    tpu.wait_indirect_dma semaphore(%arg22 : memref<!tpu.dma_semaphore, #tpu.memory_space<semaphore_mem>>) src(%arg12 : memref<128x64xf32, #tpu.memory_space<vmem>>) dst(%dma_wait3A_486 : memref<10112x64xf32, #tpu.memory_space<vmem_shared>>)
    %barrier3A_487 = arith.constant 0 : index
    tpu.barrier barrier_id(%barrier3A_487)
    %mul3A_488 = arith.constant 632 : i32
    %mul3A_489 = arith.muli %arg1, %mul3A_488 : i32
    %mul3A_490 = arith.constant 632 : i32
    %mul3A_491 = arith.muli %arg1, %mul3A_490 : i32
    "tpu.region"() ({
      %run_scoped3A = tpu.sem_alloc : memref<!tpu.dma_semaphore, #tpu.memory_space<semaphore_mem>>
      %dma_start3A_492 = arith.constant 0 : i32
      %dma_start3A_493 = arith.constant 0 : i32
      %dma_start3A_494 = tpu.memref_slice %arg6[%arg0, %dma_start3A_492, %dma_start3A_493] : memref<2x10112x64xf32, #tpu.memory_space<hbm>> -> memref<1x10112x64xf32, #tpu.memory_space<hbm>>
      %dma_start3A_495 = tpu.memref_squeeze %dma_start3A_494 : memref<1x10112x64xf32, #tpu.memory_space<hbm>> -> memref<10112x64xf32, #tpu.memory_space<hbm>>
      %dma_start3A_496 = arith.constant 0 : i32
      %dma_start3A_497 = tpu.memref_slice %dma_start3A_495[%mul3A_491, %dma_start3A_496] : memref<10112x64xf32, #tpu.memory_space<hbm>> -> memref<632x64xf32, #tpu.memory_space<hbm>>
      %dma_start3A_498 = arith.constant 0 : i32
      %dma_start3A_499 = tpu.memref_slice %arg14[%mul3A_489, %dma_start3A_498] : memref<10112x64xf32, #tpu.memory_space<vmem_shared>> -> memref<632x64xf32, #tpu.memory_space<vmem_shared>>
      tpu.enqueue_dma source(%dma_start3A_499 : memref<632x64xf32, #tpu.memory_space<vmem_shared>>) target(%dma_start3A_497 : memref<632x64xf32, #tpu.memory_space<hbm>>) target_semaphore(%run_scoped3A : memref<!tpu.dma_semaphore, #tpu.memory_space<semaphore_mem>>)
      %dma_wait3A_500 = arith.constant 0 : i32
      %dma_wait3A_501 = arith.constant 0 : i32
      %dma_wait3A_502 = tpu.memref_slice %arg6[%arg0, %dma_wait3A_500, %dma_wait3A_501] : memref<2x10112x64xf32, #tpu.memory_space<hbm>> -> memref<1x10112x64xf32, #tpu.memory_space<hbm>>
      %dma_wait3A_503 = tpu.memref_squeeze %dma_wait3A_502 : memref<1x10112x64xf32, #tpu.memory_space<hbm>> -> memref<10112x64xf32, #tpu.memory_space<hbm>>
      %dma_wait3A_504 = arith.constant 0 : i32
      %dma_wait3A_505 = tpu.memref_slice %dma_wait3A_503[%mul3A_491, %dma_wait3A_504] : memref<10112x64xf32, #tpu.memory_space<hbm>> -> memref<632x64xf32, #tpu.memory_space<hbm>>
      %dma_wait3A_506 = arith.constant 0 : i32
      %dma_wait3A_507 = tpu.memref_slice %arg14[%mul3A_489, %dma_wait3A_506] : memref<10112x64xf32, #tpu.memory_space<vmem_shared>> -> memref<632x64xf32, #tpu.memory_space<vmem_shared>>
      tpu.wait_dma2 semaphore(%run_scoped3A : memref<!tpu.dma_semaphore, #tpu.memory_space<semaphore_mem>>) src(%dma_wait3A_507 : memref<632x64xf32, #tpu.memory_space<vmem_shared>>) dst(%dma_wait3A_505 : memref<632x64xf32, #tpu.memory_space<hbm>>)
      tpu.yield
    }) : () -> ()
    return
  }
}

#map = affine_map<(d0, d1) -> (0, 0)>
#map1 = affine_map<(d0, d1) -> (0, 0, 0)>
module attributes {stable_mosaic.version = 14 : i64} {
  func.func @_sc_degree(%arg0: i32, %arg1: i32, %arg2: memref<2560x128xi32, #tpu.memory_space<hbm>>, %arg3: memref<10112x64xf32, #tpu.memory_space<hbm>>, %arg4: memref<128x64xf32, #tpu.memory_space<hbm>>, %arg5: memref<2x10112x64xf32, #tpu.memory_space<hbm>>, %arg6: memref<80x128xi32, #tpu.memory_space<vmem>>, %arg7: memref<128x64xf32, #tpu.memory_space<vmem>>, %arg8: memref<10112x64xf32, #tpu.memory_space<vmem_shared>>, %arg9: memref<!tpu.dma_semaphore, #tpu.memory_space<semaphore_mem>>) attributes {dimension_semantics = [#tpu.dimension_semantics<core_parallel>, #tpu.dimension_semantics<subcore_parallel>], iteration_bounds = array<i64: 2, 16>, scalar_prefetch = 0 : i64, scratch_operands = 4 : i64, tpu.core_type = #tpu.core_type<sc_vector_subcore>, window_params = [{transform_indices = #map}, {transform_indices = #map}, {transform_indices = #map}, {transform_indices = #map1}]} {
    %mul3A = arith.constant 16 : i32
    %mul3A_0 = arith.muli %arg0, %mul3A : i32
    %add3A = arith.addi %mul3A_0, %arg1 : i32
    %mul3A_1 = arith.constant 632 : i32
    %mul3A_2 = arith.muli %arg1, %mul3A_1 : i32
    %mul3A_3 = arith.constant 632 : i32
    %mul3A_4 = arith.muli %arg1, %mul3A_3 : i32
    "tpu.region"() ({
      %run_scoped3A = tpu.sem_alloc : memref<!tpu.dma_semaphore, #tpu.memory_space<semaphore_mem>>
      %dma_start3A = arith.constant 0 : i32
      %dma_start3A_76 = tpu.memref_slice %arg8[%mul3A_4, %dma_start3A] : memref<10112x64xf32, #tpu.memory_space<vmem_shared>> -> memref<632x64xf32, #tpu.memory_space<vmem_shared>>
      %dma_start3A_77 = arith.constant 0 : i32
      %dma_start3A_78 = tpu.memref_slice %arg3[%mul3A_2, %dma_start3A_77] : memref<10112x64xf32, #tpu.memory_space<hbm>> -> memref<632x64xf32, #tpu.memory_space<hbm>>
      tpu.enqueue_dma source(%dma_start3A_78 : memref<632x64xf32, #tpu.memory_space<hbm>>) target(%dma_start3A_76 : memref<632x64xf32, #tpu.memory_space<vmem_shared>>) target_semaphore(%run_scoped3A : memref<!tpu.dma_semaphore, #tpu.memory_space<semaphore_mem>>)
      %dma_wait3A_79 = arith.constant 0 : i32
      %dma_wait3A_80 = tpu.memref_slice %arg8[%mul3A_4, %dma_wait3A_79] : memref<10112x64xf32, #tpu.memory_space<vmem_shared>> -> memref<632x64xf32, #tpu.memory_space<vmem_shared>>
      %dma_wait3A_81 = arith.constant 0 : i32
      %dma_wait3A_82 = tpu.memref_slice %arg3[%mul3A_2, %dma_wait3A_81] : memref<10112x64xf32, #tpu.memory_space<hbm>> -> memref<632x64xf32, #tpu.memory_space<hbm>>
      tpu.wait_dma2 semaphore(%run_scoped3A : memref<!tpu.dma_semaphore, #tpu.memory_space<semaphore_mem>>) src(%dma_wait3A_82 : memref<632x64xf32, #tpu.memory_space<hbm>>) dst(%dma_wait3A_80 : memref<632x64xf32, #tpu.memory_space<vmem_shared>>)
      tpu.yield
    }) : () -> ()
    "tpu.region"() ({
      %run_scoped3A = tpu.sem_alloc : memref<!tpu.dma_semaphore, #tpu.memory_space<semaphore_mem>>
      tpu.enqueue_dma source(%arg4 : memref<128x64xf32, #tpu.memory_space<hbm>>) target(%arg7 : memref<128x64xf32, #tpu.memory_space<vmem>>) target_semaphore(%run_scoped3A : memref<!tpu.dma_semaphore, #tpu.memory_space<semaphore_mem>>)
      tpu.wait_dma2 semaphore(%run_scoped3A : memref<!tpu.dma_semaphore, #tpu.memory_space<semaphore_mem>>) src(%arg4 : memref<128x64xf32, #tpu.memory_space<hbm>>) dst(%arg7 : memref<128x64xf32, #tpu.memory_space<vmem>>)
      tpu.yield
    }) : () -> ()
    %mul3A_5 = arith.constant 80 : i32
    %mul3A_6 = arith.muli %add3A, %mul3A_5 : i32
    "tpu.region"() ({
      %run_scoped3A = tpu.sem_alloc : memref<!tpu.dma_semaphore, #tpu.memory_space<semaphore_mem>>
      %dma_start3A = arith.constant 0 : i32
      %dma_start3A_76 = tpu.memref_slice %arg2[%mul3A_6, %dma_start3A] : memref<2560x128xi32, #tpu.memory_space<hbm>> -> memref<80x128xi32, #tpu.memory_space<hbm>>
      %dma_start3A_77 = arith.constant 0 : i32
      %dma_start3A_78 = tpu.memref_slice %arg2[%mul3A_6, %dma_start3A_77] : memref<2560x128xi32, #tpu.memory_space<hbm>> -> memref<80x128xi32, #tpu.memory_space<hbm>>
      tpu.enqueue_dma source(%dma_start3A_78 : memref<80x128xi32, #tpu.memory_space<hbm>>) target(%arg6 : memref<80x128xi32, #tpu.memory_space<vmem>>) target_semaphore(%run_scoped3A : memref<!tpu.dma_semaphore, #tpu.memory_space<semaphore_mem>>)
      %dma_wait3A_79 = arith.constant 0 : i32
      %dma_wait3A_80 = tpu.memref_slice %arg2[%mul3A_6, %dma_wait3A_79] : memref<2560x128xi32, #tpu.memory_space<hbm>> -> memref<80x128xi32, #tpu.memory_space<hbm>>
      %dma_wait3A_81 = arith.constant 0 : i32
      %dma_wait3A_82 = tpu.memref_slice %arg2[%mul3A_6, %dma_wait3A_81] : memref<2560x128xi32, #tpu.memory_space<hbm>> -> memref<80x128xi32, #tpu.memory_space<hbm>>
      tpu.wait_dma2 semaphore(%run_scoped3A : memref<!tpu.dma_semaphore, #tpu.memory_space<semaphore_mem>>) src(%dma_wait3A_82 : memref<80x128xi32, #tpu.memory_space<hbm>>) dst(%arg6 : memref<80x128xi32, #tpu.memory_space<vmem>>)
      tpu.yield
    }) : () -> ()
    %barrier3A = arith.constant 0 : index
    tpu.barrier barrier_id(%barrier3A)
    %scan3A = arith.constant 0 : i32
    %scan3A_7 = arith.constant 8 : i32
    %scan3A_8 = arith.addi %scan3A, %scan3A_7 : i32
    %scan3A_9 = arith.constant 1 : i32
    scf.for %scan3A_76 = %scan3A to %scan3A_8 step %scan3A_9  : i32 {
      %dma_start3A = arith.constant 0 : i32
      %dma_start3A_77 = tpu.memref_slice %arg6[%scan3A_76, %dma_start3A] : memref<80x128xi32, #tpu.memory_space<vmem>> -> memref<1x128xi32, #tpu.memory_space<vmem>>
      %dma_start3A_78 = tpu.memref_squeeze %dma_start3A_77 : memref<1x128xi32, #tpu.memory_space<vmem>> -> memref<128xi32, #tpu.memory_space<vmem>>
      %dma_start3A_79 = arith.constant 0 : i32
      %dma_start3A_80 = arith.constant 0 : i32
      %dma_start3A_81 = tpu.memref_slice %arg8[%dma_start3A_79, %dma_start3A_80] : memref<10112x64xf32, #tpu.memory_space<vmem_shared>> -> memref<10112x64xf32, #tpu.memory_space<vmem_shared>>
      tpu.enqueue_indirect_dma source(%arg7 : memref<128x64xf32, #tpu.memory_space<vmem>>) target(%dma_start3A_81 : memref<10112x64xf32, #tpu.memory_space<vmem_shared>>) offsets(%dma_start3A_78 : memref<128xi32, #tpu.memory_space<vmem>>) semaphore(%arg9 : memref<!tpu.dma_semaphore, #tpu.memory_space<semaphore_mem>>) {add = true}
    }
    %scan3A_10 = arith.constant 8 : i32
    %scan3A_11 = arith.constant 8 : i32
    %scan3A_12 = arith.constant 72 : i32
    %scan3A_13 = arith.addi %scan3A_11, %scan3A_12 : i32
    %scan3A_14 = arith.constant 1 : i32
    scf.for %scan3A_76 = %scan3A_11 to %scan3A_13 step %scan3A_14  : i32 {
      %dma_start3A = arith.constant 0 : i32
      %dma_start3A_77 = tpu.memref_slice %arg6[%scan3A_76, %dma_start3A] : memref<80x128xi32, #tpu.memory_space<vmem>> -> memref<1x128xi32, #tpu.memory_space<vmem>>
      %dma_start3A_78 = tpu.memref_squeeze %dma_start3A_77 : memref<1x128xi32, #tpu.memory_space<vmem>> -> memref<128xi32, #tpu.memory_space<vmem>>
      %dma_start3A_79 = arith.constant 0 : i32
      %dma_start3A_80 = arith.constant 0 : i32
      %dma_start3A_81 = tpu.memref_slice %arg8[%dma_start3A_79, %dma_start3A_80] : memref<10112x64xf32, #tpu.memory_space<vmem_shared>> -> memref<10112x64xf32, #tpu.memory_space<vmem_shared>>
      tpu.enqueue_indirect_dma source(%arg7 : memref<128x64xf32, #tpu.memory_space<vmem>>) target(%dma_start3A_81 : memref<10112x64xf32, #tpu.memory_space<vmem_shared>>) offsets(%dma_start3A_78 : memref<128xi32, #tpu.memory_space<vmem>>) semaphore(%arg9 : memref<!tpu.dma_semaphore, #tpu.memory_space<semaphore_mem>>) {add = true}
      %dma_wait3A_82 = arith.constant 0 : i32
      %dma_wait3A_83 = tpu.memref_slice %arg6[%scan3A_76, %dma_wait3A_82] : memref<80x128xi32, #tpu.memory_space<vmem>> -> memref<1x128xi32, #tpu.memory_space<vmem>>
      %dma_wait3A_84 = tpu.memref_squeeze %dma_wait3A_83 : memref<1x128xi32, #tpu.memory_space<vmem>> -> memref<128xi32, #tpu.memory_space<vmem>>
      %dma_wait3A_85 = arith.constant 0 : i32
      %dma_wait3A_86 = arith.constant 0 : i32
      %dma_wait3A_87 = tpu.memref_slice %arg8[%dma_wait3A_85, %dma_wait3A_86] : memref<10112x64xf32, #tpu.memory_space<vmem_shared>> -> memref<10112x64xf32, #tpu.memory_space<vmem_shared>>
      tpu.wait_indirect_dma semaphore(%arg9 : memref<!tpu.dma_semaphore, #tpu.memory_space<semaphore_mem>>) src(%arg7 : memref<128x64xf32, #tpu.memory_space<vmem>>) dst(%dma_wait3A_87 : memref<10112x64xf32, #tpu.memory_space<vmem_shared>>)
    }
    %scan3A_15 = arith.constant 72 : i32
    %dma_wait3A = arith.constant 0 : i32
    %dma_wait3A_16 = arith.constant 0 : i32
    %dma_wait3A_17 = tpu.memref_slice %arg6[%dma_wait3A, %dma_wait3A_16] : memref<80x128xi32, #tpu.memory_space<vmem>> -> memref<1x128xi32, #tpu.memory_space<vmem>>
    %dma_wait3A_18 = tpu.memref_squeeze %dma_wait3A_17 : memref<1x128xi32, #tpu.memory_space<vmem>> -> memref<128xi32, #tpu.memory_space<vmem>>
    %dma_wait3A_19 = arith.constant 0 : i32
    %dma_wait3A_20 = arith.constant 0 : i32
    %dma_wait3A_21 = tpu.memref_slice %arg8[%dma_wait3A_19, %dma_wait3A_20] : memref<10112x64xf32, #tpu.memory_space<vmem_shared>> -> memref<10112x64xf32, #tpu.memory_space<vmem_shared>>
    tpu.wait_indirect_dma semaphore(%arg9 : memref<!tpu.dma_semaphore, #tpu.memory_space<semaphore_mem>>) src(%arg7 : memref<128x64xf32, #tpu.memory_space<vmem>>) dst(%dma_wait3A_21 : memref<10112x64xf32, #tpu.memory_space<vmem_shared>>)
    %dma_wait3A_22 = arith.constant 0 : i32
    %dma_wait3A_23 = arith.constant 0 : i32
    %dma_wait3A_24 = tpu.memref_slice %arg6[%dma_wait3A_22, %dma_wait3A_23] : memref<80x128xi32, #tpu.memory_space<vmem>> -> memref<1x128xi32, #tpu.memory_space<vmem>>
    %dma_wait3A_25 = tpu.memref_squeeze %dma_wait3A_24 : memref<1x128xi32, #tpu.memory_space<vmem>> -> memref<128xi32, #tpu.memory_space<vmem>>
    %dma_wait3A_26 = arith.constant 0 : i32
    %dma_wait3A_27 = arith.constant 0 : i32
    %dma_wait3A_28 = tpu.memref_slice %arg8[%dma_wait3A_26, %dma_wait3A_27] : memref<10112x64xf32, #tpu.memory_space<vmem_shared>> -> memref<10112x64xf32, #tpu.memory_space<vmem_shared>>
    tpu.wait_indirect_dma semaphore(%arg9 : memref<!tpu.dma_semaphore, #tpu.memory_space<semaphore_mem>>) src(%arg7 : memref<128x64xf32, #tpu.memory_space<vmem>>) dst(%dma_wait3A_28 : memref<10112x64xf32, #tpu.memory_space<vmem_shared>>)
    %dma_wait3A_29 = arith.constant 0 : i32
    %dma_wait3A_30 = arith.constant 0 : i32
    %dma_wait3A_31 = tpu.memref_slice %arg6[%dma_wait3A_29, %dma_wait3A_30] : memref<80x128xi32, #tpu.memory_space<vmem>> -> memref<1x128xi32, #tpu.memory_space<vmem>>
    %dma_wait3A_32 = tpu.memref_squeeze %dma_wait3A_31 : memref<1x128xi32, #tpu.memory_space<vmem>> -> memref<128xi32, #tpu.memory_space<vmem>>
    %dma_wait3A_33 = arith.constant 0 : i32
    %dma_wait3A_34 = arith.constant 0 : i32
    %dma_wait3A_35 = tpu.memref_slice %arg8[%dma_wait3A_33, %dma_wait3A_34] : memref<10112x64xf32, #tpu.memory_space<vmem_shared>> -> memref<10112x64xf32, #tpu.memory_space<vmem_shared>>
    tpu.wait_indirect_dma semaphore(%arg9 : memref<!tpu.dma_semaphore, #tpu.memory_space<semaphore_mem>>) src(%arg7 : memref<128x64xf32, #tpu.memory_space<vmem>>) dst(%dma_wait3A_35 : memref<10112x64xf32, #tpu.memory_space<vmem_shared>>)
    %dma_wait3A_36 = arith.constant 0 : i32
    %dma_wait3A_37 = arith.constant 0 : i32
    %dma_wait3A_38 = tpu.memref_slice %arg6[%dma_wait3A_36, %dma_wait3A_37] : memref<80x128xi32, #tpu.memory_space<vmem>> -> memref<1x128xi32, #tpu.memory_space<vmem>>
    %dma_wait3A_39 = tpu.memref_squeeze %dma_wait3A_38 : memref<1x128xi32, #tpu.memory_space<vmem>> -> memref<128xi32, #tpu.memory_space<vmem>>
    %dma_wait3A_40 = arith.constant 0 : i32
    %dma_wait3A_41 = arith.constant 0 : i32
    %dma_wait3A_42 = tpu.memref_slice %arg8[%dma_wait3A_40, %dma_wait3A_41] : memref<10112x64xf32, #tpu.memory_space<vmem_shared>> -> memref<10112x64xf32, #tpu.memory_space<vmem_shared>>
    tpu.wait_indirect_dma semaphore(%arg9 : memref<!tpu.dma_semaphore, #tpu.memory_space<semaphore_mem>>) src(%arg7 : memref<128x64xf32, #tpu.memory_space<vmem>>) dst(%dma_wait3A_42 : memref<10112x64xf32, #tpu.memory_space<vmem_shared>>)
    %dma_wait3A_43 = arith.constant 0 : i32
    %dma_wait3A_44 = arith.constant 0 : i32
    %dma_wait3A_45 = tpu.memref_slice %arg6[%dma_wait3A_43, %dma_wait3A_44] : memref<80x128xi32, #tpu.memory_space<vmem>> -> memref<1x128xi32, #tpu.memory_space<vmem>>
    %dma_wait3A_46 = tpu.memref_squeeze %dma_wait3A_45 : memref<1x128xi32, #tpu.memory_space<vmem>> -> memref<128xi32, #tpu.memory_space<vmem>>
    %dma_wait3A_47 = arith.constant 0 : i32
    %dma_wait3A_48 = arith.constant 0 : i32
    %dma_wait3A_49 = tpu.memref_slice %arg8[%dma_wait3A_47, %dma_wait3A_48] : memref<10112x64xf32, #tpu.memory_space<vmem_shared>> -> memref<10112x64xf32, #tpu.memory_space<vmem_shared>>
    tpu.wait_indirect_dma semaphore(%arg9 : memref<!tpu.dma_semaphore, #tpu.memory_space<semaphore_mem>>) src(%arg7 : memref<128x64xf32, #tpu.memory_space<vmem>>) dst(%dma_wait3A_49 : memref<10112x64xf32, #tpu.memory_space<vmem_shared>>)
    %dma_wait3A_50 = arith.constant 0 : i32
    %dma_wait3A_51 = arith.constant 0 : i32
    %dma_wait3A_52 = tpu.memref_slice %arg6[%dma_wait3A_50, %dma_wait3A_51] : memref<80x128xi32, #tpu.memory_space<vmem>> -> memref<1x128xi32, #tpu.memory_space<vmem>>
    %dma_wait3A_53 = tpu.memref_squeeze %dma_wait3A_52 : memref<1x128xi32, #tpu.memory_space<vmem>> -> memref<128xi32, #tpu.memory_space<vmem>>
    %dma_wait3A_54 = arith.constant 0 : i32
    %dma_wait3A_55 = arith.constant 0 : i32
    %dma_wait3A_56 = tpu.memref_slice %arg8[%dma_wait3A_54, %dma_wait3A_55] : memref<10112x64xf32, #tpu.memory_space<vmem_shared>> -> memref<10112x64xf32, #tpu.memory_space<vmem_shared>>
    tpu.wait_indirect_dma semaphore(%arg9 : memref<!tpu.dma_semaphore, #tpu.memory_space<semaphore_mem>>) src(%arg7 : memref<128x64xf32, #tpu.memory_space<vmem>>) dst(%dma_wait3A_56 : memref<10112x64xf32, #tpu.memory_space<vmem_shared>>)
    %dma_wait3A_57 = arith.constant 0 : i32
    %dma_wait3A_58 = arith.constant 0 : i32
    %dma_wait3A_59 = tpu.memref_slice %arg6[%dma_wait3A_57, %dma_wait3A_58] : memref<80x128xi32, #tpu.memory_space<vmem>> -> memref<1x128xi32, #tpu.memory_space<vmem>>
    %dma_wait3A_60 = tpu.memref_squeeze %dma_wait3A_59 : memref<1x128xi32, #tpu.memory_space<vmem>> -> memref<128xi32, #tpu.memory_space<vmem>>
    %dma_wait3A_61 = arith.constant 0 : i32
    %dma_wait3A_62 = arith.constant 0 : i32
    %dma_wait3A_63 = tpu.memref_slice %arg8[%dma_wait3A_61, %dma_wait3A_62] : memref<10112x64xf32, #tpu.memory_space<vmem_shared>> -> memref<10112x64xf32, #tpu.memory_space<vmem_shared>>
    tpu.wait_indirect_dma semaphore(%arg9 : memref<!tpu.dma_semaphore, #tpu.memory_space<semaphore_mem>>) src(%arg7 : memref<128x64xf32, #tpu.memory_space<vmem>>) dst(%dma_wait3A_63 : memref<10112x64xf32, #tpu.memory_space<vmem_shared>>)
    %dma_wait3A_64 = arith.constant 0 : i32
    %dma_wait3A_65 = arith.constant 0 : i32
    %dma_wait3A_66 = tpu.memref_slice %arg6[%dma_wait3A_64, %dma_wait3A_65] : memref<80x128xi32, #tpu.memory_space<vmem>> -> memref<1x128xi32, #tpu.memory_space<vmem>>
    %dma_wait3A_67 = tpu.memref_squeeze %dma_wait3A_66 : memref<1x128xi32, #tpu.memory_space<vmem>> -> memref<128xi32, #tpu.memory_space<vmem>>
    %dma_wait3A_68 = arith.constant 0 : i32
    %dma_wait3A_69 = arith.constant 0 : i32
    %dma_wait3A_70 = tpu.memref_slice %arg8[%dma_wait3A_68, %dma_wait3A_69] : memref<10112x64xf32, #tpu.memory_space<vmem_shared>> -> memref<10112x64xf32, #tpu.memory_space<vmem_shared>>
    tpu.wait_indirect_dma semaphore(%arg9 : memref<!tpu.dma_semaphore, #tpu.memory_space<semaphore_mem>>) src(%arg7 : memref<128x64xf32, #tpu.memory_space<vmem>>) dst(%dma_wait3A_70 : memref<10112x64xf32, #tpu.memory_space<vmem_shared>>)
    %barrier3A_71 = arith.constant 0 : index
    tpu.barrier barrier_id(%barrier3A_71)
    %mul3A_72 = arith.constant 632 : i32
    %mul3A_73 = arith.muli %arg1, %mul3A_72 : i32
    %mul3A_74 = arith.constant 632 : i32
    %mul3A_75 = arith.muli %arg1, %mul3A_74 : i32
    "tpu.region"() ({
      %run_scoped3A = tpu.sem_alloc : memref<!tpu.dma_semaphore, #tpu.memory_space<semaphore_mem>>
      %dma_start3A = arith.constant 0 : i32
      %dma_start3A_76 = arith.constant 0 : i32
      %dma_start3A_77 = tpu.memref_slice %arg5[%arg0, %dma_start3A, %dma_start3A_76] : memref<2x10112x64xf32, #tpu.memory_space<hbm>> -> memref<1x10112x64xf32, #tpu.memory_space<hbm>>
      %dma_start3A_78 = tpu.memref_squeeze %dma_start3A_77 : memref<1x10112x64xf32, #tpu.memory_space<hbm>> -> memref<10112x64xf32, #tpu.memory_space<hbm>>
      %dma_start3A_79 = arith.constant 0 : i32
      %dma_start3A_80 = tpu.memref_slice %dma_start3A_78[%mul3A_75, %dma_start3A_79] : memref<10112x64xf32, #tpu.memory_space<hbm>> -> memref<632x64xf32, #tpu.memory_space<hbm>>
      %dma_start3A_81 = arith.constant 0 : i32
      %dma_start3A_82 = tpu.memref_slice %arg8[%mul3A_73, %dma_start3A_81] : memref<10112x64xf32, #tpu.memory_space<vmem_shared>> -> memref<632x64xf32, #tpu.memory_space<vmem_shared>>
      tpu.enqueue_dma source(%dma_start3A_82 : memref<632x64xf32, #tpu.memory_space<vmem_shared>>) target(%dma_start3A_80 : memref<632x64xf32, #tpu.memory_space<hbm>>) target_semaphore(%run_scoped3A : memref<!tpu.dma_semaphore, #tpu.memory_space<semaphore_mem>>)
      %dma_wait3A_83 = arith.constant 0 : i32
      %dma_wait3A_84 = arith.constant 0 : i32
      %dma_wait3A_85 = tpu.memref_slice %arg5[%arg0, %dma_wait3A_83, %dma_wait3A_84] : memref<2x10112x64xf32, #tpu.memory_space<hbm>> -> memref<1x10112x64xf32, #tpu.memory_space<hbm>>
      %dma_wait3A_86 = tpu.memref_squeeze %dma_wait3A_85 : memref<1x10112x64xf32, #tpu.memory_space<hbm>> -> memref<10112x64xf32, #tpu.memory_space<hbm>>
      %dma_wait3A_87 = arith.constant 0 : i32
      %dma_wait3A_88 = tpu.memref_slice %dma_wait3A_86[%mul3A_75, %dma_wait3A_87] : memref<10112x64xf32, #tpu.memory_space<hbm>> -> memref<632x64xf32, #tpu.memory_space<hbm>>
      %dma_wait3A_89 = arith.constant 0 : i32
      %dma_wait3A_90 = tpu.memref_slice %arg8[%mul3A_73, %dma_wait3A_89] : memref<10112x64xf32, #tpu.memory_space<vmem_shared>> -> memref<632x64xf32, #tpu.memory_space<vmem_shared>>
      tpu.wait_dma2 semaphore(%run_scoped3A : memref<!tpu.dma_semaphore, #tpu.memory_space<semaphore_mem>>) src(%dma_wait3A_90 : memref<632x64xf32, #tpu.memory_space<vmem_shared>>) dst(%dma_wait3A_88 : memref<632x64xf32, #tpu.memory_space<hbm>>)
      tpu.yield
    }) : () -> ()
    return
  }
}

#map = affine_map<(d0, d1) -> (0, 0)>
#map1 = affine_map<(d0, d1) -> (0, 0, 0)>
module attributes {stable_mosaic.version = 14 : i64} {
  func.func @_sc_scatter(%arg0: i32, %arg1: i32, %arg2: memref<2560x128xi32, #tpu.memory_space<hbm>>, %arg3: memref<2560x128xi32, #tpu.memory_space<hbm>>, %arg4: memref<2x10000x64xf32, #tpu.memory_space<hbm>>, %arg5: memref<10112x64xf32, #tpu.memory_space<hbm>>, %arg6: memref<2x10112x64xf32, #tpu.memory_space<hbm>>, %arg7: memref<40x128xi32, #tpu.memory_space<vmem>>, %arg8: memref<40x128xi32, #tpu.memory_space<vmem>>, %arg9: memref<128x64xf32, #tpu.memory_space<vmem>>, %arg10: memref<128x64xf32, #tpu.memory_space<vmem>>, %arg11: memref<128x64xf32, #tpu.memory_space<vmem>>, %arg12: memref<128x64xf32, #tpu.memory_space<vmem>>, %arg13: memref<10000x64xf32, #tpu.memory_space<vmem_shared>>, %arg14: memref<10112x64xf32, #tpu.memory_space<vmem_shared>>, %arg15: memref<!tpu.dma_semaphore, #tpu.memory_space<semaphore_mem>>, %arg16: memref<!tpu.dma_semaphore, #tpu.memory_space<semaphore_mem>>, %arg17: memref<!tpu.dma_semaphore, #tpu.memory_space<semaphore_mem>>, %arg18: memref<!tpu.dma_semaphore, #tpu.memory_space<semaphore_mem>>, %arg19: memref<!tpu.dma_semaphore, #tpu.memory_space<semaphore_mem>>, %arg20: memref<!tpu.dma_semaphore, #tpu.memory_space<semaphore_mem>>, %arg21: memref<!tpu.dma_semaphore, #tpu.memory_space<semaphore_mem>>, %arg22: memref<!tpu.dma_semaphore, #tpu.memory_space<semaphore_mem>>) attributes {dimension_semantics = [#tpu.dimension_semantics<core_parallel>, #tpu.dimension_semantics<subcore_parallel>], iteration_bounds = array<i64: 2, 16>, scalar_prefetch = 0 : i64, scratch_operands = 16 : i64, tpu.core_type = #tpu.core_type<sc_vector_subcore>, window_params = [{transform_indices = #map}, {transform_indices = #map}, {transform_indices = #map1}, {transform_indices = #map}, {transform_indices = #map1}]} {
    %mul3A = arith.constant 632 : i32
    %mul3A_0 = arith.muli %arg1, %mul3A : i32
    %mul3A_1 = arith.constant 632 : i32
    %mul3A_2 = arith.muli %arg1, %mul3A_1 : i32
    "tpu.region"() ({
      %run_scoped3A = tpu.sem_alloc : memref<!tpu.dma_semaphore, #tpu.memory_space<semaphore_mem>>
      %dma_start3A_492 = arith.constant 0 : i32
      %dma_start3A_493 = tpu.memref_slice %arg14[%mul3A_2, %dma_start3A_492] : memref<10112x64xf32, #tpu.memory_space<vmem_shared>> -> memref<632x64xf32, #tpu.memory_space<vmem_shared>>
      %dma_start3A_494 = arith.constant 0 : i32
      %dma_start3A_495 = tpu.memref_slice %arg5[%mul3A_0, %dma_start3A_494] : memref<10112x64xf32, #tpu.memory_space<hbm>> -> memref<632x64xf32, #tpu.memory_space<hbm>>
      tpu.enqueue_dma source(%dma_start3A_495 : memref<632x64xf32, #tpu.memory_space<hbm>>) target(%dma_start3A_493 : memref<632x64xf32, #tpu.memory_space<vmem_shared>>) target_semaphore(%run_scoped3A : memref<!tpu.dma_semaphore, #tpu.memory_space<semaphore_mem>>)
      %dma_wait3A_496 = arith.constant 0 : i32
      %dma_wait3A_497 = tpu.memref_slice %arg14[%mul3A_2, %dma_wait3A_496] : memref<10112x64xf32, #tpu.memory_space<vmem_shared>> -> memref<632x64xf32, #tpu.memory_space<vmem_shared>>
      %dma_wait3A_498 = arith.constant 0 : i32
      %dma_wait3A_499 = tpu.memref_slice %arg5[%mul3A_0, %dma_wait3A_498] : memref<10112x64xf32, #tpu.memory_space<hbm>> -> memref<632x64xf32, #tpu.memory_space<hbm>>
      tpu.wait_dma2 semaphore(%run_scoped3A : memref<!tpu.dma_semaphore, #tpu.memory_space<semaphore_mem>>) src(%dma_wait3A_499 : memref<632x64xf32, #tpu.memory_space<hbm>>) dst(%dma_wait3A_497 : memref<632x64xf32, #tpu.memory_space<vmem_shared>>)
      tpu.yield
    }) : () -> ()
    %mul3A_3 = arith.constant 625 : i32
    %mul3A_4 = arith.muli %arg1, %mul3A_3 : i32
    %mul3A_5 = arith.constant 625 : i32
    %mul3A_6 = arith.muli %arg1, %mul3A_5 : i32
    "tpu.region"() ({
      %run_scoped3A = tpu.sem_alloc : memref<!tpu.dma_semaphore, #tpu.memory_space<semaphore_mem>>
      %dma_start3A_492 = arith.constant 0 : i32
      %dma_start3A_493 = tpu.memref_slice %arg13[%mul3A_6, %dma_start3A_492] : memref<10000x64xf32, #tpu.memory_space<vmem_shared>> -> memref<625x64xf32, #tpu.memory_space<vmem_shared>>
      %dma_start3A_494 = arith.constant 0 : i32
      %dma_start3A_495 = arith.constant 0 : i32
      %dma_start3A_496 = tpu.memref_slice %arg4[%arg0, %dma_start3A_494, %dma_start3A_495] : memref<2x10000x64xf32, #tpu.memory_space<hbm>> -> memref<1x10000x64xf32, #tpu.memory_space<hbm>>
      %dma_start3A_497 = tpu.memref_squeeze %dma_start3A_496 : memref<1x10000x64xf32, #tpu.memory_space<hbm>> -> memref<10000x64xf32, #tpu.memory_space<hbm>>
      %dma_start3A_498 = arith.constant 0 : i32
      %dma_start3A_499 = tpu.memref_slice %dma_start3A_497[%mul3A_4, %dma_start3A_498] : memref<10000x64xf32, #tpu.memory_space<hbm>> -> memref<625x64xf32, #tpu.memory_space<hbm>>
      tpu.enqueue_dma source(%dma_start3A_499 : memref<625x64xf32, #tpu.memory_space<hbm>>) target(%dma_start3A_493 : memref<625x64xf32, #tpu.memory_space<vmem_shared>>) target_semaphore(%run_scoped3A : memref<!tpu.dma_semaphore, #tpu.memory_space<semaphore_mem>>)
      %dma_wait3A_500 = arith.constant 0 : i32
      %dma_wait3A_501 = tpu.memref_slice %arg13[%mul3A_6, %dma_wait3A_500] : memref<10000x64xf32, #tpu.memory_space<vmem_shared>> -> memref<625x64xf32, #tpu.memory_space<vmem_shared>>
      %dma_wait3A_502 = arith.constant 0 : i32
      %dma_wait3A_503 = arith.constant 0 : i32
      %dma_wait3A_504 = tpu.memref_slice %arg4[%arg0, %dma_wait3A_502, %dma_wait3A_503] : memref<2x10000x64xf32, #tpu.memory_space<hbm>> -> memref<1x10000x64xf32, #tpu.memory_space<hbm>>
      %dma_wait3A_505 = tpu.memref_squeeze %dma_wait3A_504 : memref<1x10000x64xf32, #tpu.memory_space<hbm>> -> memref<10000x64xf32, #tpu.memory_space<hbm>>
      %dma_wait3A_506 = arith.constant 0 : i32
      %dma_wait3A_507 = tpu.memref_slice %dma_wait3A_505[%mul3A_4, %dma_wait3A_506] : memref<10000x64xf32, #tpu.memory_space<hbm>> -> memref<625x64xf32, #tpu.memory_space<hbm>>
      tpu.wait_dma2 semaphore(%run_scoped3A : memref<!tpu.dma_semaphore, #tpu.memory_space<semaphore_mem>>) src(%dma_wait3A_507 : memref<625x64xf32, #tpu.memory_space<hbm>>) dst(%dma_wait3A_501 : memref<625x64xf32, #tpu.memory_space<vmem_shared>>)
      tpu.yield
    }) : () -> ()
    %barrier3A = arith.constant 0 : index
    tpu.barrier barrier_id(%barrier3A)
    %mul3A_7 = arith.constant 160 : i32
    %mul3A_8 = arith.muli %arg1, %mul3A_7 : i32
    %add3A = arith.constant 0 : i32
    %add3A_9 = arith.addi %mul3A_8, %add3A : i32
    "tpu.region"() ({
      %run_scoped3A = tpu.sem_alloc : memref<!tpu.dma_semaphore, #tpu.memory_space<semaphore_mem>>
      %dma_start3A_492 = arith.constant 0 : i32
      %dma_start3A_493 = tpu.memref_slice %arg2[%add3A_9, %dma_start3A_492] : memref<2560x128xi32, #tpu.memory_space<hbm>> -> memref<40x128xi32, #tpu.memory_space<hbm>>
      %dma_start3A_494 = arith.constant 0 : i32
      %dma_start3A_495 = tpu.memref_slice %arg2[%add3A_9, %dma_start3A_494] : memref<2560x128xi32, #tpu.memory_space<hbm>> -> memref<40x128xi32, #tpu.memory_space<hbm>>
      tpu.enqueue_dma source(%dma_start3A_495 : memref<40x128xi32, #tpu.memory_space<hbm>>) target(%arg7 : memref<40x128xi32, #tpu.memory_space<vmem>>) target_semaphore(%run_scoped3A : memref<!tpu.dma_semaphore, #tpu.memory_space<semaphore_mem>>)
      %dma_wait3A_496 = arith.constant 0 : i32
      %dma_wait3A_497 = tpu.memref_slice %arg2[%add3A_9, %dma_wait3A_496] : memref<2560x128xi32, #tpu.memory_space<hbm>> -> memref<40x128xi32, #tpu.memory_space<hbm>>
      %dma_wait3A_498 = arith.constant 0 : i32
      %dma_wait3A_499 = tpu.memref_slice %arg2[%add3A_9, %dma_wait3A_498] : memref<2560x128xi32, #tpu.memory_space<hbm>> -> memref<40x128xi32, #tpu.memory_space<hbm>>
      tpu.wait_dma2 semaphore(%run_scoped3A : memref<!tpu.dma_semaphore, #tpu.memory_space<semaphore_mem>>) src(%dma_wait3A_499 : memref<40x128xi32, #tpu.memory_space<hbm>>) dst(%arg7 : memref<40x128xi32, #tpu.memory_space<vmem>>)
      tpu.yield
    }) : () -> ()
    "tpu.region"() ({
      %run_scoped3A = tpu.sem_alloc : memref<!tpu.dma_semaphore, #tpu.memory_space<semaphore_mem>>
      %dma_start3A_492 = arith.constant 0 : i32
      %dma_start3A_493 = tpu.memref_slice %arg3[%add3A_9, %dma_start3A_492] : memref<2560x128xi32, #tpu.memory_space<hbm>> -> memref<40x128xi32, #tpu.memory_space<hbm>>
      %dma_start3A_494 = arith.constant 0 : i32
      %dma_start3A_495 = tpu.memref_slice %arg3[%add3A_9, %dma_start3A_494] : memref<2560x128xi32, #tpu.memory_space<hbm>> -> memref<40x128xi32, #tpu.memory_space<hbm>>
      tpu.enqueue_dma source(%dma_start3A_495 : memref<40x128xi32, #tpu.memory_space<hbm>>) target(%arg8 : memref<40x128xi32, #tpu.memory_space<vmem>>) target_semaphore(%run_scoped3A : memref<!tpu.dma_semaphore, #tpu.memory_space<semaphore_mem>>)
      %dma_wait3A_496 = arith.constant 0 : i32
      %dma_wait3A_497 = tpu.memref_slice %arg3[%add3A_9, %dma_wait3A_496] : memref<2560x128xi32, #tpu.memory_space<hbm>> -> memref<40x128xi32, #tpu.memory_space<hbm>>
      %dma_wait3A_498 = arith.constant 0 : i32
      %dma_wait3A_499 = tpu.memref_slice %arg3[%add3A_9, %dma_wait3A_498] : memref<2560x128xi32, #tpu.memory_space<hbm>> -> memref<40x128xi32, #tpu.memory_space<hbm>>
      tpu.wait_dma2 semaphore(%run_scoped3A : memref<!tpu.dma_semaphore, #tpu.memory_space<semaphore_mem>>) src(%dma_wait3A_499 : memref<40x128xi32, #tpu.memory_space<hbm>>) dst(%arg8 : memref<40x128xi32, #tpu.memory_space<vmem>>)
      tpu.yield
    }) : () -> ()
    %dma_start3A = arith.constant 0 : i32
    %dma_start3A_10 = arith.constant 0 : i32
    %dma_start3A_11 = tpu.memref_slice %arg7[%dma_start3A, %dma_start3A_10] : memref<40x128xi32, #tpu.memory_space<vmem>> -> memref<1x128xi32, #tpu.memory_space<vmem>>
    %dma_start3A_12 = tpu.memref_squeeze %dma_start3A_11 : memref<1x128xi32, #tpu.memory_space<vmem>> -> memref<128xi32, #tpu.memory_space<vmem>>
    %dma_start3A_13 = arith.constant 0 : i32
    %dma_start3A_14 = arith.constant 0 : i32
    %dma_start3A_15 = tpu.memref_slice %arg13[%dma_start3A_13, %dma_start3A_14] : memref<10000x64xf32, #tpu.memory_space<vmem_shared>> -> memref<10000x64xf32, #tpu.memory_space<vmem_shared>>
    tpu.enqueue_indirect_dma source(%dma_start3A_15 : memref<10000x64xf32, #tpu.memory_space<vmem_shared>>) target(%arg9 : memref<128x64xf32, #tpu.memory_space<vmem>>) offsets(%dma_start3A_12 : memref<128xi32, #tpu.memory_space<vmem>>) semaphore(%arg15 : memref<!tpu.dma_semaphore, #tpu.memory_space<semaphore_mem>>)
    %dma_start3A_16 = arith.constant 1 : i32
    %dma_start3A_17 = arith.constant 0 : i32
    %dma_start3A_18 = tpu.memref_slice %arg7[%dma_start3A_16, %dma_start3A_17] : memref<40x128xi32, #tpu.memory_space<vmem>> -> memref<1x128xi32, #tpu.memory_space<vmem>>
    %dma_start3A_19 = tpu.memref_squeeze %dma_start3A_18 : memref<1x128xi32, #tpu.memory_space<vmem>> -> memref<128xi32, #tpu.memory_space<vmem>>
    %dma_start3A_20 = arith.constant 0 : i32
    %dma_start3A_21 = arith.constant 0 : i32
    %dma_start3A_22 = tpu.memref_slice %arg13[%dma_start3A_20, %dma_start3A_21] : memref<10000x64xf32, #tpu.memory_space<vmem_shared>> -> memref<10000x64xf32, #tpu.memory_space<vmem_shared>>
    tpu.enqueue_indirect_dma source(%dma_start3A_22 : memref<10000x64xf32, #tpu.memory_space<vmem_shared>>) target(%arg10 : memref<128x64xf32, #tpu.memory_space<vmem>>) offsets(%dma_start3A_19 : memref<128xi32, #tpu.memory_space<vmem>>) semaphore(%arg16 : memref<!tpu.dma_semaphore, #tpu.memory_space<semaphore_mem>>)
    %dma_start3A_23 = arith.constant 2 : i32
    %dma_start3A_24 = arith.constant 0 : i32
    %dma_start3A_25 = tpu.memref_slice %arg7[%dma_start3A_23, %dma_start3A_24] : memref<40x128xi32, #tpu.memory_space<vmem>> -> memref<1x128xi32, #tpu.memory_space<vmem>>
    %dma_start3A_26 = tpu.memref_squeeze %dma_start3A_25 : memref<1x128xi32, #tpu.memory_space<vmem>> -> memref<128xi32, #tpu.memory_space<vmem>>
    %dma_start3A_27 = arith.constant 0 : i32
    %dma_start3A_28 = arith.constant 0 : i32
    %dma_start3A_29 = tpu.memref_slice %arg13[%dma_start3A_27, %dma_start3A_28] : memref<10000x64xf32, #tpu.memory_space<vmem_shared>> -> memref<10000x64xf32, #tpu.memory_space<vmem_shared>>
    tpu.enqueue_indirect_dma source(%dma_start3A_29 : memref<10000x64xf32, #tpu.memory_space<vmem_shared>>) target(%arg11 : memref<128x64xf32, #tpu.memory_space<vmem>>) offsets(%dma_start3A_26 : memref<128xi32, #tpu.memory_space<vmem>>) semaphore(%arg17 : memref<!tpu.dma_semaphore, #tpu.memory_space<semaphore_mem>>)
    %dma_start3A_30 = arith.constant 3 : i32
    %dma_start3A_31 = arith.constant 0 : i32
    %dma_start3A_32 = tpu.memref_slice %arg7[%dma_start3A_30, %dma_start3A_31] : memref<40x128xi32, #tpu.memory_space<vmem>> -> memref<1x128xi32, #tpu.memory_space<vmem>>
    %dma_start3A_33 = tpu.memref_squeeze %dma_start3A_32 : memref<1x128xi32, #tpu.memory_space<vmem>> -> memref<128xi32, #tpu.memory_space<vmem>>
    %dma_start3A_34 = arith.constant 0 : i32
    %dma_start3A_35 = arith.constant 0 : i32
    %dma_start3A_36 = tpu.memref_slice %arg13[%dma_start3A_34, %dma_start3A_35] : memref<10000x64xf32, #tpu.memory_space<vmem_shared>> -> memref<10000x64xf32, #tpu.memory_space<vmem_shared>>
    tpu.enqueue_indirect_dma source(%dma_start3A_36 : memref<10000x64xf32, #tpu.memory_space<vmem_shared>>) target(%arg12 : memref<128x64xf32, #tpu.memory_space<vmem>>) offsets(%dma_start3A_33 : memref<128xi32, #tpu.memory_space<vmem>>) semaphore(%arg18 : memref<!tpu.dma_semaphore, #tpu.memory_space<semaphore_mem>>)
    %dma_wait3A = arith.constant 0 : i32
    %dma_wait3A_37 = arith.constant 0 : i32
    %dma_wait3A_38 = tpu.memref_slice %arg7[%dma_wait3A, %dma_wait3A_37] : memref<40x128xi32, #tpu.memory_space<vmem>> -> memref<1x128xi32, #tpu.memory_space<vmem>>
    %dma_wait3A_39 = tpu.memref_squeeze %dma_wait3A_38 : memref<1x128xi32, #tpu.memory_space<vmem>> -> memref<128xi32, #tpu.memory_space<vmem>>
    %dma_wait3A_40 = arith.constant 0 : i32
    %dma_wait3A_41 = arith.constant 0 : i32
    %dma_wait3A_42 = tpu.memref_slice %arg13[%dma_wait3A_40, %dma_wait3A_41] : memref<10000x64xf32, #tpu.memory_space<vmem_shared>> -> memref<10000x64xf32, #tpu.memory_space<vmem_shared>>
    tpu.wait_indirect_dma semaphore(%arg15 : memref<!tpu.dma_semaphore, #tpu.memory_space<semaphore_mem>>) src(%dma_wait3A_42 : memref<10000x64xf32, #tpu.memory_space<vmem_shared>>) dst(%arg9 : memref<128x64xf32, #tpu.memory_space<vmem>>)
    %dma_start3A_43 = arith.constant 0 : i32
    %dma_start3A_44 = arith.constant 0 : i32
    %dma_start3A_45 = tpu.memref_slice %arg8[%dma_start3A_43, %dma_start3A_44] : memref<40x128xi32, #tpu.memory_space<vmem>> -> memref<1x128xi32, #tpu.memory_space<vmem>>
    %dma_start3A_46 = tpu.memref_squeeze %dma_start3A_45 : memref<1x128xi32, #tpu.memory_space<vmem>> -> memref<128xi32, #tpu.memory_space<vmem>>
    %dma_start3A_47 = arith.constant 0 : i32
    %dma_start3A_48 = arith.constant 0 : i32
    %dma_start3A_49 = tpu.memref_slice %arg14[%dma_start3A_47, %dma_start3A_48] : memref<10112x64xf32, #tpu.memory_space<vmem_shared>> -> memref<10112x64xf32, #tpu.memory_space<vmem_shared>>
    tpu.enqueue_indirect_dma source(%arg9 : memref<128x64xf32, #tpu.memory_space<vmem>>) target(%dma_start3A_49 : memref<10112x64xf32, #tpu.memory_space<vmem_shared>>) offsets(%dma_start3A_46 : memref<128xi32, #tpu.memory_space<vmem>>) semaphore(%arg19 : memref<!tpu.dma_semaphore, #tpu.memory_space<semaphore_mem>>) {add = true}
    %scan3A = arith.constant 0 : i32
    %scan3A_50 = arith.constant 9 : i32
    %scan3A_51 = arith.addi %scan3A, %scan3A_50 : i32
    %scan3A_52 = arith.constant 1 : i32
    scf.for %scan3A_492 = %scan3A to %scan3A_51 step %scan3A_52  : i32 {
      %mul3A_493 = arith.constant 4 : i32
      %mul3A_494 = arith.muli %mul3A_493, %scan3A_492 : i32
      %add3A_495 = arith.constant 1 : i32
      %add3A_496 = arith.addi %mul3A_494, %add3A_495 : i32
      %add3A_497 = arith.constant 0 : i32
      %add3A_498 = arith.addi %add3A_496, %add3A_497 : i32
      %dma_wait3A_499 = arith.constant 0 : i32
      %dma_wait3A_500 = tpu.memref_slice %arg7[%add3A_498, %dma_wait3A_499] : memref<40x128xi32, #tpu.memory_space<vmem>> -> memref<1x128xi32, #tpu.memory_space<vmem>>
      %dma_wait3A_501 = tpu.memref_squeeze %dma_wait3A_500 : memref<1x128xi32, #tpu.memory_space<vmem>> -> memref<128xi32, #tpu.memory_space<vmem>>
      %dma_wait3A_502 = arith.constant 0 : i32
      %dma_wait3A_503 = arith.constant 0 : i32
      %dma_wait3A_504 = tpu.memref_slice %arg13[%dma_wait3A_502, %dma_wait3A_503] : memref<10000x64xf32, #tpu.memory_space<vmem_shared>> -> memref<10000x64xf32, #tpu.memory_space<vmem_shared>>
      tpu.wait_indirect_dma semaphore(%arg16 : memref<!tpu.dma_semaphore, #tpu.memory_space<semaphore_mem>>) src(%dma_wait3A_504 : memref<10000x64xf32, #tpu.memory_space<vmem_shared>>) dst(%arg10 : memref<128x64xf32, #tpu.memory_space<vmem>>)
      %dma_start3A_505 = arith.constant 0 : i32
      %dma_start3A_506 = tpu.memref_slice %arg8[%add3A_498, %dma_start3A_505] : memref<40x128xi32, #tpu.memory_space<vmem>> -> memref<1x128xi32, #tpu.memory_space<vmem>>
      %dma_start3A_507 = tpu.memref_squeeze %dma_start3A_506 : memref<1x128xi32, #tpu.memory_space<vmem>> -> memref<128xi32, #tpu.memory_space<vmem>>
      %dma_start3A_508 = arith.constant 0 : i32
      %dma_start3A_509 = arith.constant 0 : i32
      %dma_start3A_510 = tpu.memref_slice %arg14[%dma_start3A_508, %dma_start3A_509] : memref<10112x64xf32, #tpu.memory_space<vmem_shared>> -> memref<10112x64xf32, #tpu.memory_space<vmem_shared>>
      tpu.enqueue_indirect_dma source(%arg10 : memref<128x64xf32, #tpu.memory_space<vmem>>) target(%dma_start3A_510 : memref<10112x64xf32, #tpu.memory_space<vmem_shared>>) offsets(%dma_start3A_507 : memref<128xi32, #tpu.memory_space<vmem>>) semaphore(%arg20 : memref<!tpu.dma_semaphore, #tpu.memory_space<semaphore_mem>>) {add = true}
      %sub3A = arith.constant 1 : i32
      %sub3A_511 = arith.subi %add3A_498, %sub3A : i32
      %dma_wait3A_512 = arith.constant 0 : i32
      %dma_wait3A_513 = tpu.memref_slice %arg8[%sub3A_511, %dma_wait3A_512] : memref<40x128xi32, #tpu.memory_space<vmem>> -> memref<1x128xi32, #tpu.memory_space<vmem>>
      %dma_wait3A_514 = tpu.memref_squeeze %dma_wait3A_513 : memref<1x128xi32, #tpu.memory_space<vmem>> -> memref<128xi32, #tpu.memory_space<vmem>>
      %dma_wait3A_515 = arith.constant 0 : i32
      %dma_wait3A_516 = arith.constant 0 : i32
      %dma_wait3A_517 = tpu.memref_slice %arg14[%dma_wait3A_515, %dma_wait3A_516] : memref<10112x64xf32, #tpu.memory_space<vmem_shared>> -> memref<10112x64xf32, #tpu.memory_space<vmem_shared>>
      tpu.wait_indirect_dma semaphore(%arg19 : memref<!tpu.dma_semaphore, #tpu.memory_space<semaphore_mem>>) src(%arg9 : memref<128x64xf32, #tpu.memory_space<vmem>>) dst(%dma_wait3A_517 : memref<10112x64xf32, #tpu.memory_space<vmem_shared>>)
      %add3A_518 = arith.constant 4 : i32
      %add3A_519 = arith.addi %add3A_498, %add3A_518 : i32
      %sub3A_520 = arith.constant 1 : i32
      %sub3A_521 = arith.subi %add3A_519, %sub3A_520 : i32
      %dma_start3A_522 = arith.constant 0 : i32
      %dma_start3A_523 = tpu.memref_slice %arg7[%sub3A_521, %dma_start3A_522] : memref<40x128xi32, #tpu.memory_space<vmem>> -> memref<1x128xi32, #tpu.memory_space<vmem>>
      %dma_start3A_524 = tpu.memref_squeeze %dma_start3A_523 : memref<1x128xi32, #tpu.memory_space<vmem>> -> memref<128xi32, #tpu.memory_space<vmem>>
      %dma_start3A_525 = arith.constant 0 : i32
      %dma_start3A_526 = arith.constant 0 : i32
      %dma_start3A_527 = tpu.memref_slice %arg13[%dma_start3A_525, %dma_start3A_526] : memref<10000x64xf32, #tpu.memory_space<vmem_shared>> -> memref<10000x64xf32, #tpu.memory_space<vmem_shared>>
      tpu.enqueue_indirect_dma source(%dma_start3A_527 : memref<10000x64xf32, #tpu.memory_space<vmem_shared>>) target(%arg9 : memref<128x64xf32, #tpu.memory_space<vmem>>) offsets(%dma_start3A_524 : memref<128xi32, #tpu.memory_space<vmem>>) semaphore(%arg15 : memref<!tpu.dma_semaphore, #tpu.memory_space<semaphore_mem>>)
      %add3A_528 = arith.constant 1 : i32
      %add3A_529 = arith.addi %add3A_496, %add3A_528 : i32
      %dma_wait3A_530 = arith.constant 0 : i32
      %dma_wait3A_531 = tpu.memref_slice %arg7[%add3A_529, %dma_wait3A_530] : memref<40x128xi32, #tpu.memory_space<vmem>> -> memref<1x128xi32, #tpu.memory_space<vmem>>
      %dma_wait3A_532 = tpu.memref_squeeze %dma_wait3A_531 : memref<1x128xi32, #tpu.memory_space<vmem>> -> memref<128xi32, #tpu.memory_space<vmem>>
      %dma_wait3A_533 = arith.constant 0 : i32
      %dma_wait3A_534 = arith.constant 0 : i32
      %dma_wait3A_535 = tpu.memref_slice %arg13[%dma_wait3A_533, %dma_wait3A_534] : memref<10000x64xf32, #tpu.memory_space<vmem_shared>> -> memref<10000x64xf32, #tpu.memory_space<vmem_shared>>
      tpu.wait_indirect_dma semaphore(%arg17 : memref<!tpu.dma_semaphore, #tpu.memory_space<semaphore_mem>>) src(%dma_wait3A_535 : memref<10000x64xf32, #tpu.memory_space<vmem_shared>>) dst(%arg11 : memref<128x64xf32, #tpu.memory_space<vmem>>)
      %dma_start3A_536 = arith.constant 0 : i32
      %dma_start3A_537 = tpu.memref_slice %arg8[%add3A_529, %dma_start3A_536] : memref<40x128xi32, #tpu.memory_space<vmem>> -> memref<1x128xi32, #tpu.memory_space<vmem>>
      %dma_start3A_538 = tpu.memref_squeeze %dma_start3A_537 : memref<1x128xi32, #tpu.memory_space<vmem>> -> memref<128xi32, #tpu.memory_space<vmem>>
      %dma_start3A_539 = arith.constant 0 : i32
      %dma_start3A_540 = arith.constant 0 : i32
      %dma_start3A_541 = tpu.memref_slice %arg14[%dma_start3A_539, %dma_start3A_540] : memref<10112x64xf32, #tpu.memory_space<vmem_shared>> -> memref<10112x64xf32, #tpu.memory_space<vmem_shared>>
      tpu.enqueue_indirect_dma source(%arg11 : memref<128x64xf32, #tpu.memory_space<vmem>>) target(%dma_start3A_541 : memref<10112x64xf32, #tpu.memory_space<vmem_shared>>) offsets(%dma_start3A_538 : memref<128xi32, #tpu.memory_space<vmem>>) semaphore(%arg21 : memref<!tpu.dma_semaphore, #tpu.memory_space<semaphore_mem>>) {add = true}
      %sub3A_542 = arith.constant 1 : i32
      %sub3A_543 = arith.subi %add3A_529, %sub3A_542 : i32
      %dma_wait3A_544 = arith.constant 0 : i32
      %dma_wait3A_545 = tpu.memref_slice %arg8[%sub3A_543, %dma_wait3A_544] : memref<40x128xi32, #tpu.memory_space<vmem>> -> memref<1x128xi32, #tpu.memory_space<vmem>>
      %dma_wait3A_546 = tpu.memref_squeeze %dma_wait3A_545 : memref<1x128xi32, #tpu.memory_space<vmem>> -> memref<128xi32, #tpu.memory_space<vmem>>
      %dma_wait3A_547 = arith.constant 0 : i32
      %dma_wait3A_548 = arith.constant 0 : i32
      %dma_wait3A_549 = tpu.memref_slice %arg14[%dma_wait3A_547, %dma_wait3A_548] : memref<10112x64xf32, #tpu.memory_space<vmem_shared>> -> memref<10112x64xf32, #tpu.memory_space<vmem_shared>>
      tpu.wait_indirect_dma semaphore(%arg20 : memref<!tpu.dma_semaphore, #tpu.memory_space<semaphore_mem>>) src(%arg10 : memref<128x64xf32, #tpu.memory_space<vmem>>) dst(%dma_wait3A_549 : memref<10112x64xf32, #tpu.memory_space<vmem_shared>>)
      %add3A_550 = arith.constant 4 : i32
      %add3A_551 = arith.addi %add3A_529, %add3A_550 : i32
      %sub3A_552 = arith.constant 1 : i32
      %sub3A_553 = arith.subi %add3A_551, %sub3A_552 : i32
      %dma_start3A_554 = arith.constant 0 : i32
      %dma_start3A_555 = tpu.memref_slice %arg7[%sub3A_553, %dma_start3A_554] : memref<40x128xi32, #tpu.memory_space<vmem>> -> memref<1x128xi32, #tpu.memory_space<vmem>>
      %dma_start3A_556 = tpu.memref_squeeze %dma_start3A_555 : memref<1x128xi32, #tpu.memory_space<vmem>> -> memref<128xi32, #tpu.memory_space<vmem>>
      %dma_start3A_557 = arith.constant 0 : i32
      %dma_start3A_558 = arith.constant 0 : i32
      %dma_start3A_559 = tpu.memref_slice %arg13[%dma_start3A_557, %dma_start3A_558] : memref<10000x64xf32, #tpu.memory_space<vmem_shared>> -> memref<10000x64xf32, #tpu.memory_space<vmem_shared>>
      tpu.enqueue_indirect_dma source(%dma_start3A_559 : memref<10000x64xf32, #tpu.memory_space<vmem_shared>>) target(%arg10 : memref<128x64xf32, #tpu.memory_space<vmem>>) offsets(%dma_start3A_556 : memref<128xi32, #tpu.memory_space<vmem>>) semaphore(%arg16 : memref<!tpu.dma_semaphore, #tpu.memory_space<semaphore_mem>>)
      %add3A_560 = arith.constant 2 : i32
      %add3A_561 = arith.addi %add3A_496, %add3A_560 : i32
      %dma_wait3A_562 = arith.constant 0 : i32
      %dma_wait3A_563 = tpu.memref_slice %arg7[%add3A_561, %dma_wait3A_562] : memref<40x128xi32, #tpu.memory_space<vmem>> -> memref<1x128xi32, #tpu.memory_space<vmem>>
      %dma_wait3A_564 = tpu.memref_squeeze %dma_wait3A_563 : memref<1x128xi32, #tpu.memory_space<vmem>> -> memref<128xi32, #tpu.memory_space<vmem>>
      %dma_wait3A_565 = arith.constant 0 : i32
      %dma_wait3A_566 = arith.constant 0 : i32
      %dma_wait3A_567 = tpu.memref_slice %arg13[%dma_wait3A_565, %dma_wait3A_566] : memref<10000x64xf32, #tpu.memory_space<vmem_shared>> -> memref<10000x64xf32, #tpu.memory_space<vmem_shared>>
      tpu.wait_indirect_dma semaphore(%arg18 : memref<!tpu.dma_semaphore, #tpu.memory_space<semaphore_mem>>) src(%dma_wait3A_567 : memref<10000x64xf32, #tpu.memory_space<vmem_shared>>) dst(%arg12 : memref<128x64xf32, #tpu.memory_space<vmem>>)
      %dma_start3A_568 = arith.constant 0 : i32
      %dma_start3A_569 = tpu.memref_slice %arg8[%add3A_561, %dma_start3A_568] : memref<40x128xi32, #tpu.memory_space<vmem>> -> memref<1x128xi32, #tpu.memory_space<vmem>>
      %dma_start3A_570 = tpu.memref_squeeze %dma_start3A_569 : memref<1x128xi32, #tpu.memory_space<vmem>> -> memref<128xi32, #tpu.memory_space<vmem>>
      %dma_start3A_571 = arith.constant 0 : i32
      %dma_start3A_572 = arith.constant 0 : i32
      %dma_start3A_573 = tpu.memref_slice %arg14[%dma_start3A_571, %dma_start3A_572] : memref<10112x64xf32, #tpu.memory_space<vmem_shared>> -> memref<10112x64xf32, #tpu.memory_space<vmem_shared>>
      tpu.enqueue_indirect_dma source(%arg12 : memref<128x64xf32, #tpu.memory_space<vmem>>) target(%dma_start3A_573 : memref<10112x64xf32, #tpu.memory_space<vmem_shared>>) offsets(%dma_start3A_570 : memref<128xi32, #tpu.memory_space<vmem>>) semaphore(%arg22 : memref<!tpu.dma_semaphore, #tpu.memory_space<semaphore_mem>>) {add = true}
      %sub3A_574 = arith.constant 1 : i32
      %sub3A_575 = arith.subi %add3A_561, %sub3A_574 : i32
      %dma_wait3A_576 = arith.constant 0 : i32
      %dma_wait3A_577 = tpu.memref_slice %arg8[%sub3A_575, %dma_wait3A_576] : memref<40x128xi32, #tpu.memory_space<vmem>> -> memref<1x128xi32, #tpu.memory_space<vmem>>
      %dma_wait3A_578 = tpu.memref_squeeze %dma_wait3A_577 : memref<1x128xi32, #tpu.memory_space<vmem>> -> memref<128xi32, #tpu.memory_space<vmem>>
      %dma_wait3A_579 = arith.constant 0 : i32
      %dma_wait3A_580 = arith.constant 0 : i32
      %dma_wait3A_581 = tpu.memref_slice %arg14[%dma_wait3A_579, %dma_wait3A_580] : memref<10112x64xf32, #tpu.memory_space<vmem_shared>> -> memref<10112x64xf32, #tpu.memory_space<vmem_shared>>
      tpu.wait_indirect_dma semaphore(%arg21 : memref<!tpu.dma_semaphore, #tpu.memory_space<semaphore_mem>>) src(%arg11 : memref<128x64xf32, #tpu.memory_space<vmem>>) dst(%dma_wait3A_581 : memref<10112x64xf32, #tpu.memory_space<vmem_shared>>)
      %add3A_582 = arith.constant 4 : i32
      %add3A_583 = arith.addi %add3A_561, %add3A_582 : i32
      %sub3A_584 = arith.constant 1 : i32
      %sub3A_585 = arith.subi %add3A_583, %sub3A_584 : i32
      %dma_start3A_586 = arith.constant 0 : i32
      %dma_start3A_587 = tpu.memref_slice %arg7[%sub3A_585, %dma_start3A_586] : memref<40x128xi32, #tpu.memory_space<vmem>> -> memref<1x128xi32, #tpu.memory_space<vmem>>
      %dma_start3A_588 = tpu.memref_squeeze %dma_start3A_587 : memref<1x128xi32, #tpu.memory_space<vmem>> -> memref<128xi32, #tpu.memory_space<vmem>>
      %dma_start3A_589 = arith.constant 0 : i32
      %dma_start3A_590 = arith.constant 0 : i32
      %dma_start3A_591 = tpu.memref_slice %arg13[%dma_start3A_589, %dma_start3A_590] : memref<10000x64xf32, #tpu.memory_space<vmem_shared>> -> memref<10000x64xf32, #tpu.memory_space<vmem_shared>>
      tpu.enqueue_indirect_dma source(%dma_start3A_591 : memref<10000x64xf32, #tpu.memory_space<vmem_shared>>) target(%arg11 : memref<128x64xf32, #tpu.memory_space<vmem>>) offsets(%dma_start3A_588 : memref<128xi32, #tpu.memory_space<vmem>>) semaphore(%arg17 : memref<!tpu.dma_semaphore, #tpu.memory_space<semaphore_mem>>)
      %add3A_592 = arith.constant 3 : i32
      %add3A_593 = arith.addi %add3A_496, %add3A_592 : i32
      %dma_wait3A_594 = arith.constant 0 : i32
      %dma_wait3A_595 = tpu.memref_slice %arg7[%add3A_593, %dma_wait3A_594] : memref<40x128xi32, #tpu.memory_space<vmem>> -> memref<1x128xi32, #tpu.memory_space<vmem>>
      %dma_wait3A_596 = tpu.memref_squeeze %dma_wait3A_595 : memref<1x128xi32, #tpu.memory_space<vmem>> -> memref<128xi32, #tpu.memory_space<vmem>>
      %dma_wait3A_597 = arith.constant 0 : i32
      %dma_wait3A_598 = arith.constant 0 : i32
      %dma_wait3A_599 = tpu.memref_slice %arg13[%dma_wait3A_597, %dma_wait3A_598] : memref<10000x64xf32, #tpu.memory_space<vmem_shared>> -> memref<10000x64xf32, #tpu.memory_space<vmem_shared>>
      tpu.wait_indirect_dma semaphore(%arg15 : memref<!tpu.dma_semaphore, #tpu.memory_space<semaphore_mem>>) src(%dma_wait3A_599 : memref<10000x64xf32, #tpu.memory_space<vmem_shared>>) dst(%arg9 : memref<128x64xf32, #tpu.memory_space<vmem>>)
      %dma_start3A_600 = arith.constant 0 : i32
      %dma_start3A_601 = tpu.memref_slice %arg8[%add3A_593, %dma_start3A_600] : memref<40x128xi32, #tpu.memory_space<vmem>> -> memref<1x128xi32, #tpu.memory_space<vmem>>
      %dma_start3A_602 = tpu.memref_squeeze %dma_start3A_601 : memref<1x128xi32, #tpu.memory_space<vmem>> -> memref<128xi32, #tpu.memory_space<vmem>>
      %dma_start3A_603 = arith.constant 0 : i32
      %dma_start3A_604 = arith.constant 0 : i32
      %dma_start3A_605 = tpu.memref_slice %arg14[%dma_start3A_603, %dma_start3A_604] : memref<10112x64xf32, #tpu.memory_space<vmem_shared>> -> memref<10112x64xf32, #tpu.memory_space<vmem_shared>>
      tpu.enqueue_indirect_dma source(%arg9 : memref<128x64xf32, #tpu.memory_space<vmem>>) target(%dma_start3A_605 : memref<10112x64xf32, #tpu.memory_space<vmem_shared>>) offsets(%dma_start3A_602 : memref<128xi32, #tpu.memory_space<vmem>>) semaphore(%arg19 : memref<!tpu.dma_semaphore, #tpu.memory_space<semaphore_mem>>) {add = true}
      %sub3A_606 = arith.constant 1 : i32
      %sub3A_607 = arith.subi %add3A_593, %sub3A_606 : i32
      %dma_wait3A_608 = arith.constant 0 : i32
      %dma_wait3A_609 = tpu.memref_slice %arg8[%sub3A_607, %dma_wait3A_608] : memref<40x128xi32, #tpu.memory_space<vmem>> -> memref<1x128xi32, #tpu.memory_space<vmem>>
      %dma_wait3A_610 = tpu.memref_squeeze %dma_wait3A_609 : memref<1x128xi32, #tpu.memory_space<vmem>> -> memref<128xi32, #tpu.memory_space<vmem>>
      %dma_wait3A_611 = arith.constant 0 : i32
      %dma_wait3A_612 = arith.constant 0 : i32
      %dma_wait3A_613 = tpu.memref_slice %arg14[%dma_wait3A_611, %dma_wait3A_612] : memref<10112x64xf32, #tpu.memory_space<vmem_shared>> -> memref<10112x64xf32, #tpu.memory_space<vmem_shared>>
      tpu.wait_indirect_dma semaphore(%arg22 : memref<!tpu.dma_semaphore, #tpu.memory_space<semaphore_mem>>) src(%arg12 : memref<128x64xf32, #tpu.memory_space<vmem>>) dst(%dma_wait3A_613 : memref<10112x64xf32, #tpu.memory_space<vmem_shared>>)
      %add3A_614 = arith.constant 4 : i32
      %add3A_615 = arith.addi %add3A_593, %add3A_614 : i32
      %sub3A_616 = arith.constant 1 : i32
      %sub3A_617 = arith.subi %add3A_615, %sub3A_616 : i32
      %dma_start3A_618 = arith.constant 0 : i32
      %dma_start3A_619 = tpu.memref_slice %arg7[%sub3A_617, %dma_start3A_618] : memref<40x128xi32, #tpu.memory_space<vmem>> -> memref<1x128xi32, #tpu.memory_space<vmem>>
      %dma_start3A_620 = tpu.memref_squeeze %dma_start3A_619 : memref<1x128xi32, #tpu.memory_space<vmem>> -> memref<128xi32, #tpu.memory_space<vmem>>
      %dma_start3A_621 = arith.constant 0 : i32
      %dma_start3A_622 = arith.constant 0 : i32
      %dma_start3A_623 = tpu.memref_slice %arg13[%dma_start3A_621, %dma_start3A_622] : memref<10000x64xf32, #tpu.memory_space<vmem_shared>> -> memref<10000x64xf32, #tpu.memory_space<vmem_shared>>
      tpu.enqueue_indirect_dma source(%dma_start3A_623 : memref<10000x64xf32, #tpu.memory_space<vmem_shared>>) target(%arg12 : memref<128x64xf32, #tpu.memory_space<vmem>>) offsets(%dma_start3A_620 : memref<128xi32, #tpu.memory_space<vmem>>) semaphore(%arg18 : memref<!tpu.dma_semaphore, #tpu.memory_space<semaphore_mem>>)
    }
    %scan3A_53 = arith.constant 9 : i32
    %dma_wait3A_54 = arith.constant 37 : i32
    %dma_wait3A_55 = arith.constant 0 : i32
    %dma_wait3A_56 = tpu.memref_slice %arg7[%dma_wait3A_54, %dma_wait3A_55] : memref<40x128xi32, #tpu.memory_space<vmem>> -> memref<1x128xi32, #tpu.memory_space<vmem>>
    %dma_wait3A_57 = tpu.memref_squeeze %dma_wait3A_56 : memref<1x128xi32, #tpu.memory_space<vmem>> -> memref<128xi32, #tpu.memory_space<vmem>>
    %dma_wait3A_58 = arith.constant 0 : i32
    %dma_wait3A_59 = arith.constant 0 : i32
    %dma_wait3A_60 = tpu.memref_slice %arg13[%dma_wait3A_58, %dma_wait3A_59] : memref<10000x64xf32, #tpu.memory_space<vmem_shared>> -> memref<10000x64xf32, #tpu.memory_space<vmem_shared>>
    tpu.wait_indirect_dma semaphore(%arg16 : memref<!tpu.dma_semaphore, #tpu.memory_space<semaphore_mem>>) src(%dma_wait3A_60 : memref<10000x64xf32, #tpu.memory_space<vmem_shared>>) dst(%arg10 : memref<128x64xf32, #tpu.memory_space<vmem>>)
    %dma_start3A_61 = arith.constant 37 : i32
    %dma_start3A_62 = arith.constant 0 : i32
    %dma_start3A_63 = tpu.memref_slice %arg8[%dma_start3A_61, %dma_start3A_62] : memref<40x128xi32, #tpu.memory_space<vmem>> -> memref<1x128xi32, #tpu.memory_space<vmem>>
    %dma_start3A_64 = tpu.memref_squeeze %dma_start3A_63 : memref<1x128xi32, #tpu.memory_space<vmem>> -> memref<128xi32, #tpu.memory_space<vmem>>
    %dma_start3A_65 = arith.constant 0 : i32
    %dma_start3A_66 = arith.constant 0 : i32
    %dma_start3A_67 = tpu.memref_slice %arg14[%dma_start3A_65, %dma_start3A_66] : memref<10112x64xf32, #tpu.memory_space<vmem_shared>> -> memref<10112x64xf32, #tpu.memory_space<vmem_shared>>
    tpu.enqueue_indirect_dma source(%arg10 : memref<128x64xf32, #tpu.memory_space<vmem>>) target(%dma_start3A_67 : memref<10112x64xf32, #tpu.memory_space<vmem_shared>>) offsets(%dma_start3A_64 : memref<128xi32, #tpu.memory_space<vmem>>) semaphore(%arg20 : memref<!tpu.dma_semaphore, #tpu.memory_space<semaphore_mem>>) {add = true}
    %dma_wait3A_68 = arith.constant 36 : i32
    %dma_wait3A_69 = arith.constant 0 : i32
    %dma_wait3A_70 = tpu.memref_slice %arg8[%dma_wait3A_68, %dma_wait3A_69] : memref<40x128xi32, #tpu.memory_space<vmem>> -> memref<1x128xi32, #tpu.memory_space<vmem>>
    %dma_wait3A_71 = tpu.memref_squeeze %dma_wait3A_70 : memref<1x128xi32, #tpu.memory_space<vmem>> -> memref<128xi32, #tpu.memory_space<vmem>>
    %dma_wait3A_72 = arith.constant 0 : i32
    %dma_wait3A_73 = arith.constant 0 : i32
    %dma_wait3A_74 = tpu.memref_slice %arg14[%dma_wait3A_72, %dma_wait3A_73] : memref<10112x64xf32, #tpu.memory_space<vmem_shared>> -> memref<10112x64xf32, #tpu.memory_space<vmem_shared>>
    tpu.wait_indirect_dma semaphore(%arg19 : memref<!tpu.dma_semaphore, #tpu.memory_space<semaphore_mem>>) src(%arg9 : memref<128x64xf32, #tpu.memory_space<vmem>>) dst(%dma_wait3A_74 : memref<10112x64xf32, #tpu.memory_space<vmem_shared>>)
    %dma_wait3A_75 = arith.constant 38 : i32
    %dma_wait3A_76 = arith.constant 0 : i32
    %dma_wait3A_77 = tpu.memref_slice %arg7[%dma_wait3A_75, %dma_wait3A_76] : memref<40x128xi32, #tpu.memory_space<vmem>> -> memref<1x128xi32, #tpu.memory_space<vmem>>
    %dma_wait3A_78 = tpu.memref_squeeze %dma_wait3A_77 : memref<1x128xi32, #tpu.memory_space<vmem>> -> memref<128xi32, #tpu.memory_space<vmem>>
    %dma_wait3A_79 = arith.constant 0 : i32
    %dma_wait3A_80 = arith.constant 0 : i32
    %dma_wait3A_81 = tpu.memref_slice %arg13[%dma_wait3A_79, %dma_wait3A_80] : memref<10000x64xf32, #tpu.memory_space<vmem_shared>> -> memref<10000x64xf32, #tpu.memory_space<vmem_shared>>
    tpu.wait_indirect_dma semaphore(%arg17 : memref<!tpu.dma_semaphore, #tpu.memory_space<semaphore_mem>>) src(%dma_wait3A_81 : memref<10000x64xf32, #tpu.memory_space<vmem_shared>>) dst(%arg11 : memref<128x64xf32, #tpu.memory_space<vmem>>)
    %dma_start3A_82 = arith.constant 38 : i32
    %dma_start3A_83 = arith.constant 0 : i32
    %dma_start3A_84 = tpu.memref_slice %arg8[%dma_start3A_82, %dma_start3A_83] : memref<40x128xi32, #tpu.memory_space<vmem>> -> memref<1x128xi32, #tpu.memory_space<vmem>>
    %dma_start3A_85 = tpu.memref_squeeze %dma_start3A_84 : memref<1x128xi32, #tpu.memory_space<vmem>> -> memref<128xi32, #tpu.memory_space<vmem>>
    %dma_start3A_86 = arith.constant 0 : i32
    %dma_start3A_87 = arith.constant 0 : i32
    %dma_start3A_88 = tpu.memref_slice %arg14[%dma_start3A_86, %dma_start3A_87] : memref<10112x64xf32, #tpu.memory_space<vmem_shared>> -> memref<10112x64xf32, #tpu.memory_space<vmem_shared>>
    tpu.enqueue_indirect_dma source(%arg11 : memref<128x64xf32, #tpu.memory_space<vmem>>) target(%dma_start3A_88 : memref<10112x64xf32, #tpu.memory_space<vmem_shared>>) offsets(%dma_start3A_85 : memref<128xi32, #tpu.memory_space<vmem>>) semaphore(%arg21 : memref<!tpu.dma_semaphore, #tpu.memory_space<semaphore_mem>>) {add = true}
    %dma_wait3A_89 = arith.constant 37 : i32
    %dma_wait3A_90 = arith.constant 0 : i32
    %dma_wait3A_91 = tpu.memref_slice %arg8[%dma_wait3A_89, %dma_wait3A_90] : memref<40x128xi32, #tpu.memory_space<vmem>> -> memref<1x128xi32, #tpu.memory_space<vmem>>
    %dma_wait3A_92 = tpu.memref_squeeze %dma_wait3A_91 : memref<1x128xi32, #tpu.memory_space<vmem>> -> memref<128xi32, #tpu.memory_space<vmem>>
    %dma_wait3A_93 = arith.constant 0 : i32
    %dma_wait3A_94 = arith.constant 0 : i32
    %dma_wait3A_95 = tpu.memref_slice %arg14[%dma_wait3A_93, %dma_wait3A_94] : memref<10112x64xf32, #tpu.memory_space<vmem_shared>> -> memref<10112x64xf32, #tpu.memory_space<vmem_shared>>
    tpu.wait_indirect_dma semaphore(%arg20 : memref<!tpu.dma_semaphore, #tpu.memory_space<semaphore_mem>>) src(%arg10 : memref<128x64xf32, #tpu.memory_space<vmem>>) dst(%dma_wait3A_95 : memref<10112x64xf32, #tpu.memory_space<vmem_shared>>)
    %dma_wait3A_96 = arith.constant 39 : i32
    %dma_wait3A_97 = arith.constant 0 : i32
    %dma_wait3A_98 = tpu.memref_slice %arg7[%dma_wait3A_96, %dma_wait3A_97] : memref<40x128xi32, #tpu.memory_space<vmem>> -> memref<1x128xi32, #tpu.memory_space<vmem>>
    %dma_wait3A_99 = tpu.memref_squeeze %dma_wait3A_98 : memref<1x128xi32, #tpu.memory_space<vmem>> -> memref<128xi32, #tpu.memory_space<vmem>>
    %dma_wait3A_100 = arith.constant 0 : i32
    %dma_wait3A_101 = arith.constant 0 : i32
    %dma_wait3A_102 = tpu.memref_slice %arg13[%dma_wait3A_100, %dma_wait3A_101] : memref<10000x64xf32, #tpu.memory_space<vmem_shared>> -> memref<10000x64xf32, #tpu.memory_space<vmem_shared>>
    tpu.wait_indirect_dma semaphore(%arg18 : memref<!tpu.dma_semaphore, #tpu.memory_space<semaphore_mem>>) src(%dma_wait3A_102 : memref<10000x64xf32, #tpu.memory_space<vmem_shared>>) dst(%arg12 : memref<128x64xf32, #tpu.memory_space<vmem>>)
    %dma_start3A_103 = arith.constant 39 : i32
    %dma_start3A_104 = arith.constant 0 : i32
    %dma_start3A_105 = tpu.memref_slice %arg8[%dma_start3A_103, %dma_start3A_104] : memref<40x128xi32, #tpu.memory_space<vmem>> -> memref<1x128xi32, #tpu.memory_space<vmem>>
    %dma_start3A_106 = tpu.memref_squeeze %dma_start3A_105 : memref<1x128xi32, #tpu.memory_space<vmem>> -> memref<128xi32, #tpu.memory_space<vmem>>
    %dma_start3A_107 = arith.constant 0 : i32
    %dma_start3A_108 = arith.constant 0 : i32
    %dma_start3A_109 = tpu.memref_slice %arg14[%dma_start3A_107, %dma_start3A_108] : memref<10112x64xf32, #tpu.memory_space<vmem_shared>> -> memref<10112x64xf32, #tpu.memory_space<vmem_shared>>
    tpu.enqueue_indirect_dma source(%arg12 : memref<128x64xf32, #tpu.memory_space<vmem>>) target(%dma_start3A_109 : memref<10112x64xf32, #tpu.memory_space<vmem_shared>>) offsets(%dma_start3A_106 : memref<128xi32, #tpu.memory_space<vmem>>) semaphore(%arg22 : memref<!tpu.dma_semaphore, #tpu.memory_space<semaphore_mem>>) {add = true}
    %dma_wait3A_110 = arith.constant 38 : i32
    %dma_wait3A_111 = arith.constant 0 : i32
    %dma_wait3A_112 = tpu.memref_slice %arg8[%dma_wait3A_110, %dma_wait3A_111] : memref<40x128xi32, #tpu.memory_space<vmem>> -> memref<1x128xi32, #tpu.memory_space<vmem>>
    %dma_wait3A_113 = tpu.memref_squeeze %dma_wait3A_112 : memref<1x128xi32, #tpu.memory_space<vmem>> -> memref<128xi32, #tpu.memory_space<vmem>>
    %dma_wait3A_114 = arith.constant 0 : i32
    %dma_wait3A_115 = arith.constant 0 : i32
    %dma_wait3A_116 = tpu.memref_slice %arg14[%dma_wait3A_114, %dma_wait3A_115] : memref<10112x64xf32, #tpu.memory_space<vmem_shared>> -> memref<10112x64xf32, #tpu.memory_space<vmem_shared>>
    tpu.wait_indirect_dma semaphore(%arg21 : memref<!tpu.dma_semaphore, #tpu.memory_space<semaphore_mem>>) src(%arg11 : memref<128x64xf32, #tpu.memory_space<vmem>>) dst(%dma_wait3A_116 : memref<10112x64xf32, #tpu.memory_space<vmem_shared>>)
    %dma_wait3A_117 = arith.constant 39 : i32
    %dma_wait3A_118 = arith.constant 0 : i32
    %dma_wait3A_119 = tpu.memref_slice %arg8[%dma_wait3A_117, %dma_wait3A_118] : memref<40x128xi32, #tpu.memory_space<vmem>> -> memref<1x128xi32, #tpu.memory_space<vmem>>
    %dma_wait3A_120 = tpu.memref_squeeze %dma_wait3A_119 : memref<1x128xi32, #tpu.memory_space<vmem>> -> memref<128xi32, #tpu.memory_space<vmem>>
    %dma_wait3A_121 = arith.constant 0 : i32
    %dma_wait3A_122 = arith.constant 0 : i32
    %dma_wait3A_123 = tpu.memref_slice %arg14[%dma_wait3A_121, %dma_wait3A_122] : memref<10112x64xf32, #tpu.memory_space<vmem_shared>> -> memref<10112x64xf32, #tpu.memory_space<vmem_shared>>
    tpu.wait_indirect_dma semaphore(%arg22 : memref<!tpu.dma_semaphore, #tpu.memory_space<semaphore_mem>>) src(%arg12 : memref<128x64xf32, #tpu.memory_space<vmem>>) dst(%dma_wait3A_123 : memref<10112x64xf32, #tpu.memory_space<vmem_shared>>)
    %mul3A_124 = arith.constant 160 : i32
    %mul3A_125 = arith.muli %arg1, %mul3A_124 : i32
    %add3A_126 = arith.constant 40 : i32
    %add3A_127 = arith.addi %mul3A_125, %add3A_126 : i32
    "tpu.region"() ({
      %run_scoped3A = tpu.sem_alloc : memref<!tpu.dma_semaphore, #tpu.memory_space<semaphore_mem>>
      %dma_start3A_492 = arith.constant 0 : i32
      %dma_start3A_493 = tpu.memref_slice %arg2[%add3A_127, %dma_start3A_492] : memref<2560x128xi32, #tpu.memory_space<hbm>> -> memref<40x128xi32, #tpu.memory_space<hbm>>
      %dma_start3A_494 = arith.constant 0 : i32
      %dma_start3A_495 = tpu.memref_slice %arg2[%add3A_127, %dma_start3A_494] : memref<2560x128xi32, #tpu.memory_space<hbm>> -> memref<40x128xi32, #tpu.memory_space<hbm>>
      tpu.enqueue_dma source(%dma_start3A_495 : memref<40x128xi32, #tpu.memory_space<hbm>>) target(%arg7 : memref<40x128xi32, #tpu.memory_space<vmem>>) target_semaphore(%run_scoped3A : memref<!tpu.dma_semaphore, #tpu.memory_space<semaphore_mem>>)
      %dma_wait3A_496 = arith.constant 0 : i32
      %dma_wait3A_497 = tpu.memref_slice %arg2[%add3A_127, %dma_wait3A_496] : memref<2560x128xi32, #tpu.memory_space<hbm>> -> memref<40x128xi32, #tpu.memory_space<hbm>>
      %dma_wait3A_498 = arith.constant 0 : i32
      %dma_wait3A_499 = tpu.memref_slice %arg2[%add3A_127, %dma_wait3A_498] : memref<2560x128xi32, #tpu.memory_space<hbm>> -> memref<40x128xi32, #tpu.memory_space<hbm>>
      tpu.wait_dma2 semaphore(%run_scoped3A : memref<!tpu.dma_semaphore, #tpu.memory_space<semaphore_mem>>) src(%dma_wait3A_499 : memref<40x128xi32, #tpu.memory_space<hbm>>) dst(%arg7 : memref<40x128xi32, #tpu.memory_space<vmem>>)
      tpu.yield
    }) : () -> ()
    "tpu.region"() ({
      %run_scoped3A = tpu.sem_alloc : memref<!tpu.dma_semaphore, #tpu.memory_space<semaphore_mem>>
      %dma_start3A_492 = arith.constant 0 : i32
      %dma_start3A_493 = tpu.memref_slice %arg3[%add3A_127, %dma_start3A_492] : memref<2560x128xi32, #tpu.memory_space<hbm>> -> memref<40x128xi32, #tpu.memory_space<hbm>>
      %dma_start3A_494 = arith.constant 0 : i32
      %dma_start3A_495 = tpu.memref_slice %arg3[%add3A_127, %dma_start3A_494] : memref<2560x128xi32, #tpu.memory_space<hbm>> -> memref<40x128xi32, #tpu.memory_space<hbm>>
      tpu.enqueue_dma source(%dma_start3A_495 : memref<40x128xi32, #tpu.memory_space<hbm>>) target(%arg8 : memref<40x128xi32, #tpu.memory_space<vmem>>) target_semaphore(%run_scoped3A : memref<!tpu.dma_semaphore, #tpu.memory_space<semaphore_mem>>)
      %dma_wait3A_496 = arith.constant 0 : i32
      %dma_wait3A_497 = tpu.memref_slice %arg3[%add3A_127, %dma_wait3A_496] : memref<2560x128xi32, #tpu.memory_space<hbm>> -> memref<40x128xi32, #tpu.memory_space<hbm>>
      %dma_wait3A_498 = arith.constant 0 : i32
      %dma_wait3A_499 = tpu.memref_slice %arg3[%add3A_127, %dma_wait3A_498] : memref<2560x128xi32, #tpu.memory_space<hbm>> -> memref<40x128xi32, #tpu.memory_space<hbm>>
      tpu.wait_dma2 semaphore(%run_scoped3A : memref<!tpu.dma_semaphore, #tpu.memory_space<semaphore_mem>>) src(%dma_wait3A_499 : memref<40x128xi32, #tpu.memory_space<hbm>>) dst(%arg8 : memref<40x128xi32, #tpu.memory_space<vmem>>)
      tpu.yield
    }) : () -> ()
    %dma_start3A_128 = arith.constant 0 : i32
    %dma_start3A_129 = arith.constant 0 : i32
    %dma_start3A_130 = tpu.memref_slice %arg7[%dma_start3A_128, %dma_start3A_129] : memref<40x128xi32, #tpu.memory_space<vmem>> -> memref<1x128xi32, #tpu.memory_space<vmem>>
    %dma_start3A_131 = tpu.memref_squeeze %dma_start3A_130 : memref<1x128xi32, #tpu.memory_space<vmem>> -> memref<128xi32, #tpu.memory_space<vmem>>
    %dma_start3A_132 = arith.constant 0 : i32
    %dma_start3A_133 = arith.constant 0 : i32
    %dma_start3A_134 = tpu.memref_slice %arg13[%dma_start3A_132, %dma_start3A_133] : memref<10000x64xf32, #tpu.memory_space<vmem_shared>> -> memref<10000x64xf32, #tpu.memory_space<vmem_shared>>
    tpu.enqueue_indirect_dma source(%dma_start3A_134 : memref<10000x64xf32, #tpu.memory_space<vmem_shared>>) target(%arg9 : memref<128x64xf32, #tpu.memory_space<vmem>>) offsets(%dma_start3A_131 : memref<128xi32, #tpu.memory_space<vmem>>) semaphore(%arg15 : memref<!tpu.dma_semaphore, #tpu.memory_space<semaphore_mem>>)
    %dma_start3A_135 = arith.constant 1 : i32
    %dma_start3A_136 = arith.constant 0 : i32
    %dma_start3A_137 = tpu.memref_slice %arg7[%dma_start3A_135, %dma_start3A_136] : memref<40x128xi32, #tpu.memory_space<vmem>> -> memref<1x128xi32, #tpu.memory_space<vmem>>
    %dma_start3A_138 = tpu.memref_squeeze %dma_start3A_137 : memref<1x128xi32, #tpu.memory_space<vmem>> -> memref<128xi32, #tpu.memory_space<vmem>>
    %dma_start3A_139 = arith.constant 0 : i32
    %dma_start3A_140 = arith.constant 0 : i32
    %dma_start3A_141 = tpu.memref_slice %arg13[%dma_start3A_139, %dma_start3A_140] : memref<10000x64xf32, #tpu.memory_space<vmem_shared>> -> memref<10000x64xf32, #tpu.memory_space<vmem_shared>>
    tpu.enqueue_indirect_dma source(%dma_start3A_141 : memref<10000x64xf32, #tpu.memory_space<vmem_shared>>) target(%arg10 : memref<128x64xf32, #tpu.memory_space<vmem>>) offsets(%dma_start3A_138 : memref<128xi32, #tpu.memory_space<vmem>>) semaphore(%arg16 : memref<!tpu.dma_semaphore, #tpu.memory_space<semaphore_mem>>)
    %dma_start3A_142 = arith.constant 2 : i32
    %dma_start3A_143 = arith.constant 0 : i32
    %dma_start3A_144 = tpu.memref_slice %arg7[%dma_start3A_142, %dma_start3A_143] : memref<40x128xi32, #tpu.memory_space<vmem>> -> memref<1x128xi32, #tpu.memory_space<vmem>>
    %dma_start3A_145 = tpu.memref_squeeze %dma_start3A_144 : memref<1x128xi32, #tpu.memory_space<vmem>> -> memref<128xi32, #tpu.memory_space<vmem>>
    %dma_start3A_146 = arith.constant 0 : i32
    %dma_start3A_147 = arith.constant 0 : i32
    %dma_start3A_148 = tpu.memref_slice %arg13[%dma_start3A_146, %dma_start3A_147] : memref<10000x64xf32, #tpu.memory_space<vmem_shared>> -> memref<10000x64xf32, #tpu.memory_space<vmem_shared>>
    tpu.enqueue_indirect_dma source(%dma_start3A_148 : memref<10000x64xf32, #tpu.memory_space<vmem_shared>>) target(%arg11 : memref<128x64xf32, #tpu.memory_space<vmem>>) offsets(%dma_start3A_145 : memref<128xi32, #tpu.memory_space<vmem>>) semaphore(%arg17 : memref<!tpu.dma_semaphore, #tpu.memory_space<semaphore_mem>>)
    %dma_start3A_149 = arith.constant 3 : i32
    %dma_start3A_150 = arith.constant 0 : i32
    %dma_start3A_151 = tpu.memref_slice %arg7[%dma_start3A_149, %dma_start3A_150] : memref<40x128xi32, #tpu.memory_space<vmem>> -> memref<1x128xi32, #tpu.memory_space<vmem>>
    %dma_start3A_152 = tpu.memref_squeeze %dma_start3A_151 : memref<1x128xi32, #tpu.memory_space<vmem>> -> memref<128xi32, #tpu.memory_space<vmem>>
    %dma_start3A_153 = arith.constant 0 : i32
    %dma_start3A_154 = arith.constant 0 : i32
    %dma_start3A_155 = tpu.memref_slice %arg13[%dma_start3A_153, %dma_start3A_154] : memref<10000x64xf32, #tpu.memory_space<vmem_shared>> -> memref<10000x64xf32, #tpu.memory_space<vmem_shared>>
    tpu.enqueue_indirect_dma source(%dma_start3A_155 : memref<10000x64xf32, #tpu.memory_space<vmem_shared>>) target(%arg12 : memref<128x64xf32, #tpu.memory_space<vmem>>) offsets(%dma_start3A_152 : memref<128xi32, #tpu.memory_space<vmem>>) semaphore(%arg18 : memref<!tpu.dma_semaphore, #tpu.memory_space<semaphore_mem>>)
    %dma_wait3A_156 = arith.constant 0 : i32
    %dma_wait3A_157 = arith.constant 0 : i32
    %dma_wait3A_158 = tpu.memref_slice %arg7[%dma_wait3A_156, %dma_wait3A_157] : memref<40x128xi32, #tpu.memory_space<vmem>> -> memref<1x128xi32, #tpu.memory_space<vmem>>
    %dma_wait3A_159 = tpu.memref_squeeze %dma_wait3A_158 : memref<1x128xi32, #tpu.memory_space<vmem>> -> memref<128xi32, #tpu.memory_space<vmem>>
    %dma_wait3A_160 = arith.constant 0 : i32
    %dma_wait3A_161 = arith.constant 0 : i32
    %dma_wait3A_162 = tpu.memref_slice %arg13[%dma_wait3A_160, %dma_wait3A_161] : memref<10000x64xf32, #tpu.memory_space<vmem_shared>> -> memref<10000x64xf32, #tpu.memory_space<vmem_shared>>
    tpu.wait_indirect_dma semaphore(%arg15 : memref<!tpu.dma_semaphore, #tpu.memory_space<semaphore_mem>>) src(%dma_wait3A_162 : memref<10000x64xf32, #tpu.memory_space<vmem_shared>>) dst(%arg9 : memref<128x64xf32, #tpu.memory_space<vmem>>)
    %dma_start3A_163 = arith.constant 0 : i32
    %dma_start3A_164 = arith.constant 0 : i32
    %dma_start3A_165 = tpu.memref_slice %arg8[%dma_start3A_163, %dma_start3A_164] : memref<40x128xi32, #tpu.memory_space<vmem>> -> memref<1x128xi32, #tpu.memory_space<vmem>>
    %dma_start3A_166 = tpu.memref_squeeze %dma_start3A_165 : memref<1x128xi32, #tpu.memory_space<vmem>> -> memref<128xi32, #tpu.memory_space<vmem>>
    %dma_start3A_167 = arith.constant 0 : i32
    %dma_start3A_168 = arith.constant 0 : i32
    %dma_start3A_169 = tpu.memref_slice %arg14[%dma_start3A_167, %dma_start3A_168] : memref<10112x64xf32, #tpu.memory_space<vmem_shared>> -> memref<10112x64xf32, #tpu.memory_space<vmem_shared>>
    tpu.enqueue_indirect_dma source(%arg9 : memref<128x64xf32, #tpu.memory_space<vmem>>) target(%dma_start3A_169 : memref<10112x64xf32, #tpu.memory_space<vmem_shared>>) offsets(%dma_start3A_166 : memref<128xi32, #tpu.memory_space<vmem>>) semaphore(%arg19 : memref<!tpu.dma_semaphore, #tpu.memory_space<semaphore_mem>>) {add = true}
    %scan3A_170 = arith.constant 0 : i32
    %scan3A_171 = arith.constant 9 : i32
    %scan3A_172 = arith.addi %scan3A_170, %scan3A_171 : i32
    %scan3A_173 = arith.constant 1 : i32
    scf.for %scan3A_492 = %scan3A_170 to %scan3A_172 step %scan3A_173  : i32 {
      %mul3A_493 = arith.constant 4 : i32
      %mul3A_494 = arith.muli %mul3A_493, %scan3A_492 : i32
      %add3A_495 = arith.constant 1 : i32
      %add3A_496 = arith.addi %mul3A_494, %add3A_495 : i32
      %add3A_497 = arith.constant 0 : i32
      %add3A_498 = arith.addi %add3A_496, %add3A_497 : i32
      %dma_wait3A_499 = arith.constant 0 : i32
      %dma_wait3A_500 = tpu.memref_slice %arg7[%add3A_498, %dma_wait3A_499] : memref<40x128xi32, #tpu.memory_space<vmem>> -> memref<1x128xi32, #tpu.memory_space<vmem>>
      %dma_wait3A_501 = tpu.memref_squeeze %dma_wait3A_500 : memref<1x128xi32, #tpu.memory_space<vmem>> -> memref<128xi32, #tpu.memory_space<vmem>>
      %dma_wait3A_502 = arith.constant 0 : i32
      %dma_wait3A_503 = arith.constant 0 : i32
      %dma_wait3A_504 = tpu.memref_slice %arg13[%dma_wait3A_502, %dma_wait3A_503] : memref<10000x64xf32, #tpu.memory_space<vmem_shared>> -> memref<10000x64xf32, #tpu.memory_space<vmem_shared>>
      tpu.wait_indirect_dma semaphore(%arg16 : memref<!tpu.dma_semaphore, #tpu.memory_space<semaphore_mem>>) src(%dma_wait3A_504 : memref<10000x64xf32, #tpu.memory_space<vmem_shared>>) dst(%arg10 : memref<128x64xf32, #tpu.memory_space<vmem>>)
      %dma_start3A_505 = arith.constant 0 : i32
      %dma_start3A_506 = tpu.memref_slice %arg8[%add3A_498, %dma_start3A_505] : memref<40x128xi32, #tpu.memory_space<vmem>> -> memref<1x128xi32, #tpu.memory_space<vmem>>
      %dma_start3A_507 = tpu.memref_squeeze %dma_start3A_506 : memref<1x128xi32, #tpu.memory_space<vmem>> -> memref<128xi32, #tpu.memory_space<vmem>>
      %dma_start3A_508 = arith.constant 0 : i32
      %dma_start3A_509 = arith.constant 0 : i32
      %dma_start3A_510 = tpu.memref_slice %arg14[%dma_start3A_508, %dma_start3A_509] : memref<10112x64xf32, #tpu.memory_space<vmem_shared>> -> memref<10112x64xf32, #tpu.memory_space<vmem_shared>>
      tpu.enqueue_indirect_dma source(%arg10 : memref<128x64xf32, #tpu.memory_space<vmem>>) target(%dma_start3A_510 : memref<10112x64xf32, #tpu.memory_space<vmem_shared>>) offsets(%dma_start3A_507 : memref<128xi32, #tpu.memory_space<vmem>>) semaphore(%arg20 : memref<!tpu.dma_semaphore, #tpu.memory_space<semaphore_mem>>) {add = true}
      %sub3A = arith.constant 1 : i32
      %sub3A_511 = arith.subi %add3A_498, %sub3A : i32
      %dma_wait3A_512 = arith.constant 0 : i32
      %dma_wait3A_513 = tpu.memref_slice %arg8[%sub3A_511, %dma_wait3A_512] : memref<40x128xi32, #tpu.memory_space<vmem>> -> memref<1x128xi32, #tpu.memory_space<vmem>>
      %dma_wait3A_514 = tpu.memref_squeeze %dma_wait3A_513 : memref<1x128xi32, #tpu.memory_space<vmem>> -> memref<128xi32, #tpu.memory_space<vmem>>
      %dma_wait3A_515 = arith.constant 0 : i32
      %dma_wait3A_516 = arith.constant 0 : i32
      %dma_wait3A_517 = tpu.memref_slice %arg14[%dma_wait3A_515, %dma_wait3A_516] : memref<10112x64xf32, #tpu.memory_space<vmem_shared>> -> memref<10112x64xf32, #tpu.memory_space<vmem_shared>>
      tpu.wait_indirect_dma semaphore(%arg19 : memref<!tpu.dma_semaphore, #tpu.memory_space<semaphore_mem>>) src(%arg9 : memref<128x64xf32, #tpu.memory_space<vmem>>) dst(%dma_wait3A_517 : memref<10112x64xf32, #tpu.memory_space<vmem_shared>>)
      %add3A_518 = arith.constant 4 : i32
      %add3A_519 = arith.addi %add3A_498, %add3A_518 : i32
      %sub3A_520 = arith.constant 1 : i32
      %sub3A_521 = arith.subi %add3A_519, %sub3A_520 : i32
      %dma_start3A_522 = arith.constant 0 : i32
      %dma_start3A_523 = tpu.memref_slice %arg7[%sub3A_521, %dma_start3A_522] : memref<40x128xi32, #tpu.memory_space<vmem>> -> memref<1x128xi32, #tpu.memory_space<vmem>>
      %dma_start3A_524 = tpu.memref_squeeze %dma_start3A_523 : memref<1x128xi32, #tpu.memory_space<vmem>> -> memref<128xi32, #tpu.memory_space<vmem>>
      %dma_start3A_525 = arith.constant 0 : i32
      %dma_start3A_526 = arith.constant 0 : i32
      %dma_start3A_527 = tpu.memref_slice %arg13[%dma_start3A_525, %dma_start3A_526] : memref<10000x64xf32, #tpu.memory_space<vmem_shared>> -> memref<10000x64xf32, #tpu.memory_space<vmem_shared>>
      tpu.enqueue_indirect_dma source(%dma_start3A_527 : memref<10000x64xf32, #tpu.memory_space<vmem_shared>>) target(%arg9 : memref<128x64xf32, #tpu.memory_space<vmem>>) offsets(%dma_start3A_524 : memref<128xi32, #tpu.memory_space<vmem>>) semaphore(%arg15 : memref<!tpu.dma_semaphore, #tpu.memory_space<semaphore_mem>>)
      %add3A_528 = arith.constant 1 : i32
      %add3A_529 = arith.addi %add3A_496, %add3A_528 : i32
      %dma_wait3A_530 = arith.constant 0 : i32
      %dma_wait3A_531 = tpu.memref_slice %arg7[%add3A_529, %dma_wait3A_530] : memref<40x128xi32, #tpu.memory_space<vmem>> -> memref<1x128xi32, #tpu.memory_space<vmem>>
      %dma_wait3A_532 = tpu.memref_squeeze %dma_wait3A_531 : memref<1x128xi32, #tpu.memory_space<vmem>> -> memref<128xi32, #tpu.memory_space<vmem>>
      %dma_wait3A_533 = arith.constant 0 : i32
      %dma_wait3A_534 = arith.constant 0 : i32
      %dma_wait3A_535 = tpu.memref_slice %arg13[%dma_wait3A_533, %dma_wait3A_534] : memref<10000x64xf32, #tpu.memory_space<vmem_shared>> -> memref<10000x64xf32, #tpu.memory_space<vmem_shared>>
      tpu.wait_indirect_dma semaphore(%arg17 : memref<!tpu.dma_semaphore, #tpu.memory_space<semaphore_mem>>) src(%dma_wait3A_535 : memref<10000x64xf32, #tpu.memory_space<vmem_shared>>) dst(%arg11 : memref<128x64xf32, #tpu.memory_space<vmem>>)
      %dma_start3A_536 = arith.constant 0 : i32
      %dma_start3A_537 = tpu.memref_slice %arg8[%add3A_529, %dma_start3A_536] : memref<40x128xi32, #tpu.memory_space<vmem>> -> memref<1x128xi32, #tpu.memory_space<vmem>>
      %dma_start3A_538 = tpu.memref_squeeze %dma_start3A_537 : memref<1x128xi32, #tpu.memory_space<vmem>> -> memref<128xi32, #tpu.memory_space<vmem>>
      %dma_start3A_539 = arith.constant 0 : i32
      %dma_start3A_540 = arith.constant 0 : i32
      %dma_start3A_541 = tpu.memref_slice %arg14[%dma_start3A_539, %dma_start3A_540] : memref<10112x64xf32, #tpu.memory_space<vmem_shared>> -> memref<10112x64xf32, #tpu.memory_space<vmem_shared>>
      tpu.enqueue_indirect_dma source(%arg11 : memref<128x64xf32, #tpu.memory_space<vmem>>) target(%dma_start3A_541 : memref<10112x64xf32, #tpu.memory_space<vmem_shared>>) offsets(%dma_start3A_538 : memref<128xi32, #tpu.memory_space<vmem>>) semaphore(%arg21 : memref<!tpu.dma_semaphore, #tpu.memory_space<semaphore_mem>>) {add = true}
      %sub3A_542 = arith.constant 1 : i32
      %sub3A_543 = arith.subi %add3A_529, %sub3A_542 : i32
      %dma_wait3A_544 = arith.constant 0 : i32
      %dma_wait3A_545 = tpu.memref_slice %arg8[%sub3A_543, %dma_wait3A_544] : memref<40x128xi32, #tpu.memory_space<vmem>> -> memref<1x128xi32, #tpu.memory_space<vmem>>
      %dma_wait3A_546 = tpu.memref_squeeze %dma_wait3A_545 : memref<1x128xi32, #tpu.memory_space<vmem>> -> memref<128xi32, #tpu.memory_space<vmem>>
      %dma_wait3A_547 = arith.constant 0 : i32
      %dma_wait3A_548 = arith.constant 0 : i32
      %dma_wait3A_549 = tpu.memref_slice %arg14[%dma_wait3A_547, %dma_wait3A_548] : memref<10112x64xf32, #tpu.memory_space<vmem_shared>> -> memref<10112x64xf32, #tpu.memory_space<vmem_shared>>
      tpu.wait_indirect_dma semaphore(%arg20 : memref<!tpu.dma_semaphore, #tpu.memory_space<semaphore_mem>>) src(%arg10 : memref<128x64xf32, #tpu.memory_space<vmem>>) dst(%dma_wait3A_549 : memref<10112x64xf32, #tpu.memory_space<vmem_shared>>)
      %add3A_550 = arith.constant 4 : i32
      %add3A_551 = arith.addi %add3A_529, %add3A_550 : i32
      %sub3A_552 = arith.constant 1 : i32
      %sub3A_553 = arith.subi %add3A_551, %sub3A_552 : i32
      %dma_start3A_554 = arith.constant 0 : i32
      %dma_start3A_555 = tpu.memref_slice %arg7[%sub3A_553, %dma_start3A_554] : memref<40x128xi32, #tpu.memory_space<vmem>> -> memref<1x128xi32, #tpu.memory_space<vmem>>
      %dma_start3A_556 = tpu.memref_squeeze %dma_start3A_555 : memref<1x128xi32, #tpu.memory_space<vmem>> -> memref<128xi32, #tpu.memory_space<vmem>>
      %dma_start3A_557 = arith.constant 0 : i32
      %dma_start3A_558 = arith.constant 0 : i32
      %dma_start3A_559 = tpu.memref_slice %arg13[%dma_start3A_557, %dma_start3A_558] : memref<10000x64xf32, #tpu.memory_space<vmem_shared>> -> memref<10000x64xf32, #tpu.memory_space<vmem_shared>>
      tpu.enqueue_indirect_dma source(%dma_start3A_559 : memref<10000x64xf32, #tpu.memory_space<vmem_shared>>) target(%arg10 : memref<128x64xf32, #tpu.memory_space<vmem>>) offsets(%dma_start3A_556 : memref<128xi32, #tpu.memory_space<vmem>>) semaphore(%arg16 : memref<!tpu.dma_semaphore, #tpu.memory_space<semaphore_mem>>)
      %add3A_560 = arith.constant 2 : i32
      %add3A_561 = arith.addi %add3A_496, %add3A_560 : i32
      %dma_wait3A_562 = arith.constant 0 : i32
      %dma_wait3A_563 = tpu.memref_slice %arg7[%add3A_561, %dma_wait3A_562] : memref<40x128xi32, #tpu.memory_space<vmem>> -> memref<1x128xi32, #tpu.memory_space<vmem>>
      %dma_wait3A_564 = tpu.memref_squeeze %dma_wait3A_563 : memref<1x128xi32, #tpu.memory_space<vmem>> -> memref<128xi32, #tpu.memory_space<vmem>>
      %dma_wait3A_565 = arith.constant 0 : i32
      %dma_wait3A_566 = arith.constant 0 : i32
      %dma_wait3A_567 = tpu.memref_slice %arg13[%dma_wait3A_565, %dma_wait3A_566] : memref<10000x64xf32, #tpu.memory_space<vmem_shared>> -> memref<10000x64xf32, #tpu.memory_space<vmem_shared>>
      tpu.wait_indirect_dma semaphore(%arg18 : memref<!tpu.dma_semaphore, #tpu.memory_space<semaphore_mem>>) src(%dma_wait3A_567 : memref<10000x64xf32, #tpu.memory_space<vmem_shared>>) dst(%arg12 : memref<128x64xf32, #tpu.memory_space<vmem>>)
      %dma_start3A_568 = arith.constant 0 : i32
      %dma_start3A_569 = tpu.memref_slice %arg8[%add3A_561, %dma_start3A_568] : memref<40x128xi32, #tpu.memory_space<vmem>> -> memref<1x128xi32, #tpu.memory_space<vmem>>
      %dma_start3A_570 = tpu.memref_squeeze %dma_start3A_569 : memref<1x128xi32, #tpu.memory_space<vmem>> -> memref<128xi32, #tpu.memory_space<vmem>>
      %dma_start3A_571 = arith.constant 0 : i32
      %dma_start3A_572 = arith.constant 0 : i32
      %dma_start3A_573 = tpu.memref_slice %arg14[%dma_start3A_571, %dma_start3A_572] : memref<10112x64xf32, #tpu.memory_space<vmem_shared>> -> memref<10112x64xf32, #tpu.memory_space<vmem_shared>>
      tpu.enqueue_indirect_dma source(%arg12 : memref<128x64xf32, #tpu.memory_space<vmem>>) target(%dma_start3A_573 : memref<10112x64xf32, #tpu.memory_space<vmem_shared>>) offsets(%dma_start3A_570 : memref<128xi32, #tpu.memory_space<vmem>>) semaphore(%arg22 : memref<!tpu.dma_semaphore, #tpu.memory_space<semaphore_mem>>) {add = true}
      %sub3A_574 = arith.constant 1 : i32
      %sub3A_575 = arith.subi %add3A_561, %sub3A_574 : i32
      %dma_wait3A_576 = arith.constant 0 : i32
      %dma_wait3A_577 = tpu.memref_slice %arg8[%sub3A_575, %dma_wait3A_576] : memref<40x128xi32, #tpu.memory_space<vmem>> -> memref<1x128xi32, #tpu.memory_space<vmem>>
      %dma_wait3A_578 = tpu.memref_squeeze %dma_wait3A_577 : memref<1x128xi32, #tpu.memory_space<vmem>> -> memref<128xi32, #tpu.memory_space<vmem>>
      %dma_wait3A_579 = arith.constant 0 : i32
      %dma_wait3A_580 = arith.constant 0 : i32
      %dma_wait3A_581 = tpu.memref_slice %arg14[%dma_wait3A_579, %dma_wait3A_580] : memref<10112x64xf32, #tpu.memory_space<vmem_shared>> -> memref<10112x64xf32, #tpu.memory_space<vmem_shared>>
      tpu.wait_indirect_dma semaphore(%arg21 : memref<!tpu.dma_semaphore, #tpu.memory_space<semaphore_mem>>) src(%arg11 : memref<128x64xf32, #tpu.memory_space<vmem>>) dst(%dma_wait3A_581 : memref<10112x64xf32, #tpu.memory_space<vmem_shared>>)
      %add3A_582 = arith.constant 4 : i32
      %add3A_583 = arith.addi %add3A_561, %add3A_582 : i32
      %sub3A_584 = arith.constant 1 : i32
      %sub3A_585 = arith.subi %add3A_583, %sub3A_584 : i32
      %dma_start3A_586 = arith.constant 0 : i32
      %dma_start3A_587 = tpu.memref_slice %arg7[%sub3A_585, %dma_start3A_586] : memref<40x128xi32, #tpu.memory_space<vmem>> -> memref<1x128xi32, #tpu.memory_space<vmem>>
      %dma_start3A_588 = tpu.memref_squeeze %dma_start3A_587 : memref<1x128xi32, #tpu.memory_space<vmem>> -> memref<128xi32, #tpu.memory_space<vmem>>
      %dma_start3A_589 = arith.constant 0 : i32
      %dma_start3A_590 = arith.constant 0 : i32
      %dma_start3A_591 = tpu.memref_slice %arg13[%dma_start3A_589, %dma_start3A_590] : memref<10000x64xf32, #tpu.memory_space<vmem_shared>> -> memref<10000x64xf32, #tpu.memory_space<vmem_shared>>
      tpu.enqueue_indirect_dma source(%dma_start3A_591 : memref<10000x64xf32, #tpu.memory_space<vmem_shared>>) target(%arg11 : memref<128x64xf32, #tpu.memory_space<vmem>>) offsets(%dma_start3A_588 : memref<128xi32, #tpu.memory_space<vmem>>) semaphore(%arg17 : memref<!tpu.dma_semaphore, #tpu.memory_space<semaphore_mem>>)
      %add3A_592 = arith.constant 3 : i32
      %add3A_593 = arith.addi %add3A_496, %add3A_592 : i32
      %dma_wait3A_594 = arith.constant 0 : i32
      %dma_wait3A_595 = tpu.memref_slice %arg7[%add3A_593, %dma_wait3A_594] : memref<40x128xi32, #tpu.memory_space<vmem>> -> memref<1x128xi32, #tpu.memory_space<vmem>>
      %dma_wait3A_596 = tpu.memref_squeeze %dma_wait3A_595 : memref<1x128xi32, #tpu.memory_space<vmem>> -> memref<128xi32, #tpu.memory_space<vmem>>
      %dma_wait3A_597 = arith.constant 0 : i32
      %dma_wait3A_598 = arith.constant 0 : i32
      %dma_wait3A_599 = tpu.memref_slice %arg13[%dma_wait3A_597, %dma_wait3A_598] : memref<10000x64xf32, #tpu.memory_space<vmem_shared>> -> memref<10000x64xf32, #tpu.memory_space<vmem_shared>>
      tpu.wait_indirect_dma semaphore(%arg15 : memref<!tpu.dma_semaphore, #tpu.memory_space<semaphore_mem>>) src(%dma_wait3A_599 : memref<10000x64xf32, #tpu.memory_space<vmem_shared>>) dst(%arg9 : memref<128x64xf32, #tpu.memory_space<vmem>>)
      %dma_start3A_600 = arith.constant 0 : i32
      %dma_start3A_601 = tpu.memref_slice %arg8[%add3A_593, %dma_start3A_600] : memref<40x128xi32, #tpu.memory_space<vmem>> -> memref<1x128xi32, #tpu.memory_space<vmem>>
      %dma_start3A_602 = tpu.memref_squeeze %dma_start3A_601 : memref<1x128xi32, #tpu.memory_space<vmem>> -> memref<128xi32, #tpu.memory_space<vmem>>
      %dma_start3A_603 = arith.constant 0 : i32
      %dma_start3A_604 = arith.constant 0 : i32
      %dma_start3A_605 = tpu.memref_slice %arg14[%dma_start3A_603, %dma_start3A_604] : memref<10112x64xf32, #tpu.memory_space<vmem_shared>> -> memref<10112x64xf32, #tpu.memory_space<vmem_shared>>
      tpu.enqueue_indirect_dma source(%arg9 : memref<128x64xf32, #tpu.memory_space<vmem>>) target(%dma_start3A_605 : memref<10112x64xf32, #tpu.memory_space<vmem_shared>>) offsets(%dma_start3A_602 : memref<128xi32, #tpu.memory_space<vmem>>) semaphore(%arg19 : memref<!tpu.dma_semaphore, #tpu.memory_space<semaphore_mem>>) {add = true}
      %sub3A_606 = arith.constant 1 : i32
      %sub3A_607 = arith.subi %add3A_593, %sub3A_606 : i32
      %dma_wait3A_608 = arith.constant 0 : i32
      %dma_wait3A_609 = tpu.memref_slice %arg8[%sub3A_607, %dma_wait3A_608] : memref<40x128xi32, #tpu.memory_space<vmem>> -> memref<1x128xi32, #tpu.memory_space<vmem>>
      %dma_wait3A_610 = tpu.memref_squeeze %dma_wait3A_609 : memref<1x128xi32, #tpu.memory_space<vmem>> -> memref<128xi32, #tpu.memory_space<vmem>>
      %dma_wait3A_611 = arith.constant 0 : i32
      %dma_wait3A_612 = arith.constant 0 : i32
      %dma_wait3A_613 = tpu.memref_slice %arg14[%dma_wait3A_611, %dma_wait3A_612] : memref<10112x64xf32, #tpu.memory_space<vmem_shared>> -> memref<10112x64xf32, #tpu.memory_space<vmem_shared>>
      tpu.wait_indirect_dma semaphore(%arg22 : memref<!tpu.dma_semaphore, #tpu.memory_space<semaphore_mem>>) src(%arg12 : memref<128x64xf32, #tpu.memory_space<vmem>>) dst(%dma_wait3A_613 : memref<10112x64xf32, #tpu.memory_space<vmem_shared>>)
      %add3A_614 = arith.constant 4 : i32
      %add3A_615 = arith.addi %add3A_593, %add3A_614 : i32
      %sub3A_616 = arith.constant 1 : i32
      %sub3A_617 = arith.subi %add3A_615, %sub3A_616 : i32
      %dma_start3A_618 = arith.constant 0 : i32
      %dma_start3A_619 = tpu.memref_slice %arg7[%sub3A_617, %dma_start3A_618] : memref<40x128xi32, #tpu.memory_space<vmem>> -> memref<1x128xi32, #tpu.memory_space<vmem>>
      %dma_start3A_620 = tpu.memref_squeeze %dma_start3A_619 : memref<1x128xi32, #tpu.memory_space<vmem>> -> memref<128xi32, #tpu.memory_space<vmem>>
      %dma_start3A_621 = arith.constant 0 : i32
      %dma_start3A_622 = arith.constant 0 : i32
      %dma_start3A_623 = tpu.memref_slice %arg13[%dma_start3A_621, %dma_start3A_622] : memref<10000x64xf32, #tpu.memory_space<vmem_shared>> -> memref<10000x64xf32, #tpu.memory_space<vmem_shared>>
      tpu.enqueue_indirect_dma source(%dma_start3A_623 : memref<10000x64xf32, #tpu.memory_space<vmem_shared>>) target(%arg12 : memref<128x64xf32, #tpu.memory_space<vmem>>) offsets(%dma_start3A_620 : memref<128xi32, #tpu.memory_space<vmem>>) semaphore(%arg18 : memref<!tpu.dma_semaphore, #tpu.memory_space<semaphore_mem>>)
    }
    %scan3A_174 = arith.constant 9 : i32
    %dma_wait3A_175 = arith.constant 37 : i32
    %dma_wait3A_176 = arith.constant 0 : i32
    %dma_wait3A_177 = tpu.memref_slice %arg7[%dma_wait3A_175, %dma_wait3A_176] : memref<40x128xi32, #tpu.memory_space<vmem>> -> memref<1x128xi32, #tpu.memory_space<vmem>>
    %dma_wait3A_178 = tpu.memref_squeeze %dma_wait3A_177 : memref<1x128xi32, #tpu.memory_space<vmem>> -> memref<128xi32, #tpu.memory_space<vmem>>
    %dma_wait3A_179 = arith.constant 0 : i32
    %dma_wait3A_180 = arith.constant 0 : i32
    %dma_wait3A_181 = tpu.memref_slice %arg13[%dma_wait3A_179, %dma_wait3A_180] : memref<10000x64xf32, #tpu.memory_space<vmem_shared>> -> memref<10000x64xf32, #tpu.memory_space<vmem_shared>>
    tpu.wait_indirect_dma semaphore(%arg16 : memref<!tpu.dma_semaphore, #tpu.memory_space<semaphore_mem>>) src(%dma_wait3A_181 : memref<10000x64xf32, #tpu.memory_space<vmem_shared>>) dst(%arg10 : memref<128x64xf32, #tpu.memory_space<vmem>>)
    %dma_start3A_182 = arith.constant 37 : i32
    %dma_start3A_183 = arith.constant 0 : i32
    %dma_start3A_184 = tpu.memref_slice %arg8[%dma_start3A_182, %dma_start3A_183] : memref<40x128xi32, #tpu.memory_space<vmem>> -> memref<1x128xi32, #tpu.memory_space<vmem>>
    %dma_start3A_185 = tpu.memref_squeeze %dma_start3A_184 : memref<1x128xi32, #tpu.memory_space<vmem>> -> memref<128xi32, #tpu.memory_space<vmem>>
    %dma_start3A_186 = arith.constant 0 : i32
    %dma_start3A_187 = arith.constant 0 : i32
    %dma_start3A_188 = tpu.memref_slice %arg14[%dma_start3A_186, %dma_start3A_187] : memref<10112x64xf32, #tpu.memory_space<vmem_shared>> -> memref<10112x64xf32, #tpu.memory_space<vmem_shared>>
    tpu.enqueue_indirect_dma source(%arg10 : memref<128x64xf32, #tpu.memory_space<vmem>>) target(%dma_start3A_188 : memref<10112x64xf32, #tpu.memory_space<vmem_shared>>) offsets(%dma_start3A_185 : memref<128xi32, #tpu.memory_space<vmem>>) semaphore(%arg20 : memref<!tpu.dma_semaphore, #tpu.memory_space<semaphore_mem>>) {add = true}
    %dma_wait3A_189 = arith.constant 36 : i32
    %dma_wait3A_190 = arith.constant 0 : i32
    %dma_wait3A_191 = tpu.memref_slice %arg8[%dma_wait3A_189, %dma_wait3A_190] : memref<40x128xi32, #tpu.memory_space<vmem>> -> memref<1x128xi32, #tpu.memory_space<vmem>>
    %dma_wait3A_192 = tpu.memref_squeeze %dma_wait3A_191 : memref<1x128xi32, #tpu.memory_space<vmem>> -> memref<128xi32, #tpu.memory_space<vmem>>
    %dma_wait3A_193 = arith.constant 0 : i32
    %dma_wait3A_194 = arith.constant 0 : i32
    %dma_wait3A_195 = tpu.memref_slice %arg14[%dma_wait3A_193, %dma_wait3A_194] : memref<10112x64xf32, #tpu.memory_space<vmem_shared>> -> memref<10112x64xf32, #tpu.memory_space<vmem_shared>>
    tpu.wait_indirect_dma semaphore(%arg19 : memref<!tpu.dma_semaphore, #tpu.memory_space<semaphore_mem>>) src(%arg9 : memref<128x64xf32, #tpu.memory_space<vmem>>) dst(%dma_wait3A_195 : memref<10112x64xf32, #tpu.memory_space<vmem_shared>>)
    %dma_wait3A_196 = arith.constant 38 : i32
    %dma_wait3A_197 = arith.constant 0 : i32
    %dma_wait3A_198 = tpu.memref_slice %arg7[%dma_wait3A_196, %dma_wait3A_197] : memref<40x128xi32, #tpu.memory_space<vmem>> -> memref<1x128xi32, #tpu.memory_space<vmem>>
    %dma_wait3A_199 = tpu.memref_squeeze %dma_wait3A_198 : memref<1x128xi32, #tpu.memory_space<vmem>> -> memref<128xi32, #tpu.memory_space<vmem>>
    %dma_wait3A_200 = arith.constant 0 : i32
    %dma_wait3A_201 = arith.constant 0 : i32
    %dma_wait3A_202 = tpu.memref_slice %arg13[%dma_wait3A_200, %dma_wait3A_201] : memref<10000x64xf32, #tpu.memory_space<vmem_shared>> -> memref<10000x64xf32, #tpu.memory_space<vmem_shared>>
    tpu.wait_indirect_dma semaphore(%arg17 : memref<!tpu.dma_semaphore, #tpu.memory_space<semaphore_mem>>) src(%dma_wait3A_202 : memref<10000x64xf32, #tpu.memory_space<vmem_shared>>) dst(%arg11 : memref<128x64xf32, #tpu.memory_space<vmem>>)
    %dma_start3A_203 = arith.constant 38 : i32
    %dma_start3A_204 = arith.constant 0 : i32
    %dma_start3A_205 = tpu.memref_slice %arg8[%dma_start3A_203, %dma_start3A_204] : memref<40x128xi32, #tpu.memory_space<vmem>> -> memref<1x128xi32, #tpu.memory_space<vmem>>
    %dma_start3A_206 = tpu.memref_squeeze %dma_start3A_205 : memref<1x128xi32, #tpu.memory_space<vmem>> -> memref<128xi32, #tpu.memory_space<vmem>>
    %dma_start3A_207 = arith.constant 0 : i32
    %dma_start3A_208 = arith.constant 0 : i32
    %dma_start3A_209 = tpu.memref_slice %arg14[%dma_start3A_207, %dma_start3A_208] : memref<10112x64xf32, #tpu.memory_space<vmem_shared>> -> memref<10112x64xf32, #tpu.memory_space<vmem_shared>>
    tpu.enqueue_indirect_dma source(%arg11 : memref<128x64xf32, #tpu.memory_space<vmem>>) target(%dma_start3A_209 : memref<10112x64xf32, #tpu.memory_space<vmem_shared>>) offsets(%dma_start3A_206 : memref<128xi32, #tpu.memory_space<vmem>>) semaphore(%arg21 : memref<!tpu.dma_semaphore, #tpu.memory_space<semaphore_mem>>) {add = true}
    %dma_wait3A_210 = arith.constant 37 : i32
    %dma_wait3A_211 = arith.constant 0 : i32
    %dma_wait3A_212 = tpu.memref_slice %arg8[%dma_wait3A_210, %dma_wait3A_211] : memref<40x128xi32, #tpu.memory_space<vmem>> -> memref<1x128xi32, #tpu.memory_space<vmem>>
    %dma_wait3A_213 = tpu.memref_squeeze %dma_wait3A_212 : memref<1x128xi32, #tpu.memory_space<vmem>> -> memref<128xi32, #tpu.memory_space<vmem>>
    %dma_wait3A_214 = arith.constant 0 : i32
    %dma_wait3A_215 = arith.constant 0 : i32
    %dma_wait3A_216 = tpu.memref_slice %arg14[%dma_wait3A_214, %dma_wait3A_215] : memref<10112x64xf32, #tpu.memory_space<vmem_shared>> -> memref<10112x64xf32, #tpu.memory_space<vmem_shared>>
    tpu.wait_indirect_dma semaphore(%arg20 : memref<!tpu.dma_semaphore, #tpu.memory_space<semaphore_mem>>) src(%arg10 : memref<128x64xf32, #tpu.memory_space<vmem>>) dst(%dma_wait3A_216 : memref<10112x64xf32, #tpu.memory_space<vmem_shared>>)
    %dma_wait3A_217 = arith.constant 39 : i32
    %dma_wait3A_218 = arith.constant 0 : i32
    %dma_wait3A_219 = tpu.memref_slice %arg7[%dma_wait3A_217, %dma_wait3A_218] : memref<40x128xi32, #tpu.memory_space<vmem>> -> memref<1x128xi32, #tpu.memory_space<vmem>>
    %dma_wait3A_220 = tpu.memref_squeeze %dma_wait3A_219 : memref<1x128xi32, #tpu.memory_space<vmem>> -> memref<128xi32, #tpu.memory_space<vmem>>
    %dma_wait3A_221 = arith.constant 0 : i32
    %dma_wait3A_222 = arith.constant 0 : i32
    %dma_wait3A_223 = tpu.memref_slice %arg13[%dma_wait3A_221, %dma_wait3A_222] : memref<10000x64xf32, #tpu.memory_space<vmem_shared>> -> memref<10000x64xf32, #tpu.memory_space<vmem_shared>>
    tpu.wait_indirect_dma semaphore(%arg18 : memref<!tpu.dma_semaphore, #tpu.memory_space<semaphore_mem>>) src(%dma_wait3A_223 : memref<10000x64xf32, #tpu.memory_space<vmem_shared>>) dst(%arg12 : memref<128x64xf32, #tpu.memory_space<vmem>>)
    %dma_start3A_224 = arith.constant 39 : i32
    %dma_start3A_225 = arith.constant 0 : i32
    %dma_start3A_226 = tpu.memref_slice %arg8[%dma_start3A_224, %dma_start3A_225] : memref<40x128xi32, #tpu.memory_space<vmem>> -> memref<1x128xi32, #tpu.memory_space<vmem>>
    %dma_start3A_227 = tpu.memref_squeeze %dma_start3A_226 : memref<1x128xi32, #tpu.memory_space<vmem>> -> memref<128xi32, #tpu.memory_space<vmem>>
    %dma_start3A_228 = arith.constant 0 : i32
    %dma_start3A_229 = arith.constant 0 : i32
    %dma_start3A_230 = tpu.memref_slice %arg14[%dma_start3A_228, %dma_start3A_229] : memref<10112x64xf32, #tpu.memory_space<vmem_shared>> -> memref<10112x64xf32, #tpu.memory_space<vmem_shared>>
    tpu.enqueue_indirect_dma source(%arg12 : memref<128x64xf32, #tpu.memory_space<vmem>>) target(%dma_start3A_230 : memref<10112x64xf32, #tpu.memory_space<vmem_shared>>) offsets(%dma_start3A_227 : memref<128xi32, #tpu.memory_space<vmem>>) semaphore(%arg22 : memref<!tpu.dma_semaphore, #tpu.memory_space<semaphore_mem>>) {add = true}
    %dma_wait3A_231 = arith.constant 38 : i32
    %dma_wait3A_232 = arith.constant 0 : i32
    %dma_wait3A_233 = tpu.memref_slice %arg8[%dma_wait3A_231, %dma_wait3A_232] : memref<40x128xi32, #tpu.memory_space<vmem>> -> memref<1x128xi32, #tpu.memory_space<vmem>>
    %dma_wait3A_234 = tpu.memref_squeeze %dma_wait3A_233 : memref<1x128xi32, #tpu.memory_space<vmem>> -> memref<128xi32, #tpu.memory_space<vmem>>
    %dma_wait3A_235 = arith.constant 0 : i32
    %dma_wait3A_236 = arith.constant 0 : i32
    %dma_wait3A_237 = tpu.memref_slice %arg14[%dma_wait3A_235, %dma_wait3A_236] : memref<10112x64xf32, #tpu.memory_space<vmem_shared>> -> memref<10112x64xf32, #tpu.memory_space<vmem_shared>>
    tpu.wait_indirect_dma semaphore(%arg21 : memref<!tpu.dma_semaphore, #tpu.memory_space<semaphore_mem>>) src(%arg11 : memref<128x64xf32, #tpu.memory_space<vmem>>) dst(%dma_wait3A_237 : memref<10112x64xf32, #tpu.memory_space<vmem_shared>>)
    %dma_wait3A_238 = arith.constant 39 : i32
    %dma_wait3A_239 = arith.constant 0 : i32
    %dma_wait3A_240 = tpu.memref_slice %arg8[%dma_wait3A_238, %dma_wait3A_239] : memref<40x128xi32, #tpu.memory_space<vmem>> -> memref<1x128xi32, #tpu.memory_space<vmem>>
    %dma_wait3A_241 = tpu.memref_squeeze %dma_wait3A_240 : memref<1x128xi32, #tpu.memory_space<vmem>> -> memref<128xi32, #tpu.memory_space<vmem>>
    %dma_wait3A_242 = arith.constant 0 : i32
    %dma_wait3A_243 = arith.constant 0 : i32
    %dma_wait3A_244 = tpu.memref_slice %arg14[%dma_wait3A_242, %dma_wait3A_243] : memref<10112x64xf32, #tpu.memory_space<vmem_shared>> -> memref<10112x64xf32, #tpu.memory_space<vmem_shared>>
    tpu.wait_indirect_dma semaphore(%arg22 : memref<!tpu.dma_semaphore, #tpu.memory_space<semaphore_mem>>) src(%arg12 : memref<128x64xf32, #tpu.memory_space<vmem>>) dst(%dma_wait3A_244 : memref<10112x64xf32, #tpu.memory_space<vmem_shared>>)
    %mul3A_245 = arith.constant 160 : i32
    %mul3A_246 = arith.muli %arg1, %mul3A_245 : i32
    %add3A_247 = arith.constant 80 : i32
    %add3A_248 = arith.addi %mul3A_246, %add3A_247 : i32
    "tpu.region"() ({
      %run_scoped3A = tpu.sem_alloc : memref<!tpu.dma_semaphore, #tpu.memory_space<semaphore_mem>>
      %dma_start3A_492 = arith.constant 0 : i32
      %dma_start3A_493 = tpu.memref_slice %arg2[%add3A_248, %dma_start3A_492] : memref<2560x128xi32, #tpu.memory_space<hbm>> -> memref<40x128xi32, #tpu.memory_space<hbm>>
      %dma_start3A_494 = arith.constant 0 : i32
      %dma_start3A_495 = tpu.memref_slice %arg2[%add3A_248, %dma_start3A_494] : memref<2560x128xi32, #tpu.memory_space<hbm>> -> memref<40x128xi32, #tpu.memory_space<hbm>>
      tpu.enqueue_dma source(%dma_start3A_495 : memref<40x128xi32, #tpu.memory_space<hbm>>) target(%arg7 : memref<40x128xi32, #tpu.memory_space<vmem>>) target_semaphore(%run_scoped3A : memref<!tpu.dma_semaphore, #tpu.memory_space<semaphore_mem>>)
      %dma_wait3A_496 = arith.constant 0 : i32
      %dma_wait3A_497 = tpu.memref_slice %arg2[%add3A_248, %dma_wait3A_496] : memref<2560x128xi32, #tpu.memory_space<hbm>> -> memref<40x128xi32, #tpu.memory_space<hbm>>
      %dma_wait3A_498 = arith.constant 0 : i32
      %dma_wait3A_499 = tpu.memref_slice %arg2[%add3A_248, %dma_wait3A_498] : memref<2560x128xi32, #tpu.memory_space<hbm>> -> memref<40x128xi32, #tpu.memory_space<hbm>>
      tpu.wait_dma2 semaphore(%run_scoped3A : memref<!tpu.dma_semaphore, #tpu.memory_space<semaphore_mem>>) src(%dma_wait3A_499 : memref<40x128xi32, #tpu.memory_space<hbm>>) dst(%arg7 : memref<40x128xi32, #tpu.memory_space<vmem>>)
      tpu.yield
    }) : () -> ()
    "tpu.region"() ({
      %run_scoped3A = tpu.sem_alloc : memref<!tpu.dma_semaphore, #tpu.memory_space<semaphore_mem>>
      %dma_start3A_492 = arith.constant 0 : i32
      %dma_start3A_493 = tpu.memref_slice %arg3[%add3A_248, %dma_start3A_492] : memref<2560x128xi32, #tpu.memory_space<hbm>> -> memref<40x128xi32, #tpu.memory_space<hbm>>
      %dma_start3A_494 = arith.constant 0 : i32
      %dma_start3A_495 = tpu.memref_slice %arg3[%add3A_248, %dma_start3A_494] : memref<2560x128xi32, #tpu.memory_space<hbm>> -> memref<40x128xi32, #tpu.memory_space<hbm>>
      tpu.enqueue_dma source(%dma_start3A_495 : memref<40x128xi32, #tpu.memory_space<hbm>>) target(%arg8 : memref<40x128xi32, #tpu.memory_space<vmem>>) target_semaphore(%run_scoped3A : memref<!tpu.dma_semaphore, #tpu.memory_space<semaphore_mem>>)
      %dma_wait3A_496 = arith.constant 0 : i32
      %dma_wait3A_497 = tpu.memref_slice %arg3[%add3A_248, %dma_wait3A_496] : memref<2560x128xi32, #tpu.memory_space<hbm>> -> memref<40x128xi32, #tpu.memory_space<hbm>>
      %dma_wait3A_498 = arith.constant 0 : i32
      %dma_wait3A_499 = tpu.memref_slice %arg3[%add3A_248, %dma_wait3A_498] : memref<2560x128xi32, #tpu.memory_space<hbm>> -> memref<40x128xi32, #tpu.memory_space<hbm>>
      tpu.wait_dma2 semaphore(%run_scoped3A : memref<!tpu.dma_semaphore, #tpu.memory_space<semaphore_mem>>) src(%dma_wait3A_499 : memref<40x128xi32, #tpu.memory_space<hbm>>) dst(%arg8 : memref<40x128xi32, #tpu.memory_space<vmem>>)
      tpu.yield
    }) : () -> ()
    %dma_start3A_249 = arith.constant 0 : i32
    %dma_start3A_250 = arith.constant 0 : i32
    %dma_start3A_251 = tpu.memref_slice %arg7[%dma_start3A_249, %dma_start3A_250] : memref<40x128xi32, #tpu.memory_space<vmem>> -> memref<1x128xi32, #tpu.memory_space<vmem>>
    %dma_start3A_252 = tpu.memref_squeeze %dma_start3A_251 : memref<1x128xi32, #tpu.memory_space<vmem>> -> memref<128xi32, #tpu.memory_space<vmem>>
    %dma_start3A_253 = arith.constant 0 : i32
    %dma_start3A_254 = arith.constant 0 : i32
    %dma_start3A_255 = tpu.memref_slice %arg13[%dma_start3A_253, %dma_start3A_254] : memref<10000x64xf32, #tpu.memory_space<vmem_shared>> -> memref<10000x64xf32, #tpu.memory_space<vmem_shared>>
    tpu.enqueue_indirect_dma source(%dma_start3A_255 : memref<10000x64xf32, #tpu.memory_space<vmem_shared>>) target(%arg9 : memref<128x64xf32, #tpu.memory_space<vmem>>) offsets(%dma_start3A_252 : memref<128xi32, #tpu.memory_space<vmem>>) semaphore(%arg15 : memref<!tpu.dma_semaphore, #tpu.memory_space<semaphore_mem>>)
    %dma_start3A_256 = arith.constant 1 : i32
    %dma_start3A_257 = arith.constant 0 : i32
    %dma_start3A_258 = tpu.memref_slice %arg7[%dma_start3A_256, %dma_start3A_257] : memref<40x128xi32, #tpu.memory_space<vmem>> -> memref<1x128xi32, #tpu.memory_space<vmem>>
    %dma_start3A_259 = tpu.memref_squeeze %dma_start3A_258 : memref<1x128xi32, #tpu.memory_space<vmem>> -> memref<128xi32, #tpu.memory_space<vmem>>
    %dma_start3A_260 = arith.constant 0 : i32
    %dma_start3A_261 = arith.constant 0 : i32
    %dma_start3A_262 = tpu.memref_slice %arg13[%dma_start3A_260, %dma_start3A_261] : memref<10000x64xf32, #tpu.memory_space<vmem_shared>> -> memref<10000x64xf32, #tpu.memory_space<vmem_shared>>
    tpu.enqueue_indirect_dma source(%dma_start3A_262 : memref<10000x64xf32, #tpu.memory_space<vmem_shared>>) target(%arg10 : memref<128x64xf32, #tpu.memory_space<vmem>>) offsets(%dma_start3A_259 : memref<128xi32, #tpu.memory_space<vmem>>) semaphore(%arg16 : memref<!tpu.dma_semaphore, #tpu.memory_space<semaphore_mem>>)
    %dma_start3A_263 = arith.constant 2 : i32
    %dma_start3A_264 = arith.constant 0 : i32
    %dma_start3A_265 = tpu.memref_slice %arg7[%dma_start3A_263, %dma_start3A_264] : memref<40x128xi32, #tpu.memory_space<vmem>> -> memref<1x128xi32, #tpu.memory_space<vmem>>
    %dma_start3A_266 = tpu.memref_squeeze %dma_start3A_265 : memref<1x128xi32, #tpu.memory_space<vmem>> -> memref<128xi32, #tpu.memory_space<vmem>>
    %dma_start3A_267 = arith.constant 0 : i32
    %dma_start3A_268 = arith.constant 0 : i32
    %dma_start3A_269 = tpu.memref_slice %arg13[%dma_start3A_267, %dma_start3A_268] : memref<10000x64xf32, #tpu.memory_space<vmem_shared>> -> memref<10000x64xf32, #tpu.memory_space<vmem_shared>>
    tpu.enqueue_indirect_dma source(%dma_start3A_269 : memref<10000x64xf32, #tpu.memory_space<vmem_shared>>) target(%arg11 : memref<128x64xf32, #tpu.memory_space<vmem>>) offsets(%dma_start3A_266 : memref<128xi32, #tpu.memory_space<vmem>>) semaphore(%arg17 : memref<!tpu.dma_semaphore, #tpu.memory_space<semaphore_mem>>)
    %dma_start3A_270 = arith.constant 3 : i32
    %dma_start3A_271 = arith.constant 0 : i32
    %dma_start3A_272 = tpu.memref_slice %arg7[%dma_start3A_270, %dma_start3A_271] : memref<40x128xi32, #tpu.memory_space<vmem>> -> memref<1x128xi32, #tpu.memory_space<vmem>>
    %dma_start3A_273 = tpu.memref_squeeze %dma_start3A_272 : memref<1x128xi32, #tpu.memory_space<vmem>> -> memref<128xi32, #tpu.memory_space<vmem>>
    %dma_start3A_274 = arith.constant 0 : i32
    %dma_start3A_275 = arith.constant 0 : i32
    %dma_start3A_276 = tpu.memref_slice %arg13[%dma_start3A_274, %dma_start3A_275] : memref<10000x64xf32, #tpu.memory_space<vmem_shared>> -> memref<10000x64xf32, #tpu.memory_space<vmem_shared>>
    tpu.enqueue_indirect_dma source(%dma_start3A_276 : memref<10000x64xf32, #tpu.memory_space<vmem_shared>>) target(%arg12 : memref<128x64xf32, #tpu.memory_space<vmem>>) offsets(%dma_start3A_273 : memref<128xi32, #tpu.memory_space<vmem>>) semaphore(%arg18 : memref<!tpu.dma_semaphore, #tpu.memory_space<semaphore_mem>>)
    %dma_wait3A_277 = arith.constant 0 : i32
    %dma_wait3A_278 = arith.constant 0 : i32
    %dma_wait3A_279 = tpu.memref_slice %arg7[%dma_wait3A_277, %dma_wait3A_278] : memref<40x128xi32, #tpu.memory_space<vmem>> -> memref<1x128xi32, #tpu.memory_space<vmem>>
    %dma_wait3A_280 = tpu.memref_squeeze %dma_wait3A_279 : memref<1x128xi32, #tpu.memory_space<vmem>> -> memref<128xi32, #tpu.memory_space<vmem>>
    %dma_wait3A_281 = arith.constant 0 : i32
    %dma_wait3A_282 = arith.constant 0 : i32
    %dma_wait3A_283 = tpu.memref_slice %arg13[%dma_wait3A_281, %dma_wait3A_282] : memref<10000x64xf32, #tpu.memory_space<vmem_shared>> -> memref<10000x64xf32, #tpu.memory_space<vmem_shared>>
    tpu.wait_indirect_dma semaphore(%arg15 : memref<!tpu.dma_semaphore, #tpu.memory_space<semaphore_mem>>) src(%dma_wait3A_283 : memref<10000x64xf32, #tpu.memory_space<vmem_shared>>) dst(%arg9 : memref<128x64xf32, #tpu.memory_space<vmem>>)
    %dma_start3A_284 = arith.constant 0 : i32
    %dma_start3A_285 = arith.constant 0 : i32
    %dma_start3A_286 = tpu.memref_slice %arg8[%dma_start3A_284, %dma_start3A_285] : memref<40x128xi32, #tpu.memory_space<vmem>> -> memref<1x128xi32, #tpu.memory_space<vmem>>
    %dma_start3A_287 = tpu.memref_squeeze %dma_start3A_286 : memref<1x128xi32, #tpu.memory_space<vmem>> -> memref<128xi32, #tpu.memory_space<vmem>>
    %dma_start3A_288 = arith.constant 0 : i32
    %dma_start3A_289 = arith.constant 0 : i32
    %dma_start3A_290 = tpu.memref_slice %arg14[%dma_start3A_288, %dma_start3A_289] : memref<10112x64xf32, #tpu.memory_space<vmem_shared>> -> memref<10112x64xf32, #tpu.memory_space<vmem_shared>>
    tpu.enqueue_indirect_dma source(%arg9 : memref<128x64xf32, #tpu.memory_space<vmem>>) target(%dma_start3A_290 : memref<10112x64xf32, #tpu.memory_space<vmem_shared>>) offsets(%dma_start3A_287 : memref<128xi32, #tpu.memory_space<vmem>>) semaphore(%arg19 : memref<!tpu.dma_semaphore, #tpu.memory_space<semaphore_mem>>) {add = true}
    %scan3A_291 = arith.constant 0 : i32
    %scan3A_292 = arith.constant 9 : i32
    %scan3A_293 = arith.addi %scan3A_291, %scan3A_292 : i32
    %scan3A_294 = arith.constant 1 : i32
    scf.for %scan3A_492 = %scan3A_291 to %scan3A_293 step %scan3A_294  : i32 {
      %mul3A_493 = arith.constant 4 : i32
      %mul3A_494 = arith.muli %mul3A_493, %scan3A_492 : i32
      %add3A_495 = arith.constant 1 : i32
      %add3A_496 = arith.addi %mul3A_494, %add3A_495 : i32
      %add3A_497 = arith.constant 0 : i32
      %add3A_498 = arith.addi %add3A_496, %add3A_497 : i32
      %dma_wait3A_499 = arith.constant 0 : i32
      %dma_wait3A_500 = tpu.memref_slice %arg7[%add3A_498, %dma_wait3A_499] : memref<40x128xi32, #tpu.memory_space<vmem>> -> memref<1x128xi32, #tpu.memory_space<vmem>>
      %dma_wait3A_501 = tpu.memref_squeeze %dma_wait3A_500 : memref<1x128xi32, #tpu.memory_space<vmem>> -> memref<128xi32, #tpu.memory_space<vmem>>
      %dma_wait3A_502 = arith.constant 0 : i32
      %dma_wait3A_503 = arith.constant 0 : i32
      %dma_wait3A_504 = tpu.memref_slice %arg13[%dma_wait3A_502, %dma_wait3A_503] : memref<10000x64xf32, #tpu.memory_space<vmem_shared>> -> memref<10000x64xf32, #tpu.memory_space<vmem_shared>>
      tpu.wait_indirect_dma semaphore(%arg16 : memref<!tpu.dma_semaphore, #tpu.memory_space<semaphore_mem>>) src(%dma_wait3A_504 : memref<10000x64xf32, #tpu.memory_space<vmem_shared>>) dst(%arg10 : memref<128x64xf32, #tpu.memory_space<vmem>>)
      %dma_start3A_505 = arith.constant 0 : i32
      %dma_start3A_506 = tpu.memref_slice %arg8[%add3A_498, %dma_start3A_505] : memref<40x128xi32, #tpu.memory_space<vmem>> -> memref<1x128xi32, #tpu.memory_space<vmem>>
      %dma_start3A_507 = tpu.memref_squeeze %dma_start3A_506 : memref<1x128xi32, #tpu.memory_space<vmem>> -> memref<128xi32, #tpu.memory_space<vmem>>
      %dma_start3A_508 = arith.constant 0 : i32
      %dma_start3A_509 = arith.constant 0 : i32
      %dma_start3A_510 = tpu.memref_slice %arg14[%dma_start3A_508, %dma_start3A_509] : memref<10112x64xf32, #tpu.memory_space<vmem_shared>> -> memref<10112x64xf32, #tpu.memory_space<vmem_shared>>
      tpu.enqueue_indirect_dma source(%arg10 : memref<128x64xf32, #tpu.memory_space<vmem>>) target(%dma_start3A_510 : memref<10112x64xf32, #tpu.memory_space<vmem_shared>>) offsets(%dma_start3A_507 : memref<128xi32, #tpu.memory_space<vmem>>) semaphore(%arg20 : memref<!tpu.dma_semaphore, #tpu.memory_space<semaphore_mem>>) {add = true}
      %sub3A = arith.constant 1 : i32
      %sub3A_511 = arith.subi %add3A_498, %sub3A : i32
      %dma_wait3A_512 = arith.constant 0 : i32
      %dma_wait3A_513 = tpu.memref_slice %arg8[%sub3A_511, %dma_wait3A_512] : memref<40x128xi32, #tpu.memory_space<vmem>> -> memref<1x128xi32, #tpu.memory_space<vmem>>
      %dma_wait3A_514 = tpu.memref_squeeze %dma_wait3A_513 : memref<1x128xi32, #tpu.memory_space<vmem>> -> memref<128xi32, #tpu.memory_space<vmem>>
      %dma_wait3A_515 = arith.constant 0 : i32
      %dma_wait3A_516 = arith.constant 0 : i32
      %dma_wait3A_517 = tpu.memref_slice %arg14[%dma_wait3A_515, %dma_wait3A_516] : memref<10112x64xf32, #tpu.memory_space<vmem_shared>> -> memref<10112x64xf32, #tpu.memory_space<vmem_shared>>
      tpu.wait_indirect_dma semaphore(%arg19 : memref<!tpu.dma_semaphore, #tpu.memory_space<semaphore_mem>>) src(%arg9 : memref<128x64xf32, #tpu.memory_space<vmem>>) dst(%dma_wait3A_517 : memref<10112x64xf32, #tpu.memory_space<vmem_shared>>)
      %add3A_518 = arith.constant 4 : i32
      %add3A_519 = arith.addi %add3A_498, %add3A_518 : i32
      %sub3A_520 = arith.constant 1 : i32
      %sub3A_521 = arith.subi %add3A_519, %sub3A_520 : i32
      %dma_start3A_522 = arith.constant 0 : i32
      %dma_start3A_523 = tpu.memref_slice %arg7[%sub3A_521, %dma_start3A_522] : memref<40x128xi32, #tpu.memory_space<vmem>> -> memref<1x128xi32, #tpu.memory_space<vmem>>
      %dma_start3A_524 = tpu.memref_squeeze %dma_start3A_523 : memref<1x128xi32, #tpu.memory_space<vmem>> -> memref<128xi32, #tpu.memory_space<vmem>>
      %dma_start3A_525 = arith.constant 0 : i32
      %dma_start3A_526 = arith.constant 0 : i32
      %dma_start3A_527 = tpu.memref_slice %arg13[%dma_start3A_525, %dma_start3A_526] : memref<10000x64xf32, #tpu.memory_space<vmem_shared>> -> memref<10000x64xf32, #tpu.memory_space<vmem_shared>>
      tpu.enqueue_indirect_dma source(%dma_start3A_527 : memref<10000x64xf32, #tpu.memory_space<vmem_shared>>) target(%arg9 : memref<128x64xf32, #tpu.memory_space<vmem>>) offsets(%dma_start3A_524 : memref<128xi32, #tpu.memory_space<vmem>>) semaphore(%arg15 : memref<!tpu.dma_semaphore, #tpu.memory_space<semaphore_mem>>)
      %add3A_528 = arith.constant 1 : i32
      %add3A_529 = arith.addi %add3A_496, %add3A_528 : i32
      %dma_wait3A_530 = arith.constant 0 : i32
      %dma_wait3A_531 = tpu.memref_slice %arg7[%add3A_529, %dma_wait3A_530] : memref<40x128xi32, #tpu.memory_space<vmem>> -> memref<1x128xi32, #tpu.memory_space<vmem>>
      %dma_wait3A_532 = tpu.memref_squeeze %dma_wait3A_531 : memref<1x128xi32, #tpu.memory_space<vmem>> -> memref<128xi32, #tpu.memory_space<vmem>>
      %dma_wait3A_533 = arith.constant 0 : i32
      %dma_wait3A_534 = arith.constant 0 : i32
      %dma_wait3A_535 = tpu.memref_slice %arg13[%dma_wait3A_533, %dma_wait3A_534] : memref<10000x64xf32, #tpu.memory_space<vmem_shared>> -> memref<10000x64xf32, #tpu.memory_space<vmem_shared>>
      tpu.wait_indirect_dma semaphore(%arg17 : memref<!tpu.dma_semaphore, #tpu.memory_space<semaphore_mem>>) src(%dma_wait3A_535 : memref<10000x64xf32, #tpu.memory_space<vmem_shared>>) dst(%arg11 : memref<128x64xf32, #tpu.memory_space<vmem>>)
      %dma_start3A_536 = arith.constant 0 : i32
      %dma_start3A_537 = tpu.memref_slice %arg8[%add3A_529, %dma_start3A_536] : memref<40x128xi32, #tpu.memory_space<vmem>> -> memref<1x128xi32, #tpu.memory_space<vmem>>
      %dma_start3A_538 = tpu.memref_squeeze %dma_start3A_537 : memref<1x128xi32, #tpu.memory_space<vmem>> -> memref<128xi32, #tpu.memory_space<vmem>>
      %dma_start3A_539 = arith.constant 0 : i32
      %dma_start3A_540 = arith.constant 0 : i32
      %dma_start3A_541 = tpu.memref_slice %arg14[%dma_start3A_539, %dma_start3A_540] : memref<10112x64xf32, #tpu.memory_space<vmem_shared>> -> memref<10112x64xf32, #tpu.memory_space<vmem_shared>>
      tpu.enqueue_indirect_dma source(%arg11 : memref<128x64xf32, #tpu.memory_space<vmem>>) target(%dma_start3A_541 : memref<10112x64xf32, #tpu.memory_space<vmem_shared>>) offsets(%dma_start3A_538 : memref<128xi32, #tpu.memory_space<vmem>>) semaphore(%arg21 : memref<!tpu.dma_semaphore, #tpu.memory_space<semaphore_mem>>) {add = true}
      %sub3A_542 = arith.constant 1 : i32
      %sub3A_543 = arith.subi %add3A_529, %sub3A_542 : i32
      %dma_wait3A_544 = arith.constant 0 : i32
      %dma_wait3A_545 = tpu.memref_slice %arg8[%sub3A_543, %dma_wait3A_544] : memref<40x128xi32, #tpu.memory_space<vmem>> -> memref<1x128xi32, #tpu.memory_space<vmem>>
      %dma_wait3A_546 = tpu.memref_squeeze %dma_wait3A_545 : memref<1x128xi32, #tpu.memory_space<vmem>> -> memref<128xi32, #tpu.memory_space<vmem>>
      %dma_wait3A_547 = arith.constant 0 : i32
      %dma_wait3A_548 = arith.constant 0 : i32
      %dma_wait3A_549 = tpu.memref_slice %arg14[%dma_wait3A_547, %dma_wait3A_548] : memref<10112x64xf32, #tpu.memory_space<vmem_shared>> -> memref<10112x64xf32, #tpu.memory_space<vmem_shared>>
      tpu.wait_indirect_dma semaphore(%arg20 : memref<!tpu.dma_semaphore, #tpu.memory_space<semaphore_mem>>) src(%arg10 : memref<128x64xf32, #tpu.memory_space<vmem>>) dst(%dma_wait3A_549 : memref<10112x64xf32, #tpu.memory_space<vmem_shared>>)
      %add3A_550 = arith.constant 4 : i32
      %add3A_551 = arith.addi %add3A_529, %add3A_550 : i32
      %sub3A_552 = arith.constant 1 : i32
      %sub3A_553 = arith.subi %add3A_551, %sub3A_552 : i32
      %dma_start3A_554 = arith.constant 0 : i32
      %dma_start3A_555 = tpu.memref_slice %arg7[%sub3A_553, %dma_start3A_554] : memref<40x128xi32, #tpu.memory_space<vmem>> -> memref<1x128xi32, #tpu.memory_space<vmem>>
      %dma_start3A_556 = tpu.memref_squeeze %dma_start3A_555 : memref<1x128xi32, #tpu.memory_space<vmem>> -> memref<128xi32, #tpu.memory_space<vmem>>
      %dma_start3A_557 = arith.constant 0 : i32
      %dma_start3A_558 = arith.constant 0 : i32
      %dma_start3A_559 = tpu.memref_slice %arg13[%dma_start3A_557, %dma_start3A_558] : memref<10000x64xf32, #tpu.memory_space<vmem_shared>> -> memref<10000x64xf32, #tpu.memory_space<vmem_shared>>
      tpu.enqueue_indirect_dma source(%dma_start3A_559 : memref<10000x64xf32, #tpu.memory_space<vmem_shared>>) target(%arg10 : memref<128x64xf32, #tpu.memory_space<vmem>>) offsets(%dma_start3A_556 : memref<128xi32, #tpu.memory_space<vmem>>) semaphore(%arg16 : memref<!tpu.dma_semaphore, #tpu.memory_space<semaphore_mem>>)
      %add3A_560 = arith.constant 2 : i32
      %add3A_561 = arith.addi %add3A_496, %add3A_560 : i32
      %dma_wait3A_562 = arith.constant 0 : i32
      %dma_wait3A_563 = tpu.memref_slice %arg7[%add3A_561, %dma_wait3A_562] : memref<40x128xi32, #tpu.memory_space<vmem>> -> memref<1x128xi32, #tpu.memory_space<vmem>>
      %dma_wait3A_564 = tpu.memref_squeeze %dma_wait3A_563 : memref<1x128xi32, #tpu.memory_space<vmem>> -> memref<128xi32, #tpu.memory_space<vmem>>
      %dma_wait3A_565 = arith.constant 0 : i32
      %dma_wait3A_566 = arith.constant 0 : i32
      %dma_wait3A_567 = tpu.memref_slice %arg13[%dma_wait3A_565, %dma_wait3A_566] : memref<10000x64xf32, #tpu.memory_space<vmem_shared>> -> memref<10000x64xf32, #tpu.memory_space<vmem_shared>>
      tpu.wait_indirect_dma semaphore(%arg18 : memref<!tpu.dma_semaphore, #tpu.memory_space<semaphore_mem>>) src(%dma_wait3A_567 : memref<10000x64xf32, #tpu.memory_space<vmem_shared>>) dst(%arg12 : memref<128x64xf32, #tpu.memory_space<vmem>>)
      %dma_start3A_568 = arith.constant 0 : i32
      %dma_start3A_569 = tpu.memref_slice %arg8[%add3A_561, %dma_start3A_568] : memref<40x128xi32, #tpu.memory_space<vmem>> -> memref<1x128xi32, #tpu.memory_space<vmem>>
      %dma_start3A_570 = tpu.memref_squeeze %dma_start3A_569 : memref<1x128xi32, #tpu.memory_space<vmem>> -> memref<128xi32, #tpu.memory_space<vmem>>
      %dma_start3A_571 = arith.constant 0 : i32
      %dma_start3A_572 = arith.constant 0 : i32
      %dma_start3A_573 = tpu.memref_slice %arg14[%dma_start3A_571, %dma_start3A_572] : memref<10112x64xf32, #tpu.memory_space<vmem_shared>> -> memref<10112x64xf32, #tpu.memory_space<vmem_shared>>
      tpu.enqueue_indirect_dma source(%arg12 : memref<128x64xf32, #tpu.memory_space<vmem>>) target(%dma_start3A_573 : memref<10112x64xf32, #tpu.memory_space<vmem_shared>>) offsets(%dma_start3A_570 : memref<128xi32, #tpu.memory_space<vmem>>) semaphore(%arg22 : memref<!tpu.dma_semaphore, #tpu.memory_space<semaphore_mem>>) {add = true}
      %sub3A_574 = arith.constant 1 : i32
      %sub3A_575 = arith.subi %add3A_561, %sub3A_574 : i32
      %dma_wait3A_576 = arith.constant 0 : i32
      %dma_wait3A_577 = tpu.memref_slice %arg8[%sub3A_575, %dma_wait3A_576] : memref<40x128xi32, #tpu.memory_space<vmem>> -> memref<1x128xi32, #tpu.memory_space<vmem>>
      %dma_wait3A_578 = tpu.memref_squeeze %dma_wait3A_577 : memref<1x128xi32, #tpu.memory_space<vmem>> -> memref<128xi32, #tpu.memory_space<vmem>>
      %dma_wait3A_579 = arith.constant 0 : i32
      %dma_wait3A_580 = arith.constant 0 : i32
      %dma_wait3A_581 = tpu.memref_slice %arg14[%dma_wait3A_579, %dma_wait3A_580] : memref<10112x64xf32, #tpu.memory_space<vmem_shared>> -> memref<10112x64xf32, #tpu.memory_space<vmem_shared>>
      tpu.wait_indirect_dma semaphore(%arg21 : memref<!tpu.dma_semaphore, #tpu.memory_space<semaphore_mem>>) src(%arg11 : memref<128x64xf32, #tpu.memory_space<vmem>>) dst(%dma_wait3A_581 : memref<10112x64xf32, #tpu.memory_space<vmem_shared>>)
      %add3A_582 = arith.constant 4 : i32
      %add3A_583 = arith.addi %add3A_561, %add3A_582 : i32
      %sub3A_584 = arith.constant 1 : i32
      %sub3A_585 = arith.subi %add3A_583, %sub3A_584 : i32
      %dma_start3A_586 = arith.constant 0 : i32
      %dma_start3A_587 = tpu.memref_slice %arg7[%sub3A_585, %dma_start3A_586] : memref<40x128xi32, #tpu.memory_space<vmem>> -> memref<1x128xi32, #tpu.memory_space<vmem>>
      %dma_start3A_588 = tpu.memref_squeeze %dma_start3A_587 : memref<1x128xi32, #tpu.memory_space<vmem>> -> memref<128xi32, #tpu.memory_space<vmem>>
      %dma_start3A_589 = arith.constant 0 : i32
      %dma_start3A_590 = arith.constant 0 : i32
      %dma_start3A_591 = tpu.memref_slice %arg13[%dma_start3A_589, %dma_start3A_590] : memref<10000x64xf32, #tpu.memory_space<vmem_shared>> -> memref<10000x64xf32, #tpu.memory_space<vmem_shared>>
      tpu.enqueue_indirect_dma source(%dma_start3A_591 : memref<10000x64xf32, #tpu.memory_space<vmem_shared>>) target(%arg11 : memref<128x64xf32, #tpu.memory_space<vmem>>) offsets(%dma_start3A_588 : memref<128xi32, #tpu.memory_space<vmem>>) semaphore(%arg17 : memref<!tpu.dma_semaphore, #tpu.memory_space<semaphore_mem>>)
      %add3A_592 = arith.constant 3 : i32
      %add3A_593 = arith.addi %add3A_496, %add3A_592 : i32
      %dma_wait3A_594 = arith.constant 0 : i32
      %dma_wait3A_595 = tpu.memref_slice %arg7[%add3A_593, %dma_wait3A_594] : memref<40x128xi32, #tpu.memory_space<vmem>> -> memref<1x128xi32, #tpu.memory_space<vmem>>
      %dma_wait3A_596 = tpu.memref_squeeze %dma_wait3A_595 : memref<1x128xi32, #tpu.memory_space<vmem>> -> memref<128xi32, #tpu.memory_space<vmem>>
      %dma_wait3A_597 = arith.constant 0 : i32
      %dma_wait3A_598 = arith.constant 0 : i32
      %dma_wait3A_599 = tpu.memref_slice %arg13[%dma_wait3A_597, %dma_wait3A_598] : memref<10000x64xf32, #tpu.memory_space<vmem_shared>> -> memref<10000x64xf32, #tpu.memory_space<vmem_shared>>
      tpu.wait_indirect_dma semaphore(%arg15 : memref<!tpu.dma_semaphore, #tpu.memory_space<semaphore_mem>>) src(%dma_wait3A_599 : memref<10000x64xf32, #tpu.memory_space<vmem_shared>>) dst(%arg9 : memref<128x64xf32, #tpu.memory_space<vmem>>)
      %dma_start3A_600 = arith.constant 0 : i32
      %dma_start3A_601 = tpu.memref_slice %arg8[%add3A_593, %dma_start3A_600] : memref<40x128xi32, #tpu.memory_space<vmem>> -> memref<1x128xi32, #tpu.memory_space<vmem>>
      %dma_start3A_602 = tpu.memref_squeeze %dma_start3A_601 : memref<1x128xi32, #tpu.memory_space<vmem>> -> memref<128xi32, #tpu.memory_space<vmem>>
      %dma_start3A_603 = arith.constant 0 : i32
      %dma_start3A_604 = arith.constant 0 : i32
      %dma_start3A_605 = tpu.memref_slice %arg14[%dma_start3A_603, %dma_start3A_604] : memref<10112x64xf32, #tpu.memory_space<vmem_shared>> -> memref<10112x64xf32, #tpu.memory_space<vmem_shared>>
      tpu.enqueue_indirect_dma source(%arg9 : memref<128x64xf32, #tpu.memory_space<vmem>>) target(%dma_start3A_605 : memref<10112x64xf32, #tpu.memory_space<vmem_shared>>) offsets(%dma_start3A_602 : memref<128xi32, #tpu.memory_space<vmem>>) semaphore(%arg19 : memref<!tpu.dma_semaphore, #tpu.memory_space<semaphore_mem>>) {add = true}
      %sub3A_606 = arith.constant 1 : i32
      %sub3A_607 = arith.subi %add3A_593, %sub3A_606 : i32
      %dma_wait3A_608 = arith.constant 0 : i32
      %dma_wait3A_609 = tpu.memref_slice %arg8[%sub3A_607, %dma_wait3A_608] : memref<40x128xi32, #tpu.memory_space<vmem>> -> memref<1x128xi32, #tpu.memory_space<vmem>>
      %dma_wait3A_610 = tpu.memref_squeeze %dma_wait3A_609 : memref<1x128xi32, #tpu.memory_space<vmem>> -> memref<128xi32, #tpu.memory_space<vmem>>
      %dma_wait3A_611 = arith.constant 0 : i32
      %dma_wait3A_612 = arith.constant 0 : i32
      %dma_wait3A_613 = tpu.memref_slice %arg14[%dma_wait3A_611, %dma_wait3A_612] : memref<10112x64xf32, #tpu.memory_space<vmem_shared>> -> memref<10112x64xf32, #tpu.memory_space<vmem_shared>>
      tpu.wait_indirect_dma semaphore(%arg22 : memref<!tpu.dma_semaphore, #tpu.memory_space<semaphore_mem>>) src(%arg12 : memref<128x64xf32, #tpu.memory_space<vmem>>) dst(%dma_wait3A_613 : memref<10112x64xf32, #tpu.memory_space<vmem_shared>>)
      %add3A_614 = arith.constant 4 : i32
      %add3A_615 = arith.addi %add3A_593, %add3A_614 : i32
      %sub3A_616 = arith.constant 1 : i32
      %sub3A_617 = arith.subi %add3A_615, %sub3A_616 : i32
      %dma_start3A_618 = arith.constant 0 : i32
      %dma_start3A_619 = tpu.memref_slice %arg7[%sub3A_617, %dma_start3A_618] : memref<40x128xi32, #tpu.memory_space<vmem>> -> memref<1x128xi32, #tpu.memory_space<vmem>>
      %dma_start3A_620 = tpu.memref_squeeze %dma_start3A_619 : memref<1x128xi32, #tpu.memory_space<vmem>> -> memref<128xi32, #tpu.memory_space<vmem>>
      %dma_start3A_621 = arith.constant 0 : i32
      %dma_start3A_622 = arith.constant 0 : i32
      %dma_start3A_623 = tpu.memref_slice %arg13[%dma_start3A_621, %dma_start3A_622] : memref<10000x64xf32, #tpu.memory_space<vmem_shared>> -> memref<10000x64xf32, #tpu.memory_space<vmem_shared>>
      tpu.enqueue_indirect_dma source(%dma_start3A_623 : memref<10000x64xf32, #tpu.memory_space<vmem_shared>>) target(%arg12 : memref<128x64xf32, #tpu.memory_space<vmem>>) offsets(%dma_start3A_620 : memref<128xi32, #tpu.memory_space<vmem>>) semaphore(%arg18 : memref<!tpu.dma_semaphore, #tpu.memory_space<semaphore_mem>>)
    }
    %scan3A_295 = arith.constant 9 : i32
    %dma_wait3A_296 = arith.constant 37 : i32
    %dma_wait3A_297 = arith.constant 0 : i32
    %dma_wait3A_298 = tpu.memref_slice %arg7[%dma_wait3A_296, %dma_wait3A_297] : memref<40x128xi32, #tpu.memory_space<vmem>> -> memref<1x128xi32, #tpu.memory_space<vmem>>
    %dma_wait3A_299 = tpu.memref_squeeze %dma_wait3A_298 : memref<1x128xi32, #tpu.memory_space<vmem>> -> memref<128xi32, #tpu.memory_space<vmem>>
    %dma_wait3A_300 = arith.constant 0 : i32
    %dma_wait3A_301 = arith.constant 0 : i32
    %dma_wait3A_302 = tpu.memref_slice %arg13[%dma_wait3A_300, %dma_wait3A_301] : memref<10000x64xf32, #tpu.memory_space<vmem_shared>> -> memref<10000x64xf32, #tpu.memory_space<vmem_shared>>
    tpu.wait_indirect_dma semaphore(%arg16 : memref<!tpu.dma_semaphore, #tpu.memory_space<semaphore_mem>>) src(%dma_wait3A_302 : memref<10000x64xf32, #tpu.memory_space<vmem_shared>>) dst(%arg10 : memref<128x64xf32, #tpu.memory_space<vmem>>)
    %dma_start3A_303 = arith.constant 37 : i32
    %dma_start3A_304 = arith.constant 0 : i32
    %dma_start3A_305 = tpu.memref_slice %arg8[%dma_start3A_303, %dma_start3A_304] : memref<40x128xi32, #tpu.memory_space<vmem>> -> memref<1x128xi32, #tpu.memory_space<vmem>>
    %dma_start3A_306 = tpu.memref_squeeze %dma_start3A_305 : memref<1x128xi32, #tpu.memory_space<vmem>> -> memref<128xi32, #tpu.memory_space<vmem>>
    %dma_start3A_307 = arith.constant 0 : i32
    %dma_start3A_308 = arith.constant 0 : i32
    %dma_start3A_309 = tpu.memref_slice %arg14[%dma_start3A_307, %dma_start3A_308] : memref<10112x64xf32, #tpu.memory_space<vmem_shared>> -> memref<10112x64xf32, #tpu.memory_space<vmem_shared>>
    tpu.enqueue_indirect_dma source(%arg10 : memref<128x64xf32, #tpu.memory_space<vmem>>) target(%dma_start3A_309 : memref<10112x64xf32, #tpu.memory_space<vmem_shared>>) offsets(%dma_start3A_306 : memref<128xi32, #tpu.memory_space<vmem>>) semaphore(%arg20 : memref<!tpu.dma_semaphore, #tpu.memory_space<semaphore_mem>>) {add = true}
    %dma_wait3A_310 = arith.constant 36 : i32
    %dma_wait3A_311 = arith.constant 0 : i32
    %dma_wait3A_312 = tpu.memref_slice %arg8[%dma_wait3A_310, %dma_wait3A_311] : memref<40x128xi32, #tpu.memory_space<vmem>> -> memref<1x128xi32, #tpu.memory_space<vmem>>
    %dma_wait3A_313 = tpu.memref_squeeze %dma_wait3A_312 : memref<1x128xi32, #tpu.memory_space<vmem>> -> memref<128xi32, #tpu.memory_space<vmem>>
    %dma_wait3A_314 = arith.constant 0 : i32
    %dma_wait3A_315 = arith.constant 0 : i32
    %dma_wait3A_316 = tpu.memref_slice %arg14[%dma_wait3A_314, %dma_wait3A_315] : memref<10112x64xf32, #tpu.memory_space<vmem_shared>> -> memref<10112x64xf32, #tpu.memory_space<vmem_shared>>
    tpu.wait_indirect_dma semaphore(%arg19 : memref<!tpu.dma_semaphore, #tpu.memory_space<semaphore_mem>>) src(%arg9 : memref<128x64xf32, #tpu.memory_space<vmem>>) dst(%dma_wait3A_316 : memref<10112x64xf32, #tpu.memory_space<vmem_shared>>)
    %dma_wait3A_317 = arith.constant 38 : i32
    %dma_wait3A_318 = arith.constant 0 : i32
    %dma_wait3A_319 = tpu.memref_slice %arg7[%dma_wait3A_317, %dma_wait3A_318] : memref<40x128xi32, #tpu.memory_space<vmem>> -> memref<1x128xi32, #tpu.memory_space<vmem>>
    %dma_wait3A_320 = tpu.memref_squeeze %dma_wait3A_319 : memref<1x128xi32, #tpu.memory_space<vmem>> -> memref<128xi32, #tpu.memory_space<vmem>>
    %dma_wait3A_321 = arith.constant 0 : i32
    %dma_wait3A_322 = arith.constant 0 : i32
    %dma_wait3A_323 = tpu.memref_slice %arg13[%dma_wait3A_321, %dma_wait3A_322] : memref<10000x64xf32, #tpu.memory_space<vmem_shared>> -> memref<10000x64xf32, #tpu.memory_space<vmem_shared>>
    tpu.wait_indirect_dma semaphore(%arg17 : memref<!tpu.dma_semaphore, #tpu.memory_space<semaphore_mem>>) src(%dma_wait3A_323 : memref<10000x64xf32, #tpu.memory_space<vmem_shared>>) dst(%arg11 : memref<128x64xf32, #tpu.memory_space<vmem>>)
    %dma_start3A_324 = arith.constant 38 : i32
    %dma_start3A_325 = arith.constant 0 : i32
    %dma_start3A_326 = tpu.memref_slice %arg8[%dma_start3A_324, %dma_start3A_325] : memref<40x128xi32, #tpu.memory_space<vmem>> -> memref<1x128xi32, #tpu.memory_space<vmem>>
    %dma_start3A_327 = tpu.memref_squeeze %dma_start3A_326 : memref<1x128xi32, #tpu.memory_space<vmem>> -> memref<128xi32, #tpu.memory_space<vmem>>
    %dma_start3A_328 = arith.constant 0 : i32
    %dma_start3A_329 = arith.constant 0 : i32
    %dma_start3A_330 = tpu.memref_slice %arg14[%dma_start3A_328, %dma_start3A_329] : memref<10112x64xf32, #tpu.memory_space<vmem_shared>> -> memref<10112x64xf32, #tpu.memory_space<vmem_shared>>
    tpu.enqueue_indirect_dma source(%arg11 : memref<128x64xf32, #tpu.memory_space<vmem>>) target(%dma_start3A_330 : memref<10112x64xf32, #tpu.memory_space<vmem_shared>>) offsets(%dma_start3A_327 : memref<128xi32, #tpu.memory_space<vmem>>) semaphore(%arg21 : memref<!tpu.dma_semaphore, #tpu.memory_space<semaphore_mem>>) {add = true}
    %dma_wait3A_331 = arith.constant 37 : i32
    %dma_wait3A_332 = arith.constant 0 : i32
    %dma_wait3A_333 = tpu.memref_slice %arg8[%dma_wait3A_331, %dma_wait3A_332] : memref<40x128xi32, #tpu.memory_space<vmem>> -> memref<1x128xi32, #tpu.memory_space<vmem>>
    %dma_wait3A_334 = tpu.memref_squeeze %dma_wait3A_333 : memref<1x128xi32, #tpu.memory_space<vmem>> -> memref<128xi32, #tpu.memory_space<vmem>>
    %dma_wait3A_335 = arith.constant 0 : i32
    %dma_wait3A_336 = arith.constant 0 : i32
    %dma_wait3A_337 = tpu.memref_slice %arg14[%dma_wait3A_335, %dma_wait3A_336] : memref<10112x64xf32, #tpu.memory_space<vmem_shared>> -> memref<10112x64xf32, #tpu.memory_space<vmem_shared>>
    tpu.wait_indirect_dma semaphore(%arg20 : memref<!tpu.dma_semaphore, #tpu.memory_space<semaphore_mem>>) src(%arg10 : memref<128x64xf32, #tpu.memory_space<vmem>>) dst(%dma_wait3A_337 : memref<10112x64xf32, #tpu.memory_space<vmem_shared>>)
    %dma_wait3A_338 = arith.constant 39 : i32
    %dma_wait3A_339 = arith.constant 0 : i32
    %dma_wait3A_340 = tpu.memref_slice %arg7[%dma_wait3A_338, %dma_wait3A_339] : memref<40x128xi32, #tpu.memory_space<vmem>> -> memref<1x128xi32, #tpu.memory_space<vmem>>
    %dma_wait3A_341 = tpu.memref_squeeze %dma_wait3A_340 : memref<1x128xi32, #tpu.memory_space<vmem>> -> memref<128xi32, #tpu.memory_space<vmem>>
    %dma_wait3A_342 = arith.constant 0 : i32
    %dma_wait3A_343 = arith.constant 0 : i32
    %dma_wait3A_344 = tpu.memref_slice %arg13[%dma_wait3A_342, %dma_wait3A_343] : memref<10000x64xf32, #tpu.memory_space<vmem_shared>> -> memref<10000x64xf32, #tpu.memory_space<vmem_shared>>
    tpu.wait_indirect_dma semaphore(%arg18 : memref<!tpu.dma_semaphore, #tpu.memory_space<semaphore_mem>>) src(%dma_wait3A_344 : memref<10000x64xf32, #tpu.memory_space<vmem_shared>>) dst(%arg12 : memref<128x64xf32, #tpu.memory_space<vmem>>)
    %dma_start3A_345 = arith.constant 39 : i32
    %dma_start3A_346 = arith.constant 0 : i32
    %dma_start3A_347 = tpu.memref_slice %arg8[%dma_start3A_345, %dma_start3A_346] : memref<40x128xi32, #tpu.memory_space<vmem>> -> memref<1x128xi32, #tpu.memory_space<vmem>>
    %dma_start3A_348 = tpu.memref_squeeze %dma_start3A_347 : memref<1x128xi32, #tpu.memory_space<vmem>> -> memref<128xi32, #tpu.memory_space<vmem>>
    %dma_start3A_349 = arith.constant 0 : i32
    %dma_start3A_350 = arith.constant 0 : i32
    %dma_start3A_351 = tpu.memref_slice %arg14[%dma_start3A_349, %dma_start3A_350] : memref<10112x64xf32, #tpu.memory_space<vmem_shared>> -> memref<10112x64xf32, #tpu.memory_space<vmem_shared>>
    tpu.enqueue_indirect_dma source(%arg12 : memref<128x64xf32, #tpu.memory_space<vmem>>) target(%dma_start3A_351 : memref<10112x64xf32, #tpu.memory_space<vmem_shared>>) offsets(%dma_start3A_348 : memref<128xi32, #tpu.memory_space<vmem>>) semaphore(%arg22 : memref<!tpu.dma_semaphore, #tpu.memory_space<semaphore_mem>>) {add = true}
    %dma_wait3A_352 = arith.constant 38 : i32
    %dma_wait3A_353 = arith.constant 0 : i32
    %dma_wait3A_354 = tpu.memref_slice %arg8[%dma_wait3A_352, %dma_wait3A_353] : memref<40x128xi32, #tpu.memory_space<vmem>> -> memref<1x128xi32, #tpu.memory_space<vmem>>
    %dma_wait3A_355 = tpu.memref_squeeze %dma_wait3A_354 : memref<1x128xi32, #tpu.memory_space<vmem>> -> memref<128xi32, #tpu.memory_space<vmem>>
    %dma_wait3A_356 = arith.constant 0 : i32
    %dma_wait3A_357 = arith.constant 0 : i32
    %dma_wait3A_358 = tpu.memref_slice %arg14[%dma_wait3A_356, %dma_wait3A_357] : memref<10112x64xf32, #tpu.memory_space<vmem_shared>> -> memref<10112x64xf32, #tpu.memory_space<vmem_shared>>
    tpu.wait_indirect_dma semaphore(%arg21 : memref<!tpu.dma_semaphore, #tpu.memory_space<semaphore_mem>>) src(%arg11 : memref<128x64xf32, #tpu.memory_space<vmem>>) dst(%dma_wait3A_358 : memref<10112x64xf32, #tpu.memory_space<vmem_shared>>)
    %dma_wait3A_359 = arith.constant 39 : i32
    %dma_wait3A_360 = arith.constant 0 : i32
    %dma_wait3A_361 = tpu.memref_slice %arg8[%dma_wait3A_359, %dma_wait3A_360] : memref<40x128xi32, #tpu.memory_space<vmem>> -> memref<1x128xi32, #tpu.memory_space<vmem>>
    %dma_wait3A_362 = tpu.memref_squeeze %dma_wait3A_361 : memref<1x128xi32, #tpu.memory_space<vmem>> -> memref<128xi32, #tpu.memory_space<vmem>>
    %dma_wait3A_363 = arith.constant 0 : i32
    %dma_wait3A_364 = arith.constant 0 : i32
    %dma_wait3A_365 = tpu.memref_slice %arg14[%dma_wait3A_363, %dma_wait3A_364] : memref<10112x64xf32, #tpu.memory_space<vmem_shared>> -> memref<10112x64xf32, #tpu.memory_space<vmem_shared>>
    tpu.wait_indirect_dma semaphore(%arg22 : memref<!tpu.dma_semaphore, #tpu.memory_space<semaphore_mem>>) src(%arg12 : memref<128x64xf32, #tpu.memory_space<vmem>>) dst(%dma_wait3A_365 : memref<10112x64xf32, #tpu.memory_space<vmem_shared>>)
    %mul3A_366 = arith.constant 160 : i32
    %mul3A_367 = arith.muli %arg1, %mul3A_366 : i32
    %add3A_368 = arith.constant 120 : i32
    %add3A_369 = arith.addi %mul3A_367, %add3A_368 : i32
    "tpu.region"() ({
      %run_scoped3A = tpu.sem_alloc : memref<!tpu.dma_semaphore, #tpu.memory_space<semaphore_mem>>
      %dma_start3A_492 = arith.constant 0 : i32
      %dma_start3A_493 = tpu.memref_slice %arg2[%add3A_369, %dma_start3A_492] : memref<2560x128xi32, #tpu.memory_space<hbm>> -> memref<40x128xi32, #tpu.memory_space<hbm>>
      %dma_start3A_494 = arith.constant 0 : i32
      %dma_start3A_495 = tpu.memref_slice %arg2[%add3A_369, %dma_start3A_494] : memref<2560x128xi32, #tpu.memory_space<hbm>> -> memref<40x128xi32, #tpu.memory_space<hbm>>
      tpu.enqueue_dma source(%dma_start3A_495 : memref<40x128xi32, #tpu.memory_space<hbm>>) target(%arg7 : memref<40x128xi32, #tpu.memory_space<vmem>>) target_semaphore(%run_scoped3A : memref<!tpu.dma_semaphore, #tpu.memory_space<semaphore_mem>>)
      %dma_wait3A_496 = arith.constant 0 : i32
      %dma_wait3A_497 = tpu.memref_slice %arg2[%add3A_369, %dma_wait3A_496] : memref<2560x128xi32, #tpu.memory_space<hbm>> -> memref<40x128xi32, #tpu.memory_space<hbm>>
      %dma_wait3A_498 = arith.constant 0 : i32
      %dma_wait3A_499 = tpu.memref_slice %arg2[%add3A_369, %dma_wait3A_498] : memref<2560x128xi32, #tpu.memory_space<hbm>> -> memref<40x128xi32, #tpu.memory_space<hbm>>
      tpu.wait_dma2 semaphore(%run_scoped3A : memref<!tpu.dma_semaphore, #tpu.memory_space<semaphore_mem>>) src(%dma_wait3A_499 : memref<40x128xi32, #tpu.memory_space<hbm>>) dst(%arg7 : memref<40x128xi32, #tpu.memory_space<vmem>>)
      tpu.yield
    }) : () -> ()
    "tpu.region"() ({
      %run_scoped3A = tpu.sem_alloc : memref<!tpu.dma_semaphore, #tpu.memory_space<semaphore_mem>>
      %dma_start3A_492 = arith.constant 0 : i32
      %dma_start3A_493 = tpu.memref_slice %arg3[%add3A_369, %dma_start3A_492] : memref<2560x128xi32, #tpu.memory_space<hbm>> -> memref<40x128xi32, #tpu.memory_space<hbm>>
      %dma_start3A_494 = arith.constant 0 : i32
      %dma_start3A_495 = tpu.memref_slice %arg3[%add3A_369, %dma_start3A_494] : memref<2560x128xi32, #tpu.memory_space<hbm>> -> memref<40x128xi32, #tpu.memory_space<hbm>>
      tpu.enqueue_dma source(%dma_start3A_495 : memref<40x128xi32, #tpu.memory_space<hbm>>) target(%arg8 : memref<40x128xi32, #tpu.memory_space<vmem>>) target_semaphore(%run_scoped3A : memref<!tpu.dma_semaphore, #tpu.memory_space<semaphore_mem>>)
      %dma_wait3A_496 = arith.constant 0 : i32
      %dma_wait3A_497 = tpu.memref_slice %arg3[%add3A_369, %dma_wait3A_496] : memref<2560x128xi32, #tpu.memory_space<hbm>> -> memref<40x128xi32, #tpu.memory_space<hbm>>
      %dma_wait3A_498 = arith.constant 0 : i32
      %dma_wait3A_499 = tpu.memref_slice %arg3[%add3A_369, %dma_wait3A_498] : memref<2560x128xi32, #tpu.memory_space<hbm>> -> memref<40x128xi32, #tpu.memory_space<hbm>>
      tpu.wait_dma2 semaphore(%run_scoped3A : memref<!tpu.dma_semaphore, #tpu.memory_space<semaphore_mem>>) src(%dma_wait3A_499 : memref<40x128xi32, #tpu.memory_space<hbm>>) dst(%arg8 : memref<40x128xi32, #tpu.memory_space<vmem>>)
      tpu.yield
    }) : () -> ()
    %dma_start3A_370 = arith.constant 0 : i32
    %dma_start3A_371 = arith.constant 0 : i32
    %dma_start3A_372 = tpu.memref_slice %arg7[%dma_start3A_370, %dma_start3A_371] : memref<40x128xi32, #tpu.memory_space<vmem>> -> memref<1x128xi32, #tpu.memory_space<vmem>>
    %dma_start3A_373 = tpu.memref_squeeze %dma_start3A_372 : memref<1x128xi32, #tpu.memory_space<vmem>> -> memref<128xi32, #tpu.memory_space<vmem>>
    %dma_start3A_374 = arith.constant 0 : i32
    %dma_start3A_375 = arith.constant 0 : i32
    %dma_start3A_376 = tpu.memref_slice %arg13[%dma_start3A_374, %dma_start3A_375] : memref<10000x64xf32, #tpu.memory_space<vmem_shared>> -> memref<10000x64xf32, #tpu.memory_space<vmem_shared>>
    tpu.enqueue_indirect_dma source(%dma_start3A_376 : memref<10000x64xf32, #tpu.memory_space<vmem_shared>>) target(%arg9 : memref<128x64xf32, #tpu.memory_space<vmem>>) offsets(%dma_start3A_373 : memref<128xi32, #tpu.memory_space<vmem>>) semaphore(%arg15 : memref<!tpu.dma_semaphore, #tpu.memory_space<semaphore_mem>>)
    %dma_start3A_377 = arith.constant 1 : i32
    %dma_start3A_378 = arith.constant 0 : i32
    %dma_start3A_379 = tpu.memref_slice %arg7[%dma_start3A_377, %dma_start3A_378] : memref<40x128xi32, #tpu.memory_space<vmem>> -> memref<1x128xi32, #tpu.memory_space<vmem>>
    %dma_start3A_380 = tpu.memref_squeeze %dma_start3A_379 : memref<1x128xi32, #tpu.memory_space<vmem>> -> memref<128xi32, #tpu.memory_space<vmem>>
    %dma_start3A_381 = arith.constant 0 : i32
    %dma_start3A_382 = arith.constant 0 : i32
    %dma_start3A_383 = tpu.memref_slice %arg13[%dma_start3A_381, %dma_start3A_382] : memref<10000x64xf32, #tpu.memory_space<vmem_shared>> -> memref<10000x64xf32, #tpu.memory_space<vmem_shared>>
    tpu.enqueue_indirect_dma source(%dma_start3A_383 : memref<10000x64xf32, #tpu.memory_space<vmem_shared>>) target(%arg10 : memref<128x64xf32, #tpu.memory_space<vmem>>) offsets(%dma_start3A_380 : memref<128xi32, #tpu.memory_space<vmem>>) semaphore(%arg16 : memref<!tpu.dma_semaphore, #tpu.memory_space<semaphore_mem>>)
    %dma_start3A_384 = arith.constant 2 : i32
    %dma_start3A_385 = arith.constant 0 : i32
    %dma_start3A_386 = tpu.memref_slice %arg7[%dma_start3A_384, %dma_start3A_385] : memref<40x128xi32, #tpu.memory_space<vmem>> -> memref<1x128xi32, #tpu.memory_space<vmem>>
    %dma_start3A_387 = tpu.memref_squeeze %dma_start3A_386 : memref<1x128xi32, #tpu.memory_space<vmem>> -> memref<128xi32, #tpu.memory_space<vmem>>
    %dma_start3A_388 = arith.constant 0 : i32
    %dma_start3A_389 = arith.constant 0 : i32
    %dma_start3A_390 = tpu.memref_slice %arg13[%dma_start3A_388, %dma_start3A_389] : memref<10000x64xf32, #tpu.memory_space<vmem_shared>> -> memref<10000x64xf32, #tpu.memory_space<vmem_shared>>
    tpu.enqueue_indirect_dma source(%dma_start3A_390 : memref<10000x64xf32, #tpu.memory_space<vmem_shared>>) target(%arg11 : memref<128x64xf32, #tpu.memory_space<vmem>>) offsets(%dma_start3A_387 : memref<128xi32, #tpu.memory_space<vmem>>) semaphore(%arg17 : memref<!tpu.dma_semaphore, #tpu.memory_space<semaphore_mem>>)
    %dma_start3A_391 = arith.constant 3 : i32
    %dma_start3A_392 = arith.constant 0 : i32
    %dma_start3A_393 = tpu.memref_slice %arg7[%dma_start3A_391, %dma_start3A_392] : memref<40x128xi32, #tpu.memory_space<vmem>> -> memref<1x128xi32, #tpu.memory_space<vmem>>
    %dma_start3A_394 = tpu.memref_squeeze %dma_start3A_393 : memref<1x128xi32, #tpu.memory_space<vmem>> -> memref<128xi32, #tpu.memory_space<vmem>>
    %dma_start3A_395 = arith.constant 0 : i32
    %dma_start3A_396 = arith.constant 0 : i32
    %dma_start3A_397 = tpu.memref_slice %arg13[%dma_start3A_395, %dma_start3A_396] : memref<10000x64xf32, #tpu.memory_space<vmem_shared>> -> memref<10000x64xf32, #tpu.memory_space<vmem_shared>>
    tpu.enqueue_indirect_dma source(%dma_start3A_397 : memref<10000x64xf32, #tpu.memory_space<vmem_shared>>) target(%arg12 : memref<128x64xf32, #tpu.memory_space<vmem>>) offsets(%dma_start3A_394 : memref<128xi32, #tpu.memory_space<vmem>>) semaphore(%arg18 : memref<!tpu.dma_semaphore, #tpu.memory_space<semaphore_mem>>)
    %dma_wait3A_398 = arith.constant 0 : i32
    %dma_wait3A_399 = arith.constant 0 : i32
    %dma_wait3A_400 = tpu.memref_slice %arg7[%dma_wait3A_398, %dma_wait3A_399] : memref<40x128xi32, #tpu.memory_space<vmem>> -> memref<1x128xi32, #tpu.memory_space<vmem>>
    %dma_wait3A_401 = tpu.memref_squeeze %dma_wait3A_400 : memref<1x128xi32, #tpu.memory_space<vmem>> -> memref<128xi32, #tpu.memory_space<vmem>>
    %dma_wait3A_402 = arith.constant 0 : i32
    %dma_wait3A_403 = arith.constant 0 : i32
    %dma_wait3A_404 = tpu.memref_slice %arg13[%dma_wait3A_402, %dma_wait3A_403] : memref<10000x64xf32, #tpu.memory_space<vmem_shared>> -> memref<10000x64xf32, #tpu.memory_space<vmem_shared>>
    tpu.wait_indirect_dma semaphore(%arg15 : memref<!tpu.dma_semaphore, #tpu.memory_space<semaphore_mem>>) src(%dma_wait3A_404 : memref<10000x64xf32, #tpu.memory_space<vmem_shared>>) dst(%arg9 : memref<128x64xf32, #tpu.memory_space<vmem>>)
    %dma_start3A_405 = arith.constant 0 : i32
    %dma_start3A_406 = arith.constant 0 : i32
    %dma_start3A_407 = tpu.memref_slice %arg8[%dma_start3A_405, %dma_start3A_406] : memref<40x128xi32, #tpu.memory_space<vmem>> -> memref<1x128xi32, #tpu.memory_space<vmem>>
    %dma_start3A_408 = tpu.memref_squeeze %dma_start3A_407 : memref<1x128xi32, #tpu.memory_space<vmem>> -> memref<128xi32, #tpu.memory_space<vmem>>
    %dma_start3A_409 = arith.constant 0 : i32
    %dma_start3A_410 = arith.constant 0 : i32
    %dma_start3A_411 = tpu.memref_slice %arg14[%dma_start3A_409, %dma_start3A_410] : memref<10112x64xf32, #tpu.memory_space<vmem_shared>> -> memref<10112x64xf32, #tpu.memory_space<vmem_shared>>
    tpu.enqueue_indirect_dma source(%arg9 : memref<128x64xf32, #tpu.memory_space<vmem>>) target(%dma_start3A_411 : memref<10112x64xf32, #tpu.memory_space<vmem_shared>>) offsets(%dma_start3A_408 : memref<128xi32, #tpu.memory_space<vmem>>) semaphore(%arg19 : memref<!tpu.dma_semaphore, #tpu.memory_space<semaphore_mem>>) {add = true}
    %scan3A_412 = arith.constant 0 : i32
    %scan3A_413 = arith.constant 9 : i32
    %scan3A_414 = arith.addi %scan3A_412, %scan3A_413 : i32
    %scan3A_415 = arith.constant 1 : i32
    scf.for %scan3A_492 = %scan3A_412 to %scan3A_414 step %scan3A_415  : i32 {
      %mul3A_493 = arith.constant 4 : i32
      %mul3A_494 = arith.muli %mul3A_493, %scan3A_492 : i32
      %add3A_495 = arith.constant 1 : i32
      %add3A_496 = arith.addi %mul3A_494, %add3A_495 : i32
      %add3A_497 = arith.constant 0 : i32
      %add3A_498 = arith.addi %add3A_496, %add3A_497 : i32
      %dma_wait3A_499 = arith.constant 0 : i32
      %dma_wait3A_500 = tpu.memref_slice %arg7[%add3A_498, %dma_wait3A_499] : memref<40x128xi32, #tpu.memory_space<vmem>> -> memref<1x128xi32, #tpu.memory_space<vmem>>
      %dma_wait3A_501 = tpu.memref_squeeze %dma_wait3A_500 : memref<1x128xi32, #tpu.memory_space<vmem>> -> memref<128xi32, #tpu.memory_space<vmem>>
      %dma_wait3A_502 = arith.constant 0 : i32
      %dma_wait3A_503 = arith.constant 0 : i32
      %dma_wait3A_504 = tpu.memref_slice %arg13[%dma_wait3A_502, %dma_wait3A_503] : memref<10000x64xf32, #tpu.memory_space<vmem_shared>> -> memref<10000x64xf32, #tpu.memory_space<vmem_shared>>
      tpu.wait_indirect_dma semaphore(%arg16 : memref<!tpu.dma_semaphore, #tpu.memory_space<semaphore_mem>>) src(%dma_wait3A_504 : memref<10000x64xf32, #tpu.memory_space<vmem_shared>>) dst(%arg10 : memref<128x64xf32, #tpu.memory_space<vmem>>)
      %dma_start3A_505 = arith.constant 0 : i32
      %dma_start3A_506 = tpu.memref_slice %arg8[%add3A_498, %dma_start3A_505] : memref<40x128xi32, #tpu.memory_space<vmem>> -> memref<1x128xi32, #tpu.memory_space<vmem>>
      %dma_start3A_507 = tpu.memref_squeeze %dma_start3A_506 : memref<1x128xi32, #tpu.memory_space<vmem>> -> memref<128xi32, #tpu.memory_space<vmem>>
      %dma_start3A_508 = arith.constant 0 : i32
      %dma_start3A_509 = arith.constant 0 : i32
      %dma_start3A_510 = tpu.memref_slice %arg14[%dma_start3A_508, %dma_start3A_509] : memref<10112x64xf32, #tpu.memory_space<vmem_shared>> -> memref<10112x64xf32, #tpu.memory_space<vmem_shared>>
      tpu.enqueue_indirect_dma source(%arg10 : memref<128x64xf32, #tpu.memory_space<vmem>>) target(%dma_start3A_510 : memref<10112x64xf32, #tpu.memory_space<vmem_shared>>) offsets(%dma_start3A_507 : memref<128xi32, #tpu.memory_space<vmem>>) semaphore(%arg20 : memref<!tpu.dma_semaphore, #tpu.memory_space<semaphore_mem>>) {add = true}
      %sub3A = arith.constant 1 : i32
      %sub3A_511 = arith.subi %add3A_498, %sub3A : i32
      %dma_wait3A_512 = arith.constant 0 : i32
      %dma_wait3A_513 = tpu.memref_slice %arg8[%sub3A_511, %dma_wait3A_512] : memref<40x128xi32, #tpu.memory_space<vmem>> -> memref<1x128xi32, #tpu.memory_space<vmem>>
      %dma_wait3A_514 = tpu.memref_squeeze %dma_wait3A_513 : memref<1x128xi32, #tpu.memory_space<vmem>> -> memref<128xi32, #tpu.memory_space<vmem>>
      %dma_wait3A_515 = arith.constant 0 : i32
      %dma_wait3A_516 = arith.constant 0 : i32
      %dma_wait3A_517 = tpu.memref_slice %arg14[%dma_wait3A_515, %dma_wait3A_516] : memref<10112x64xf32, #tpu.memory_space<vmem_shared>> -> memref<10112x64xf32, #tpu.memory_space<vmem_shared>>
      tpu.wait_indirect_dma semaphore(%arg19 : memref<!tpu.dma_semaphore, #tpu.memory_space<semaphore_mem>>) src(%arg9 : memref<128x64xf32, #tpu.memory_space<vmem>>) dst(%dma_wait3A_517 : memref<10112x64xf32, #tpu.memory_space<vmem_shared>>)
      %add3A_518 = arith.constant 4 : i32
      %add3A_519 = arith.addi %add3A_498, %add3A_518 : i32
      %sub3A_520 = arith.constant 1 : i32
      %sub3A_521 = arith.subi %add3A_519, %sub3A_520 : i32
      %dma_start3A_522 = arith.constant 0 : i32
      %dma_start3A_523 = tpu.memref_slice %arg7[%sub3A_521, %dma_start3A_522] : memref<40x128xi32, #tpu.memory_space<vmem>> -> memref<1x128xi32, #tpu.memory_space<vmem>>
      %dma_start3A_524 = tpu.memref_squeeze %dma_start3A_523 : memref<1x128xi32, #tpu.memory_space<vmem>> -> memref<128xi32, #tpu.memory_space<vmem>>
      %dma_start3A_525 = arith.constant 0 : i32
      %dma_start3A_526 = arith.constant 0 : i32
      %dma_start3A_527 = tpu.memref_slice %arg13[%dma_start3A_525, %dma_start3A_526] : memref<10000x64xf32, #tpu.memory_space<vmem_shared>> -> memref<10000x64xf32, #tpu.memory_space<vmem_shared>>
      tpu.enqueue_indirect_dma source(%dma_start3A_527 : memref<10000x64xf32, #tpu.memory_space<vmem_shared>>) target(%arg9 : memref<128x64xf32, #tpu.memory_space<vmem>>) offsets(%dma_start3A_524 : memref<128xi32, #tpu.memory_space<vmem>>) semaphore(%arg15 : memref<!tpu.dma_semaphore, #tpu.memory_space<semaphore_mem>>)
      %add3A_528 = arith.constant 1 : i32
      %add3A_529 = arith.addi %add3A_496, %add3A_528 : i32
      %dma_wait3A_530 = arith.constant 0 : i32
      %dma_wait3A_531 = tpu.memref_slice %arg7[%add3A_529, %dma_wait3A_530] : memref<40x128xi32, #tpu.memory_space<vmem>> -> memref<1x128xi32, #tpu.memory_space<vmem>>
      %dma_wait3A_532 = tpu.memref_squeeze %dma_wait3A_531 : memref<1x128xi32, #tpu.memory_space<vmem>> -> memref<128xi32, #tpu.memory_space<vmem>>
      %dma_wait3A_533 = arith.constant 0 : i32
      %dma_wait3A_534 = arith.constant 0 : i32
      %dma_wait3A_535 = tpu.memref_slice %arg13[%dma_wait3A_533, %dma_wait3A_534] : memref<10000x64xf32, #tpu.memory_space<vmem_shared>> -> memref<10000x64xf32, #tpu.memory_space<vmem_shared>>
      tpu.wait_indirect_dma semaphore(%arg17 : memref<!tpu.dma_semaphore, #tpu.memory_space<semaphore_mem>>) src(%dma_wait3A_535 : memref<10000x64xf32, #tpu.memory_space<vmem_shared>>) dst(%arg11 : memref<128x64xf32, #tpu.memory_space<vmem>>)
      %dma_start3A_536 = arith.constant 0 : i32
      %dma_start3A_537 = tpu.memref_slice %arg8[%add3A_529, %dma_start3A_536] : memref<40x128xi32, #tpu.memory_space<vmem>> -> memref<1x128xi32, #tpu.memory_space<vmem>>
      %dma_start3A_538 = tpu.memref_squeeze %dma_start3A_537 : memref<1x128xi32, #tpu.memory_space<vmem>> -> memref<128xi32, #tpu.memory_space<vmem>>
      %dma_start3A_539 = arith.constant 0 : i32
      %dma_start3A_540 = arith.constant 0 : i32
      %dma_start3A_541 = tpu.memref_slice %arg14[%dma_start3A_539, %dma_start3A_540] : memref<10112x64xf32, #tpu.memory_space<vmem_shared>> -> memref<10112x64xf32, #tpu.memory_space<vmem_shared>>
      tpu.enqueue_indirect_dma source(%arg11 : memref<128x64xf32, #tpu.memory_space<vmem>>) target(%dma_start3A_541 : memref<10112x64xf32, #tpu.memory_space<vmem_shared>>) offsets(%dma_start3A_538 : memref<128xi32, #tpu.memory_space<vmem>>) semaphore(%arg21 : memref<!tpu.dma_semaphore, #tpu.memory_space<semaphore_mem>>) {add = true}
      %sub3A_542 = arith.constant 1 : i32
      %sub3A_543 = arith.subi %add3A_529, %sub3A_542 : i32
      %dma_wait3A_544 = arith.constant 0 : i32
      %dma_wait3A_545 = tpu.memref_slice %arg8[%sub3A_543, %dma_wait3A_544] : memref<40x128xi32, #tpu.memory_space<vmem>> -> memref<1x128xi32, #tpu.memory_space<vmem>>
      %dma_wait3A_546 = tpu.memref_squeeze %dma_wait3A_545 : memref<1x128xi32, #tpu.memory_space<vmem>> -> memref<128xi32, #tpu.memory_space<vmem>>
      %dma_wait3A_547 = arith.constant 0 : i32
      %dma_wait3A_548 = arith.constant 0 : i32
      %dma_wait3A_549 = tpu.memref_slice %arg14[%dma_wait3A_547, %dma_wait3A_548] : memref<10112x64xf32, #tpu.memory_space<vmem_shared>> -> memref<10112x64xf32, #tpu.memory_space<vmem_shared>>
      tpu.wait_indirect_dma semaphore(%arg20 : memref<!tpu.dma_semaphore, #tpu.memory_space<semaphore_mem>>) src(%arg10 : memref<128x64xf32, #tpu.memory_space<vmem>>) dst(%dma_wait3A_549 : memref<10112x64xf32, #tpu.memory_space<vmem_shared>>)
      %add3A_550 = arith.constant 4 : i32
      %add3A_551 = arith.addi %add3A_529, %add3A_550 : i32
      %sub3A_552 = arith.constant 1 : i32
      %sub3A_553 = arith.subi %add3A_551, %sub3A_552 : i32
      %dma_start3A_554 = arith.constant 0 : i32
      %dma_start3A_555 = tpu.memref_slice %arg7[%sub3A_553, %dma_start3A_554] : memref<40x128xi32, #tpu.memory_space<vmem>> -> memref<1x128xi32, #tpu.memory_space<vmem>>
      %dma_start3A_556 = tpu.memref_squeeze %dma_start3A_555 : memref<1x128xi32, #tpu.memory_space<vmem>> -> memref<128xi32, #tpu.memory_space<vmem>>
      %dma_start3A_557 = arith.constant 0 : i32
      %dma_start3A_558 = arith.constant 0 : i32
      %dma_start3A_559 = tpu.memref_slice %arg13[%dma_start3A_557, %dma_start3A_558] : memref<10000x64xf32, #tpu.memory_space<vmem_shared>> -> memref<10000x64xf32, #tpu.memory_space<vmem_shared>>
      tpu.enqueue_indirect_dma source(%dma_start3A_559 : memref<10000x64xf32, #tpu.memory_space<vmem_shared>>) target(%arg10 : memref<128x64xf32, #tpu.memory_space<vmem>>) offsets(%dma_start3A_556 : memref<128xi32, #tpu.memory_space<vmem>>) semaphore(%arg16 : memref<!tpu.dma_semaphore, #tpu.memory_space<semaphore_mem>>)
      %add3A_560 = arith.constant 2 : i32
      %add3A_561 = arith.addi %add3A_496, %add3A_560 : i32
      %dma_wait3A_562 = arith.constant 0 : i32
      %dma_wait3A_563 = tpu.memref_slice %arg7[%add3A_561, %dma_wait3A_562] : memref<40x128xi32, #tpu.memory_space<vmem>> -> memref<1x128xi32, #tpu.memory_space<vmem>>
      %dma_wait3A_564 = tpu.memref_squeeze %dma_wait3A_563 : memref<1x128xi32, #tpu.memory_space<vmem>> -> memref<128xi32, #tpu.memory_space<vmem>>
      %dma_wait3A_565 = arith.constant 0 : i32
      %dma_wait3A_566 = arith.constant 0 : i32
      %dma_wait3A_567 = tpu.memref_slice %arg13[%dma_wait3A_565, %dma_wait3A_566] : memref<10000x64xf32, #tpu.memory_space<vmem_shared>> -> memref<10000x64xf32, #tpu.memory_space<vmem_shared>>
      tpu.wait_indirect_dma semaphore(%arg18 : memref<!tpu.dma_semaphore, #tpu.memory_space<semaphore_mem>>) src(%dma_wait3A_567 : memref<10000x64xf32, #tpu.memory_space<vmem_shared>>) dst(%arg12 : memref<128x64xf32, #tpu.memory_space<vmem>>)
      %dma_start3A_568 = arith.constant 0 : i32
      %dma_start3A_569 = tpu.memref_slice %arg8[%add3A_561, %dma_start3A_568] : memref<40x128xi32, #tpu.memory_space<vmem>> -> memref<1x128xi32, #tpu.memory_space<vmem>>
      %dma_start3A_570 = tpu.memref_squeeze %dma_start3A_569 : memref<1x128xi32, #tpu.memory_space<vmem>> -> memref<128xi32, #tpu.memory_space<vmem>>
      %dma_start3A_571 = arith.constant 0 : i32
      %dma_start3A_572 = arith.constant 0 : i32
      %dma_start3A_573 = tpu.memref_slice %arg14[%dma_start3A_571, %dma_start3A_572] : memref<10112x64xf32, #tpu.memory_space<vmem_shared>> -> memref<10112x64xf32, #tpu.memory_space<vmem_shared>>
      tpu.enqueue_indirect_dma source(%arg12 : memref<128x64xf32, #tpu.memory_space<vmem>>) target(%dma_start3A_573 : memref<10112x64xf32, #tpu.memory_space<vmem_shared>>) offsets(%dma_start3A_570 : memref<128xi32, #tpu.memory_space<vmem>>) semaphore(%arg22 : memref<!tpu.dma_semaphore, #tpu.memory_space<semaphore_mem>>) {add = true}
      %sub3A_574 = arith.constant 1 : i32
      %sub3A_575 = arith.subi %add3A_561, %sub3A_574 : i32
      %dma_wait3A_576 = arith.constant 0 : i32
      %dma_wait3A_577 = tpu.memref_slice %arg8[%sub3A_575, %dma_wait3A_576] : memref<40x128xi32, #tpu.memory_space<vmem>> -> memref<1x128xi32, #tpu.memory_space<vmem>>
      %dma_wait3A_578 = tpu.memref_squeeze %dma_wait3A_577 : memref<1x128xi32, #tpu.memory_space<vmem>> -> memref<128xi32, #tpu.memory_space<vmem>>
      %dma_wait3A_579 = arith.constant 0 : i32
      %dma_wait3A_580 = arith.constant 0 : i32
      %dma_wait3A_581 = tpu.memref_slice %arg14[%dma_wait3A_579, %dma_wait3A_580] : memref<10112x64xf32, #tpu.memory_space<vmem_shared>> -> memref<10112x64xf32, #tpu.memory_space<vmem_shared>>
      tpu.wait_indirect_dma semaphore(%arg21 : memref<!tpu.dma_semaphore, #tpu.memory_space<semaphore_mem>>) src(%arg11 : memref<128x64xf32, #tpu.memory_space<vmem>>) dst(%dma_wait3A_581 : memref<10112x64xf32, #tpu.memory_space<vmem_shared>>)
      %add3A_582 = arith.constant 4 : i32
      %add3A_583 = arith.addi %add3A_561, %add3A_582 : i32
      %sub3A_584 = arith.constant 1 : i32
      %sub3A_585 = arith.subi %add3A_583, %sub3A_584 : i32
      %dma_start3A_586 = arith.constant 0 : i32
      %dma_start3A_587 = tpu.memref_slice %arg7[%sub3A_585, %dma_start3A_586] : memref<40x128xi32, #tpu.memory_space<vmem>> -> memref<1x128xi32, #tpu.memory_space<vmem>>
      %dma_start3A_588 = tpu.memref_squeeze %dma_start3A_587 : memref<1x128xi32, #tpu.memory_space<vmem>> -> memref<128xi32, #tpu.memory_space<vmem>>
      %dma_start3A_589 = arith.constant 0 : i32
      %dma_start3A_590 = arith.constant 0 : i32
      %dma_start3A_591 = tpu.memref_slice %arg13[%dma_start3A_589, %dma_start3A_590] : memref<10000x64xf32, #tpu.memory_space<vmem_shared>> -> memref<10000x64xf32, #tpu.memory_space<vmem_shared>>
      tpu.enqueue_indirect_dma source(%dma_start3A_591 : memref<10000x64xf32, #tpu.memory_space<vmem_shared>>) target(%arg11 : memref<128x64xf32, #tpu.memory_space<vmem>>) offsets(%dma_start3A_588 : memref<128xi32, #tpu.memory_space<vmem>>) semaphore(%arg17 : memref<!tpu.dma_semaphore, #tpu.memory_space<semaphore_mem>>)
      %add3A_592 = arith.constant 3 : i32
      %add3A_593 = arith.addi %add3A_496, %add3A_592 : i32
      %dma_wait3A_594 = arith.constant 0 : i32
      %dma_wait3A_595 = tpu.memref_slice %arg7[%add3A_593, %dma_wait3A_594] : memref<40x128xi32, #tpu.memory_space<vmem>> -> memref<1x128xi32, #tpu.memory_space<vmem>>
      %dma_wait3A_596 = tpu.memref_squeeze %dma_wait3A_595 : memref<1x128xi32, #tpu.memory_space<vmem>> -> memref<128xi32, #tpu.memory_space<vmem>>
      %dma_wait3A_597 = arith.constant 0 : i32
      %dma_wait3A_598 = arith.constant 0 : i32
      %dma_wait3A_599 = tpu.memref_slice %arg13[%dma_wait3A_597, %dma_wait3A_598] : memref<10000x64xf32, #tpu.memory_space<vmem_shared>> -> memref<10000x64xf32, #tpu.memory_space<vmem_shared>>
      tpu.wait_indirect_dma semaphore(%arg15 : memref<!tpu.dma_semaphore, #tpu.memory_space<semaphore_mem>>) src(%dma_wait3A_599 : memref<10000x64xf32, #tpu.memory_space<vmem_shared>>) dst(%arg9 : memref<128x64xf32, #tpu.memory_space<vmem>>)
      %dma_start3A_600 = arith.constant 0 : i32
      %dma_start3A_601 = tpu.memref_slice %arg8[%add3A_593, %dma_start3A_600] : memref<40x128xi32, #tpu.memory_space<vmem>> -> memref<1x128xi32, #tpu.memory_space<vmem>>
      %dma_start3A_602 = tpu.memref_squeeze %dma_start3A_601 : memref<1x128xi32, #tpu.memory_space<vmem>> -> memref<128xi32, #tpu.memory_space<vmem>>
      %dma_start3A_603 = arith.constant 0 : i32
      %dma_start3A_604 = arith.constant 0 : i32
      %dma_start3A_605 = tpu.memref_slice %arg14[%dma_start3A_603, %dma_start3A_604] : memref<10112x64xf32, #tpu.memory_space<vmem_shared>> -> memref<10112x64xf32, #tpu.memory_space<vmem_shared>>
      tpu.enqueue_indirect_dma source(%arg9 : memref<128x64xf32, #tpu.memory_space<vmem>>) target(%dma_start3A_605 : memref<10112x64xf32, #tpu.memory_space<vmem_shared>>) offsets(%dma_start3A_602 : memref<128xi32, #tpu.memory_space<vmem>>) semaphore(%arg19 : memref<!tpu.dma_semaphore, #tpu.memory_space<semaphore_mem>>) {add = true}
      %sub3A_606 = arith.constant 1 : i32
      %sub3A_607 = arith.subi %add3A_593, %sub3A_606 : i32
      %dma_wait3A_608 = arith.constant 0 : i32
      %dma_wait3A_609 = tpu.memref_slice %arg8[%sub3A_607, %dma_wait3A_608] : memref<40x128xi32, #tpu.memory_space<vmem>> -> memref<1x128xi32, #tpu.memory_space<vmem>>
      %dma_wait3A_610 = tpu.memref_squeeze %dma_wait3A_609 : memref<1x128xi32, #tpu.memory_space<vmem>> -> memref<128xi32, #tpu.memory_space<vmem>>
      %dma_wait3A_611 = arith.constant 0 : i32
      %dma_wait3A_612 = arith.constant 0 : i32
      %dma_wait3A_613 = tpu.memref_slice %arg14[%dma_wait3A_611, %dma_wait3A_612] : memref<10112x64xf32, #tpu.memory_space<vmem_shared>> -> memref<10112x64xf32, #tpu.memory_space<vmem_shared>>
      tpu.wait_indirect_dma semaphore(%arg22 : memref<!tpu.dma_semaphore, #tpu.memory_space<semaphore_mem>>) src(%arg12 : memref<128x64xf32, #tpu.memory_space<vmem>>) dst(%dma_wait3A_613 : memref<10112x64xf32, #tpu.memory_space<vmem_shared>>)
      %add3A_614 = arith.constant 4 : i32
      %add3A_615 = arith.addi %add3A_593, %add3A_614 : i32
      %sub3A_616 = arith.constant 1 : i32
      %sub3A_617 = arith.subi %add3A_615, %sub3A_616 : i32
      %dma_start3A_618 = arith.constant 0 : i32
      %dma_start3A_619 = tpu.memref_slice %arg7[%sub3A_617, %dma_start3A_618] : memref<40x128xi32, #tpu.memory_space<vmem>> -> memref<1x128xi32, #tpu.memory_space<vmem>>
      %dma_start3A_620 = tpu.memref_squeeze %dma_start3A_619 : memref<1x128xi32, #tpu.memory_space<vmem>> -> memref<128xi32, #tpu.memory_space<vmem>>
      %dma_start3A_621 = arith.constant 0 : i32
      %dma_start3A_622 = arith.constant 0 : i32
      %dma_start3A_623 = tpu.memref_slice %arg13[%dma_start3A_621, %dma_start3A_622] : memref<10000x64xf32, #tpu.memory_space<vmem_shared>> -> memref<10000x64xf32, #tpu.memory_space<vmem_shared>>
      tpu.enqueue_indirect_dma source(%dma_start3A_623 : memref<10000x64xf32, #tpu.memory_space<vmem_shared>>) target(%arg12 : memref<128x64xf32, #tpu.memory_space<vmem>>) offsets(%dma_start3A_620 : memref<128xi32, #tpu.memory_space<vmem>>) semaphore(%arg18 : memref<!tpu.dma_semaphore, #tpu.memory_space<semaphore_mem>>)
    }
    %scan3A_416 = arith.constant 9 : i32
    %dma_wait3A_417 = arith.constant 37 : i32
    %dma_wait3A_418 = arith.constant 0 : i32
    %dma_wait3A_419 = tpu.memref_slice %arg7[%dma_wait3A_417, %dma_wait3A_418] : memref<40x128xi32, #tpu.memory_space<vmem>> -> memref<1x128xi32, #tpu.memory_space<vmem>>
    %dma_wait3A_420 = tpu.memref_squeeze %dma_wait3A_419 : memref<1x128xi32, #tpu.memory_space<vmem>> -> memref<128xi32, #tpu.memory_space<vmem>>
    %dma_wait3A_421 = arith.constant 0 : i32
    %dma_wait3A_422 = arith.constant 0 : i32
    %dma_wait3A_423 = tpu.memref_slice %arg13[%dma_wait3A_421, %dma_wait3A_422] : memref<10000x64xf32, #tpu.memory_space<vmem_shared>> -> memref<10000x64xf32, #tpu.memory_space<vmem_shared>>
    tpu.wait_indirect_dma semaphore(%arg16 : memref<!tpu.dma_semaphore, #tpu.memory_space<semaphore_mem>>) src(%dma_wait3A_423 : memref<10000x64xf32, #tpu.memory_space<vmem_shared>>) dst(%arg10 : memref<128x64xf32, #tpu.memory_space<vmem>>)
    %dma_start3A_424 = arith.constant 37 : i32
    %dma_start3A_425 = arith.constant 0 : i32
    %dma_start3A_426 = tpu.memref_slice %arg8[%dma_start3A_424, %dma_start3A_425] : memref<40x128xi32, #tpu.memory_space<vmem>> -> memref<1x128xi32, #tpu.memory_space<vmem>>
    %dma_start3A_427 = tpu.memref_squeeze %dma_start3A_426 : memref<1x128xi32, #tpu.memory_space<vmem>> -> memref<128xi32, #tpu.memory_space<vmem>>
    %dma_start3A_428 = arith.constant 0 : i32
    %dma_start3A_429 = arith.constant 0 : i32
    %dma_start3A_430 = tpu.memref_slice %arg14[%dma_start3A_428, %dma_start3A_429] : memref<10112x64xf32, #tpu.memory_space<vmem_shared>> -> memref<10112x64xf32, #tpu.memory_space<vmem_shared>>
    tpu.enqueue_indirect_dma source(%arg10 : memref<128x64xf32, #tpu.memory_space<vmem>>) target(%dma_start3A_430 : memref<10112x64xf32, #tpu.memory_space<vmem_shared>>) offsets(%dma_start3A_427 : memref<128xi32, #tpu.memory_space<vmem>>) semaphore(%arg20 : memref<!tpu.dma_semaphore, #tpu.memory_space<semaphore_mem>>) {add = true}
    %dma_wait3A_431 = arith.constant 36 : i32
    %dma_wait3A_432 = arith.constant 0 : i32
    %dma_wait3A_433 = tpu.memref_slice %arg8[%dma_wait3A_431, %dma_wait3A_432] : memref<40x128xi32, #tpu.memory_space<vmem>> -> memref<1x128xi32, #tpu.memory_space<vmem>>
    %dma_wait3A_434 = tpu.memref_squeeze %dma_wait3A_433 : memref<1x128xi32, #tpu.memory_space<vmem>> -> memref<128xi32, #tpu.memory_space<vmem>>
    %dma_wait3A_435 = arith.constant 0 : i32
    %dma_wait3A_436 = arith.constant 0 : i32
    %dma_wait3A_437 = tpu.memref_slice %arg14[%dma_wait3A_435, %dma_wait3A_436] : memref<10112x64xf32, #tpu.memory_space<vmem_shared>> -> memref<10112x64xf32, #tpu.memory_space<vmem_shared>>
    tpu.wait_indirect_dma semaphore(%arg19 : memref<!tpu.dma_semaphore, #tpu.memory_space<semaphore_mem>>) src(%arg9 : memref<128x64xf32, #tpu.memory_space<vmem>>) dst(%dma_wait3A_437 : memref<10112x64xf32, #tpu.memory_space<vmem_shared>>)
    %dma_wait3A_438 = arith.constant 38 : i32
    %dma_wait3A_439 = arith.constant 0 : i32
    %dma_wait3A_440 = tpu.memref_slice %arg7[%dma_wait3A_438, %dma_wait3A_439] : memref<40x128xi32, #tpu.memory_space<vmem>> -> memref<1x128xi32, #tpu.memory_space<vmem>>
    %dma_wait3A_441 = tpu.memref_squeeze %dma_wait3A_440 : memref<1x128xi32, #tpu.memory_space<vmem>> -> memref<128xi32, #tpu.memory_space<vmem>>
    %dma_wait3A_442 = arith.constant 0 : i32
    %dma_wait3A_443 = arith.constant 0 : i32
    %dma_wait3A_444 = tpu.memref_slice %arg13[%dma_wait3A_442, %dma_wait3A_443] : memref<10000x64xf32, #tpu.memory_space<vmem_shared>> -> memref<10000x64xf32, #tpu.memory_space<vmem_shared>>
    tpu.wait_indirect_dma semaphore(%arg17 : memref<!tpu.dma_semaphore, #tpu.memory_space<semaphore_mem>>) src(%dma_wait3A_444 : memref<10000x64xf32, #tpu.memory_space<vmem_shared>>) dst(%arg11 : memref<128x64xf32, #tpu.memory_space<vmem>>)
    %dma_start3A_445 = arith.constant 38 : i32
    %dma_start3A_446 = arith.constant 0 : i32
    %dma_start3A_447 = tpu.memref_slice %arg8[%dma_start3A_445, %dma_start3A_446] : memref<40x128xi32, #tpu.memory_space<vmem>> -> memref<1x128xi32, #tpu.memory_space<vmem>>
    %dma_start3A_448 = tpu.memref_squeeze %dma_start3A_447 : memref<1x128xi32, #tpu.memory_space<vmem>> -> memref<128xi32, #tpu.memory_space<vmem>>
    %dma_start3A_449 = arith.constant 0 : i32
    %dma_start3A_450 = arith.constant 0 : i32
    %dma_start3A_451 = tpu.memref_slice %arg14[%dma_start3A_449, %dma_start3A_450] : memref<10112x64xf32, #tpu.memory_space<vmem_shared>> -> memref<10112x64xf32, #tpu.memory_space<vmem_shared>>
    tpu.enqueue_indirect_dma source(%arg11 : memref<128x64xf32, #tpu.memory_space<vmem>>) target(%dma_start3A_451 : memref<10112x64xf32, #tpu.memory_space<vmem_shared>>) offsets(%dma_start3A_448 : memref<128xi32, #tpu.memory_space<vmem>>) semaphore(%arg21 : memref<!tpu.dma_semaphore, #tpu.memory_space<semaphore_mem>>) {add = true}
    %dma_wait3A_452 = arith.constant 37 : i32
    %dma_wait3A_453 = arith.constant 0 : i32
    %dma_wait3A_454 = tpu.memref_slice %arg8[%dma_wait3A_452, %dma_wait3A_453] : memref<40x128xi32, #tpu.memory_space<vmem>> -> memref<1x128xi32, #tpu.memory_space<vmem>>
    %dma_wait3A_455 = tpu.memref_squeeze %dma_wait3A_454 : memref<1x128xi32, #tpu.memory_space<vmem>> -> memref<128xi32, #tpu.memory_space<vmem>>
    %dma_wait3A_456 = arith.constant 0 : i32
    %dma_wait3A_457 = arith.constant 0 : i32
    %dma_wait3A_458 = tpu.memref_slice %arg14[%dma_wait3A_456, %dma_wait3A_457] : memref<10112x64xf32, #tpu.memory_space<vmem_shared>> -> memref<10112x64xf32, #tpu.memory_space<vmem_shared>>
    tpu.wait_indirect_dma semaphore(%arg20 : memref<!tpu.dma_semaphore, #tpu.memory_space<semaphore_mem>>) src(%arg10 : memref<128x64xf32, #tpu.memory_space<vmem>>) dst(%dma_wait3A_458 : memref<10112x64xf32, #tpu.memory_space<vmem_shared>>)
    %dma_wait3A_459 = arith.constant 39 : i32
    %dma_wait3A_460 = arith.constant 0 : i32
    %dma_wait3A_461 = tpu.memref_slice %arg7[%dma_wait3A_459, %dma_wait3A_460] : memref<40x128xi32, #tpu.memory_space<vmem>> -> memref<1x128xi32, #tpu.memory_space<vmem>>
    %dma_wait3A_462 = tpu.memref_squeeze %dma_wait3A_461 : memref<1x128xi32, #tpu.memory_space<vmem>> -> memref<128xi32, #tpu.memory_space<vmem>>
    %dma_wait3A_463 = arith.constant 0 : i32
    %dma_wait3A_464 = arith.constant 0 : i32
    %dma_wait3A_465 = tpu.memref_slice %arg13[%dma_wait3A_463, %dma_wait3A_464] : memref<10000x64xf32, #tpu.memory_space<vmem_shared>> -> memref<10000x64xf32, #tpu.memory_space<vmem_shared>>
    tpu.wait_indirect_dma semaphore(%arg18 : memref<!tpu.dma_semaphore, #tpu.memory_space<semaphore_mem>>) src(%dma_wait3A_465 : memref<10000x64xf32, #tpu.memory_space<vmem_shared>>) dst(%arg12 : memref<128x64xf32, #tpu.memory_space<vmem>>)
    %dma_start3A_466 = arith.constant 39 : i32
    %dma_start3A_467 = arith.constant 0 : i32
    %dma_start3A_468 = tpu.memref_slice %arg8[%dma_start3A_466, %dma_start3A_467] : memref<40x128xi32, #tpu.memory_space<vmem>> -> memref<1x128xi32, #tpu.memory_space<vmem>>
    %dma_start3A_469 = tpu.memref_squeeze %dma_start3A_468 : memref<1x128xi32, #tpu.memory_space<vmem>> -> memref<128xi32, #tpu.memory_space<vmem>>
    %dma_start3A_470 = arith.constant 0 : i32
    %dma_start3A_471 = arith.constant 0 : i32
    %dma_start3A_472 = tpu.memref_slice %arg14[%dma_start3A_470, %dma_start3A_471] : memref<10112x64xf32, #tpu.memory_space<vmem_shared>> -> memref<10112x64xf32, #tpu.memory_space<vmem_shared>>
    tpu.enqueue_indirect_dma source(%arg12 : memref<128x64xf32, #tpu.memory_space<vmem>>) target(%dma_start3A_472 : memref<10112x64xf32, #tpu.memory_space<vmem_shared>>) offsets(%dma_start3A_469 : memref<128xi32, #tpu.memory_space<vmem>>) semaphore(%arg22 : memref<!tpu.dma_semaphore, #tpu.memory_space<semaphore_mem>>) {add = true}
    %dma_wait3A_473 = arith.constant 38 : i32
    %dma_wait3A_474 = arith.constant 0 : i32
    %dma_wait3A_475 = tpu.memref_slice %arg8[%dma_wait3A_473, %dma_wait3A_474] : memref<40x128xi32, #tpu.memory_space<vmem>> -> memref<1x128xi32, #tpu.memory_space<vmem>>
    %dma_wait3A_476 = tpu.memref_squeeze %dma_wait3A_475 : memref<1x128xi32, #tpu.memory_space<vmem>> -> memref<128xi32, #tpu.memory_space<vmem>>
    %dma_wait3A_477 = arith.constant 0 : i32
    %dma_wait3A_478 = arith.constant 0 : i32
    %dma_wait3A_479 = tpu.memref_slice %arg14[%dma_wait3A_477, %dma_wait3A_478] : memref<10112x64xf32, #tpu.memory_space<vmem_shared>> -> memref<10112x64xf32, #tpu.memory_space<vmem_shared>>
    tpu.wait_indirect_dma semaphore(%arg21 : memref<!tpu.dma_semaphore, #tpu.memory_space<semaphore_mem>>) src(%arg11 : memref<128x64xf32, #tpu.memory_space<vmem>>) dst(%dma_wait3A_479 : memref<10112x64xf32, #tpu.memory_space<vmem_shared>>)
    %dma_wait3A_480 = arith.constant 39 : i32
    %dma_wait3A_481 = arith.constant 0 : i32
    %dma_wait3A_482 = tpu.memref_slice %arg8[%dma_wait3A_480, %dma_wait3A_481] : memref<40x128xi32, #tpu.memory_space<vmem>> -> memref<1x128xi32, #tpu.memory_space<vmem>>
    %dma_wait3A_483 = tpu.memref_squeeze %dma_wait3A_482 : memref<1x128xi32, #tpu.memory_space<vmem>> -> memref<128xi32, #tpu.memory_space<vmem>>
    %dma_wait3A_484 = arith.constant 0 : i32
    %dma_wait3A_485 = arith.constant 0 : i32
    %dma_wait3A_486 = tpu.memref_slice %arg14[%dma_wait3A_484, %dma_wait3A_485] : memref<10112x64xf32, #tpu.memory_space<vmem_shared>> -> memref<10112x64xf32, #tpu.memory_space<vmem_shared>>
    tpu.wait_indirect_dma semaphore(%arg22 : memref<!tpu.dma_semaphore, #tpu.memory_space<semaphore_mem>>) src(%arg12 : memref<128x64xf32, #tpu.memory_space<vmem>>) dst(%dma_wait3A_486 : memref<10112x64xf32, #tpu.memory_space<vmem_shared>>)
    %barrier3A_487 = arith.constant 0 : index
    tpu.barrier barrier_id(%barrier3A_487)
    %mul3A_488 = arith.constant 632 : i32
    %mul3A_489 = arith.muli %arg1, %mul3A_488 : i32
    %mul3A_490 = arith.constant 632 : i32
    %mul3A_491 = arith.muli %arg1, %mul3A_490 : i32
    "tpu.region"() ({
      %run_scoped3A = tpu.sem_alloc : memref<!tpu.dma_semaphore, #tpu.memory_space<semaphore_mem>>
      %dma_start3A_492 = arith.constant 0 : i32
      %dma_start3A_493 = arith.constant 0 : i32
      %dma_start3A_494 = tpu.memref_slice %arg6[%arg0, %dma_start3A_492, %dma_start3A_493] : memref<2x10112x64xf32, #tpu.memory_space<hbm>> -> memref<1x10112x64xf32, #tpu.memory_space<hbm>>
      %dma_start3A_495 = tpu.memref_squeeze %dma_start3A_494 : memref<1x10112x64xf32, #tpu.memory_space<hbm>> -> memref<10112x64xf32, #tpu.memory_space<hbm>>
      %dma_start3A_496 = arith.constant 0 : i32
      %dma_start3A_497 = tpu.memref_slice %dma_start3A_495[%mul3A_491, %dma_start3A_496] : memref<10112x64xf32, #tpu.memory_space<hbm>> -> memref<632x64xf32, #tpu.memory_space<hbm>>
      %dma_start3A_498 = arith.constant 0 : i32
      %dma_start3A_499 = tpu.memref_slice %arg14[%mul3A_489, %dma_start3A_498] : memref<10112x64xf32, #tpu.memory_space<vmem_shared>> -> memref<632x64xf32, #tpu.memory_space<vmem_shared>>
      tpu.enqueue_dma source(%dma_start3A_499 : memref<632x64xf32, #tpu.memory_space<vmem_shared>>) target(%dma_start3A_497 : memref<632x64xf32, #tpu.memory_space<hbm>>) target_semaphore(%run_scoped3A : memref<!tpu.dma_semaphore, #tpu.memory_space<semaphore_mem>>)
      %dma_wait3A_500 = arith.constant 0 : i32
      %dma_wait3A_501 = arith.constant 0 : i32
      %dma_wait3A_502 = tpu.memref_slice %arg6[%arg0, %dma_wait3A_500, %dma_wait3A_501] : memref<2x10112x64xf32, #tpu.memory_space<hbm>> -> memref<1x10112x64xf32, #tpu.memory_space<hbm>>
      %dma_wait3A_503 = tpu.memref_squeeze %dma_wait3A_502 : memref<1x10112x64xf32, #tpu.memory_space<hbm>> -> memref<10112x64xf32, #tpu.memory_space<hbm>>
      %dma_wait3A_504 = arith.constant 0 : i32
      %dma_wait3A_505 = tpu.memref_slice %dma_wait3A_503[%mul3A_491, %dma_wait3A_504] : memref<10112x64xf32, #tpu.memory_space<hbm>> -> memref<632x64xf32, #tpu.memory_space<hbm>>
      %dma_wait3A_506 = arith.constant 0 : i32
      %dma_wait3A_507 = tpu.memref_slice %arg14[%mul3A_489, %dma_wait3A_506] : memref<10112x64xf32, #tpu.memory_space<vmem_shared>> -> memref<632x64xf32, #tpu.memory_space<vmem_shared>>
      tpu.wait_dma2 semaphore(%run_scoped3A : memref<!tpu.dma_semaphore, #tpu.memory_space<semaphore_mem>>) src(%dma_wait3A_507 : memref<632x64xf32, #tpu.memory_space<vmem_shared>>) dst(%dma_wait3A_505 : memref<632x64xf32, #tpu.memory_space<hbm>>)
      tpu.yield
    }) : () -> ()
    return
  }
}

module attributes {stable_mosaic.version = 14 : i64} {
  func.func @_tc_first(%arg0: memref<2x10112x64xf32, #tpu.memory_space<vmem>>, %arg1: memref<10000x128xf32, #tpu.memory_space<vmem>>, %arg2: memref<2x10000x64xf32, #tpu.memory_space<vmem>>, %arg3: memref<10000x128xf32, #tpu.memory_space<vmem>>) attributes {dimension_semantics = [], scalar_prefetch = 0 : i64, scratch_operands = 0 : i64, tpu.core_type = #tpu.core_type<tc>} {
    %get3A = arith.constant 0 : index
    %get3A_0 = arith.constant 0 : index
    %get3A_1 = arith.constant 0 : index
    %get3A_2 = vector.load %arg0[%get3A, %get3A_0, %get3A_1] : memref<2x10112x64xf32, #tpu.memory_space<vmem>>, vector<1x10000x64xf32>
    %get3A_3 = vector.shape_cast %get3A_2 : vector<1x10000x64xf32> to vector<10000x64xf32>
    %get3A_4 = arith.constant 1 : index
    %get3A_5 = arith.constant 0 : index
    %get3A_6 = arith.constant 0 : index
    %get3A_7 = vector.load %arg0[%get3A_4, %get3A_5, %get3A_6] : memref<2x10112x64xf32, #tpu.memory_space<vmem>>, vector<1x10000x64xf32>
    %get3A_8 = vector.shape_cast %get3A_7 : vector<1x10000x64xf32> to vector<10000x64xf32>
    %add3A = arith.addf %get3A_3, %get3A_8 : vector<10000x64xf32>
    %add3A_9 = arith.constant 1.000000e+00 : f32
    %add3A_10 = vector.broadcast %add3A_9 : f32 to vector<10000x64xf32>
    %add3A_11 = arith.addf %add3A, %add3A_10 : vector<10000x64xf32>
    %rsqrt3A = math.rsqrt %add3A_11 : vector<10000x64xf32>
    %concatenate3A = tpu.concatenate %rsqrt3A, %rsqrt3A in 1 : vector<10000x64xf32>, vector<10000x64xf32> -> vector<10000x128xf32>
    %swap3A = arith.constant 0 : index
    %swap3A_12 = arith.constant 0 : index
    %swap3A_13 = vector.load %arg3[%swap3A, %swap3A_12] : memref<10000x128xf32, #tpu.memory_space<vmem>>, vector<10000x128xf32>
    tpu.vector_store %arg3[%swap3A, %swap3A_12], %concatenate3A {strides = array<i32>} : memref<10000x128xf32, #tpu.memory_space<vmem>>, vector<10000x128xf32>,
    %get3A_14 = arith.constant 0 : index
    %get3A_15 = arith.constant 0 : index
    %get3A_16 = vector.load %arg1[%get3A_14, %get3A_15] : memref<10000x128xf32, #tpu.memory_space<vmem>>, vector<10000x128xf32>
    %mul3A = arith.mulf %get3A_16, %concatenate3A : vector<10000x128xf32>
    %slice3A = vector.extract_strided_slice %mul3A {offsets = [0, 0], sizes = [10000, 64], strides = [1, 1]} : vector<10000x128xf32> to vector<10000x64xf32>
    %swap3A_17 = arith.constant 0 : index
    %swap3A_18 = arith.constant 0 : index
    %swap3A_19 = arith.constant 0 : index
    %swap3A_20 = vector.load %arg2[%swap3A_17, %swap3A_18, %swap3A_19] : memref<2x10000x64xf32, #tpu.memory_space<vmem>>, vector<1x10000x64xf32>
    %swap3A_21 = vector.shape_cast %swap3A_20 : vector<1x10000x64xf32> to vector<10000x64xf32>
    %swap3A_22 = vector.shape_cast %slice3A : vector<10000x64xf32> to vector<1x10000x64xf32>
    tpu.vector_store %arg2[%swap3A_17, %swap3A_18, %swap3A_19], %swap3A_22 {strides = array<i32>} : memref<2x10000x64xf32, #tpu.memory_space<vmem>>, vector<1x10000x64xf32>,
    %slice3A_23 = vector.extract_strided_slice %mul3A {offsets = [0, 64], sizes = [10000, 64], strides = [1, 1]} : vector<10000x128xf32> to vector<10000x64xf32>
    %swap3A_24 = arith.constant 1 : index
    %swap3A_25 = arith.constant 0 : index
    %swap3A_26 = arith.constant 0 : index
    %swap3A_27 = vector.load %arg2[%swap3A_24, %swap3A_25, %swap3A_26] : memref<2x10000x64xf32, #tpu.memory_space<vmem>>, vector<1x10000x64xf32>
    %swap3A_28 = vector.shape_cast %swap3A_27 : vector<1x10000x64xf32> to vector<10000x64xf32>
    %swap3A_29 = vector.shape_cast %slice3A_23 : vector<10000x64xf32> to vector<1x10000x64xf32>
    tpu.vector_store %arg2[%swap3A_24, %swap3A_25, %swap3A_26], %swap3A_29 {strides = array<i32>} : memref<2x10000x64xf32, #tpu.memory_space<vmem>>, vector<1x10000x64xf32>,
    return
  }
}

module attributes {stable_mosaic.version = 14 : i64} {
  func.func @_tc_mm1(%arg0: memref<10000x128xf32, #tpu.memory_space<vmem>>, %arg1: memref<128x128xf32, #tpu.memory_space<vmem>>, %arg2: memref<10000x128xf32, #tpu.memory_space<vmem>>) attributes {dimension_semantics = [], scalar_prefetch = 0 : i64, scratch_operands = 0 : i64, tpu.core_type = #tpu.core_type<tc>} {
    %get3A = arith.constant 0 : index
    %get3A_0 = arith.constant 0 : index
    %get3A_1 = vector.load %arg0[%get3A, %get3A_0] : memref<10000x128xf32, #tpu.memory_space<vmem>>, vector<10000x128xf32>
    %get3A_2 = arith.constant 0 : index
    %get3A_3 = arith.constant 0 : index
    %get3A_4 = vector.load %arg1[%get3A_2, %get3A_3] : memref<128x128xf32, #tpu.memory_space<vmem>>, vector<128x128xf32>
    %dot_general3A = arith.constant dense<0.000000e+00> : vector<10000x128xf32>
    %dot_general3A_5 = tpu.matmul %get3A_1, %get3A_4, %dot_general3A {dimension_numbers = #tpu.dot_dimension_numbers<[1], [0], [0], [1], [0, 0, 1, 1], [], []>, transpose_lhs_hint = false} : vector<10000x128xf32>, vector<128x128xf32>, vector<10000x128xf32> -> vector<10000x128xf32>
    %swap3A = arith.constant 0 : index
    %swap3A_6 = arith.constant 0 : index
    %swap3A_7 = vector.load %arg2[%swap3A, %swap3A_6] : memref<10000x128xf32, #tpu.memory_space<vmem>>, vector<10000x128xf32>
    tpu.vector_store %arg2[%swap3A, %swap3A_6], %dot_general3A_5 {strides = array<i32>} : memref<10000x128xf32, #tpu.memory_space<vmem>>, vector<10000x128xf32>,
    return
  }
}

module attributes {stable_mosaic.version = 14 : i64} {
  func.func @_tc_mid(%arg0: memref<10000x128xf32, #tpu.memory_space<vmem>>, %arg1: memref<2x10112x64xf32, #tpu.memory_space<vmem>>, %arg2: memref<2x10000x64xf32, #tpu.memory_space<vmem>>, %arg3: memref<1x128xf32, #tpu.memory_space<vmem>>, %arg4: memref<128x128xf32, #tpu.memory_space<vmem>>, %arg5: memref<2x10000x64xf32, #tpu.memory_space<vmem>>) attributes {dimension_semantics = [], scalar_prefetch = 0 : i64, scratch_operands = 0 : i64, tpu.core_type = #tpu.core_type<tc>} {
    %get3A = arith.constant 0 : index
    %get3A_0 = arith.constant 0 : index
    %get3A_1 = vector.load %arg0[%get3A, %get3A_0] : memref<10000x128xf32, #tpu.memory_space<vmem>>, vector<10000x128xf32>
    %get3A_2 = arith.constant 0 : index
    %get3A_3 = arith.constant 0 : index
    %get3A_4 = arith.constant 0 : index
    %get3A_5 = vector.load %arg1[%get3A_2, %get3A_3, %get3A_4] : memref<2x10112x64xf32, #tpu.memory_space<vmem>>, vector<1x10000x64xf32>
    %get3A_6 = vector.shape_cast %get3A_5 : vector<1x10000x64xf32> to vector<10000x64xf32>
    %get3A_7 = arith.constant 1 : index
    %get3A_8 = arith.constant 0 : index
    %get3A_9 = arith.constant 0 : index
    %get3A_10 = vector.load %arg1[%get3A_7, %get3A_8, %get3A_9] : memref<2x10112x64xf32, #tpu.memory_space<vmem>>, vector<1x10000x64xf32>
    %get3A_11 = vector.shape_cast %get3A_10 : vector<1x10000x64xf32> to vector<10000x64xf32>
    %concatenate3A = tpu.concatenate %get3A_6, %get3A_11 in 1 : vector<10000x64xf32>, vector<10000x64xf32> -> vector<10000x128xf32>
    %get3A_12 = arith.constant 0 : index
    %get3A_13 = arith.constant 0 : index
    %get3A_14 = arith.constant 0 : index
    %get3A_15 = vector.load %arg2[%get3A_12, %get3A_13, %get3A_14] : memref<2x10000x64xf32, #tpu.memory_space<vmem>>, vector<1x10000x64xf32>
    %get3A_16 = vector.shape_cast %get3A_15 : vector<1x10000x64xf32> to vector<10000x64xf32>
    %get3A_17 = arith.constant 1 : index
    %get3A_18 = arith.constant 0 : index
    %get3A_19 = arith.constant 0 : index
    %get3A_20 = vector.load %arg2[%get3A_17, %get3A_18, %get3A_19] : memref<2x10000x64xf32, #tpu.memory_space<vmem>>, vector<1x10000x64xf32>
    %get3A_21 = vector.shape_cast %get3A_20 : vector<1x10000x64xf32> to vector<10000x64xf32>
    %concatenate3A_22 = tpu.concatenate %get3A_16, %get3A_21 in 1 : vector<10000x64xf32>, vector<10000x64xf32> -> vector<10000x128xf32>
    %add3A = arith.addf %concatenate3A, %concatenate3A_22 : vector<10000x128xf32>
    %mul3A = arith.mulf %add3A, %get3A_1 : vector<10000x128xf32>
    %get3A_23 = arith.constant 0 : index
    %get3A_24 = arith.constant 0 : index
    %get3A_25 = vector.load %arg3[%get3A_23, %get3A_24] : memref<1x128xf32, #tpu.memory_space<vmem>>, vector<1x128xf32>
    %add3A_26 = vector.broadcast %get3A_25 : vector<1x128xf32> to vector<10000x128xf32>
    %add3A_27 = arith.addf %mul3A, %add3A_26 : vector<10000x128xf32>
    %max3A = arith.constant 0.000000e+00 : f32
    %max3A_28 = vector.broadcast %max3A : f32 to vector<10000x128xf32>
    %max3A_29 = arith.maximumf %add3A_27, %max3A_28 : vector<10000x128xf32>
    %get3A_30 = arith.constant 0 : index
    %get3A_31 = arith.constant 0 : index
    %get3A_32 = vector.load %arg4[%get3A_30, %get3A_31] : memref<128x128xf32, #tpu.memory_space<vmem>>, vector<128x128xf32>
    %dot_general3A = arith.constant dense<0.000000e+00> : vector<10000x128xf32>
    %dot_general3A_33 = tpu.matmul %max3A_29, %get3A_32, %dot_general3A {dimension_numbers = #tpu.dot_dimension_numbers<[1], [0], [0], [1], [0, 0, 1, 1], [], []>, transpose_lhs_hint = false} : vector<10000x128xf32>, vector<128x128xf32>, vector<10000x128xf32> -> vector<10000x128xf32>
    %mul3A_34 = arith.mulf %dot_general3A_33, %get3A_1 : vector<10000x128xf32>
    %slice3A = vector.extract_strided_slice %mul3A_34 {offsets = [0, 0], sizes = [10000, 64], strides = [1, 1]} : vector<10000x128xf32> to vector<10000x64xf32>
    %swap3A = arith.constant 0 : index
    %swap3A_35 = arith.constant 0 : index
    %swap3A_36 = arith.constant 0 : index
    %swap3A_37 = vector.load %arg5[%swap3A, %swap3A_35, %swap3A_36] : memref<2x10000x64xf32, #tpu.memory_space<vmem>>, vector<1x10000x64xf32>
    %swap3A_38 = vector.shape_cast %swap3A_37 : vector<1x10000x64xf32> to vector<10000x64xf32>
    %swap3A_39 = vector.shape_cast %slice3A : vector<10000x64xf32> to vector<1x10000x64xf32>
    tpu.vector_store %arg5[%swap3A, %swap3A_35, %swap3A_36], %swap3A_39 {strides = array<i32>} : memref<2x10000x64xf32, #tpu.memory_space<vmem>>, vector<1x10000x64xf32>,
    %slice3A_40 = vector.extract_strided_slice %mul3A_34 {offsets = [0, 64], sizes = [10000, 64], strides = [1, 1]} : vector<10000x128xf32> to vector<10000x64xf32>
    %swap3A_41 = arith.constant 1 : index
    %swap3A_42 = arith.constant 0 : index
    %swap3A_43 = arith.constant 0 : index
    %swap3A_44 = vector.load %arg5[%swap3A_41, %swap3A_42, %swap3A_43] : memref<2x10000x64xf32, #tpu.memory_space<vmem>>, vector<1x10000x64xf32>
    %swap3A_45 = vector.shape_cast %swap3A_44 : vector<1x10000x64xf32> to vector<10000x64xf32>
    %swap3A_46 = vector.shape_cast %slice3A_40 : vector<10000x64xf32> to vector<1x10000x64xf32>
    tpu.vector_store %arg5[%swap3A_41, %swap3A_42, %swap3A_43], %swap3A_46 {strides = array<i32>} : memref<2x10000x64xf32, #tpu.memory_space<vmem>>, vector<1x10000x64xf32>,
    return
  }
}

module attributes {stable_mosaic.version = 14 : i64} {
  func.func @_tc_last(%arg0: memref<10000x128xf32, #tpu.memory_space<vmem>>, %arg1: memref<2x10112x64xf32, #tpu.memory_space<vmem>>, %arg2: memref<2x10000x64xf32, #tpu.memory_space<vmem>>, %arg3: memref<1x128xf32, #tpu.memory_space<vmem>>, %arg4: memref<1x10000xi32, #tpu.memory_space<vmem>>, %arg5: memref<128x10xf32, #tpu.memory_space<vmem>>, %arg6: memref<1x10xf32, #tpu.memory_space<vmem>>, %arg7: memref<64x10xf32, #tpu.memory_space<vmem>>) attributes {dimension_semantics = [], scalar_prefetch = 0 : i64, scratch_operands = 0 : i64, tpu.core_type = #tpu.core_type<tc>} {
    %get3A = arith.constant 0 : index
    %get3A_0 = arith.constant 0 : index
    %get3A_1 = vector.load %arg0[%get3A, %get3A_0] : memref<10000x128xf32, #tpu.memory_space<vmem>>, vector<10000x128xf32>
    %get3A_2 = arith.constant 0 : index
    %get3A_3 = arith.constant 0 : index
    %get3A_4 = arith.constant 0 : index
    %get3A_5 = vector.load %arg1[%get3A_2, %get3A_3, %get3A_4] : memref<2x10112x64xf32, #tpu.memory_space<vmem>>, vector<1x10000x64xf32>
    %get3A_6 = vector.shape_cast %get3A_5 : vector<1x10000x64xf32> to vector<10000x64xf32>
    %get3A_7 = arith.constant 1 : index
    %get3A_8 = arith.constant 0 : index
    %get3A_9 = arith.constant 0 : index
    %get3A_10 = vector.load %arg1[%get3A_7, %get3A_8, %get3A_9] : memref<2x10112x64xf32, #tpu.memory_space<vmem>>, vector<1x10000x64xf32>
    %get3A_11 = vector.shape_cast %get3A_10 : vector<1x10000x64xf32> to vector<10000x64xf32>
    %concatenate3A = tpu.concatenate %get3A_6, %get3A_11 in 1 : vector<10000x64xf32>, vector<10000x64xf32> -> vector<10000x128xf32>
    %get3A_12 = arith.constant 0 : index
    %get3A_13 = arith.constant 0 : index
    %get3A_14 = arith.constant 0 : index
    %get3A_15 = vector.load %arg2[%get3A_12, %get3A_13, %get3A_14] : memref<2x10000x64xf32, #tpu.memory_space<vmem>>, vector<1x10000x64xf32>
    %get3A_16 = vector.shape_cast %get3A_15 : vector<1x10000x64xf32> to vector<10000x64xf32>
    %get3A_17 = arith.constant 1 : index
    %get3A_18 = arith.constant 0 : index
    %get3A_19 = arith.constant 0 : index
    %get3A_20 = vector.load %arg2[%get3A_17, %get3A_18, %get3A_19] : memref<2x10000x64xf32, #tpu.memory_space<vmem>>, vector<1x10000x64xf32>
    %get3A_21 = vector.shape_cast %get3A_20 : vector<1x10000x64xf32> to vector<10000x64xf32>
    %concatenate3A_22 = tpu.concatenate %get3A_16, %get3A_21 in 1 : vector<10000x64xf32>, vector<10000x64xf32> -> vector<10000x128xf32>
    %add3A = arith.addf %concatenate3A, %concatenate3A_22 : vector<10000x128xf32>
    %mul3A = arith.mulf %add3A, %get3A_1 : vector<10000x128xf32>
    %get3A_23 = arith.constant 0 : index
    %get3A_24 = arith.constant 0 : index
    %get3A_25 = vector.load %arg3[%get3A_23, %get3A_24] : memref<1x128xf32, #tpu.memory_space<vmem>>, vector<1x128xf32>
    %add3A_26 = vector.broadcast %get3A_25 : vector<1x128xf32> to vector<10000x128xf32>
    %add3A_27 = arith.addf %mul3A, %add3A_26 : vector<10000x128xf32>
    %max3A = arith.constant 0.000000e+00 : f32
    %max3A_28 = vector.broadcast %max3A : f32 to vector<10000x128xf32>
    %max3A_29 = arith.maximumf %add3A_27, %max3A_28 : vector<10000x128xf32>
    %iota3A = tpu.iota {dimensions = array<i32: 0>} : vector<64x10000xi32>
    %get3A_30 = arith.constant 0 : index
    %get3A_31 = arith.constant 0 : index
    %get3A_32 = vector.load %arg4[%get3A_30, %get3A_31] : memref<1x10000xi32, #tpu.memory_space<vmem>>, vector<1x10000xi32>
    %eq3A = vector.broadcast %get3A_32 : vector<1x10000xi32> to vector<64x10000xi32>
    %eq3A_33 = arith.cmpi eq, %eq3A, %iota3A : vector<64x10000xi32>
    %convert_element_type3A = arith.extui %eq3A_33 : vector<64x10000xi1> to vector<64x10000xi32>
    %convert_element_type3A_34 = arith.sitofp %convert_element_type3A : vector<64x10000xi32> to vector<64x10000xf32>
    %dot_general3A = arith.constant dense<0.000000e+00> : vector<64x128xf32>
    %dot_general3A_35 = tpu.matmul %convert_element_type3A_34, %max3A_29, %dot_general3A {dimension_numbers = #tpu.dot_dimension_numbers<[1], [0], [0], [1], [0, 0, 1, 1], [], []>, transpose_lhs_hint = false} : vector<64x10000xf32>, vector<10000x128xf32>, vector<64x128xf32> -> vector<64x128xf32>
    %reduce_sum3A = arith.constant dense<0.000000e+00> : vector<64xf32>
    %reduce_sum3A_36 = vector.multi_reduction <add>, %convert_element_type3A_34, %reduce_sum3A [1] : vector<64x10000xf32> to vector<64xf32>
    %broadcast_in_dim3A = vector.shape_cast %reduce_sum3A_36 : vector<64xf32> to vector<64x1xf32>
    %max3A_37 = arith.constant 1.000000e+00 : f32
    %max3A_38 = vector.broadcast %max3A_37 : f32 to vector<64x1xf32>
    %max3A_39 = arith.maximumf %broadcast_in_dim3A, %max3A_38 : vector<64x1xf32>
    %div3A = vector.broadcast %max3A_39 : vector<64x1xf32> to vector<64x128xf32>
    %div3A_40 = arith.divf %dot_general3A_35, %div3A : vector<64x128xf32>
    %get3A_41 = arith.constant 0 : index
    %get3A_42 = arith.constant 0 : index
    %get3A_43 = vector.load %arg5[%get3A_41, %get3A_42] : memref<128x10xf32, #tpu.memory_space<vmem>>, vector<128x10xf32>
    %dot_general3A_44 = arith.constant dense<0.000000e+00> : vector<64x10xf32>
    %dot_general3A_45 = tpu.matmul %div3A_40, %get3A_43, %dot_general3A_44 {dimension_numbers = #tpu.dot_dimension_numbers<[1], [0], [0], [1], [0, 0, 1, 1], [], []>, transpose_lhs_hint = false} : vector<64x128xf32>, vector<128x10xf32>, vector<64x10xf32> -> vector<64x10xf32>
    %get3A_46 = arith.constant 0 : index
    %get3A_47 = arith.constant 0 : index
    %get3A_48 = vector.load %arg6[%get3A_46, %get3A_47] : memref<1x10xf32, #tpu.memory_space<vmem>>, vector<1x10xf32>
    %add3A_49 = vector.broadcast %get3A_48 : vector<1x10xf32> to vector<64x10xf32>
    %add3A_50 = arith.addf %dot_general3A_45, %add3A_49 : vector<64x10xf32>
    %swap3A = arith.constant 0 : index
    %swap3A_51 = arith.constant 0 : index
    %swap3A_52 = vector.load %arg7[%swap3A, %swap3A_51] : memref<64x10xf32, #tpu.memory_space<vmem>>, vector<64x10xf32>
    tpu.vector_store %arg7[%swap3A, %swap3A_51], %add3A_50 {strides = array<i32>} : memref<64x10xf32, #tpu.memory_space<vmem>>, vector<64x10xf32>,
    return
  }
}

</mosaic_0001>

<sc_bundles>
// kernel: kernel.12.cloned.1.call-start
scs
__scs_entry_jumppad:
0x0: {  	(pc) =	sbr.rel $0x88, $3  }
0x1: {  	(tag) =	ssettag $0x0;
	lr =	simm.s32 $0x1  }
0x2: {  	[smem:$0x3F98] =	sst lr;
	_ =	strace $0xD0000000  }
0x3: {  	_ = 	snop  }
0x4: {  	_ = 	snop  }
0x5: {  	_ = 	snop  }
0x6: {  	_ = 	snop  }
0x7: {  	_ = 	snop  }
__scs_overlays_trampoline_lowered:
0x8: {  	[smem:$0x3FA7] =	sst s0  }
0x9: {  	[smem:$0x3FA8] =	sst s1  }
0xa: {  	[smem:$0x3FA9] =	sst s2  }
0xb: {  	[smem:$0x3FAA] =	sst s3  }
0xc: {  	[smem:$0x3FAB] =	sst s4  }
0xd: {  	[smem:$0x3FAC] =	sst s5  }
0xe: {  	[smem:$0x3FAD] =	sst s6  }
0xf: {  	[smem:$0x3FAE] =	sst s7  }
0x10: {  	[smem:$0x3FAF] =	sst s8  }
0x11: {  	[smem:$0x3FB0] =	sst s9;
	s0 =	simm.s32 @!p0 $0x0  }
0x12: {  	s1 =	sld [smem:$0x3F96];
	s0 =	simm.s32 @p0 $0x1  }
0x13: {  	[smem:$0x3FB1] =	sst s0;
	s0 =	simm.s32 @!p1 $0x0  }
0x14: {  	s2 =	sld [smem:$0x3F95];
	s0 =	simm.s32 @p1 $0x1  }
0x15: {  	[smem:$0x3FB2] =	sst s0;
	s0 =	simm.s32 @!p2 $0x0  }
0x16: {  	s3 =	sld [smem:$0x3FDB];
	s0 =	simm.s32 @p2 $0x1  }
0x17: {  	s4 =	simm.s32 $0x1BF5;
	[smem:$0x3FB4] =	sst s0  }
0x18: {  	s0 =	sld [smem:$0x3F97];
	_ =	swait.ge [sflag:s4], $0x0  }
0x19: {  	s7 =	sld [smem:$0x3F98]  }
0x1a: {  	s8 =	sadd.s32 $0xFFFFE003, lr  }
0x1b: {  	s9 =	sadd.s32 $0xFFFFFEF7, lr;
	s5 =	simm.s32 $0xFFFFFFFF;
	p2 =	slt.u32 s8, $0xFFFFF086  }
0x1c: {  	p1 =	slt.u32 s9, $0xF7A;
	s5 =	simm.s32 @!p2 $0x0  }
0x1d: {  	s5 =	simm.s32 @p1 $0x1;
	p0 =	seq.s32 s7, s2  }
0x1e: {  	s7 =	smul.u32 @!p0 $0xF7A, s2;
	p2 =	seq.s32 @!p0 s5, $0x0  }
0x1f: {  	s9 =	smul.u32 $0xF7A, s1;
	s8 =	simm.s32 @!p0 $0x1BF5;
	p2 =	por !p2, p0  }
0x20: {  	[sflag:s8] =	ssyncset.s32 @!p0 $0xFFFFF086;
	s6 =	sadd.s32 @!p0 s3, s7;
	s7 =	simm.s32 @!p0 $0x108  }
0x21: {  	s3 =	sadd.s32 s3, s9;
	s6 =	sadd.s32 @!p0 $0x88, s6;
	s7 =	simm.s32 @p2 $0x1082  }
0x22: {  	[simem:s7], [sflag:s8] =	dma.local @!p0 [hbm:s6], $0xF7A  }
0x23: {  	s9 =	sor.u32 $0xD0000000, s2;
	s6 =	simm.s32 $0x108;
	_ =	swait.ge @!p0 [sflag:s8], $0x0  }
0x24: {  	s3 =	sadd.s32 $0x88, s3;
	s6 =	simm.s32 @!p1 $0x1082;
	[sflag:s4] =	ssyncset.s32 $0xFFFFF086  }
0x25: {  	[simem:s6], [sflag:s4] =	dma.local [hbm:s3], $0xF7A  }
0x26: {  	[smem:$0x3F98] =	sst s1;
	(tag) =	ssettag s2;
	_ =	strace s9  }
0x27: {  	s1 =	sld [smem:$0x3FA8]  }
0x28: {  	s2 =	sld [smem:$0x3FA9]  }
0x29: {  	s4 =	sld [smem:$0x3FAB]  }
0x2a: {  	p0 =	seq.s32 s5, $0x0;
	s5 =	sld [smem:$0x3FAC]  }
0x2b: {  	s6 =	sld [smem:$0x3FAD]  }
0x2c: {  	s7 =	sld [smem:$0x3FAE]  }
0x2d: {  	s3 =	simm.s32 $0x108;
	s8 =	sld [smem:$0x3FAF]  }
0x2e: {  	s3 =	simm.s32 @!p0 $0x1082;
	s9 =	sld [smem:$0x3FB0]  }
0x2f: {  	lr =	sadd.s32 s0, s3;
	s0 =	sld [smem:$0x3FA7]  }
0x30: {  	s3 =	sld [smem:$0x3FAA]  }
0x31: {  	[smem:$0x3FB3] =	sst s10  }
0x32: {  	s10 =	sld [smem:$0x3FB1];
	_ =	sdelay $0x3  }
0x33: {  	p0 =	seq.s32 s10, $0x1;
	s10 =	sld [smem:$0x3FB3];
	_ =	sdelay $0x3  }
0x34: {  	[smem:$0x3FB3] =	sst s10  }
0x35: {  	s10 =	sld [smem:$0x3FB2];
	_ =	sdelay $0x3  }
0x36: {  	p1 =	seq.s32 s10, $0x1;
	s10 =	sld [smem:$0x3FB3];
	_ =	sdelay $0x3  }
0x37: {  	[smem:$0x3FB3] =	sst s10  }
0x38: {  	s10 =	sld [smem:$0x3FB4]  }
0x39: {  	_ = 	snop;
	(pc) =	sbr.ind lr, $3  }
0x3a: {  	_ = 	snop  }
0x3b: {  	_ = 	snop  }
0x3c: {  	p2 =	seq.s32 s10, $0x1;
	s10 =	sld [smem:$0x3FB3]  }
0x3d: {  	_ =	shalt  }
0x3e: {  	_ =	shalt  }
0x3f: {  	_ =	shalt  }
0x40: {  	_ =	shalt  }
0x41: {  	_ =	shalt  }
0x42: {  	_ =	shalt  }
0x43: {  	_ =	shalt  }
0x44: {  	_ =	shalt  }
0x45: {  	_ =	shalt  }
0x46: {  	_ =	shalt  }
0x47: {  	_ =	shalt  }
0x48: {  	_ =	shalt  }
0x49: {  	_ =	shalt  }
0x4a: {  	_ =	shalt  }
0x4b: {  	_ =	shalt  }
0x4c: {  	_ =	shalt  }
0x4d: {  	_ =	shalt  }
0x4e: {  	_ =	shalt  }
0x4f: {  	_ =	shalt  }
0x50: {  	_ =	shalt  }
0x51: {  	_ =	shalt  }
0x52: {  	_ =	shalt  }
0x53: {  	_ =	shalt  }
0x54: {  	_ =	shalt  }
0x55: {  	_ =	shalt  }
0x56: {  	_ =	shalt  }
0x57: {  	_ =	shalt  }
0x58: {  	_ =	shalt  }
0x59: {  	_ =	shalt  }
0x5a: {  	_ =	shalt  }
0x5b: {  	_ =	shalt  }
0x5c: {  	_ =	shalt  }
0x5d: {  	_ =	shalt  }
0x5e: {  	_ =	shalt  }
0x5f: {  	_ =	shalt  }
0x60: {  	_ =	shalt  }
0x61: {  	_ =	shalt  }
0x62: {  	_ =	shalt  }
0x63: {  	_ =	shalt  }
0x64: {  	_ =	shalt  }
0x65: {  	_ =	shalt  }
0x66: {  	_ =	shalt  }
0x67: {  	_ =	shalt  }
0x68: {  	_ =	shalt  }
0x69: {  	_ =	shalt  }
0x6a: {  	_ =	shalt  }
0x6b: {  	_ =	shalt  }
0x6c: {  	_ =	shalt  }
0x6d: {  	_ =	shalt  }
0x6e: {  	_ =	shalt  }
0x6f: {  	_ =	shalt  }
0x70: {  	_ =	shalt  }
0x71: {  	_ =	shalt  }
0x72: {  	_ =	shalt  }
0x73: {  	_ =	shalt  }
0x74: {  	_ =	shalt  }
0x75: {  	_ =	shalt  }
0x76: {  	_ =	shalt  }
0x77: {  	_ =	shalt  }
0x78: {  	_ =	shalt  }
0x79: {  	_ =	shalt  }
0x7a: {  	_ =	shalt  }
0x7b: {  	_ =	shalt  }
0x7c: {  	_ =	shalt  }
0x7d: {  	_ =	shalt  }
0x7e: {  	_ =	shalt  }
0x7f: {  	_ =	shalt  }
0x80: {  	_ =	shalt  }
0x81: {  	_ =	shalt  }
0x82: {  	_ =	shalt  }
0x83: {  	_ =	shalt  }
0x84: {  	_ =	shalt  }
0x85: {  	_ =	shalt  }
0x86: {  	_ =	shalt  }
0x87: {  	_ =	shalt  }
.Lfunc_end0:
.L_simem_size_0:
called_computation.1_lowered:
.L_overlay_start_0:
0x88: {  	s2 =	sld [smem:$0x3FD9]  }
0x89: {  	s3 =	sld [smem:$0x3FFE];
	_ =	sdelay $0x1  }
0x8a: {  	s1 =	srdreg.scid  }
0x8b: {  	s0 =	sand.u32 $0x1, s1  }
0x8c: {  	s16 =	sshll.u32 s0, $0xA;
	s2 =	sadd.s32 s3, s2  }
0x8d: {  	s2 =	sadd.s32 s2, s16  }
0x8e: {  	[smem:$0x3FBF] =	sst s2  }
0x8f: {  	_ = 	snop  }
0x90: {  	(tm) =	ssettm $0x1  }
0x91: {  	s17 =	sld [smem:$0x3FFB];
	_ =	sdelay $0x3  }
0x92: {  	_ =	strace s17  }
0x93: {  	s2 =	sld [smem:$0x3FFC];
	_ =	sdelay $0x3  }
0x94: {  	_ =	strace s2  }
0x95: {  	s2 =	sld [smem:$0x3FFD];
	_ =	sdelay $0x3  }
0x96: {  	_ =	strace s2  }
0x97: {  	_ =	strace $0x8FFFFFFF  }
0x98: {  	s18 =	sld [smem:$0x3FDB];
	_ =	sdelay $0x1  }
0x99: {  	s19 =	simm.s32 $_scs_section_size  }
0x9a: {  	s4 =	simm.s32 $_size__tile_overlayer_lowered;
	s5 =	simm.s32 $_tile_overlayer_lowered  }
0x9b: {  	s22 =	simm.s32 $0x1BFF;
	s21 =	sshll.u32 s5, $0x1;
	s2 =	sadd.s32 s19, s18  }
0x9c: {  	s6 =	simm.s32 $0x0;
	s20 =	sshll.u32 s4, $0x1;
	s4 =	sadd.s32 s21, s2  }
0x9d: {  	[timem:s6], [sflag:s22] =	dma.local [hbm:s4], s20  }
0x9e: {  	_ =	swait.ge [sflag:s22], s20  }
0x9f: {  	s3 =	ssub.s32 $0x0, s20;
	[sflag:s22] =	ssyncset.done $0x0  }
0xa0: {  	[sflag:s22] =	ssyncadd.s32 s3;
	_ =	sdelay $0x1  }
0xa1: {  	s23 =	simm.s32 $0x1B8B  }
0xa2: {  	_ =	swait.ge [sflag:s23], $0x1  }
0xa3: {  	[sflag:s23] =	ssyncset.done $0x0  }
0xa4: {  	s25 =	simm.s32 $0x1B8E;
	s24 =	sld [smem:$0x3FFE];
	[sflag:s23] =	ssyncadd.s32 $0xFFFFFFFF  }
0xa5: {  	s26 =	simm.s32 $execute0_lowered;
	[smem:$0x3FD2] =	sst s25  }
0xa6: {  	s4 =	sshll.u32 s26, $0x1;
	_ =	strace $0x80000049;
	[dreg:$0x1] =	wrdreg $0xFFFFFFFF  }
0xa7: {  	s28 =	simm.s32 $_size_execute0_lowered;
	s2 =	sadd.s32 s2, s4;
	[dreg:$0x0] =	wrdreg $0x0  }
0xa8: {  	s4 =	sshll.u32 s28, $0x1;
	[dreg:$0x2] =	wrdreg s2  }
0xa9: {  	[dreg:$0x3] =	wrdreg s4  }
0xaa: {  	[dreg:$0x4] =	wrdreg $0xC0  }
0xab: {  	_ =	task [dreg:s6], $0x5FFFF  }
0xac: {  	[dreg:$0x1] =	wrdreg $0xFFFFFFFF  }
0xad: {  	[dreg:$0x0] =	wrdreg $0x60  }
0xae: {  	[dreg:$0x2] =	wrdreg s24  }
0xaf: {  	[dreg:$0x3] =	wrdreg $0x144400  }
0xb0: {  	[dreg:$0x4] =	wrdreg $0xA8000  }
0xb1: {  	[dreg:$0x5] =	wrdreg $0x9  }
0xb2: {  	_ =	task.clear_ibuf [dreg:s6], $0x6FFFF;
	_ =	strace $0x90000049  }
0xb3: {  	s29 =	simm.s32 $0x9;
	_ =	strace $0x8000004B  }
0xb4: {  	_ =	swait.ge [sflag:s29], $0x1  }
0xb5: {  	[sflag:s29] =	ssyncadd.s32 $0xFFFFFFFF  }
0xb6: {  	_ =	strace $0x9000004B  }
0xb7: {  	_ =	sfence  }
0xb8: {  	s30 =	sld [smem:$0x0];
	_ =	sdelay $0x2  }
0xb9: {  	s31 =	sshll.u32 s1, $0xD;
	s1 =	sshrl.u32 s1, $0x2  }
0xba: {  	s3 =	sand.u32 $0x4000, s31;
	s1 =	sadd.s32 s1, s30  }
0xbb: {  	s0 =	sor.u32 s3, s0;
	s1 =	sshll.u32 s1, $0x11  }
0xbc: {  	s0 =	sor.u32 s1, s0  }
0xbd: {  	s0 =	sadd.s32 $0x8F2B, s0  }
0xbe: {  	[sflag:s0] =	ssyncadd.remote.s32 $0x1  }
0xbf: {  	_ =	sfence.sel $0xFFFF  }
0xc0: {  	[dreg:$0x0] =	wrdreg $0xFFFFFFFF;
	(pc) =	sbr.abs _section_cstart, $3  }
0xc1: {  	[dreg:$0x1] =	wrdreg $0xFFFFFFFF  }
0xc2: {  	_ =	task.clear_ibuf [dreg:s6], $0x2FFFF;
	_ =	strace $0x9FFFFFFF  }
0xc3: {  	(tm) =	ssettm $0x7FFFFFFF  }
tec
execute0_lowered:
.L_overlay_start_1:
0x0: {  	(tag) =	ssettag $0x1  }
0x1: {  	s0 =	rddreg [dreg:$0x0]  }
0x2: {  	s1 =	rddreg [dreg:$0x1]  }
0x3: {  	s3 =	rddreg [dreg:$0x2]  }
0x4: {  	s4 =	simm.s32 $0x0;
	s2 =	srdreg.scid;
	s14 =	stileid.u32  }
0x5: {  	s28 =	simm.s32 $0x180;
	s29 =	simm.s32 $0x8800;
	s5 =	smul.u32 $0x9E00, s14  }
0x6: {  	s30 =	simm.s32 $0x1;
	s31 =	simm.s32 $0x2;
	s12 =	smul.u32 $0x9C40, s14  }
0x7: {  	[smem:$0x7FF] =	sst s4;
	s2 =	sand.u32 $0x1, s2;
	s13 =	smul.u32 $0x5000, s14  }
0x8: {  	s6 =	sadd.s32 $0x47600, s0;
	s8 =	sadd.s32 $0x1E00, s0;
	s19 =	smul.u32 $0xA00, s14  }
0x9: {  	s16 =	sshll.u32 s14, $0x6;
	_ =	strace $0x8000004A;
	s7 =	smul.u32 $0x13880, s2  }
0xa: {  	s10 =	smul.u32 $0x13C00, s2;
	s2 =	ssub.s32 $0x2, s2;
	s9 =	sshrl.u32 s5, $0x3  }
0xb: {  	s15 =	sshrl.u32 s2, $0x1;
	s5 =	sadd.s32 s5, s1;
	s18 =	sadd.s32 s12, s3  }
0xc: {  	s13 =	sshrl.u32 s13, $0x3;
	s12 =	sshrl.u32 s12, $0x3;
	s11 =	sadd.s32 s7, s0  }
0xd: {  	s26 =	sadd.s32 s9, s0;
	s0 =	sadd.s32 s10, s0;
	s2 =	ssub.s32 s2, s15  }
0xe: {  	[dreg:$0x4] =	wrdreg s5;
	s7 =	sor.u32 $0x1C09, s16;
	s15 =	sadd.s32 s6, s19  }
0xf: {  	s20 =	sadd.s32 $0x280, s13;
	s10 =	sadd.s32 s8, s19;
	[dreg:$0x6] =	wrdreg s15  }
0x10: {  	s23 =	sadd.s32 $0x500, s13;
	s17 =	sadd.s32 $0xBE00, s26;
	[dreg:$0x7] =	wrdreg s10  }
0x11: {  	s13 =	sadd.s32 $0x780, s13;
	s21 =	sadd.s32 s6, s20;
	[dreg:$0x5] =	wrdreg s17  }
0x12: {  	s19 =	sshrl.u32 s18, $0x3;
	s22 =	sadd.s32 s8, s20;
	[dreg:$0x8] =	wrdreg s21  }
0x13: {  	s5 =	simm.s32 $0x6;
	s24 =	sadd.s32 s6, s23;
	[dreg:$0x9] =	wrdreg s22  }
0x14: {  	s11 =	sadd.s32 $0x1FA00, s11;
	s10 =	sadd.s32 s8, s23;
	[dreg:$0xa] =	wrdreg s24  }
0x15: {  	s6 =	sadd.s32 s6, s13;
	s25 =	sadd.s32 s8, s13;
	[dreg:$0xb] =	wrdreg s10  }
0x16: {  	s0 =	sadd.s32 $0x9F800, s0;
	s2 =	smax.u32 s2, $0x1;
	[dreg:$0xc] =	wrdreg s6  }
0x17: {  	s20 =	simm.s32 $0x1400;
	s23 =	simm.s32 $0x4800;
	[dreg:$0xd] =	wrdreg s25  }
0x18: {  	s8 =	simm.s32 $0x7;
	s13 =	simm.s32 $0x0;
	[dreg:$0xe] =	wrdreg s2  }
0x19: {  	s17 =	simm.s32 $0x9;
	s26 =	sadd.s32 s12, s11;
	s21 =	simm.s32 $0x80  }
0x1a: {  	s22 =	simm.s32 $0x2800;
	s24 =	sadd.s32 s9, s0;
	s25 =	simm.s32 $0x100  }
0x1b: {  	s0 =	simm.s32 $0x5;
	s2 =	simm.s32 $0x3;
	s6 =	simm.s32 $0x4  }
0x1c: {  	s9 =	simm.s32 $0x8;
	s10 =	simm.s32 $0x2680;
	s11 =	simm.s32 $0x2700  }
0x1d: {  	s12 =	simm.s32 $0x2780;
	[dreg:$0xf] =	wrdreg s26;
	s26 =	simm.s32 $0x6800  }
.LBB2_1:
0x1e: {  	s14 =	rddreg [dreg:$0x4]  }
0x1f: {  	s15 =	rddreg [dreg:$0x5];
	s14 =	sshrl.u32 s14, $0x3  }
0x20: {  	[spmem:s14], [sflag:s7] =	dma.local [hbm:s15], $0x13C0  }
0x21: {  	_ =	swait.ge [sflag:s17], $0x13C0  }
0x22: {  	[sflag:s17] =	ssyncset.done $0x0  }
0x23: {  	s16 =	rddreg [dreg:$0xf];
	[sflag:s17] =	ssyncadd.s32 $0xFFFFEC40  }
0x24: {  	[spmem:s19], [sflag:s7] =	dma.local [hbm:s16], $0x1388  }
0x25: {  	_ =	swait.ge [sflag:s17], $0x1388  }
0x26: {  	[sflag:s17] =	ssyncset.done $0x0  }
0x27: {  	[sflag:s17] =	ssyncadd.s32 $0xFFFFEC78  }
0x28: {  	[bflag:$0x0] =	sbarrier.arrive $0xFFFF  }
0x29: {  	s18 =	rddreg [dreg:$0x6]  }
0x2a: {  	[tilespmem:s4], [sflag:$0x9] =	stream.linear.gather [hbm4b:s18+s4], $0x1400, $0x38;
	[tilespmem:$0x1E240] =	vst v63  }
0x2b: {  	_ =	swait.ge [sflag:s17], $0x1400  }
0x2c: {  	[sflag:s17] =	ssyncset.done $0x0  }
0x2d: {  	s16 =	rddreg [dreg:$0x7];
	[sflag:s17] =	ssyncadd.s32 $0xFFFFEC00  }
0x2e: {  	[tilespmem:s20], [sflag:$0x9] =	stream.linear.gather [hbm4b:s16+s4], $0x1400, $0x38;
	[tilespmem:$0x1E240] =	vst v63  }
0x2f: {  	_ =	swait.ge [sflag:s17], $0x1400  }
0x30: {  	[sflag:s17] =	ssyncset.done $0x0  }
0x31: {  	[sflag:s17] =	ssyncadd.s32 $0xFFFFEC00  }
0x32: {  	[tilespmem:s22], [sflag:$0x1] =	stream.indirect.gather [spmem:s3], $0x40, s4, s21, $0xb8;
	[tilespmem:$0x1E240] =	vst v63  }
0x33: {  	_ = 	snop  }
0x34: {  	[tilespmem:s23], [sflag:$0x2] =	stream.indirect.gather [spmem:s3], $0x40, s21, s21, $0xb8;
	[tilespmem:$0x1E240] =	vst v63  }
0x35: {  	_ = 	snop  }
0x36: {  	[tilespmem:s26], [sflag:$0x3] =	stream.indirect.gather [spmem:s3], $0x40, s25, s21, $0xb8;
	[tilespmem:$0x1E240] =	vst v63  }
0x37: {  	_ = 	snop  }
0x38: {  	[tilespmem:s29], [sflag:$0x4] =	stream.indirect.gather [spmem:s3], $0x40, s28, s21, $0xb8;
	[tilespmem:$0x1E240] =	vst v63  }
0x39: {  	_ =	swait.ge [sflag:s30], $0x2000  }
0x3a: {  	[sflag:s30] =	ssyncset.done $0x0  }
0x3b: {  	[sflag:s30] =	ssyncadd.s32 $0xFFFFE000  }
0x3c: {  	[spmem:s1] =	stream.indirect.scatter.add.f32 [tilespmem:s22], [sflag:$0x5], $0x40, s20, s21, $0xb8;
	[tilespmem:$0x1E240] =	vst v63  }
0x3d: {  	_ =	swait.ge [sflag:s31], $0x2000  }
0x3e: {  	[sflag:s31] =	ssyncset.done $0x0  }
0x3f: {  	s18 =	simm.s32 $0x1480;
	[sflag:s31] =	ssyncadd.s32 $0xFFFFE000  }
0x40: {  	[spmem:s1] =	stream.indirect.scatter.add.f32 [tilespmem:s23], [sflag:$0x6], $0x40, s18, s21, $0xb8;
	[tilespmem:$0x1E240] =	vst v63  }
0x41: {  	_ =	swait.ge [sflag:s0], $0x2000  }
0x42: {  	[sflag:s0] =	ssyncset.done $0x0  }
0x43: {  	s16 =	simm.s32 $0x200;
	[sflag:s0] =	ssyncadd.s32 $0xFFFFE000  }
0x44: {  	[tilespmem:s22], [sflag:$0x1] =	stream.indirect.gather [spmem:s3], $0x40, s16, s21, $0xb8;
	[tilespmem:$0x1E240] =	vst v63  }
0x45: {  	_ =	swait.ge [sflag:s2], $0x2000  }
0x46: {  	[sflag:s2] =	ssyncset.done $0x0  }
0x47: {  	s18 =	simm.s32 $0x1500;
	[sflag:s2] =	ssyncadd.s32 $0xFFFFE000  }
0x48: {  	[spmem:s1] =	stream.indirect.scatter.add.f32 [tilespmem:s26], [sflag:$0x7], $0x40, s18, s21, $0xb8;
	[tilespmem:$0x1E240] =	vst v63  }
0x49: {  	_ =	swait.ge [sflag:s5], $0x2000  }
0x4a: {  	[sflag:s5] =	ssyncset.done $0x0  }
0x4b: {  	s16 =	simm.s32 $0x280;
	[sflag:s5] =	ssyncadd.s32 $0xFFFFE000  }
0x4c: {  	[tilespmem:s23], [sflag:$0x2] =	stream.indirect.gather [spmem:s3], $0x40, s16, s21, $0xb8;
	[tilespmem:$0x1E240] =	vst v63  }
0x4d: {  	_ =	swait.ge [sflag:s6], $0x2000  }
0x4e: {  	[sflag:s6] =	ssyncset.done $0x0  }
0x4f: {  	s18 =	simm.s32 $0x1580;
	[sflag:s6] =	ssyncadd.s32 $0xFFFFE000  }
0x50: {  	[spmem:s1] =	stream.indirect.scatter.add.f32 [tilespmem:s29], [sflag:$0x8], $0x40, s18, s21, $0xb8;
	[tilespmem:$0x1E240] =	vst v63  }
0x51: {  	_ =	swait.ge [sflag:s8], $0x2000  }
0x52: {  	[sflag:s8] =	ssyncset.done $0x0  }
0x53: {  	s16 =	simm.s32 $0x300;
	[sflag:s8] =	ssyncadd.s32 $0xFFFFE000  }
0x54: {  	[tilespmem:s26], [sflag:$0x3] =	stream.indirect.gather [spmem:s3], $0x40, s16, s21, $0xb8;
	[tilespmem:$0x1E240] =	vst v63  }
0x55: {  	_ =	swait.ge [sflag:s30], $0x2000  }
0x56: {  	[sflag:s30] =	ssyncset.done $0x0  }
0x57: {  	s18 =	simm.s32 $0x1600;
	[sflag:s30] =	ssyncadd.s32 $0xFFFFE000  }
0x58: {  	[spmem:s1] =	stream.indirect.scatter.add.f32 [tilespmem:s22], [sflag:$0x5], $0x40, s18, s21, $0xb8;
	[tilespmem:$0x1E240] =	vst v63  }
0x59: {  	_ =	swait.ge [sflag:s9], $0x2000  }
0x5a: {  	[sflag:s9] =	ssyncset.done $0x0  }
0x5b: {  	s15 =	simm.s32 $0x800;
	s16 =	simm.s32 $0x380;
	[sflag:s9] =	ssyncadd.s32 $0xFFFFE000  }
.LBB2_2:
0x5c: {  	[tilespmem:s29], [sflag:$0x4] =	stream.indirect.gather [spmem:s3], $0x40, s16, s21, $0xb8;
	[tilespmem:$0x1E240] =	vst v63  }
0x5d: {  	s16 =	smov.u32 s15  }
0x5e: {  	p0 =	sne.s32 s15, $0x4000;
	s15 =	sadd.s32 $0x800, s15;
	_ =	swait.ge [sflag:s31], $0x2000  }
0x5f: {  	s16 =	sshra.s32 s16, $0x2;
	[sflag:s31] =	ssyncset.done $0x0  }
0x60: {  	s18 =	sadd.s32 $0x1480, s16;
	[sflag:s31] =	ssyncadd.s32 $0xFFFFE000  }
0x61: {  	[spmem:s1] =	stream.indirect.scatter.add.f32 [tilespmem:s23], [sflag:$0x6], $0x40, s18, s21, $0xb8;
	[tilespmem:$0x1E240] =	vst v63  }
0x62: {  	_ =	swait.ge [sflag:s0], $0x2000  }
0x63: {  	[sflag:s0] =	ssyncset.done $0x0  }
0x64: {  	s18 =	sadd.s32 $0x200, s16;
	[sflag:s0] =	ssyncadd.s32 $0xFFFFE000  }
0x65: {  	[tilespmem:s22], [sflag:$0x1] =	stream.indirect.gather [spmem:s3], $0x40, s18, s21, $0xb8;
	[tilespmem:$0x1E240] =	vst v63  }
0x66: {  	_ =	swait.ge [sflag:s2], $0x2000  }
0x67: {  	[sflag:s2] =	ssyncset.done $0x0  }
0x68: {  	s18 =	sadd.s32 $0x1500, s16;
	[sflag:s2] =	ssyncadd.s32 $0xFFFFE000  }
0x69: {  	[spmem:s1] =	stream.indirect.scatter.add.f32 [tilespmem:s26], [sflag:$0x7], $0x40, s18, s21, $0xb8;
	[tilespmem:$0x1E240] =	vst v63  }
0x6a: {  	_ =	swait.ge [sflag:s5], $0x2000  }
0x6b: {  	[sflag:s5] =	ssyncset.done $0x0  }
0x6c: {  	s18 =	sadd.s32 $0x280, s16;
	[sflag:s5] =	ssyncadd.s32 $0xFFFFE000  }
0x6d: {  	[tilespmem:s23], [sflag:$0x2] =	stream.indirect.gather [spmem:s3], $0x40, s18, s21, $0xb8;
	[tilespmem:$0x1E240] =	vst v63  }
0x6e: {  	_ =	swait.ge [sflag:s6], $0x2000  }
0x6f: {  	[sflag:s6] =	ssyncset.done $0x0  }
0x70: {  	s18 =	sadd.s32 $0x1580, s16;
	[sflag:s6] =	ssyncadd.s32 $0xFFFFE000  }
0x71: {  	[spmem:s1] =	stream.indirect.scatter.add.f32 [tilespmem:s29], [sflag:$0x8], $0x40, s18, s21, $0xb8;
	[tilespmem:$0x1E240] =	vst v63  }
0x72: {  	_ =	swait.ge [sflag:s8], $0x2000  }
0x73: {  	[sflag:s8] =	ssyncset.done $0x0  }
0x74: {  	s18 =	sadd.s32 $0x300, s16;
	[sflag:s8] =	ssyncadd.s32 $0xFFFFE000  }
0x75: {  	[tilespmem:s26], [sflag:$0x3] =	stream.indirect.gather [spmem:s3], $0x40, s18, s21, $0xb8;
	[tilespmem:$0x1E240] =	vst v63  }
0x76: {  	_ =	swait.ge [sflag:s30], $0x2000  }
0x77: {  	[sflag:s30] =	ssyncset.done $0x0  }
.Ltmp0:
0x78: {  	s18 =	sadd.s32 $0x1600, s16;
	[sflag:s30] =	ssyncadd.s32 $0xFFFFE000;
	(pc) =	sbr.rel @p0 .LBB2_2-.Ltmp0, $4  }
0x79: {  	[spmem:s1] =	stream.indirect.scatter.add.f32 [tilespmem:s22], [sflag:$0x5], $0x40, s18, s21, $0xb8;
	[tilespmem:$0x1E240] =	vst v63  }
0x7a: {  	_ =	swait.ge [sflag:s9], $0x2000  }
0x7b: {  	[sflag:s9] =	ssyncset.done $0x0  }
0x7c: {  	s16 =	sadd.s32 $0x380, s16;
	[sflag:s9] =	ssyncadd.s32 $0xFFFFE000  }
0x7d: {  	[tilespmem:s29], [sflag:$0x4] =	stream.indirect.gather [spmem:s3], $0x40, s16, s21, $0xb8;
	[tilespmem:$0x1E240] =	vst v63  }
0x7e: {  	_ =	swait.ge [sflag:s31], $0x2000  }
0x7f: {  	[sflag:s31] =	ssyncset.done $0x0  }
0x80: {  	[sflag:s31] =	ssyncadd.s32 $0xFFFFE000  }
0x81: {  	[spmem:s1] =	stream.indirect.scatter.add.f32 [tilespmem:s23], [sflag:$0x6], $0x40, s10, s21, $0xb8;
	[tilespmem:$0x1E240] =	vst v63  }
0x82: {  	_ =	swait.ge [sflag:s0], $0x2000  }
0x83: {  	[sflag:s0] =	ssyncset.done $0x0  }
0x84: {  	[sflag:s0] =	ssyncadd.s32 $0xFFFFE000  }
0x85: {  	_ =	swait.ge [sflag:s2], $0x2000  }
0x86: {  	[sflag:s2] =	ssyncset.done $0x0  }
0x87: {  	[sflag:s2] =	ssyncadd.s32 $0xFFFFE000  }
0x88: {  	[spmem:s1] =	stream.indirect.scatter.add.f32 [tilespmem:s26], [sflag:$0x7], $0x40, s11, s21, $0xb8;
	[tilespmem:$0x1E240] =	vst v63  }
0x89: {  	_ =	swait.ge [sflag:s5], $0x2000  }
0x8a: {  	[sflag:s5] =	ssyncset.done $0x0  }
0x8b: {  	[sflag:s5] =	ssyncadd.s32 $0xFFFFE000  }
0x8c: {  	_ =	swait.ge [sflag:s6], $0x2000  }
0x8d: {  	[sflag:s6] =	ssyncset.done $0x0  }
0x8e: {  	[sflag:s6] =	ssyncadd.s32 $0xFFFFE000  }
0x8f: {  	[spmem:s1] =	stream.indirect.scatter.add.f32 [tilespmem:s29], [sflag:$0x8], $0x40, s12, s21, $0xb8;
	[tilespmem:$0x1E240] =	vst v63  }
0x90: {  	_ =	swait.ge [sflag:s8], $0x2000  }
0x91: {  	[sflag:s8] =	ssyncset.done $0x0  }
0x92: {  	[sflag:s8] =	ssyncadd.s32 $0xFFFFE000  }
0x93: {  	_ =	swait.ge [sflag:s9], $0x2000  }
0x94: {  	[sflag:s9] =	ssyncset.done $0x0  }
0x95: {  	s15 =	simm.s32 $0x0;
	s18 =	rddreg [dreg:$0x8];
	[sflag:s9] =	ssyncadd.s32 $0xFFFFE000  }
0x96: {  	[tilespmem:s15], [sflag:$0x9] =	stream.linear.gather [hbm4b:s18+s15], $0x1400, $0x38;
	[tilespmem:$0x1E240] =	vst v63  }
0x97: {  	_ =	swait.ge [sflag:s17], $0x1400  }
0x98: {  	[sflag:s17] =	ssyncset.done $0x0  }
0x99: {  	s18 =	rddreg [dreg:$0x9];
	[sflag:s17] =	ssyncadd.s32 $0xFFFFEC00  }
0x9a: {  	[tilespmem:s20], [sflag:$0x9] =	stream.linear.gather [hbm4b:s18+s15], $0x1400, $0x38;
	[tilespmem:$0x1E240] =	vst v63  }
0x9b: {  	_ =	swait.ge [sflag:s17], $0x1400  }
0x9c: {  	[sflag:s17] =	ssyncset.done $0x0  }
0x9d: {  	[sflag:s17] =	ssyncadd.s32 $0xFFFFEC00  }
0x9e: {  	[tilespmem:s22], [sflag:$0x1] =	stream.indirect.gather [spmem:s3], $0x40, s15, s21, $0xb8;
	[tilespmem:$0x1E240] =	vst v63  }
0x9f: {  	_ = 	snop  }
0xa0: {  	[tilespmem:s23], [sflag:$0x2] =	stream.indirect.gather [spmem:s3], $0x40, s21, s21, $0xb8;
	[tilespmem:$0x1E240] =	vst v63  }
0xa1: {  	_ = 	snop  }
0xa2: {  	[tilespmem:s26], [sflag:$0x3] =	stream.indirect.gather [spmem:s3], $0x40, s25, s21, $0xb8;
	[tilespmem:$0x1E240] =	vst v63  }
0xa3: {  	_ = 	snop  }
0xa4: {  	[tilespmem:s29], [sflag:$0x4] =	stream.indirect.gather [spmem:s3], $0x40, s28, s21, $0xb8;
	[tilespmem:$0x1E240] =	vst v63  }
0xa5: {  	_ =	swait.ge [sflag:s30], $0x2000  }
0xa6: {  	[sflag:s30] =	ssyncset.done $0x0  }
0xa7: {  	[sflag:s30] =	ssyncadd.s32 $0xFFFFE000  }
0xa8: {  	[spmem:s1] =	stream.indirect.scatter.add.f32 [tilespmem:s22], [sflag:$0x5], $0x40, s20, s21, $0xb8;
	[tilespmem:$0x1E240] =	vst v63  }
0xa9: {  	_ =	swait.ge [sflag:s31], $0x2000  }
0xaa: {  	[sflag:s31] =	ssyncset.done $0x0  }
0xab: {  	s18 =	simm.s32 $0x1480;
	[sflag:s31] =	ssyncadd.s32 $0xFFFFE000  }
0xac: {  	[spmem:s1] =	stream.indirect.scatter.add.f32 [tilespmem:s23], [sflag:$0x6], $0x40, s18, s21, $0xb8;
	[tilespmem:$0x1E240] =	vst v63  }
0xad: {  	_ =	swait.ge [sflag:s0], $0x2000  }
0xae: {  	[sflag:s0] =	ssyncset.done $0x0  }
0xaf: {  	s16 =	simm.s32 $0x200;
	[sflag:s0] =	ssyncadd.s32 $0xFFFFE000  }
0xb0: {  	[tilespmem:s22], [sflag:$0x1] =	stream.indirect.gather [spmem:s3], $0x40, s16, s21, $0xb8;
	[tilespmem:$0x1E240] =	vst v63  }
0xb1: {  	_ =	swait.ge [sflag:s2], $0x2000  }
0xb2: {  	[sflag:s2] =	ssyncset.done $0x0  }
0xb3: {  	s18 =	simm.s32 $0x1500;
	[sflag:s2] =	ssyncadd.s32 $0xFFFFE000  }
0xb4: {  	[spmem:s1] =	stream.indirect.scatter.add.f32 [tilespmem:s26], [sflag:$0x7], $0x40, s18, s21, $0xb8;
	[tilespmem:$0x1E240] =	vst v63  }
0xb5: {  	_ =	swait.ge [sflag:s5], $0x2000  }
0xb6: {  	[sflag:s5] =	ssyncset.done $0x0  }
0xb7: {  	s16 =	simm.s32 $0x280;
	[sflag:s5] =	ssyncadd.s32 $0xFFFFE000  }
0xb8: {  	[tilespmem:s23], [sflag:$0x2] =	stream.indirect.gather [spmem:s3], $0x40, s16, s21, $0xb8;
	[tilespmem:$0x1E240] =	vst v63  }
0xb9: {  	_ =	swait.ge [sflag:s6], $0x2000  }
0xba: {  	[sflag:s6] =	ssyncset.done $0x0  }
0xbb: {  	s18 =	simm.s32 $0x1580;
	[sflag:s6] =	ssyncadd.s32 $0xFFFFE000  }
0xbc: {  	[spmem:s1] =	stream.indirect.scatter.add.f32 [tilespmem:s29], [sflag:$0x8], $0x40, s18, s21, $0xb8;
	[tilespmem:$0x1E240] =	vst v63  }
0xbd: {  	_ =	swait.ge [sflag:s8], $0x2000  }
0xbe: {  	[sflag:s8] =	ssyncset.done $0x0  }
0xbf: {  	s16 =	simm.s32 $0x300;
	[sflag:s8] =	ssyncadd.s32 $0xFFFFE000  }
0xc0: {  	[tilespmem:s26], [sflag:$0x3] =	stream.indirect.gather [spmem:s3], $0x40, s16, s21, $0xb8;
	[tilespmem:$0x1E240] =	vst v63  }
0xc1: {  	_ =	swait.ge [sflag:s30], $0x2000  }
0xc2: {  	[sflag:s30] =	ssyncset.done $0x0  }
0xc3: {  	s18 =	simm.s32 $0x1600;
	[sflag:s30] =	ssyncadd.s32 $0xFFFFE000  }
0xc4: {  	[spmem:s1] =	stream.indirect.scatter.add.f32 [tilespmem:s22], [sflag:$0x5], $0x40, s18, s21, $0xb8;
	[tilespmem:$0x1E240] =	vst v63  }
0xc5: {  	_ =	swait.ge [sflag:s9], $0x2000  }
0xc6: {  	[sflag:s9] =	ssyncset.done $0x0  }
0xc7: {  	s15 =	simm.s32 $0x800;
	s16 =	simm.s32 $0x380;
	[sflag:s9] =	ssyncadd.s32 $0xFFFFE000  }
.LBB2_4:
0xc8: {  	[tilespmem:s29], [sflag:$0x4] =	stream.indirect.gather [spmem:s3], $0x40, s16, s21, $0xb8;
	[tilespmem:$0x1E240] =	vst v63  }
0xc9: {  	s16 =	smov.u32 s15  }
0xca: {  	p0 =	sne.s32 s15, $0x4000;
	s15 =	sadd.s32 $0x800, s15;
	_ =	swait.ge [sflag:s31], $0x2000  }
0xcb: {  	s16 =	sshra.s32 s16, $0x2;
	[sflag:s31] =	ssyncset.done $0x0  }
0xcc: {  	s18 =	sadd.s32 $0x1480, s16;
	[sflag:s31] =	ssyncadd.s32 $0xFFFFE000  }
0xcd: {  	[spmem:s1] =	stream.indirect.scatter.add.f32 [tilespmem:s23], [sflag:$0x6], $0x40, s18, s21, $0xb8;
	[tilespmem:$0x1E240] =	vst v63  }
0xce: {  	_ =	swait.ge [sflag:s0], $0x2000  }
0xcf: {  	[sflag:s0] =	ssyncset.done $0x0  }
0xd0: {  	s18 =	sadd.s32 $0x200, s16;
	[sflag:s0] =	ssyncadd.s32 $0xFFFFE000  }
0xd1: {  	[tilespmem:s22], [sflag:$0x1] =	stream.indirect.gather [spmem:s3], $0x40, s18, s21, $0xb8;
	[tilespmem:$0x1E240] =	vst v63  }
0xd2: {  	_ =	swait.ge [sflag:s2], $0x2000  }
0xd3: {  	[sflag:s2] =	ssyncset.done $0x0  }
0xd4: {  	s18 =	sadd.s32 $0x1500, s16;
	[sflag:s2] =	ssyncadd.s32 $0xFFFFE000  }
0xd5: {  	[spmem:s1] =	stream.indirect.scatter.add.f32 [tilespmem:s26], [sflag:$0x7], $0x40, s18, s21, $0xb8;
	[tilespmem:$0x1E240] =	vst v63  }
0xd6: {  	_ =	swait.ge [sflag:s5], $0x2000  }
0xd7: {  	[sflag:s5] =	ssyncset.done $0x0  }
0xd8: {  	s18 =	sadd.s32 $0x280, s16;
	[sflag:s5] =	ssyncadd.s32 $0xFFFFE000  }
0xd9: {  	[tilespmem:s23], [sflag:$0x2] =	stream.indirect.gather [spmem:s3], $0x40, s18, s21, $0xb8;
	[tilespmem:$0x1E240] =	vst v63  }
0xda: {  	_ =	swait.ge [sflag:s6], $0x2000  }
0xdb: {  	[sflag:s6] =	ssyncset.done $0x0  }
0xdc: {  	s18 =	sadd.s32 $0x1580, s16;
	[sflag:s6] =	ssyncadd.s32 $0xFFFFE000  }
0xdd: {  	[spmem:s1] =	stream.indirect.scatter.add.f32 [tilespmem:s29], [sflag:$0x8], $0x40, s18, s21, $0xb8;
	[tilespmem:$0x1E240] =	vst v63  }
0xde: {  	_ =	swait.ge [sflag:s8], $0x2000  }
0xdf: {  	[sflag:s8] =	ssyncset.done $0x0  }
0xe0: {  	s18 =	sadd.s32 $0x300, s16;
	[sflag:s8] =	ssyncadd.s32 $0xFFFFE000  }
0xe1: {  	[tilespmem:s26], [sflag:$0x3] =	stream.indirect.gather [spmem:s3], $0x40, s18, s21, $0xb8;
	[tilespmem:$0x1E240] =	vst v63  }
0xe2: {  	_ =	swait.ge [sflag:s30], $0x2000  }
0xe3: {  	[sflag:s30] =	ssyncset.done $0x0  }
.Ltmp1:
0xe4: {  	s18 =	sadd.s32 $0x1600, s16;
	[sflag:s30] =	ssyncadd.s32 $0xFFFFE000;
	(pc) =	sbr.rel @p0 .LBB2_4-.Ltmp1, $4  }
0xe5: {  	[spmem:s1] =	stream.indirect.scatter.add.f32 [tilespmem:s22], [sflag:$0x5], $0x40, s18, s21, $0xb8;
	[tilespmem:$0x1E240] =	vst v63  }
0xe6: {  	_ =	swait.ge [sflag:s9], $0x2000  }
0xe7: {  	[sflag:s9] =	ssyncset.done $0x0  }
0xe8: {  	s16 =	sadd.s32 $0x380, s16;
	[sflag:s9] =	ssyncadd.s32 $0xFFFFE000  }
0xe9: {  	[tilespmem:s29], [sflag:$0x4] =	stream.indirect.gather [spmem:s3], $0x40, s16, s21, $0xb8;
	[tilespmem:$0x1E240] =	vst v63  }
0xea: {  	_ =	swait.ge [sflag:s31], $0x2000  }
0xeb: {  	[sflag:s31] =	ssyncset.done $0x0  }
0xec: {  	[sflag:s31] =	ssyncadd.s32 $0xFFFFE000  }
0xed: {  	[spmem:s1] =	stream.indirect.scatter.add.f32 [tilespmem:s23], [sflag:$0x6], $0x40, s10, s21, $0xb8;
	[tilespmem:$0x1E240] =	vst v63  }
0xee: {  	_ =	swait.ge [sflag:s0], $0x2000  }
0xef: {  	[sflag:s0] =	ssyncset.done $0x0  }
0xf0: {  	[sflag:s0] =	ssyncadd.s32 $0xFFFFE000  }
0xf1: {  	_ =	swait.ge [sflag:s2], $0x2000  }
0xf2: {  	[sflag:s2] =	ssyncset.done $0x0  }
0xf3: {  	[sflag:s2] =	ssyncadd.s32 $0xFFFFE000  }
0xf4: {  	[spmem:s1] =	stream.indirect.scatter.add.f32 [tilespmem:s26], [sflag:$0x7], $0x40, s11, s21, $0xb8;
	[tilespmem:$0x1E240] =	vst v63  }
0xf5: {  	_ =	swait.ge [sflag:s5], $0x2000  }
0xf6: {  	[sflag:s5] =	ssyncset.done $0x0  }
0xf7: {  	[sflag:s5] =	ssyncadd.s32 $0xFFFFE000  }
0xf8: {  	_ =	swait.ge [sflag:s6], $0x2000  }
0xf9: {  	[sflag:s6] =	ssyncset.done $0x0  }
0xfa: {  	[sflag:s6] =	ssyncadd.s32 $0xFFFFE000  }
0xfb: {  	[spmem:s1] =	stream.indirect.scatter.add.f32 [tilespmem:s29], [sflag:$0x8], $0x40, s12, s21, $0xb8;
	[tilespmem:$0x1E240] =	vst v63  }
0xfc: {  	_ =	swait.ge [sflag:s8], $0x2000  }
0xfd: {  	[sflag:s8] =	ssyncset.done $0x0  }
0xfe: {  	[sflag:s8] =	ssyncadd.s32 $0xFFFFE000  }
0xff: {  	_ =	swait.ge [sflag:s9], $0x2000  }
0x100: {  	[sflag:s9] =	ssyncset.done $0x0  }
0x101: {  	s15 =	simm.s32 $0x0;
	s18 =	rddreg [dreg:$0xa];
	[sflag:s9] =	ssyncadd.s32 $0xFFFFE000  }
0x102: {  	[tilespmem:s15], [sflag:$0x9] =	stream.linear.gather [hbm4b:s18+s15], $0x1400, $0x38;
	[tilespmem:$0x1E240] =	vst v63  }
0x103: {  	_ =	swait.ge [sflag:s17], $0x1400  }
0x104: {  	[sflag:s17] =	ssyncset.done $0x0  }
0x105: {  	s18 =	rddreg [dreg:$0xb];
	[sflag:s17] =	ssyncadd.s32 $0xFFFFEC00  }
0x106: {  	[tilespmem:s20], [sflag:$0x9] =	stream.linear.gather [hbm4b:s18+s15], $0x1400, $0x38;
	[tilespmem:$0x1E240] =	vst v63  }
0x107: {  	_ =	swait.ge [sflag:s17], $0x1400  }
0x108: {  	[sflag:s17] =	ssyncset.done $0x0  }
0x109: {  	[sflag:s17] =	ssyncadd.s32 $0xFFFFEC00  }
0x10a: {  	[tilespmem:s22], [sflag:$0x1] =	stream.indirect.gather [spmem:s3], $0x40, s15, s21, $0xb8;
	[tilespmem:$0x1E240] =	vst v63  }
0x10b: {  	_ = 	snop  }
0x10c: {  	[tilespmem:s23], [sflag:$0x2] =	stream.indirect.gather [spmem:s3], $0x40, s21, s21, $0xb8;
	[tilespmem:$0x1E240] =	vst v63  }
0x10d: {  	_ = 	snop  }
0x10e: {  	[tilespmem:s26], [sflag:$0x3] =	stream.indirect.gather [spmem:s3], $0x40, s25, s21, $0xb8;
	[tilespmem:$0x1E240] =	vst v63  }
0x10f: {  	_ = 	snop  }
0x110: {  	[tilespmem:s29], [sflag:$0x4] =	stream.indirect.gather [spmem:s3], $0x40, s28, s21, $0xb8;
	[tilespmem:$0x1E240] =	vst v63  }
0x111: {  	_ =	swait.ge [sflag:s30], $0x2000  }
0x112: {  	[sflag:s30] =	ssyncset.done $0x0  }
0x113: {  	[sflag:s30] =	ssyncadd.s32 $0xFFFFE000  }
0x114: {  	[spmem:s1] =	stream.indirect.scatter.add.f32 [tilespmem:s22], [sflag:$0x5], $0x40, s20, s21, $0xb8;
	[tilespmem:$0x1E240] =	vst v63  }
0x115: {  	_ =	swait.ge [sflag:s31], $0x2000  }
0x116: {  	[sflag:s31] =	ssyncset.done $0x0  }
0x117: {  	s18 =	simm.s32 $0x1480;
	[sflag:s31] =	ssyncadd.s32 $0xFFFFE000  }
0x118: {  	[spmem:s1] =	stream.indirect.scatter.add.f32 [tilespmem:s23], [sflag:$0x6], $0x40, s18, s21, $0xb8;
	[tilespmem:$0x1E240] =	vst v63  }
0x119: {  	_ =	swait.ge [sflag:s0], $0x2000  }
0x11a: {  	[sflag:s0] =	ssyncset.done $0x0  }
0x11b: {  	s16 =	simm.s32 $0x200;
	[sflag:s0] =	ssyncadd.s32 $0xFFFFE000  }
0x11c: {  	[tilespmem:s22], [sflag:$0x1] =	stream.indirect.gather [spmem:s3], $0x40, s16, s21, $0xb8;
	[tilespmem:$0x1E240] =	vst v63  }
0x11d: {  	_ =	swait.ge [sflag:s2], $0x2000  }
0x11e: {  	[sflag:s2] =	ssyncset.done $0x0  }
0x11f: {  	s18 =	simm.s32 $0x1500;
	[sflag:s2] =	ssyncadd.s32 $0xFFFFE000  }
0x120: {  	[spmem:s1] =	stream.indirect.scatter.add.f32 [tilespmem:s26], [sflag:$0x7], $0x40, s18, s21, $0xb8;
	[tilespmem:$0x1E240] =	vst v63  }
0x121: {  	_ =	swait.ge [sflag:s5], $0x2000  }
0x122: {  	[sflag:s5] =	ssyncset.done $0x0  }
0x123: {  	s16 =	simm.s32 $0x280;
	[sflag:s5] =	ssyncadd.s32 $0xFFFFE000  }
0x124: {  	[tilespmem:s23], [sflag:$0x2] =	stream.indirect.gather [spmem:s3], $0x40, s16, s21, $0xb8;
	[tilespmem:$0x1E240] =	vst v63  }
0x125: {  	_ =	swait.ge [sflag:s6], $0x2000  }
0x126: {  	[sflag:s6] =	ssyncset.done $0x0  }
0x127: {  	s18 =	simm.s32 $0x1580;
	[sflag:s6] =	ssyncadd.s32 $0xFFFFE000  }
0x128: {  	[spmem:s1] =	stream.indirect.scatter.add.f32 [tilespmem:s29], [sflag:$0x8], $0x40, s18, s21, $0xb8;
	[tilespmem:$0x1E240] =	vst v63  }
0x129: {  	_ =	swait.ge [sflag:s8], $0x2000  }
0x12a: {  	[sflag:s8] =	ssyncset.done $0x0  }
0x12b: {  	s16 =	simm.s32 $0x300;
	[sflag:s8] =	ssyncadd.s32 $0xFFFFE000  }
0x12c: {  	[tilespmem:s26], [sflag:$0x3] =	stream.indirect.gather [spmem:s3], $0x40, s16, s21, $0xb8;
	[tilespmem:$0x1E240] =	vst v63  }
0x12d: {  	_ =	swait.ge [sflag:s30], $0x2000  }
0x12e: {  	[sflag:s30] =	ssyncset.done $0x0  }
0x12f: {  	s18 =	simm.s32 $0x1600;
	[sflag:s30] =	ssyncadd.s32 $0xFFFFE000  }
0x130: {  	[spmem:s1] =	stream.indirect.scatter.add.f32 [tilespmem:s22], [sflag:$0x5], $0x40, s18, s21, $0xb8;
	[tilespmem:$0x1E240] =	vst v63  }
0x131: {  	_ =	swait.ge [sflag:s9], $0x2000  }
0x132: {  	[sflag:s9] =	ssyncset.done $0x0  }
0x133: {  	s15 =	simm.s32 $0x800;
	s16 =	simm.s32 $0x380;
	[sflag:s9] =	ssyncadd.s32 $0xFFFFE000  }
.LBB2_6:
0x134: {  	[tilespmem:s29], [sflag:$0x4] =	stream.indirect.gather [spmem:s3], $0x40, s16, s21, $0xb8;
	[tilespmem:$0x1E240] =	vst v63  }
0x135: {  	s16 =	smov.u32 s15  }
0x136: {  	p0 =	sne.s32 s15, $0x4000;
	s15 =	sadd.s32 $0x800, s15;
	_ =	swait.ge [sflag:s31], $0x2000  }
0x137: {  	s16 =	sshra.s32 s16, $0x2;
	[sflag:s31] =	ssyncset.done $0x0  }
0x138: {  	s18 =	sadd.s32 $0x1480, s16;
	[sflag:s31] =	ssyncadd.s32 $0xFFFFE000  }
0x139: {  	[spmem:s1] =	stream.indirect.scatter.add.f32 [tilespmem:s23], [sflag:$0x6], $0x40, s18, s21, $0xb8;
	[tilespmem:$0x1E240] =	vst v63  }
0x13a: {  	_ =	swait.ge [sflag:s0], $0x2000  }
0x13b: {  	[sflag:s0] =	ssyncset.done $0x0  }
0x13c: {  	s18 =	sadd.s32 $0x200, s16;
	[sflag:s0] =	ssyncadd.s32 $0xFFFFE000  }
0x13d: {  	[tilespmem:s22], [sflag:$0x1] =	stream.indirect.gather [spmem:s3], $0x40, s18, s21, $0xb8;
	[tilespmem:$0x1E240] =	vst v63  }
0x13e: {  	_ =	swait.ge [sflag:s2], $0x2000  }
0x13f: {  	[sflag:s2] =	ssyncset.done $0x0  }
0x140: {  	s18 =	sadd.s32 $0x1500, s16;
	[sflag:s2] =	ssyncadd.s32 $0xFFFFE000  }
0x141: {  	[spmem:s1] =	stream.indirect.scatter.add.f32 [tilespmem:s26], [sflag:$0x7], $0x40, s18, s21, $0xb8;
	[tilespmem:$0x1E240] =	vst v63  }
0x142: {  	_ =	swait.ge [sflag:s5], $0x2000  }
0x143: {  	[sflag:s5] =	ssyncset.done $0x0  }
0x144: {  	s18 =	sadd.s32 $0x280, s16;
	[sflag:s5] =	ssyncadd.s32 $0xFFFFE000  }
0x145: {  	[tilespmem:s23], [sflag:$0x2] =	stream.indirect.gather [spmem:s3], $0x40, s18, s21, $0xb8;
	[tilespmem:$0x1E240] =	vst v63  }
0x146: {  	_ =	swait.ge [sflag:s6], $0x2000  }
0x147: {  	[sflag:s6] =	ssyncset.done $0x0  }
0x148: {  	s18 =	sadd.s32 $0x1580, s16;
	[sflag:s6] =	ssyncadd.s32 $0xFFFFE000  }
0x149: {  	[spmem:s1] =	stream.indirect.scatter.add.f32 [tilespmem:s29], [sflag:$0x8], $0x40, s18, s21, $0xb8;
	[tilespmem:$0x1E240] =	vst v63  }
0x14a: {  	_ =	swait.ge [sflag:s8], $0x2000  }
0x14b: {  	[sflag:s8] =	ssyncset.done $0x0  }
0x14c: {  	s18 =	sadd.s32 $0x300, s16;
	[sflag:s8] =	ssyncadd.s32 $0xFFFFE000  }
0x14d: {  	[tilespmem:s26], [sflag:$0x3] =	stream.indirect.gather [spmem:s3], $0x40, s18, s21, $0xb8;
	[tilespmem:$0x1E240] =	vst v63  }
0x14e: {  	_ =	swait.ge [sflag:s30], $0x2000  }
0x14f: {  	[sflag:s30] =	ssyncset.done $0x0  }
.Ltmp2:
0x150: {  	s18 =	sadd.s32 $0x1600, s16;
	[sflag:s30] =	ssyncadd.s32 $0xFFFFE000;
	(pc) =	sbr.rel @p0 .LBB2_6-.Ltmp2, $4  }
0x151: {  	[spmem:s1] =	stream.indirect.scatter.add.f32 [tilespmem:s22], [sflag:$0x5], $0x40, s18, s21, $0xb8;
	[tilespmem:$0x1E240] =	vst v63  }
0x152: {  	_ =	swait.ge [sflag:s9], $0x2000  }
0x153: {  	[sflag:s9] =	ssyncset.done $0x0  }
0x154: {  	s16 =	sadd.s32 $0x380, s16;
	[sflag:s9] =	ssyncadd.s32 $0xFFFFE000  }
0x155: {  	[tilespmem:s29], [sflag:$0x4] =	stream.indirect.gather [spmem:s3], $0x40, s16, s21, $0xb8;
	[tilespmem:$0x1E240] =	vst v63  }
0x156: {  	_ =	swait.ge [sflag:s31], $0x2000  }
0x157: {  	[sflag:s31] =	ssyncset.done $0x0  }
0x158: {  	[sflag:s31] =	ssyncadd.s32 $0xFFFFE000  }
0x159: {  	[spmem:s1] =	stream.indirect.scatter.add.f32 [tilespmem:s23], [sflag:$0x6], $0x40, s10, s21, $0xb8;
	[tilespmem:$0x1E240] =	vst v63  }
0x15a: {  	_ =	swait.ge [sflag:s0], $0x2000  }
0x15b: {  	[sflag:s0] =	ssyncset.done $0x0  }
0x15c: {  	[sflag:s0] =	ssyncadd.s32 $0xFFFFE000  }
0x15d: {  	_ =	swait.ge [sflag:s2], $0x2000  }
0x15e: {  	[sflag:s2] =	ssyncset.done $0x0  }
0x15f: {  	[sflag:s2] =	ssyncadd.s32 $0xFFFFE000  }
0x160: {  	[spmem:s1] =	stream.indirect.scatter.add.f32 [tilespmem:s26], [sflag:$0x7], $0x40, s11, s21, $0xb8;
	[tilespmem:$0x1E240] =	vst v63  }
0x161: {  	_ =	swait.ge [sflag:s5], $0x2000  }
0x162: {  	[sflag:s5] =	ssyncset.done $0x0  }
0x163: {  	[sflag:s5] =	ssyncadd.s32 $0xFFFFE000  }
0x164: {  	_ =	swait.ge [sflag:s6], $0x2000  }
0x165: {  	[sflag:s6] =	ssyncset.done $0x0  }
0x166: {  	[sflag:s6] =	ssyncadd.s32 $0xFFFFE000  }
0x167: {  	[spmem:s1] =	stream.indirect.scatter.add.f32 [tilespmem:s29], [sflag:$0x8], $0x40, s12, s21, $0xb8;
	[tilespmem:$0x1E240] =	vst v63  }
0x168: {  	_ =	swait.ge [sflag:s8], $0x2000  }
0x169: {  	[sflag:s8] =	ssyncset.done $0x0  }
0x16a: {  	[sflag:s8] =	ssyncadd.s32 $0xFFFFE000  }
0x16b: {  	_ =	swait.ge [sflag:s9], $0x2000  }
0x16c: {  	[sflag:s9] =	ssyncset.done $0x0  }
0x16d: {  	s15 =	simm.s32 $0x0;
	s18 =	rddreg [dreg:$0xc];
	[sflag:s9] =	ssyncadd.s32 $0xFFFFE000  }
0x16e: {  	[tilespmem:s15], [sflag:$0x9] =	stream.linear.gather [hbm4b:s18+s15], $0x1400, $0x38;
	[tilespmem:$0x1E240] =	vst v63  }
0x16f: {  	_ =	swait.ge [sflag:s17], $0x1400  }
0x170: {  	[sflag:s17] =	ssyncset.done $0x0  }
0x171: {  	s18 =	rddreg [dreg:$0xd];
	[sflag:s17] =	ssyncadd.s32 $0xFFFFEC00  }
0x172: {  	[tilespmem:s20], [sflag:$0x9] =	stream.linear.gather [hbm4b:s18+s15], $0x1400, $0x38;
	[tilespmem:$0x1E240] =	vst v63  }
0x173: {  	_ =	swait.ge [sflag:s17], $0x1400  }
0x174: {  	[sflag:s17] =	ssyncset.done $0x0  }
0x175: {  	[sflag:s17] =	ssyncadd.s32 $0xFFFFEC00  }
0x176: {  	[tilespmem:s22], [sflag:$0x1] =	stream.indirect.gather [spmem:s3], $0x40, s15, s21, $0xb8;
	[tilespmem:$0x1E240] =	vst v63  }
0x177: {  	_ = 	snop  }
0x178: {  	[tilespmem:s23], [sflag:$0x2] =	stream.indirect.gather [spmem:s3], $0x40, s21, s21, $0xb8;
	[tilespmem:$0x1E240] =	vst v63  }
0x179: {  	_ = 	snop  }
0x17a: {  	[tilespmem:s26], [sflag:$0x3] =	stream.indirect.gather [spmem:s3], $0x40, s25, s21, $0xb8;
	[tilespmem:$0x1E240] =	vst v63  }
0x17b: {  	_ = 	snop  }
0x17c: {  	[tilespmem:s29], [sflag:$0x4] =	stream.indirect.gather [spmem:s3], $0x40, s28, s21, $0xb8;
	[tilespmem:$0x1E240] =	vst v63  }
0x17d: {  	_ =	swait.ge [sflag:s30], $0x2000  }
0x17e: {  	[sflag:s30] =	ssyncset.done $0x0  }
0x17f: {  	[sflag:s30] =	ssyncadd.s32 $0xFFFFE000  }
0x180: {  	[spmem:s1] =	stream.indirect.scatter.add.f32 [tilespmem:s22], [sflag:$0x5], $0x40, s20, s21, $0xb8;
	[tilespmem:$0x1E240] =	vst v63  }
0x181: {  	_ =	swait.ge [sflag:s31], $0x2000  }
0x182: {  	[sflag:s31] =	ssyncset.done $0x0  }
0x183: {  	s18 =	simm.s32 $0x1480;
	[sflag:s31] =	ssyncadd.s32 $0xFFFFE000  }
0x184: {  	[spmem:s1] =	stream.indirect.scatter.add.f32 [tilespmem:s23], [sflag:$0x6], $0x40, s18, s21, $0xb8;
	[tilespmem:$0x1E240] =	vst v63  }
0x185: {  	_ =	swait.ge [sflag:s0], $0x2000  }
0x186: {  	[sflag:s0] =	ssyncset.done $0x0  }
0x187: {  	s16 =	simm.s32 $0x200;
	[sflag:s0] =	ssyncadd.s32 $0xFFFFE000  }
0x188: {  	[tilespmem:s22], [sflag:$0x1] =	stream.indirect.gather [spmem:s3], $0x40, s16, s21, $0xb8;
	[tilespmem:$0x1E240] =	vst v63  }
0x189: {  	_ =	swait.ge [sflag:s2], $0x2000  }
0x18a: {  	[sflag:s2] =	ssyncset.done $0x0  }
0x18b: {  	s18 =	simm.s32 $0x1500;
	[sflag:s2] =	ssyncadd.s32 $0xFFFFE000  }
0x18c: {  	[spmem:s1] =	stream.indirect.scatter.add.f32 [tilespmem:s26], [sflag:$0x7], $0x40, s18, s21, $0xb8;
	[tilespmem:$0x1E240] =	vst v63  }
0x18d: {  	_ =	swait.ge [sflag:s5], $0x2000  }
0x18e: {  	[sflag:s5] =	ssyncset.done $0x0  }
0x18f: {  	s16 =	simm.s32 $0x280;
	[sflag:s5] =	ssyncadd.s32 $0xFFFFE000  }
0x190: {  	[tilespmem:s23], [sflag:$0x2] =	stream.indirect.gather [spmem:s3], $0x40, s16, s21, $0xb8;
	[tilespmem:$0x1E240] =	vst v63  }
0x191: {  	_ =	swait.ge [sflag:s6], $0x2000  }
0x192: {  	[sflag:s6] =	ssyncset.done $0x0  }
0x193: {  	s18 =	simm.s32 $0x1580;
	[sflag:s6] =	ssyncadd.s32 $0xFFFFE000  }
0x194: {  	[spmem:s1] =	stream.indirect.scatter.add.f32 [tilespmem:s29], [sflag:$0x8], $0x40, s18, s21, $0xb8;
	[tilespmem:$0x1E240] =	vst v63  }
0x195: {  	_ =	swait.ge [sflag:s8], $0x2000  }
0x196: {  	[sflag:s8] =	ssyncset.done $0x0  }
0x197: {  	s16 =	simm.s32 $0x300;
	[sflag:s8] =	ssyncadd.s32 $0xFFFFE000  }
0x198: {  	[tilespmem:s26], [sflag:$0x3] =	stream.indirect.gather [spmem:s3], $0x40, s16, s21, $0xb8;
	[tilespmem:$0x1E240] =	vst v63  }
0x199: {  	_ =	swait.ge [sflag:s30], $0x2000  }
0x19a: {  	[sflag:s30] =	ssyncset.done $0x0  }
0x19b: {  	s18 =	simm.s32 $0x1600;
	[sflag:s30] =	ssyncadd.s32 $0xFFFFE000  }
0x19c: {  	[spmem:s1] =	stream.indirect.scatter.add.f32 [tilespmem:s22], [sflag:$0x5], $0x40, s18, s21, $0xb8;
	[tilespmem:$0x1E240] =	vst v63  }
0x19d: {  	_ =	swait.ge [sflag:s9], $0x2000  }
0x19e: {  	[sflag:s9] =	ssyncset.done $0x0  }
0x19f: {  	s15 =	simm.s32 $0x800;
	s16 =	simm.s32 $0x380;
	[sflag:s9] =	ssyncadd.s32 $0xFFFFE000  }
.LBB2_8:
0x1a0: {  	[tilespmem:s29], [sflag:$0x4] =	stream.indirect.gather [spmem:s3], $0x40, s16, s21, $0xb8;
	[tilespmem:$0x1E240] =	vst v63  }
0x1a1: {  	s16 =	smov.u32 s15  }
0x1a2: {  	p0 =	sne.s32 s15, $0x4000;
	s15 =	sadd.s32 $0x800, s15;
	_ =	swait.ge [sflag:s31], $0x2000  }
0x1a3: {  	s16 =	sshra.s32 s16, $0x2;
	[sflag:s31] =	ssyncset.done $0x0  }
0x1a4: {  	s18 =	sadd.s32 $0x1480, s16;
	[sflag:s31] =	ssyncadd.s32 $0xFFFFE000  }
0x1a5: {  	[spmem:s1] =	stream.indirect.scatter.add.f32 [tilespmem:s23], [sflag:$0x6], $0x40, s18, s21, $0xb8;
	[tilespmem:$0x1E240] =	vst v63  }
0x1a6: {  	_ =	swait.ge [sflag:s0], $0x2000  }
0x1a7: {  	[sflag:s0] =	ssyncset.done $0x0  }
0x1a8: {  	s18 =	sadd.s32 $0x200, s16;
	[sflag:s0] =	ssyncadd.s32 $0xFFFFE000  }
0x1a9: {  	[tilespmem:s22], [sflag:$0x1] =	stream.indirect.gather [spmem:s3], $0x40, s18, s21, $0xb8;
	[tilespmem:$0x1E240] =	vst v63  }
0x1aa: {  	_ =	swait.ge [sflag:s2], $0x2000  }
0x1ab: {  	[sflag:s2] =	ssyncset.done $0x0  }
0x1ac: {  	s18 =	sadd.s32 $0x1500, s16;
	[sflag:s2] =	ssyncadd.s32 $0xFFFFE000  }
0x1ad: {  	[spmem:s1] =	stream.indirect.scatter.add.f32 [tilespmem:s26], [sflag:$0x7], $0x40, s18, s21, $0xb8;
	[tilespmem:$0x1E240] =	vst v63  }
0x1ae: {  	_ =	swait.ge [sflag:s5], $0x2000  }
0x1af: {  	[sflag:s5] =	ssyncset.done $0x0  }
0x1b0: {  	s18 =	sadd.s32 $0x280, s16;
	[sflag:s5] =	ssyncadd.s32 $0xFFFFE000  }
0x1b1: {  	[tilespmem:s23], [sflag:$0x2] =	stream.indirect.gather [spmem:s3], $0x40, s18, s21, $0xb8;
	[tilespmem:$0x1E240] =	vst v63  }
0x1b2: {  	_ =	swait.ge [sflag:s6], $0x2000  }
0x1b3: {  	[sflag:s6] =	ssyncset.done $0x0  }
0x1b4: {  	s18 =	sadd.s32 $0x1580, s16;
	[sflag:s6] =	ssyncadd.s32 $0xFFFFE000  }
0x1b5: {  	[spmem:s1] =	stream.indirect.scatter.add.f32 [tilespmem:s29], [sflag:$0x8], $0x40, s18, s21, $0xb8;
	[tilespmem:$0x1E240] =	vst v63  }
0x1b6: {  	_ =	swait.ge [sflag:s8], $0x2000  }
0x1b7: {  	[sflag:s8] =	ssyncset.done $0x0  }
0x1b8: {  	s18 =	sadd.s32 $0x300, s16;
	[sflag:s8] =	ssyncadd.s32 $0xFFFFE000  }
0x1b9: {  	[tilespmem:s26], [sflag:$0x3] =	stream.indirect.gather [spmem:s3], $0x40, s18, s21, $0xb8;
	[tilespmem:$0x1E240] =	vst v63  }
0x1ba: {  	_ =	swait.ge [sflag:s30], $0x2000  }
0x1bb: {  	[sflag:s30] =	ssyncset.done $0x0  }
.Ltmp3:
0x1bc: {  	s18 =	sadd.s32 $0x1600, s16;
	[sflag:s30] =	ssyncadd.s32 $0xFFFFE000;
	(pc) =	sbr.rel @p0 .LBB2_8-.Ltmp3, $4  }
0x1bd: {  	[spmem:s1] =	stream.indirect.scatter.add.f32 [tilespmem:s22], [sflag:$0x5], $0x40, s18, s21, $0xb8;
	[tilespmem:$0x1E240] =	vst v63  }
0x1be: {  	_ =	swait.ge [sflag:s9], $0x2000  }
0x1bf: {  	[sflag:s9] =	ssyncset.done $0x0  }
0x1c0: {  	s16 =	sadd.s32 $0x380, s16;
	[sflag:s9] =	ssyncadd.s32 $0xFFFFE000  }
0x1c1: {  	[tilespmem:s29], [sflag:$0x4] =	stream.indirect.gather [spmem:s3], $0x40, s16, s21, $0xb8;
	[tilespmem:$0x1E240] =	vst v63  }
0x1c2: {  	_ =	swait.ge [sflag:s31], $0x2000  }
0x1c3: {  	[sflag:s31] =	ssyncset.done $0x0  }
0x1c4: {  	[sflag:s31] =	ssyncadd.s32 $0xFFFFE000  }
0x1c5: {  	[spmem:s1] =	stream.indirect.scatter.add.f32 [tilespmem:s23], [sflag:$0x6], $0x40, s10, s21, $0xb8;
	[tilespmem:$0x1E240] =	vst v63  }
0x1c6: {  	_ =	swait.ge [sflag:s0], $0x2000  }
0x1c7: {  	[sflag:s0] =	ssyncset.done $0x0  }
0x1c8: {  	[sflag:s0] =	ssyncadd.s32 $0xFFFFE000  }
0x1c9: {  	_ =	swait.ge [sflag:s2], $0x2000  }
0x1ca: {  	[sflag:s2] =	ssyncset.done $0x0  }
0x1cb: {  	[sflag:s2] =	ssyncadd.s32 $0xFFFFE000  }
0x1cc: {  	[spmem:s1] =	stream.indirect.scatter.add.f32 [tilespmem:s26], [sflag:$0x7], $0x40, s11, s21, $0xb8;
	[tilespmem:$0x1E240] =	vst v63  }
0x1cd: {  	_ =	swait.ge [sflag:s5], $0x2000  }
0x1ce: {  	[sflag:s5] =	ssyncset.done $0x0  }
0x1cf: {  	[sflag:s5] =	ssyncadd.s32 $0xFFFFE000  }
0x1d0: {  	_ =	swait.ge [sflag:s6], $0x2000  }
0x1d1: {  	[sflag:s6] =	ssyncset.done $0x0  }
0x1d2: {  	[sflag:s6] =	ssyncadd.s32 $0xFFFFE000  }
0x1d3: {  	[spmem:s1] =	stream.indirect.scatter.add.f32 [tilespmem:s29], [sflag:$0x8], $0x40, s12, s21, $0xb8;
	[tilespmem:$0x1E240] =	vst v63  }
0x1d4: {  	_ =	swait.ge [sflag:s8], $0x2000  }
0x1d5: {  	[sflag:s8] =	ssyncset.done $0x0  }
0x1d6: {  	[sflag:s8] =	ssyncadd.s32 $0xFFFFE000  }
0x1d7: {  	_ =	swait.ge [sflag:s9], $0x2000  }
0x1d8: {  	[sflag:s9] =	ssyncset.done $0x0  }
0x1d9: {  	[sflag:s9] =	ssyncadd.s32 $0xFFFFE000  }
0x1da: {  	[bflag:$0x0] =	sbarrier.arrive $0xFFFF  }
0x1db: {  	[hbm:s24], [sflag:s7] =	dma.local [spmem:s14], $0x13C0  }
0x1dc: {  	_ =	swait.ge [sflag:s17], $0x13C0  }
0x1dd: {  	s13 =	sadd.s32 $0x1, s13;
	s18 =	rddreg [dreg:$0xe]  }
0x1de: {  	p0 =	sne.s32 s13, s18  }
.Ltmp4:
0x1df: {  	_ = 	snop;
	(pc) =	sbr.rel @p0 .LBB2_1-.Ltmp4, $3  }
0x1e0: {  	_ =	sdelay $0x1  }
0x1e1: {  	[sflag:s17] =	ssyncset.done $0x0  }
0x1e2: {  	[sflag:s17] =	ssyncadd.s32 $0xFFFFEC40  }
0x1e3: {  	_ =	sfence.sel $0x180000  }
0x1e4: {  	[bflag:$0x0] =	sbarrier.arrive $0xFFFF  }
0x1e5: {  	_ =	strace $0x9000004A  }
0x1e6: {  	s0 =	stileid.u32;
	[bflag:$0x2] =	sbarrier.arrive $0xFFFF  }
0x1e7: {  	p0 =	sne.s32 s0, $0x0;
	s0 =	rddreg [dreg:$0x3]  }
0x1e8: {  	s0 =	sadd.s32 @!p0 $0x100000, s0  }
0x1e9: {  	[sflag:s0] =	ssyncadd.tile.s32 @!p0 $0x1;
	_ =	shalt  }
.Lfunc_end2:
_tile_overlayer_lowered:
.L_overlay_start_2:
0x1ea: {  	(tag) =	ssettag $0x2  }
0x1eb: {  	s0 =	rddreg [dreg:$0x0];
	s2 =	stileid.u32  }
0x1ec: {  	s1 =	rddreg [dreg:$0x1];
	p0 =	sne.s32 s2, $0x0  }
0x1ed: {  	s3 =	rddreg [dreg:$0x2];
	[bflag:$0x3] =	sbarrier.arrive $0xFFFF;
	s2 =	simm.s32 @!p0 $0x1C09  }
0x1ee: {  	[timem:s3], [sflag:s2] =	dma.local @!p0 [hbm:s0], s1  }
0x1ef: {  	s0 =	simm.s32 @!p0 $0x9  }
0x1f0: {  	_ =	swait.ge @!p0 [sflag:s0], s1  }
0x1f1: {  	s1 =	ssub.s32 @!p0 $0x0, s1;
	[sflag:s0] =	ssyncset.done @!p0 $0x0  }
0x1f2: {  	[sflag:s0] =	ssyncadd.s32 @!p0 s1  }
0x1f3: {  	[bflag:$0x3] =	sbarrier.arrive $0xFFFF  }
0x1f4: {  	_ =	shalt  }

// kernel: kernel.15.cloned.1.call-start
scs
__scs_entry_jumppad:
0x0: {  	(pc) =	sbr.rel $0x88, $3  }
0x1: {  	(tag) =	ssettag $0x0;
	lr =	simm.s32 $0x1  }
0x2: {  	[smem:$0x3F98] =	sst lr;
	_ =	strace $0xD0000000  }
0x3: {  	_ = 	snop  }
0x4: {  	_ = 	snop  }
0x5: {  	_ = 	snop  }
0x6: {  	_ = 	snop  }
0x7: {  	_ = 	snop  }
__scs_overlays_trampoline_lowered:
0x8: {  	[smem:$0x3FA7] =	sst s0  }
0x9: {  	[smem:$0x3FA8] =	sst s1  }
0xa: {  	[smem:$0x3FA9] =	sst s2  }
0xb: {  	[smem:$0x3FAA] =	sst s3  }
0xc: {  	[smem:$0x3FAB] =	sst s4  }
0xd: {  	[smem:$0x3FAC] =	sst s5  }
0xe: {  	[smem:$0x3FAD] =	sst s6  }
0xf: {  	[smem:$0x3FAE] =	sst s7  }
0x10: {  	[smem:$0x3FAF] =	sst s8  }
0x11: {  	[smem:$0x3FB0] =	sst s9;
	s0 =	simm.s32 @!p0 $0x0  }
0x12: {  	s1 =	sld [smem:$0x3F96];
	s0 =	simm.s32 @p0 $0x1  }
0x13: {  	[smem:$0x3FB1] =	sst s0;
	s0 =	simm.s32 @!p1 $0x0  }
0x14: {  	s2 =	sld [smem:$0x3F95];
	s0 =	simm.s32 @p1 $0x1  }
0x15: {  	[smem:$0x3FB2] =	sst s0;
	s0 =	simm.s32 @!p2 $0x0  }
0x16: {  	s3 =	sld [smem:$0x3FDB];
	s0 =	simm.s32 @p2 $0x1  }
0x17: {  	s4 =	simm.s32 $0x1BF5;
	[smem:$0x3FB4] =	sst s0  }
0x18: {  	s0 =	sld [smem:$0x3F97];
	_ =	swait.ge [sflag:s4], $0x0  }
0x19: {  	s7 =	sld [smem:$0x3F98]  }
0x1a: {  	s8 =	sadd.s32 $0xFFFFE003, lr  }
0x1b: {  	s9 =	sadd.s32 $0xFFFFFEF7, lr;
	s5 =	simm.s32 $0xFFFFFFFF;
	p2 =	slt.u32 s8, $0xFFFFF086  }
0x1c: {  	p1 =	slt.u32 s9, $0xF7A;
	s5 =	simm.s32 @!p2 $0x0  }
0x1d: {  	s5 =	simm.s32 @p1 $0x1;
	p0 =	seq.s32 s7, s2  }
0x1e: {  	s7 =	smul.u32 @!p0 $0xF7A, s2;
	p2 =	seq.s32 @!p0 s5, $0x0  }
0x1f: {  	s9 =	smul.u32 $0xF7A, s1;
	s8 =	simm.s32 @!p0 $0x1BF5;
	p2 =	por !p2, p0  }
0x20: {  	[sflag:s8] =	ssyncset.s32 @!p0 $0xFFFFF086;
	s6 =	sadd.s32 @!p0 s3, s7;
	s7 =	simm.s32 @!p0 $0x108  }
0x21: {  	s3 =	sadd.s32 s3, s9;
	s6 =	sadd.s32 @!p0 $0x88, s6;
	s7 =	simm.s32 @p2 $0x1082  }
0x22: {  	[simem:s7], [sflag:s8] =	dma.local @!p0 [hbm:s6], $0xF7A  }
0x23: {  	s9 =	sor.u32 $0xD0000000, s2;
	s6 =	simm.s32 $0x108;
	_ =	swait.ge @!p0 [sflag:s8], $0x0  }
0x24: {  	s3 =	sadd.s32 $0x88, s3;
	s6 =	simm.s32 @!p1 $0x1082;
	[sflag:s4] =	ssyncset.s32 $0xFFFFF086  }
0x25: {  	[simem:s6], [sflag:s4] =	dma.local [hbm:s3], $0xF7A  }
0x26: {  	[smem:$0x3F98] =	sst s1;
	(tag) =	ssettag s2;
	_ =	strace s9  }
0x27: {  	s1 =	sld [smem:$0x3FA8]  }
0x28: {  	s2 =	sld [smem:$0x3FA9]  }
0x29: {  	s4 =	sld [smem:$0x3FAB]  }
0x2a: {  	p0 =	seq.s32 s5, $0x0;
	s5 =	sld [smem:$0x3FAC]  }
0x2b: {  	s6 =	sld [smem:$0x3FAD]  }
0x2c: {  	s7 =	sld [smem:$0x3FAE]  }
0x2d: {  	s3 =	simm.s32 $0x108;
	s8 =	sld [smem:$0x3FAF]  }
0x2e: {  	s3 =	simm.s32 @!p0 $0x1082;
	s9 =	sld [smem:$0x3FB0]  }
0x2f: {  	lr =	sadd.s32 s0, s3;
	s0 =	sld [smem:$0x3FA7]  }
0x30: {  	s3 =	sld [smem:$0x3FAA]  }
0x31: {  	[smem:$0x3FB3] =	sst s10  }
0x32: {  	s10 =	sld [smem:$0x3FB1];
	_ =	sdelay $0x3  }
0x33: {  	p0 =	seq.s32 s10, $0x1;
	s10 =	sld [smem:$0x3FB3];
	_ =	sdelay $0x3  }
0x34: {  	[smem:$0x3FB3] =	sst s10  }
0x35: {  	s10 =	sld [smem:$0x3FB2];
	_ =	sdelay $0x3  }
0x36: {  	p1 =	seq.s32 s10, $0x1;
	s10 =	sld [smem:$0x3FB3];
	_ =	sdelay $0x3  }
0x37: {  	[smem:$0x3FB3] =	sst s10  }
0x38: {  	s10 =	sld [smem:$0x3FB4]  }
0x39: {  	_ = 	snop;
	(pc) =	sbr.ind lr, $3  }
0x3a: {  	_ = 	snop  }
0x3b: {  	_ = 	snop  }
0x3c: {  	p2 =	seq.s32 s10, $0x1;
	s10 =	sld [smem:$0x3FB3]  }
0x3d: {  	_ =	shalt  }
0x3e: {  	_ =	shalt  }
0x3f: {  	_ =	shalt  }
0x40: {  	_ =	shalt  }
0x41: {  	_ =	shalt  }
0x42: {  	_ =	shalt  }
0x43: {  	_ =	shalt  }
0x44: {  	_ =	shalt  }
0x45: {  	_ =	shalt  }
0x46: {  	_ =	shalt  }
0x47: {  	_ =	shalt  }
0x48: {  	_ =	shalt  }
0x49: {  	_ =	shalt  }
0x4a: {  	_ =	shalt  }
0x4b: {  	_ =	shalt  }
0x4c: {  	_ =	shalt  }
0x4d: {  	_ =	shalt  }
0x4e: {  	_ =	shalt  }
0x4f: {  	_ =	shalt  }
0x50: {  	_ =	shalt  }
0x51: {  	_ =	shalt  }
0x52: {  	_ =	shalt  }
0x53: {  	_ =	shalt  }
0x54: {  	_ =	shalt  }
0x55: {  	_ =	shalt  }
0x56: {  	_ =	shalt  }
0x57: {  	_ =	shalt  }
0x58: {  	_ =	shalt  }
0x59: {  	_ =	shalt  }
0x5a: {  	_ =	shalt  }
0x5b: {  	_ =	shalt  }
0x5c: {  	_ =	shalt  }
0x5d: {  	_ =	shalt  }
0x5e: {  	_ =	shalt  }
0x5f: {  	_ =	shalt  }
0x60: {  	_ =	shalt  }
0x61: {  	_ =	shalt  }
0x62: {  	_ =	shalt  }
0x63: {  	_ =	shalt  }
0x64: {  	_ =	shalt  }
0x65: {  	_ =	shalt  }
0x66: {  	_ =	shalt  }
0x67: {  	_ =	shalt  }
0x68: {  	_ =	shalt  }
0x69: {  	_ =	shalt  }
0x6a: {  	_ =	shalt  }
0x6b: {  	_ =	shalt  }
0x6c: {  	_ =	shalt  }
0x6d: {  	_ =	shalt  }
0x6e: {  	_ =	shalt  }
0x6f: {  	_ =	shalt  }
0x70: {  	_ =	shalt  }
0x71: {  	_ =	shalt  }
0x72: {  	_ =	shalt  }
0x73: {  	_ =	shalt  }
0x74: {  	_ =	shalt  }
0x75: {  	_ =	shalt  }
0x76: {  	_ =	shalt  }
0x77: {  	_ =	shalt  }
0x78: {  	_ =	shalt  }
0x79: {  	_ =	shalt  }
0x7a: {  	_ =	shalt  }
0x7b: {  	_ =	shalt  }
0x7c: {  	_ =	shalt  }
0x7d: {  	_ =	shalt  }
0x7e: {  	_ =	shalt  }
0x7f: {  	_ =	shalt  }
0x80: {  	_ =	shalt  }
0x81: {  	_ =	shalt  }
0x82: {  	_ =	shalt  }
0x83: {  	_ =	shalt  }
0x84: {  	_ =	shalt  }
0x85: {  	_ =	shalt  }
0x86: {  	_ =	shalt  }
0x87: {  	_ =	shalt  }
.Lfunc_end0:
.L_simem_size_0:
called_computation.2_lowered:
.L_overlay_start_0:
0x88: {  	s2 =	sld [smem:$0x3FD9]  }
0x89: {  	s3 =	sld [smem:$0x3FFE];
	_ =	sdelay $0x1  }
0x8a: {  	s1 =	srdreg.scid  }
0x8b: {  	s0 =	sand.u32 $0x1, s1  }
0x8c: {  	s16 =	sshll.u32 s0, $0xA;
	s2 =	sadd.s32 s3, s2  }
0x8d: {  	s2 =	sadd.s32 s2, s16  }
0x8e: {  	[smem:$0x3FBF] =	sst s2  }
0x8f: {  	_ = 	snop  }
0x90: {  	(tm) =	ssettm $0x1  }
0x91: {  	s17 =	sld [smem:$0x3FFB];
	_ =	sdelay $0x3  }
0x92: {  	_ =	strace s17  }
0x93: {  	s2 =	sld [smem:$0x3FFC];
	_ =	sdelay $0x3  }
0x94: {  	_ =	strace s2  }
0x95: {  	s2 =	sld [smem:$0x3FFD];
	_ =	sdelay $0x3  }
0x96: {  	_ =	strace s2  }
0x97: {  	_ =	strace $0x8FFFFFFF  }
0x98: {  	s18 =	sld [smem:$0x3FDB];
	_ =	sdelay $0x1  }
0x99: {  	s19 =	simm.s32 $_scs_section_size  }
0x9a: {  	s4 =	simm.s32 $_size__tile_overlayer_lowered;
	s5 =	simm.s32 $_tile_overlayer_lowered  }
0x9b: {  	s22 =	simm.s32 $0x1BFF;
	s21 =	sshll.u32 s5, $0x1;
	s2 =	sadd.s32 s19, s18  }
0x9c: {  	s6 =	simm.s32 $0x0;
	s20 =	sshll.u32 s4, $0x1;
	s4 =	sadd.s32 s21, s2  }
0x9d: {  	[timem:s6], [sflag:s22] =	dma.local [hbm:s4], s20  }
0x9e: {  	_ =	swait.ge [sflag:s22], s20  }
0x9f: {  	s3 =	ssub.s32 $0x0, s20;
	[sflag:s22] =	ssyncset.done $0x0  }
0xa0: {  	[sflag:s22] =	ssyncadd.s32 s3;
	_ =	sdelay $0x1  }
0xa1: {  	s23 =	simm.s32 $0x1B8B  }
0xa2: {  	_ =	swait.ge [sflag:s23], $0x1  }
0xa3: {  	[sflag:s23] =	ssyncset.done $0x0  }
0xa4: {  	s25 =	simm.s32 $0x1B8E;
	s24 =	sld [smem:$0x3FFE];
	[sflag:s23] =	ssyncadd.s32 $0xFFFFFFFF  }
0xa5: {  	s26 =	simm.s32 $execute0_lowered;
	[smem:$0x3FD2] =	sst s25  }
0xa6: {  	s4 =	sshll.u32 s26, $0x1;
	_ =	strace $0x8000004C;
	[dreg:$0x1] =	wrdreg $0xFFFFFFFF  }
0xa7: {  	s28 =	simm.s32 $_size_execute0_lowered;
	s2 =	sadd.s32 s2, s4;
	[dreg:$0x0] =	wrdreg $0x0  }
0xa8: {  	s4 =	sshll.u32 s28, $0x1;
	[dreg:$0x2] =	wrdreg s2  }
0xa9: {  	[dreg:$0x3] =	wrdreg s4  }
0xaa: {  	[dreg:$0x4] =	wrdreg $0xC0  }
0xab: {  	_ =	task [dreg:s6], $0x5FFFF  }
0xac: {  	[dreg:$0x1] =	wrdreg $0xFFFFFFFF  }
0xad: {  	[dreg:$0x0] =	wrdreg $0x60  }
0xae: {  	[dreg:$0x2] =	wrdreg s24  }
0xaf: {  	[dreg:$0x3] =	wrdreg $0x144400  }
0xb0: {  	[dreg:$0x4] =	wrdreg $0xA8000  }
0xb1: {  	[dreg:$0x5] =	wrdreg $0x9  }
0xb2: {  	_ =	task.clear_ibuf [dreg:s6], $0x6FFFF;
	_ =	strace $0x9000004C  }
0xb3: {  	s29 =	simm.s32 $0x9;
	_ =	strace $0x8000004E  }
0xb4: {  	_ =	swait.ge [sflag:s29], $0x1  }
0xb5: {  	[sflag:s29] =	ssyncadd.s32 $0xFFFFFFFF  }
0xb6: {  	_ =	strace $0x9000004E  }
0xb7: {  	_ =	sfence  }
0xb8: {  	s30 =	sld [smem:$0x0];
	_ =	sdelay $0x2  }
0xb9: {  	s31 =	sshll.u32 s1, $0xD;
	s1 =	sshrl.u32 s1, $0x2  }
0xba: {  	s3 =	sand.u32 $0x4000, s31;
	s1 =	sadd.s32 s1, s30  }
0xbb: {  	s0 =	sor.u32 s3, s0;
	s1 =	sshll.u32 s1, $0x11  }
0xbc: {  	s0 =	sor.u32 s1, s0  }
0xbd: {  	s0 =	sadd.s32 $0x8F2B, s0  }
0xbe: {  	[sflag:s0] =	ssyncadd.remote.s32 $0x1  }
0xbf: {  	_ =	sfence.sel $0xFFFF  }
0xc0: {  	[dreg:$0x0] =	wrdreg $0xFFFFFFFF;
	(pc) =	sbr.abs _section_cstart, $3  }
0xc1: {  	[dreg:$0x1] =	wrdreg $0xFFFFFFFF  }
0xc2: {  	_ =	task.clear_ibuf [dreg:s6], $0x2FFFF;
	_ =	strace $0x9FFFFFFF  }
0xc3: {  	(tm) =	ssettm $0x7FFFFFFF  }
tec
execute0_lowered:
.L_overlay_start_1:
0x0: {  	(tag) =	ssettag $0x1  }
0x1: {  	s0 =	rddreg [dreg:$0x0]  }
0x2: {  	s1 =	rddreg [dreg:$0x1]  }
0x3: {  	s3 =	rddreg [dreg:$0x2]  }
0x4: {  	s4 =	simm.s32 $0x0;
	s2 =	srdreg.scid;
	s14 =	stileid.u32  }
0x5: {  	s28 =	simm.s32 $0x180;
	s29 =	simm.s32 $0x8800;
	s5 =	smul.u32 $0x9E00, s14  }
0x6: {  	s30 =	simm.s32 $0x1;
	s31 =	simm.s32 $0x2;
	s12 =	smul.u32 $0x9C40, s14  }
0x7: {  	[smem:$0x7FF] =	sst s4;
	s2 =	sand.u32 $0x1, s2;
	s13 =	smul.u32 $0x5000, s14  }
0x8: {  	s6 =	sadd.s32 $0x47600, s0;
	s8 =	sadd.s32 $0x1E00, s0;
	s19 =	smul.u32 $0xA00, s14  }
0x9: {  	s16 =	sshll.u32 s14, $0x6;
	_ =	strace $0x8000004D;
	s7 =	smul.u32 $0x13880, s2  }
0xa: {  	s10 =	smul.u32 $0x13C00, s2;
	s2 =	ssub.s32 $0x2, s2;
	s9 =	sshrl.u32 s5, $0x3  }
0xb: {  	s15 =	sshrl.u32 s2, $0x1;
	s5 =	sadd.s32 s5, s1;
	s18 =	sadd.s32 s12, s3  }
0xc: {  	s13 =	sshrl.u32 s13, $0x3;
	s12 =	sshrl.u32 s12, $0x3;
	s11 =	sadd.s32 s7, s0  }
0xd: {  	s26 =	sadd.s32 s9, s0;
	s0 =	sadd.s32 s10, s0;
	s2 =	ssub.s32 s2, s15  }
0xe: {  	[dreg:$0x4] =	wrdreg s5;
	s7 =	sor.u32 $0x1C09, s16;
	s15 =	sadd.s32 s6, s19  }
0xf: {  	s20 =	sadd.s32 $0x280, s13;
	s10 =	sadd.s32 s8, s19;
	[dreg:$0x6] =	wrdreg s15  }
0x10: {  	s23 =	sadd.s32 $0x500, s13;
	s17 =	sadd.s32 $0xBE00, s26;
	[dreg:$0x7] =	wrdreg s10  }
0x11: {  	s13 =	sadd.s32 $0x780, s13;
	s21 =	sadd.s32 s6, s20;
	[dreg:$0x5] =	wrdreg s17  }
0x12: {  	s19 =	sshrl.u32 s18, $0x3;
	s22 =	sadd.s32 s8, s20;
	[dreg:$0x8] =	wrdreg s21  }
0x13: {  	s5 =	simm.s32 $0x6;
	s24 =	sadd.s32 s6, s23;
	[dreg:$0x9] =	wrdreg s22  }
0x14: {  	s11 =	sadd.s32 $0x1FA00, s11;
	s10 =	sadd.s32 s8, s23;
	[dreg:$0xa] =	wrdreg s24  }
0x15: {  	s6 =	sadd.s32 s6, s13;
	s25 =	sadd.s32 s8, s13;
	[dreg:$0xb] =	wrdreg s10  }
0x16: {  	s0 =	sadd.s32 $0x51600, s0;
	s2 =	smax.u32 s2, $0x1;
	[dreg:$0xc] =	wrdreg s6  }
0x17: {  	s20 =	simm.s32 $0x1400;
	s23 =	simm.s32 $0x4800;
	[dreg:$0xd] =	wrdreg s25  }
0x18: {  	s8 =	simm.s32 $0x7;
	s13 =	simm.s32 $0x0;
	[dreg:$0xe] =	wrdreg s2  }
0x19: {  	s17 =	simm.s32 $0x9;
	s26 =	sadd.s32 s12, s11;
	s21 =	simm.s32 $0x80  }
0x1a: {  	s22 =	simm.s32 $0x2800;
	s24 =	sadd.s32 s9, s0;
	s25 =	simm.s32 $0x100  }
0x1b: {  	s0 =	simm.s32 $0x5;
	s2 =	simm.s32 $0x3;
	s6 =	simm.s32 $0x4  }
0x1c: {  	s9 =	simm.s32 $0x8;
	s10 =	simm.s32 $0x2680;
	s11 =	simm.s32 $0x2700  }
0x1d: {  	s12 =	simm.s32 $0x2780;
	[dreg:$0xf] =	wrdreg s26;
	s26 =	simm.s32 $0x6800  }
.LBB2_1:
0x1e: {  	s14 =	rddreg [dreg:$0x4]  }
0x1f: {  	s15 =	rddreg [dreg:$0x5];
	s14 =	sshrl.u32 s14, $0x3  }
0x20: {  	[spmem:s14], [sflag:s7] =	dma.local [hbm:s15], $0x13C0  }
0x21: {  	_ =	swait.ge [sflag:s17], $0x13C0  }
0x22: {  	[sflag:s17] =	ssyncset.done $0x0  }
0x23: {  	s16 =	rddreg [dreg:$0xf];
	[sflag:s17] =	ssyncadd.s32 $0xFFFFEC40  }
0x24: {  	[spmem:s19], [sflag:s7] =	dma.local [hbm:s16], $0x1388  }
0x25: {  	_ =	swait.ge [sflag:s17], $0x1388  }
0x26: {  	[sflag:s17] =	ssyncset.done $0x0  }
0x27: {  	[sflag:s17] =	ssyncadd.s32 $0xFFFFEC78  }
0x28: {  	[bflag:$0x0] =	sbarrier.arrive $0xFFFF  }
0x29: {  	s18 =	rddreg [dreg:$0x6]  }
0x2a: {  	[tilespmem:s4], [sflag:$0x9] =	stream.linear.gather [hbm4b:s18+s4], $0x1400, $0x38;
	[tilespmem:$0x1E240] =	vst v63  }
0x2b: {  	_ =	swait.ge [sflag:s17], $0x1400  }
0x2c: {  	[sflag:s17] =	ssyncset.done $0x0  }
0x2d: {  	s16 =	rddreg [dreg:$0x7];
	[sflag:s17] =	ssyncadd.s32 $0xFFFFEC00  }
0x2e: {  	[tilespmem:s20], [sflag:$0x9] =	stream.linear.gather [hbm4b:s16+s4], $0x1400, $0x38;
	[tilespmem:$0x1E240] =	vst v63  }
0x2f: {  	_ =	swait.ge [sflag:s17], $0x1400  }
0x30: {  	[sflag:s17] =	ssyncset.done $0x0  }
0x31: {  	[sflag:s17] =	ssyncadd.s32 $0xFFFFEC00  }
0x32: {  	[tilespmem:s22], [sflag:$0x1] =	stream.indirect.gather [spmem:s3], $0x40, s4, s21, $0xb8;
	[tilespmem:$0x1E240] =	vst v63  }
0x33: {  	_ = 	snop  }
0x34: {  	[tilespmem:s23], [sflag:$0x2] =	stream.indirect.gather [spmem:s3], $0x40, s21, s21, $0xb8;
	[tilespmem:$0x1E240] =	vst v63  }
0x35: {  	_ = 	snop  }
0x36: {  	[tilespmem:s26], [sflag:$0x3] =	stream.indirect.gather [spmem:s3], $0x40, s25, s21, $0xb8;
	[tilespmem:$0x1E240] =	vst v63  }
0x37: {  	_ = 	snop  }
0x38: {  	[tilespmem:s29], [sflag:$0x4] =	stream.indirect.gather [spmem:s3], $0x40, s28, s21, $0xb8;
	[tilespmem:$0x1E240] =	vst v63  }
0x39: {  	_ =	swait.ge [sflag:s30], $0x2000  }
0x3a: {  	[sflag:s30] =	ssyncset.done $0x0  }
0x3b: {  	[sflag:s30] =	ssyncadd.s32 $0xFFFFE000  }
0x3c: {  	[spmem:s1] =	stream.indirect.scatter.add.f32 [tilespmem:s22], [sflag:$0x5], $0x40, s20, s21, $0xb8;
	[tilespmem:$0x1E240] =	vst v63  }
0x3d: {  	_ =	swait.ge [sflag:s31], $0x2000  }
0x3e: {  	[sflag:s31] =	ssyncset.done $0x0  }
0x3f: {  	s18 =	simm.s32 $0x1480;
	[sflag:s31] =	ssyncadd.s32 $0xFFFFE000  }
0x40: {  	[spmem:s1] =	stream.indirect.scatter.add.f32 [tilespmem:s23], [sflag:$0x6], $0x40, s18, s21, $0xb8;
	[tilespmem:$0x1E240] =	vst v63  }
0x41: {  	_ =	swait.ge [sflag:s0], $0x2000  }
0x42: {  	[sflag:s0] =	ssyncset.done $0x0  }
0x43: {  	s16 =	simm.s32 $0x200;
	[sflag:s0] =	ssyncadd.s32 $0xFFFFE000  }
0x44: {  	[tilespmem:s22], [sflag:$0x1] =	stream.indirect.gather [spmem:s3], $0x40, s16, s21, $0xb8;
	[tilespmem:$0x1E240] =	vst v63  }
0x45: {  	_ =	swait.ge [sflag:s2], $0x2000  }
0x46: {  	[sflag:s2] =	ssyncset.done $0x0  }
0x47: {  	s18 =	simm.s32 $0x1500;
	[sflag:s2] =	ssyncadd.s32 $0xFFFFE000  }
0x48: {  	[spmem:s1] =	stream.indirect.scatter.add.f32 [tilespmem:s26], [sflag:$0x7], $0x40, s18, s21, $0xb8;
	[tilespmem:$0x1E240] =	vst v63  }
0x49: {  	_ =	swait.ge [sflag:s5], $0x2000  }
0x4a: {  	[sflag:s5] =	ssyncset.done $0x0  }
0x4b: {  	s16 =	simm.s32 $0x280;
	[sflag:s5] =	ssyncadd.s32 $0xFFFFE000  }
0x4c: {  	[tilespmem:s23], [sflag:$0x2] =	stream.indirect.gather [spmem:s3], $0x40, s16, s21, $0xb8;
	[tilespmem:$0x1E240] =	vst v63  }
0x4d: {  	_ =	swait.ge [sflag:s6], $0x2000  }
0x4e: {  	[sflag:s6] =	ssyncset.done $0x0  }
0x4f: {  	s18 =	simm.s32 $0x1580;
	[sflag:s6] =	ssyncadd.s32 $0xFFFFE000  }
0x50: {  	[spmem:s1] =	stream.indirect.scatter.add.f32 [tilespmem:s29], [sflag:$0x8], $0x40, s18, s21, $0xb8;
	[tilespmem:$0x1E240] =	vst v63  }
0x51: {  	_ =	swait.ge [sflag:s8], $0x2000  }
0x52: {  	[sflag:s8] =	ssyncset.done $0x0  }
0x53: {  	s16 =	simm.s32 $0x300;
	[sflag:s8] =	ssyncadd.s32 $0xFFFFE000  }
0x54: {  	[tilespmem:s26], [sflag:$0x3] =	stream.indirect.gather [spmem:s3], $0x40, s16, s21, $0xb8;
	[tilespmem:$0x1E240] =	vst v63  }
0x55: {  	_ =	swait.ge [sflag:s30], $0x2000  }
0x56: {  	[sflag:s30] =	ssyncset.done $0x0  }
0x57: {  	s18 =	simm.s32 $0x1600;
	[sflag:s30] =	ssyncadd.s32 $0xFFFFE000  }
0x58: {  	[spmem:s1] =	stream.indirect.scatter.add.f32 [tilespmem:s22], [sflag:$0x5], $0x40, s18, s21, $0xb8;
	[tilespmem:$0x1E240] =	vst v63  }
0x59: {  	_ =	swait.ge [sflag:s9], $0x2000  }
0x5a: {  	[sflag:s9] =	ssyncset.done $0x0  }
0x5b: {  	s15 =	simm.s32 $0x800;
	s16 =	simm.s32 $0x380;
	[sflag:s9] =	ssyncadd.s32 $0xFFFFE000  }
.LBB2_2:
0x5c: {  	[tilespmem:s29], [sflag:$0x4] =	stream.indirect.gather [spmem:s3], $0x40, s16, s21, $0xb8;
	[tilespmem:$0x1E240] =	vst v63  }
0x5d: {  	s16 =	smov.u32 s15  }
0x5e: {  	p0 =	sne.s32 s15, $0x4000;
	s15 =	sadd.s32 $0x800, s15;
	_ =	swait.ge [sflag:s31], $0x2000  }
0x5f: {  	s16 =	sshra.s32 s16, $0x2;
	[sflag:s31] =	ssyncset.done $0x0  }
0x60: {  	s18 =	sadd.s32 $0x1480, s16;
	[sflag:s31] =	ssyncadd.s32 $0xFFFFE000  }
0x61: {  	[spmem:s1] =	stream.indirect.scatter.add.f32 [tilespmem:s23], [sflag:$0x6], $0x40, s18, s21, $0xb8;
	[tilespmem:$0x1E240] =	vst v63  }
0x62: {  	_ =	swait.ge [sflag:s0], $0x2000  }
0x63: {  	[sflag:s0] =	ssyncset.done $0x0  }
0x64: {  	s18 =	sadd.s32 $0x200, s16;
	[sflag:s0] =	ssyncadd.s32 $0xFFFFE000  }
0x65: {  	[tilespmem:s22], [sflag:$0x1] =	stream.indirect.gather [spmem:s3], $0x40, s18, s21, $0xb8;
	[tilespmem:$0x1E240] =	vst v63  }
0x66: {  	_ =	swait.ge [sflag:s2], $0x2000  }
0x67: {  	[sflag:s2] =	ssyncset.done $0x0  }
0x68: {  	s18 =	sadd.s32 $0x1500, s16;
	[sflag:s2] =	ssyncadd.s32 $0xFFFFE000  }
0x69: {  	[spmem:s1] =	stream.indirect.scatter.add.f32 [tilespmem:s26], [sflag:$0x7], $0x40, s18, s21, $0xb8;
	[tilespmem:$0x1E240] =	vst v63  }
0x6a: {  	_ =	swait.ge [sflag:s5], $0x2000  }
0x6b: {  	[sflag:s5] =	ssyncset.done $0x0  }
0x6c: {  	s18 =	sadd.s32 $0x280, s16;
	[sflag:s5] =	ssyncadd.s32 $0xFFFFE000  }
0x6d: {  	[tilespmem:s23], [sflag:$0x2] =	stream.indirect.gather [spmem:s3], $0x40, s18, s21, $0xb8;
	[tilespmem:$0x1E240] =	vst v63  }
0x6e: {  	_ =	swait.ge [sflag:s6], $0x2000  }
0x6f: {  	[sflag:s6] =	ssyncset.done $0x0  }
0x70: {  	s18 =	sadd.s32 $0x1580, s16;
	[sflag:s6] =	ssyncadd.s32 $0xFFFFE000  }
0x71: {  	[spmem:s1] =	stream.indirect.scatter.add.f32 [tilespmem:s29], [sflag:$0x8], $0x40, s18, s21, $0xb8;
	[tilespmem:$0x1E240] =	vst v63  }
0x72: {  	_ =	swait.ge [sflag:s8], $0x2000  }
0x73: {  	[sflag:s8] =	ssyncset.done $0x0  }
0x74: {  	s18 =	sadd.s32 $0x300, s16;
	[sflag:s8] =	ssyncadd.s32 $0xFFFFE000  }
0x75: {  	[tilespmem:s26], [sflag:$0x3] =	stream.indirect.gather [spmem:s3], $0x40, s18, s21, $0xb8;
	[tilespmem:$0x1E240] =	vst v63  }
0x76: {  	_ =	swait.ge [sflag:s30], $0x2000  }
0x77: {  	[sflag:s30] =	ssyncset.done $0x0  }
.Ltmp0:
0x78: {  	s18 =	sadd.s32 $0x1600, s16;
	[sflag:s30] =	ssyncadd.s32 $0xFFFFE000;
	(pc) =	sbr.rel @p0 .LBB2_2-.Ltmp0, $4  }
0x79: {  	[spmem:s1] =	stream.indirect.scatter.add.f32 [tilespmem:s22], [sflag:$0x5], $0x40, s18, s21, $0xb8;
	[tilespmem:$0x1E240] =	vst v63  }
0x7a: {  	_ =	swait.ge [sflag:s9], $0x2000  }
0x7b: {  	[sflag:s9] =	ssyncset.done $0x0  }
0x7c: {  	s16 =	sadd.s32 $0x380, s16;
	[sflag:s9] =	ssyncadd.s32 $0xFFFFE000  }
0x7d: {  	[tilespmem:s29], [sflag:$0x4] =	stream.indirect.gather [spmem:s3], $0x40, s16, s21, $0xb8;
	[tilespmem:$0x1E240] =	vst v63  }
0x7e: {  	_ =	swait.ge [sflag:s31], $0x2000  }
0x7f: {  	[sflag:s31] =	ssyncset.done $0x0  }
0x80: {  	[sflag:s31] =	ssyncadd.s32 $0xFFFFE000  }
0x81: {  	[spmem:s1] =	stream.indirect.scatter.add.f32 [tilespmem:s23], [sflag:$0x6], $0x40, s10, s21, $0xb8;
	[tilespmem:$0x1E240] =	vst v63  }
0x82: {  	_ =	swait.ge [sflag:s0], $0x2000  }
0x83: {  	[sflag:s0] =	ssyncset.done $0x0  }
0x84: {  	[sflag:s0] =	ssyncadd.s32 $0xFFFFE000  }
0x85: {  	_ =	swait.ge [sflag:s2], $0x2000  }
0x86: {  	[sflag:s2] =	ssyncset.done $0x0  }
0x87: {  	[sflag:s2] =	ssyncadd.s32 $0xFFFFE000  }
0x88: {  	[spmem:s1] =	stream.indirect.scatter.add.f32 [tilespmem:s26], [sflag:$0x7], $0x40, s11, s21, $0xb8;
	[tilespmem:$0x1E240] =	vst v63  }
0x89: {  	_ =	swait.ge [sflag:s5], $0x2000  }
0x8a: {  	[sflag:s5] =	ssyncset.done $0x0  }
0x8b: {  	[sflag:s5] =	ssyncadd.s32 $0xFFFFE000  }
0x8c: {  	_ =	swait.ge [sflag:s6], $0x2000  }
0x8d: {  	[sflag:s6] =	ssyncset.done $0x0  }
0x8e: {  	[sflag:s6] =	ssyncadd.s32 $0xFFFFE000  }
0x8f: {  	[spmem:s1] =	stream.indirect.scatter.add.f32 [tilespmem:s29], [sflag:$0x8], $0x40, s12, s21, $0xb8;
	[tilespmem:$0x1E240] =	vst v63  }
0x90: {  	_ =	swait.ge [sflag:s8], $0x2000  }
0x91: {  	[sflag:s8] =	ssyncset.done $0x0  }
0x92: {  	[sflag:s8] =	ssyncadd.s32 $0xFFFFE000  }
0x93: {  	_ =	swait.ge [sflag:s9], $0x2000  }
0x94: {  	[sflag:s9] =	ssyncset.done $0x0  }
0x95: {  	s15 =	simm.s32 $0x0;
	s18 =	rddreg [dreg:$0x8];
	[sflag:s9] =	ssyncadd.s32 $0xFFFFE000  }
0x96: {  	[tilespmem:s15], [sflag:$0x9] =	stream.linear.gather [hbm4b:s18+s15], $0x1400, $0x38;
	[tilespmem:$0x1E240] =	vst v63  }
0x97: {  	_ =	swait.ge [sflag:s17], $0x1400  }
0x98: {  	[sflag:s17] =	ssyncset.done $0x0  }
0x99: {  	s18 =	rddreg [dreg:$0x9];
	[sflag:s17] =	ssyncadd.s32 $0xFFFFEC00  }
0x9a: {  	[tilespmem:s20], [sflag:$0x9] =	stream.linear.gather [hbm4b:s18+s15], $0x1400, $0x38;
	[tilespmem:$0x1E240] =	vst v63  }
0x9b: {  	_ =	swait.ge [sflag:s17], $0x1400  }
0x9c: {  	[sflag:s17] =	ssyncset.done $0x0  }
0x9d: {  	[sflag:s17] =	ssyncadd.s32 $0xFFFFEC00  }
0x9e: {  	[tilespmem:s22], [sflag:$0x1] =	stream.indirect.gather [spmem:s3], $0x40, s15, s21, $0xb8;
	[tilespmem:$0x1E240] =	vst v63  }
0x9f: {  	_ = 	snop  }
0xa0: {  	[tilespmem:s23], [sflag:$0x2] =	stream.indirect.gather [spmem:s3], $0x40, s21, s21, $0xb8;
	[tilespmem:$0x1E240] =	vst v63  }
0xa1: {  	_ = 	snop  }
0xa2: {  	[tilespmem:s26], [sflag:$0x3] =	stream.indirect.gather [spmem:s3], $0x40, s25, s21, $0xb8;
	[tilespmem:$0x1E240] =	vst v63  }
0xa3: {  	_ = 	snop  }
0xa4: {  	[tilespmem:s29], [sflag:$0x4] =	stream.indirect.gather [spmem:s3], $0x40, s28, s21, $0xb8;
	[tilespmem:$0x1E240] =	vst v63  }
0xa5: {  	_ =	swait.ge [sflag:s30], $0x2000  }
0xa6: {  	[sflag:s30] =	ssyncset.done $0x0  }
0xa7: {  	[sflag:s30] =	ssyncadd.s32 $0xFFFFE000  }
0xa8: {  	[spmem:s1] =	stream.indirect.scatter.add.f32 [tilespmem:s22], [sflag:$0x5], $0x40, s20, s21, $0xb8;
	[tilespmem:$0x1E240] =	vst v63  }
0xa9: {  	_ =	swait.ge [sflag:s31], $0x2000  }
0xaa: {  	[sflag:s31] =	ssyncset.done $0x0  }
0xab: {  	s18 =	simm.s32 $0x1480;
	[sflag:s31] =	ssyncadd.s32 $0xFFFFE000  }
0xac: {  	[spmem:s1] =	stream.indirect.scatter.add.f32 [tilespmem:s23], [sflag:$0x6], $0x40, s18, s21, $0xb8;
	[tilespmem:$0x1E240] =	vst v63  }
0xad: {  	_ =	swait.ge [sflag:s0], $0x2000  }
0xae: {  	[sflag:s0] =	ssyncset.done $0x0  }
0xaf: {  	s16 =	simm.s32 $0x200;
	[sflag:s0] =	ssyncadd.s32 $0xFFFFE000  }
0xb0: {  	[tilespmem:s22], [sflag:$0x1] =	stream.indirect.gather [spmem:s3], $0x40, s16, s21, $0xb8;
	[tilespmem:$0x1E240] =	vst v63  }
0xb1: {  	_ =	swait.ge [sflag:s2], $0x2000  }
0xb2: {  	[sflag:s2] =	ssyncset.done $0x0  }
0xb3: {  	s18 =	simm.s32 $0x1500;
	[sflag:s2] =	ssyncadd.s32 $0xFFFFE000  }
0xb4: {  	[spmem:s1] =	stream.indirect.scatter.add.f32 [tilespmem:s26], [sflag:$0x7], $0x40, s18, s21, $0xb8;
	[tilespmem:$0x1E240] =	vst v63  }
0xb5: {  	_ =	swait.ge [sflag:s5], $0x2000  }
0xb6: {  	[sflag:s5] =	ssyncset.done $0x0  }
0xb7: {  	s16 =	simm.s32 $0x280;
	[sflag:s5] =	ssyncadd.s32 $0xFFFFE000  }
0xb8: {  	[tilespmem:s23], [sflag:$0x2] =	stream.indirect.gather [spmem:s3], $0x40, s16, s21, $0xb8;
	[tilespmem:$0x1E240] =	vst v63  }
0xb9: {  	_ =	swait.ge [sflag:s6], $0x2000  }
0xba: {  	[sflag:s6] =	ssyncset.done $0x0  }
0xbb: {  	s18 =	simm.s32 $0x1580;
	[sflag:s6] =	ssyncadd.s32 $0xFFFFE000  }
0xbc: {  	[spmem:s1] =	stream.indirect.scatter.add.f32 [tilespmem:s29], [sflag:$0x8], $0x40, s18, s21, $0xb8;
	[tilespmem:$0x1E240] =	vst v63  }
0xbd: {  	_ =	swait.ge [sflag:s8], $0x2000  }
0xbe: {  	[sflag:s8] =	ssyncset.done $0x0  }
0xbf: {  	s16 =	simm.s32 $0x300;
	[sflag:s8] =	ssyncadd.s32 $0xFFFFE000  }
0xc0: {  	[tilespmem:s26], [sflag:$0x3] =	stream.indirect.gather [spmem:s3], $0x40, s16, s21, $0xb8;
	[tilespmem:$0x1E240] =	vst v63  }
0xc1: {  	_ =	swait.ge [sflag:s30], $0x2000  }
0xc2: {  	[sflag:s30] =	ssyncset.done $0x0  }
0xc3: {  	s18 =	simm.s32 $0x1600;
	[sflag:s30] =	ssyncadd.s32 $0xFFFFE000  }
0xc4: {  	[spmem:s1] =	stream.indirect.scatter.add.f32 [tilespmem:s22], [sflag:$0x5], $0x40, s18, s21, $0xb8;
	[tilespmem:$0x1E240] =	vst v63  }
0xc5: {  	_ =	swait.ge [sflag:s9], $0x2000  }
0xc6: {  	[sflag:s9] =	ssyncset.done $0x0  }
0xc7: {  	s15 =	simm.s32 $0x800;
	s16 =	simm.s32 $0x380;
	[sflag:s9] =	ssyncadd.s32 $0xFFFFE000  }
.LBB2_4:
0xc8: {  	[tilespmem:s29], [sflag:$0x4] =	stream.indirect.gather [spmem:s3], $0x40, s16, s21, $0xb8;
	[tilespmem:$0x1E240] =	vst v63  }
0xc9: {  	s16 =	smov.u32 s15  }
0xca: {  	p0 =	sne.s32 s15, $0x4000;
	s15 =	sadd.s32 $0x800, s15;
	_ =	swait.ge [sflag:s31], $0x2000  }
0xcb: {  	s16 =	sshra.s32 s16, $0x2;
	[sflag:s31] =	ssyncset.done $0x0  }
0xcc: {  	s18 =	sadd.s32 $0x1480, s16;
	[sflag:s31] =	ssyncadd.s32 $0xFFFFE000  }
0xcd: {  	[spmem:s1] =	stream.indirect.scatter.add.f32 [tilespmem:s23], [sflag:$0x6], $0x40, s18, s21, $0xb8;
	[tilespmem:$0x1E240] =	vst v63  }
0xce: {  	_ =	swait.ge [sflag:s0], $0x2000  }
0xcf: {  	[sflag:s0] =	ssyncset.done $0x0  }
0xd0: {  	s18 =	sadd.s32 $0x200, s16;
	[sflag:s0] =	ssyncadd.s32 $0xFFFFE000  }
0xd1: {  	[tilespmem:s22], [sflag:$0x1] =	stream.indirect.gather [spmem:s3], $0x40, s18, s21, $0xb8;
	[tilespmem:$0x1E240] =	vst v63  }
0xd2: {  	_ =	swait.ge [sflag:s2], $0x2000  }
0xd3: {  	[sflag:s2] =	ssyncset.done $0x0  }
0xd4: {  	s18 =	sadd.s32 $0x1500, s16;
	[sflag:s2] =	ssyncadd.s32 $0xFFFFE000  }
0xd5: {  	[spmem:s1] =	stream.indirect.scatter.add.f32 [tilespmem:s26], [sflag:$0x7], $0x40, s18, s21, $0xb8;
	[tilespmem:$0x1E240] =	vst v63  }
0xd6: {  	_ =	swait.ge [sflag:s5], $0x2000  }
0xd7: {  	[sflag:s5] =	ssyncset.done $0x0  }
0xd8: {  	s18 =	sadd.s32 $0x280, s16;
	[sflag:s5] =	ssyncadd.s32 $0xFFFFE000  }
0xd9: {  	[tilespmem:s23], [sflag:$0x2] =	stream.indirect.gather [spmem:s3], $0x40, s18, s21, $0xb8;
	[tilespmem:$0x1E240] =	vst v63  }
0xda: {  	_ =	swait.ge [sflag:s6], $0x2000  }
0xdb: {  	[sflag:s6] =	ssyncset.done $0x0  }
0xdc: {  	s18 =	sadd.s32 $0x1580, s16;
	[sflag:s6] =	ssyncadd.s32 $0xFFFFE000  }
0xdd: {  	[spmem:s1] =	stream.indirect.scatter.add.f32 [tilespmem:s29], [sflag:$0x8], $0x40, s18, s21, $0xb8;
	[tilespmem:$0x1E240] =	vst v63  }
0xde: {  	_ =	swait.ge [sflag:s8], $0x2000  }
0xdf: {  	[sflag:s8] =	ssyncset.done $0x0  }
0xe0: {  	s18 =	sadd.s32 $0x300, s16;
	[sflag:s8] =	ssyncadd.s32 $0xFFFFE000  }
0xe1: {  	[tilespmem:s26], [sflag:$0x3] =	stream.indirect.gather [spmem:s3], $0x40, s18, s21, $0xb8;
	[tilespmem:$0x1E240] =	vst v63  }
0xe2: {  	_ =	swait.ge [sflag:s30], $0x2000  }
0xe3: {  	[sflag:s30] =	ssyncset.done $0x0  }
.Ltmp1:
0xe4: {  	s18 =	sadd.s32 $0x1600, s16;
	[sflag:s30] =	ssyncadd.s32 $0xFFFFE000;
	(pc) =	sbr.rel @p0 .LBB2_4-.Ltmp1, $4  }
0xe5: {  	[spmem:s1] =	stream.indirect.scatter.add.f32 [tilespmem:s22], [sflag:$0x5], $0x40, s18, s21, $0xb8;
	[tilespmem:$0x1E240] =	vst v63  }
0xe6: {  	_ =	swait.ge [sflag:s9], $0x2000  }
0xe7: {  	[sflag:s9] =	ssyncset.done $0x0  }
0xe8: {  	s16 =	sadd.s32 $0x380, s16;
	[sflag:s9] =	ssyncadd.s32 $0xFFFFE000  }
0xe9: {  	[tilespmem:s29], [sflag:$0x4] =	stream.indirect.gather [spmem:s3], $0x40, s16, s21, $0xb8;
	[tilespmem:$0x1E240] =	vst v63  }
0xea: {  	_ =	swait.ge [sflag:s31], $0x2000  }
0xeb: {  	[sflag:s31] =	ssyncset.done $0x0  }
0xec: {  	[sflag:s31] =	ssyncadd.s32 $0xFFFFE000  }
0xed: {  	[spmem:s1] =	stream.indirect.scatter.add.f32 [tilespmem:s23], [sflag:$0x6], $0x40, s10, s21, $0xb8;
	[tilespmem:$0x1E240] =	vst v63  }
0xee: {  	_ =	swait.ge [sflag:s0], $0x2000  }
0xef: {  	[sflag:s0] =	ssyncset.done $0x0  }
0xf0: {  	[sflag:s0] =	ssyncadd.s32 $0xFFFFE000  }
0xf1: {  	_ =	swait.ge [sflag:s2], $0x2000  }
0xf2: {  	[sflag:s2] =	ssyncset.done $0x0  }
0xf3: {  	[sflag:s2] =	ssyncadd.s32 $0xFFFFE000  }
0xf4: {  	[spmem:s1] =	stream.indirect.scatter.add.f32 [tilespmem:s26], [sflag:$0x7], $0x40, s11, s21, $0xb8;
	[tilespmem:$0x1E240] =	vst v63  }
0xf5: {  	_ =	swait.ge [sflag:s5], $0x2000  }
0xf6: {  	[sflag:s5] =	ssyncset.done $0x0  }
0xf7: {  	[sflag:s5] =	ssyncadd.s32 $0xFFFFE000  }
0xf8: {  	_ =	swait.ge [sflag:s6], $0x2000  }
0xf9: {  	[sflag:s6] =	ssyncset.done $0x0  }
0xfa: {  	[sflag:s6] =	ssyncadd.s32 $0xFFFFE000  }
0xfb: {  	[spmem:s1] =	stream.indirect.scatter.add.f32 [tilespmem:s29], [sflag:$0x8], $0x40, s12, s21, $0xb8;
	[tilespmem:$0x1E240] =	vst v63  }
0xfc: {  	_ =	swait.ge [sflag:s8], $0x2000  }
0xfd: {  	[sflag:s8] =	ssyncset.done $0x0  }
0xfe: {  	[sflag:s8] =	ssyncadd.s32 $0xFFFFE000  }
0xff: {  	_ =	swait.ge [sflag:s9], $0x2000  }
0x100: {  	[sflag:s9] =	ssyncset.done $0x0  }
0x101: {  	s15 =	simm.s32 $0x0;
	s18 =	rddreg [dreg:$0xa];
	[sflag:s9] =	ssyncadd.s32 $0xFFFFE000  }
0x102: {  	[tilespmem:s15], [sflag:$0x9] =	stream.linear.gather [hbm4b:s18+s15], $0x1400, $0x38;
	[tilespmem:$0x1E240] =	vst v63  }
0x103: {  	_ =	swait.ge [sflag:s17], $0x1400  }
0x104: {  	[sflag:s17] =	ssyncset.done $0x0  }
0x105: {  	s18 =	rddreg [dreg:$0xb];
	[sflag:s17] =	ssyncadd.s32 $0xFFFFEC00  }
0x106: {  	[tilespmem:s20], [sflag:$0x9] =	stream.linear.gather [hbm4b:s18+s15], $0x1400, $0x38;
	[tilespmem:$0x1E240] =	vst v63  }
0x107: {  	_ =	swait.ge [sflag:s17], $0x1400  }
0x108: {  	[sflag:s17] =	ssyncset.done $0x0  }
0x109: {  	[sflag:s17] =	ssyncadd.s32 $0xFFFFEC00  }
0x10a: {  	[tilespmem:s22], [sflag:$0x1] =	stream.indirect.gather [spmem:s3], $0x40, s15, s21, $0xb8;
	[tilespmem:$0x1E240] =	vst v63  }
0x10b: {  	_ = 	snop  }
0x10c: {  	[tilespmem:s23], [sflag:$0x2] =	stream.indirect.gather [spmem:s3], $0x40, s21, s21, $0xb8;
	[tilespmem:$0x1E240] =	vst v63  }
0x10d: {  	_ = 	snop  }
0x10e: {  	[tilespmem:s26], [sflag:$0x3] =	stream.indirect.gather [spmem:s3], $0x40, s25, s21, $0xb8;
	[tilespmem:$0x1E240] =	vst v63  }
0x10f: {  	_ = 	snop  }
0x110: {  	[tilespmem:s29], [sflag:$0x4] =	stream.indirect.gather [spmem:s3], $0x40, s28, s21, $0xb8;
	[tilespmem:$0x1E240] =	vst v63  }
0x111: {  	_ =	swait.ge [sflag:s30], $0x2000  }
0x112: {  	[sflag:s30] =	ssyncset.done $0x0  }
0x113: {  	[sflag:s30] =	ssyncadd.s32 $0xFFFFE000  }
0x114: {  	[spmem:s1] =	stream.indirect.scatter.add.f32 [tilespmem:s22], [sflag:$0x5], $0x40, s20, s21, $0xb8;
	[tilespmem:$0x1E240] =	vst v63  }
0x115: {  	_ =	swait.ge [sflag:s31], $0x2000  }
0x116: {  	[sflag:s31] =	ssyncset.done $0x0  }
0x117: {  	s18 =	simm.s32 $0x1480;
	[sflag:s31] =	ssyncadd.s32 $0xFFFFE000  }
0x118: {  	[spmem:s1] =	stream.indirect.scatter.add.f32 [tilespmem:s23], [sflag:$0x6], $0x40, s18, s21, $0xb8;
	[tilespmem:$0x1E240] =	vst v63  }
0x119: {  	_ =	swait.ge [sflag:s0], $0x2000  }
0x11a: {  	[sflag:s0] =	ssyncset.done $0x0  }
0x11b: {  	s16 =	simm.s32 $0x200;
	[sflag:s0] =	ssyncadd.s32 $0xFFFFE000  }
0x11c: {  	[tilespmem:s22], [sflag:$0x1] =	stream.indirect.gather [spmem:s3], $0x40, s16, s21, $0xb8;
	[tilespmem:$0x1E240] =	vst v63  }
0x11d: {  	_ =	swait.ge [sflag:s2], $0x2000  }
0x11e: {  	[sflag:s2] =	ssyncset.done $0x0  }
0x11f: {  	s18 =	simm.s32 $0x1500;
	[sflag:s2] =	ssyncadd.s32 $0xFFFFE000  }
0x120: {  	[spmem:s1] =	stream.indirect.scatter.add.f32 [tilespmem:s26], [sflag:$0x7], $0x40, s18, s21, $0xb8;
	[tilespmem:$0x1E240] =	vst v63  }
0x121: {  	_ =	swait.ge [sflag:s5], $0x2000  }
0x122: {  	[sflag:s5] =	ssyncset.done $0x0  }
0x123: {  	s16 =	simm.s32 $0x280;
	[sflag:s5] =	ssyncadd.s32 $0xFFFFE000  }
0x124: {  	[tilespmem:s23], [sflag:$0x2] =	stream.indirect.gather [spmem:s3], $0x40, s16, s21, $0xb8;
	[tilespmem:$0x1E240] =	vst v63  }
0x125: {  	_ =	swait.ge [sflag:s6], $0x2000  }
0x126: {  	[sflag:s6] =	ssyncset.done $0x0  }
0x127: {  	s18 =	simm.s32 $0x1580;
	[sflag:s6] =	ssyncadd.s32 $0xFFFFE000  }
0x128: {  	[spmem:s1] =	stream.indirect.scatter.add.f32 [tilespmem:s29], [sflag:$0x8], $0x40, s18, s21, $0xb8;
	[tilespmem:$0x1E240] =	vst v63  }
0x129: {  	_ =	swait.ge [sflag:s8], $0x2000  }
0x12a: {  	[sflag:s8] =	ssyncset.done $0x0  }
0x12b: {  	s16 =	simm.s32 $0x300;
	[sflag:s8] =	ssyncadd.s32 $0xFFFFE000  }
0x12c: {  	[tilespmem:s26], [sflag:$0x3] =	stream.indirect.gather [spmem:s3], $0x40, s16, s21, $0xb8;
	[tilespmem:$0x1E240] =	vst v63  }
0x12d: {  	_ =	swait.ge [sflag:s30], $0x2000  }
0x12e: {  	[sflag:s30] =	ssyncset.done $0x0  }
0x12f: {  	s18 =	simm.s32 $0x1600;
	[sflag:s30] =	ssyncadd.s32 $0xFFFFE000  }
0x130: {  	[spmem:s1] =	stream.indirect.scatter.add.f32 [tilespmem:s22], [sflag:$0x5], $0x40, s18, s21, $0xb8;
	[tilespmem:$0x1E240] =	vst v63  }
0x131: {  	_ =	swait.ge [sflag:s9], $0x2000  }
0x132: {  	[sflag:s9] =	ssyncset.done $0x0  }
0x133: {  	s15 =	simm.s32 $0x800;
	s16 =	simm.s32 $0x380;
	[sflag:s9] =	ssyncadd.s32 $0xFFFFE000  }
.LBB2_6:
0x134: {  	[tilespmem:s29], [sflag:$0x4] =	stream.indirect.gather [spmem:s3], $0x40, s16, s21, $0xb8;
	[tilespmem:$0x1E240] =	vst v63  }
0x135: {  	s16 =	smov.u32 s15  }
0x136: {  	p0 =	sne.s32 s15, $0x4000;
	s15 =	sadd.s32 $0x800, s15;
	_ =	swait.ge [sflag:s31], $0x2000  }
0x137: {  	s16 =	sshra.s32 s16, $0x2;
	[sflag:s31] =	ssyncset.done $0x0  }
0x138: {  	s18 =	sadd.s32 $0x1480, s16;
	[sflag:s31] =	ssyncadd.s32 $0xFFFFE000  }
0x139: {  	[spmem:s1] =	stream.indirect.scatter.add.f32 [tilespmem:s23], [sflag:$0x6], $0x40, s18, s21, $0xb8;
	[tilespmem:$0x1E240] =	vst v63  }
0x13a: {  	_ =	swait.ge [sflag:s0], $0x2000  }
0x13b: {  	[sflag:s0] =	ssyncset.done $0x0  }
0x13c: {  	s18 =	sadd.s32 $0x200, s16;
	[sflag:s0] =	ssyncadd.s32 $0xFFFFE000  }
0x13d: {  	[tilespmem:s22], [sflag:$0x1] =	stream.indirect.gather [spmem:s3], $0x40, s18, s21, $0xb8;
	[tilespmem:$0x1E240] =	vst v63  }
0x13e: {  	_ =	swait.ge [sflag:s2], $0x2000  }
0x13f: {  	[sflag:s2] =	ssyncset.done $0x0  }
0x140: {  	s18 =	sadd.s32 $0x1500, s16;
	[sflag:s2] =	ssyncadd.s32 $0xFFFFE000  }
0x141: {  	[spmem:s1] =	stream.indirect.scatter.add.f32 [tilespmem:s26], [sflag:$0x7], $0x40, s18, s21, $0xb8;
	[tilespmem:$0x1E240] =	vst v63  }
0x142: {  	_ =	swait.ge [sflag:s5], $0x2000  }
0x143: {  	[sflag:s5] =	ssyncset.done $0x0  }
0x144: {  	s18 =	sadd.s32 $0x280, s16;
	[sflag:s5] =	ssyncadd.s32 $0xFFFFE000  }
0x145: {  	[tilespmem:s23], [sflag:$0x2] =	stream.indirect.gather [spmem:s3], $0x40, s18, s21, $0xb8;
	[tilespmem:$0x1E240] =	vst v63  }
0x146: {  	_ =	swait.ge [sflag:s6], $0x2000  }
0x147: {  	[sflag:s6] =	ssyncset.done $0x0  }
0x148: {  	s18 =	sadd.s32 $0x1580, s16;
	[sflag:s6] =	ssyncadd.s32 $0xFFFFE000  }
0x149: {  	[spmem:s1] =	stream.indirect.scatter.add.f32 [tilespmem:s29], [sflag:$0x8], $0x40, s18, s21, $0xb8;
	[tilespmem:$0x1E240] =	vst v63  }
0x14a: {  	_ =	swait.ge [sflag:s8], $0x2000  }
0x14b: {  	[sflag:s8] =	ssyncset.done $0x0  }
0x14c: {  	s18 =	sadd.s32 $0x300, s16;
	[sflag:s8] =	ssyncadd.s32 $0xFFFFE000  }
0x14d: {  	[tilespmem:s26], [sflag:$0x3] =	stream.indirect.gather [spmem:s3], $0x40, s18, s21, $0xb8;
	[tilespmem:$0x1E240] =	vst v63  }
0x14e: {  	_ =	swait.ge [sflag:s30], $0x2000  }
0x14f: {  	[sflag:s30] =	ssyncset.done $0x0  }
.Ltmp2:
0x150: {  	s18 =	sadd.s32 $0x1600, s16;
	[sflag:s30] =	ssyncadd.s32 $0xFFFFE000;
	(pc) =	sbr.rel @p0 .LBB2_6-.Ltmp2, $4  }
0x151: {  	[spmem:s1] =	stream.indirect.scatter.add.f32 [tilespmem:s22], [sflag:$0x5], $0x40, s18, s21, $0xb8;
	[tilespmem:$0x1E240] =	vst v63  }
0x152: {  	_ =	swait.ge [sflag:s9], $0x2000  }
0x153: {  	[sflag:s9] =	ssyncset.done $0x0  }
0x154: {  	s16 =	sadd.s32 $0x380, s16;
	[sflag:s9] =	ssyncadd.s32 $0xFFFFE000  }
0x155: {  	[tilespmem:s29], [sflag:$0x4] =	stream.indirect.gather [spmem:s3], $0x40, s16, s21, $0xb8;
	[tilespmem:$0x1E240] =	vst v63  }
0x156: {  	_ =	swait.ge [sflag:s31], $0x2000  }
0x157: {  	[sflag:s31] =	ssyncset.done $0x0  }
0x158: {  	[sflag:s31] =	ssyncadd.s32 $0xFFFFE000  }
0x159: {  	[spmem:s1] =	stream.indirect.scatter.add.f32 [tilespmem:s23], [sflag:$0x6], $0x40, s10, s21, $0xb8;
	[tilespmem:$0x1E240] =	vst v63  }
0x15a: {  	_ =	swait.ge [sflag:s0], $0x2000  }
0x15b: {  	[sflag:s0] =	ssyncset.done $0x0  }
0x15c: {  	[sflag:s0] =	ssyncadd.s32 $0xFFFFE000  }
0x15d: {  	_ =	swait.ge [sflag:s2], $0x2000  }
0x15e: {  	[sflag:s2] =	ssyncset.done $0x0  }
0x15f: {  	[sflag:s2] =	ssyncadd.s32 $0xFFFFE000  }
0x160: {  	[spmem:s1] =	stream.indirect.scatter.add.f32 [tilespmem:s26], [sflag:$0x7], $0x40, s11, s21, $0xb8;
	[tilespmem:$0x1E240] =	vst v63  }
0x161: {  	_ =	swait.ge [sflag:s5], $0x2000  }
0x162: {  	[sflag:s5] =	ssyncset.done $0x0  }
0x163: {  	[sflag:s5] =	ssyncadd.s32 $0xFFFFE000  }
0x164: {  	_ =	swait.ge [sflag:s6], $0x2000  }
0x165: {  	[sflag:s6] =	ssyncset.done $0x0  }
0x166: {  	[sflag:s6] =	ssyncadd.s32 $0xFFFFE000  }
0x167: {  	[spmem:s1] =	stream.indirect.scatter.add.f32 [tilespmem:s29], [sflag:$0x8], $0x40, s12, s21, $0xb8;
	[tilespmem:$0x1E240] =	vst v63  }
0x168: {  	_ =	swait.ge [sflag:s8], $0x2000  }
0x169: {  	[sflag:s8] =	ssyncset.done $0x0  }
0x16a: {  	[sflag:s8] =	ssyncadd.s32 $0xFFFFE000  }
0x16b: {  	_ =	swait.ge [sflag:s9], $0x2000  }
0x16c: {  	[sflag:s9] =	ssyncset.done $0x0  }
0x16d: {  	s15 =	simm.s32 $0x0;
	s18 =	rddreg [dreg:$0xc];
	[sflag:s9] =	ssyncadd.s32 $0xFFFFE000  }
0x16e: {  	[tilespmem:s15], [sflag:$0x9] =	stream.linear.gather [hbm4b:s18+s15], $0x1400, $0x38;
	[tilespmem:$0x1E240] =	vst v63  }
0x16f: {  	_ =	swait.ge [sflag:s17], $0x1400  }
0x170: {  	[sflag:s17] =	ssyncset.done $0x0  }
0x171: {  	s18 =	rddreg [dreg:$0xd];
	[sflag:s17] =	ssyncadd.s32 $0xFFFFEC00  }
0x172: {  	[tilespmem:s20], [sflag:$0x9] =	stream.linear.gather [hbm4b:s18+s15], $0x1400, $0x38;
	[tilespmem:$0x1E240] =	vst v63  }
0x173: {  	_ =	swait.ge [sflag:s17], $0x1400  }
0x174: {  	[sflag:s17] =	ssyncset.done $0x0  }
0x175: {  	[sflag:s17] =	ssyncadd.s32 $0xFFFFEC00  }
0x176: {  	[tilespmem:s22], [sflag:$0x1] =	stream.indirect.gather [spmem:s3], $0x40, s15, s21, $0xb8;
	[tilespmem:$0x1E240] =	vst v63  }
0x177: {  	_ = 	snop  }
0x178: {  	[tilespmem:s23], [sflag:$0x2] =	stream.indirect.gather [spmem:s3], $0x40, s21, s21, $0xb8;
	[tilespmem:$0x1E240] =	vst v63  }
0x179: {  	_ = 	snop  }
0x17a: {  	[tilespmem:s26], [sflag:$0x3] =	stream.indirect.gather [spmem:s3], $0x40, s25, s21, $0xb8;
	[tilespmem:$0x1E240] =	vst v63  }
0x17b: {  	_ = 	snop  }
0x17c: {  	[tilespmem:s29], [sflag:$0x4] =	stream.indirect.gather [spmem:s3], $0x40, s28, s21, $0xb8;
	[tilespmem:$0x1E240] =	vst v63  }
0x17d: {  	_ =	swait.ge [sflag:s30], $0x2000  }
0x17e: {  	[sflag:s30] =	ssyncset.done $0x0  }
0x17f: {  	[sflag:s30] =	ssyncadd.s32 $0xFFFFE000  }
0x180: {  	[spmem:s1] =	stream.indirect.scatter.add.f32 [tilespmem:s22], [sflag:$0x5], $0x40, s20, s21, $0xb8;
	[tilespmem:$0x1E240] =	vst v63  }
0x181: {  	_ =	swait.ge [sflag:s31], $0x2000  }
0x182: {  	[sflag:s31] =	ssyncset.done $0x0  }
0x183: {  	s18 =	simm.s32 $0x1480;
	[sflag:s31] =	ssyncadd.s32 $0xFFFFE000  }
0x184: {  	[spmem:s1] =	stream.indirect.scatter.add.f32 [tilespmem:s23], [sflag:$0x6], $0x40, s18, s21, $0xb8;
	[tilespmem:$0x1E240] =	vst v63  }
0x185: {  	_ =	swait.ge [sflag:s0], $0x2000  }
0x186: {  	[sflag:s0] =	ssyncset.done $0x0  }
0x187: {  	s16 =	simm.s32 $0x200;
	[sflag:s0] =	ssyncadd.s32 $0xFFFFE000  }
0x188: {  	[tilespmem:s22], [sflag:$0x1] =	stream.indirect.gather [spmem:s3], $0x40, s16, s21, $0xb8;
	[tilespmem:$0x1E240] =	vst v63  }
0x189: {  	_ =	swait.ge [sflag:s2], $0x2000  }
0x18a: {  	[sflag:s2] =	ssyncset.done $0x0  }
0x18b: {  	s18 =	simm.s32 $0x1500;
	[sflag:s2] =	ssyncadd.s32 $0xFFFFE000  }
0x18c: {  	[spmem:s1] =	stream.indirect.scatter.add.f32 [tilespmem:s26], [sflag:$0x7], $0x40, s18, s21, $0xb8;
	[tilespmem:$0x1E240] =	vst v63  }
0x18d: {  	_ =	swait.ge [sflag:s5], $0x2000  }
0x18e: {  	[sflag:s5] =	ssyncset.done $0x0  }
0x18f: {  	s16 =	simm.s32 $0x280;
	[sflag:s5] =	ssyncadd.s32 $0xFFFFE000  }
0x190: {  	[tilespmem:s23], [sflag:$0x2] =	stream.indirect.gather [spmem:s3], $0x40, s16, s21, $0xb8;
	[tilespmem:$0x1E240] =	vst v63  }
0x191: {  	_ =	swait.ge [sflag:s6], $0x2000  }
0x192: {  	[sflag:s6] =	ssyncset.done $0x0  }
0x193: {  	s18 =	simm.s32 $0x1580;
	[sflag:s6] =	ssyncadd.s32 $0xFFFFE000  }
0x194: {  	[spmem:s1] =	stream.indirect.scatter.add.f32 [tilespmem:s29], [sflag:$0x8], $0x40, s18, s21, $0xb8;
	[tilespmem:$0x1E240] =	vst v63  }
0x195: {  	_ =	swait.ge [sflag:s8], $0x2000  }
0x196: {  	[sflag:s8] =	ssyncset.done $0x0  }
0x197: {  	s16 =	simm.s32 $0x300;
	[sflag:s8] =	ssyncadd.s32 $0xFFFFE000  }
0x198: {  	[tilespmem:s26], [sflag:$0x3] =	stream.indirect.gather [spmem:s3], $0x40, s16, s21, $0xb8;
	[tilespmem:$0x1E240] =	vst v63  }
0x199: {  	_ =	swait.ge [sflag:s30], $0x2000  }
0x19a: {  	[sflag:s30] =	ssyncset.done $0x0  }
0x19b: {  	s18 =	simm.s32 $0x1600;
	[sflag:s30] =	ssyncadd.s32 $0xFFFFE000  }
0x19c: {  	[spmem:s1] =	stream.indirect.scatter.add.f32 [tilespmem:s22], [sflag:$0x5], $0x40, s18, s21, $0xb8;
	[tilespmem:$0x1E240] =	vst v63  }
0x19d: {  	_ =	swait.ge [sflag:s9], $0x2000  }
0x19e: {  	[sflag:s9] =	ssyncset.done $0x0  }
0x19f: {  	s15 =	simm.s32 $0x800;
	s16 =	simm.s32 $0x380;
	[sflag:s9] =	ssyncadd.s32 $0xFFFFE000  }
.LBB2_8:
0x1a0: {  	[tilespmem:s29], [sflag:$0x4] =	stream.indirect.gather [spmem:s3], $0x40, s16, s21, $0xb8;
	[tilespmem:$0x1E240] =	vst v63  }
0x1a1: {  	s16 =	smov.u32 s15  }
0x1a2: {  	p0 =	sne.s32 s15, $0x4000;
	s15 =	sadd.s32 $0x800, s15;
	_ =	swait.ge [sflag:s31], $0x2000  }
0x1a3: {  	s16 =	sshra.s32 s16, $0x2;
	[sflag:s31] =	ssyncset.done $0x0  }
0x1a4: {  	s18 =	sadd.s32 $0x1480, s16;
	[sflag:s31] =	ssyncadd.s32 $0xFFFFE000  }
0x1a5: {  	[spmem:s1] =	stream.indirect.scatter.add.f32 [tilespmem:s23], [sflag:$0x6], $0x40, s18, s21, $0xb8;
	[tilespmem:$0x1E240] =	vst v63  }
0x1a6: {  	_ =	swait.ge [sflag:s0], $0x2000  }
0x1a7: {  	[sflag:s0] =	ssyncset.done $0x0  }
0x1a8: {  	s18 =	sadd.s32 $0x200, s16;
	[sflag:s0] =	ssyncadd.s32 $0xFFFFE000  }
0x1a9: {  	[tilespmem:s22], [sflag:$0x1] =	stream.indirect.gather [spmem:s3], $0x40, s18, s21, $0xb8;
	[tilespmem:$0x1E240] =	vst v63  }
0x1aa: {  	_ =	swait.ge [sflag:s2], $0x2000  }
0x1ab: {  	[sflag:s2] =	ssyncset.done $0x0  }
0x1ac: {  	s18 =	sadd.s32 $0x1500, s16;
	[sflag:s2] =	ssyncadd.s32 $0xFFFFE000  }
0x1ad: {  	[spmem:s1] =	stream.indirect.scatter.add.f32 [tilespmem:s26], [sflag:$0x7], $0x40, s18, s21, $0xb8;
	[tilespmem:$0x1E240] =	vst v63  }
0x1ae: {  	_ =	swait.ge [sflag:s5], $0x2000  }
0x1af: {  	[sflag:s5] =	ssyncset.done $0x0  }
0x1b0: {  	s18 =	sadd.s32 $0x280, s16;
	[sflag:s5] =	ssyncadd.s32 $0xFFFFE000  }
0x1b1: {  	[tilespmem:s23], [sflag:$0x2] =	stream.indirect.gather [spmem:s3], $0x40, s18, s21, $0xb8;
	[tilespmem:$0x1E240] =	vst v63  }
0x1b2: {  	_ =	swait.ge [sflag:s6], $0x2000  }
0x1b3: {  	[sflag:s6] =	ssyncset.done $0x0  }
0x1b4: {  	s18 =	sadd.s32 $0x1580, s16;
	[sflag:s6] =	ssyncadd.s32 $0xFFFFE000  }
0x1b5: {  	[spmem:s1] =	stream.indirect.scatter.add.f32 [tilespmem:s29], [sflag:$0x8], $0x40, s18, s21, $0xb8;
	[tilespmem:$0x1E240] =	vst v63  }
0x1b6: {  	_ =	swait.ge [sflag:s8], $0x2000  }
0x1b7: {  	[sflag:s8] =	ssyncset.done $0x0  }
0x1b8: {  	s18 =	sadd.s32 $0x300, s16;
	[sflag:s8] =	ssyncadd.s32 $0xFFFFE000  }
0x1b9: {  	[tilespmem:s26], [sflag:$0x3] =	stream.indirect.gather [spmem:s3], $0x40, s18, s21, $0xb8;
	[tilespmem:$0x1E240] =	vst v63  }
0x1ba: {  	_ =	swait.ge [sflag:s30], $0x2000  }
0x1bb: {  	[sflag:s30] =	ssyncset.done $0x0  }
.Ltmp3:
0x1bc: {  	s18 =	sadd.s32 $0x1600, s16;
	[sflag:s30] =	ssyncadd.s32 $0xFFFFE000;
	(pc) =	sbr.rel @p0 .LBB2_8-.Ltmp3, $4  }
0x1bd: {  	[spmem:s1] =	stream.indirect.scatter.add.f32 [tilespmem:s22], [sflag:$0x5], $0x40, s18, s21, $0xb8;
	[tilespmem:$0x1E240] =	vst v63  }
0x1be: {  	_ =	swait.ge [sflag:s9], $0x2000  }
0x1bf: {  	[sflag:s9] =	ssyncset.done $0x0  }
0x1c0: {  	s16 =	sadd.s32 $0x380, s16;
	[sflag:s9] =	ssyncadd.s32 $0xFFFFE000  }
0x1c1: {  	[tilespmem:s29], [sflag:$0x4] =	stream.indirect.gather [spmem:s3], $0x40, s16, s21, $0xb8;
	[tilespmem:$0x1E240] =	vst v63  }
0x1c2: {  	_ =	swait.ge [sflag:s31], $0x2000  }
0x1c3: {  	[sflag:s31] =	ssyncset.done $0x0  }
0x1c4: {  	[sflag:s31] =	ssyncadd.s32 $0xFFFFE000  }
0x1c5: {  	[spmem:s1] =	stream.indirect.scatter.add.f32 [tilespmem:s23], [sflag:$0x6], $0x40, s10, s21, $0xb8;
	[tilespmem:$0x1E240] =	vst v63  }
0x1c6: {  	_ =	swait.ge [sflag:s0], $0x2000  }
0x1c7: {  	[sflag:s0] =	ssyncset.done $0x0  }
0x1c8: {  	[sflag:s0] =	ssyncadd.s32 $0xFFFFE000  }
0x1c9: {  	_ =	swait.ge [sflag:s2], $0x2000  }
0x1ca: {  	[sflag:s2] =	ssyncset.done $0x0  }
0x1cb: {  	[sflag:s2] =	ssyncadd.s32 $0xFFFFE000  }
0x1cc: {  	[spmem:s1] =	stream.indirect.scatter.add.f32 [tilespmem:s26], [sflag:$0x7], $0x40, s11, s21, $0xb8;
	[tilespmem:$0x1E240] =	vst v63  }
0x1cd: {  	_ =	swait.ge [sflag:s5], $0x2000  }
0x1ce: {  	[sflag:s5] =	ssyncset.done $0x0  }
0x1cf: {  	[sflag:s5] =	ssyncadd.s32 $0xFFFFE000  }
0x1d0: {  	_ =	swait.ge [sflag:s6], $0x2000  }
0x1d1: {  	[sflag:s6] =	ssyncset.done $0x0  }
0x1d2: {  	[sflag:s6] =	ssyncadd.s32 $0xFFFFE000  }
0x1d3: {  	[spmem:s1] =	stream.indirect.scatter.add.f32 [tilespmem:s29], [sflag:$0x8], $0x40, s12, s21, $0xb8;
	[tilespmem:$0x1E240] =	vst v63  }
0x1d4: {  	_ =	swait.ge [sflag:s8], $0x2000  }
0x1d5: {  	[sflag:s8] =	ssyncset.done $0x0  }
0x1d6: {  	[sflag:s8] =	ssyncadd.s32 $0xFFFFE000  }
0x1d7: {  	_ =	swait.ge [sflag:s9], $0x2000  }
0x1d8: {  	[sflag:s9] =	ssyncset.done $0x0  }
0x1d9: {  	[sflag:s9] =	ssyncadd.s32 $0xFFFFE000  }
0x1da: {  	[bflag:$0x0] =	sbarrier.arrive $0xFFFF  }
0x1db: {  	[hbm:s24], [sflag:s7] =	dma.local [spmem:s14], $0x13C0  }
0x1dc: {  	_ =	swait.ge [sflag:s17], $0x13C0  }
0x1dd: {  	s13 =	sadd.s32 $0x1, s13;
	s18 =	rddreg [dreg:$0xe]  }
0x1de: {  	p0 =	sne.s32 s13, s18  }
.Ltmp4:
0x1df: {  	_ = 	snop;
	(pc) =	sbr.rel @p0 .LBB2_1-.Ltmp4, $3  }
0x1e0: {  	_ =	sdelay $0x1  }
0x1e1: {  	[sflag:s17] =	ssyncset.done $0x0  }
0x1e2: {  	[sflag:s17] =	ssyncadd.s32 $0xFFFFEC40  }
0x1e3: {  	_ =	sfence.sel $0x180000  }
0x1e4: {  	[bflag:$0x0] =	sbarrier.arrive $0xFFFF  }
0x1e5: {  	_ =	strace $0x9000004D  }
0x1e6: {  	s0 =	stileid.u32;
	[bflag:$0x2] =	sbarrier.arrive $0xFFFF  }
0x1e7: {  	p0 =	sne.s32 s0, $0x0;
	s0 =	rddreg [dreg:$0x3]  }
0x1e8: {  	s0 =	sadd.s32 @!p0 $0x100000, s0  }
0x1e9: {  	[sflag:s0] =	ssyncadd.tile.s32 @!p0 $0x1;
	_ =	shalt  }
.Lfunc_end2:
_tile_overlayer_lowered:
.L_overlay_start_2:
0x1ea: {  	(tag) =	ssettag $0x2  }
0x1eb: {  	s0 =	rddreg [dreg:$0x0];
	s2 =	stileid.u32  }
0x1ec: {  	s1 =	rddreg [dreg:$0x1];
	p0 =	sne.s32 s2, $0x0  }
0x1ed: {  	s3 =	rddreg [dreg:$0x2];
	[bflag:$0x3] =	sbarrier.arrive $0xFFFF;
	s2 =	simm.s32 @!p0 $0x1C09  }
0x1ee: {  	[timem:s3], [sflag:s2] =	dma.local @!p0 [hbm:s0], s1  }
0x1ef: {  	s0 =	simm.s32 @!p0 $0x9  }
0x1f0: {  	_ =	swait.ge @!p0 [sflag:s0], s1  }
0x1f1: {  	s1 =	ssub.s32 @!p0 $0x0, s1;
	[sflag:s0] =	ssyncset.done @!p0 $0x0  }
0x1f2: {  	[sflag:s0] =	ssyncadd.s32 @!p0 s1  }
0x1f3: {  	[bflag:$0x3] =	sbarrier.arrive $0xFFFF  }
0x1f4: {  	_ =	shalt  }

// kernel: kernel.9.cloned.1.call-start
scs
__scs_entry_jumppad:
0x0: {  	(pc) =	sbr.rel $0x88, $3  }
0x1: {  	(tag) =	ssettag $0x0;
	lr =	simm.s32 $0x1  }
0x2: {  	[smem:$0x3F98] =	sst lr;
	_ =	strace $0xD0000000  }
0x3: {  	_ = 	snop  }
0x4: {  	_ = 	snop  }
0x5: {  	_ = 	snop  }
0x6: {  	_ = 	snop  }
0x7: {  	_ = 	snop  }
__scs_overlays_trampoline_lowered:
0x8: {  	[smem:$0x3FA7] =	sst s0  }
0x9: {  	[smem:$0x3FA8] =	sst s1  }
0xa: {  	[smem:$0x3FA9] =	sst s2  }
0xb: {  	[smem:$0x3FAA] =	sst s3  }
0xc: {  	[smem:$0x3FAB] =	sst s4  }
0xd: {  	[smem:$0x3FAC] =	sst s5  }
0xe: {  	[smem:$0x3FAD] =	sst s6  }
0xf: {  	[smem:$0x3FAE] =	sst s7  }
0x10: {  	[smem:$0x3FAF] =	sst s8  }
0x11: {  	[smem:$0x3FB0] =	sst s9;
	s0 =	simm.s32 @!p0 $0x0  }
0x12: {  	s1 =	sld [smem:$0x3F96];
	s0 =	simm.s32 @p0 $0x1  }
0x13: {  	[smem:$0x3FB1] =	sst s0;
	s0 =	simm.s32 @!p1 $0x0  }
0x14: {  	s2 =	sld [smem:$0x3F95];
	s0 =	simm.s32 @p1 $0x1  }
0x15: {  	[smem:$0x3FB2] =	sst s0;
	s0 =	simm.s32 @!p2 $0x0  }
0x16: {  	s3 =	sld [smem:$0x3FDB];
	s0 =	simm.s32 @p2 $0x1  }
0x17: {  	s4 =	simm.s32 $0x1BF5;
	[smem:$0x3FB4] =	sst s0  }
0x18: {  	s0 =	sld [smem:$0x3F97];
	_ =	swait.ge [sflag:s4], $0x0  }
0x19: {  	s7 =	sld [smem:$0x3F98]  }
0x1a: {  	s8 =	sadd.s32 $0xFFFFE003, lr  }
0x1b: {  	s9 =	sadd.s32 $0xFFFFFEF7, lr;
	s5 =	simm.s32 $0xFFFFFFFF;
	p2 =	slt.u32 s8, $0xFFFFF086  }
0x1c: {  	p1 =	slt.u32 s9, $0xF7A;
	s5 =	simm.s32 @!p2 $0x0  }
0x1d: {  	s5 =	simm.s32 @p1 $0x1;
	p0 =	seq.s32 s7, s2  }
0x1e: {  	s7 =	smul.u32 @!p0 $0xF7A, s2;
	p2 =	seq.s32 @!p0 s5, $0x0  }
0x1f: {  	s9 =	smul.u32 $0xF7A, s1;
	s8 =	simm.s32 @!p0 $0x1BF5;
	p2 =	por !p2, p0  }
0x20: {  	[sflag:s8] =	ssyncset.s32 @!p0 $0xFFFFF086;
	s6 =	sadd.s32 @!p0 s3, s7;
	s7 =	simm.s32 @!p0 $0x108  }
0x21: {  	s3 =	sadd.s32 s3, s9;
	s6 =	sadd.s32 @!p0 $0x88, s6;
	s7 =	simm.s32 @p2 $0x1082  }
0x22: {  	[simem:s7], [sflag:s8] =	dma.local @!p0 [hbm:s6], $0xF7A  }
0x23: {  	s9 =	sor.u32 $0xD0000000, s2;
	s6 =	simm.s32 $0x108;
	_ =	swait.ge @!p0 [sflag:s8], $0x0  }
0x24: {  	s3 =	sadd.s32 $0x88, s3;
	s6 =	simm.s32 @!p1 $0x1082;
	[sflag:s4] =	ssyncset.s32 $0xFFFFF086  }
0x25: {  	[simem:s6], [sflag:s4] =	dma.local [hbm:s3], $0xF7A  }
0x26: {  	[smem:$0x3F98] =	sst s1;
	(tag) =	ssettag s2;
	_ =	strace s9  }
0x27: {  	s1 =	sld [smem:$0x3FA8]  }
0x28: {  	s2 =	sld [smem:$0x3FA9]  }
0x29: {  	s4 =	sld [smem:$0x3FAB]  }
0x2a: {  	p0 =	seq.s32 s5, $0x0;
	s5 =	sld [smem:$0x3FAC]  }
0x2b: {  	s6 =	sld [smem:$0x3FAD]  }
0x2c: {  	s7 =	sld [smem:$0x3FAE]  }
0x2d: {  	s3 =	simm.s32 $0x108;
	s8 =	sld [smem:$0x3FAF]  }
0x2e: {  	s3 =	simm.s32 @!p0 $0x1082;
	s9 =	sld [smem:$0x3FB0]  }
0x2f: {  	lr =	sadd.s32 s0, s3;
	s0 =	sld [smem:$0x3FA7]  }
0x30: {  	s3 =	sld [smem:$0x3FAA]  }
0x31: {  	[smem:$0x3FB3] =	sst s10  }
0x32: {  	s10 =	sld [smem:$0x3FB1];
	_ =	sdelay $0x3  }
0x33: {  	p0 =	seq.s32 s10, $0x1;
	s10 =	sld [smem:$0x3FB3];
	_ =	sdelay $0x3  }
0x34: {  	[smem:$0x3FB3] =	sst s10  }
0x35: {  	s10 =	sld [smem:$0x3FB2];
	_ =	sdelay $0x3  }
0x36: {  	p1 =	seq.s32 s10, $0x1;
	s10 =	sld [smem:$0x3FB3];
	_ =	sdelay $0x3  }
0x37: {  	[smem:$0x3FB3] =	sst s10  }
0x38: {  	s10 =	sld [smem:$0x3FB4]  }
0x39: {  	_ = 	snop;
	(pc) =	sbr.ind lr, $3  }
0x3a: {  	_ = 	snop  }
0x3b: {  	_ = 	snop  }
0x3c: {  	p2 =	seq.s32 s10, $0x1;
	s10 =	sld [smem:$0x3FB3]  }
0x3d: {  	_ =	shalt  }
0x3e: {  	_ =	shalt  }
0x3f: {  	_ =	shalt  }
0x40: {  	_ =	shalt  }
0x41: {  	_ =	shalt  }
0x42: {  	_ =	shalt  }
0x43: {  	_ =	shalt  }
0x44: {  	_ =	shalt  }
0x45: {  	_ =	shalt  }
0x46: {  	_ =	shalt  }
0x47: {  	_ =	shalt  }
0x48: {  	_ =	shalt  }
0x49: {  	_ =	shalt  }
0x4a: {  	_ =	shalt  }
0x4b: {  	_ =	shalt  }
0x4c: {  	_ =	shalt  }
0x4d: {  	_ =	shalt  }
0x4e: {  	_ =	shalt  }
0x4f: {  	_ =	shalt  }
0x50: {  	_ =	shalt  }
0x51: {  	_ =	shalt  }
0x52: {  	_ =	shalt  }
0x53: {  	_ =	shalt  }
0x54: {  	_ =	shalt  }
0x55: {  	_ =	shalt  }
0x56: {  	_ =	shalt  }
0x57: {  	_ =	shalt  }
0x58: {  	_ =	shalt  }
0x59: {  	_ =	shalt  }
0x5a: {  	_ =	shalt  }
0x5b: {  	_ =	shalt  }
0x5c: {  	_ =	shalt  }
0x5d: {  	_ =	shalt  }
0x5e: {  	_ =	shalt  }
0x5f: {  	_ =	shalt  }
0x60: {  	_ =	shalt  }
0x61: {  	_ =	shalt  }
0x62: {  	_ =	shalt  }
0x63: {  	_ =	shalt  }
0x64: {  	_ =	shalt  }
0x65: {  	_ =	shalt  }
0x66: {  	_ =	shalt  }
0x67: {  	_ =	shalt  }
0x68: {  	_ =	shalt  }
0x69: {  	_ =	shalt  }
0x6a: {  	_ =	shalt  }
0x6b: {  	_ =	shalt  }
0x6c: {  	_ =	shalt  }
0x6d: {  	_ =	shalt  }
0x6e: {  	_ =	shalt  }
0x6f: {  	_ =	shalt  }
0x70: {  	_ =	shalt  }
0x71: {  	_ =	shalt  }
0x72: {  	_ =	shalt  }
0x73: {  	_ =	shalt  }
0x74: {  	_ =	shalt  }
0x75: {  	_ =	shalt  }
0x76: {  	_ =	shalt  }
0x77: {  	_ =	shalt  }
0x78: {  	_ =	shalt  }
0x79: {  	_ =	shalt  }
0x7a: {  	_ =	shalt  }
0x7b: {  	_ =	shalt  }
0x7c: {  	_ =	shalt  }
0x7d: {  	_ =	shalt  }
0x7e: {  	_ =	shalt  }
0x7f: {  	_ =	shalt  }
0x80: {  	_ =	shalt  }
0x81: {  	_ =	shalt  }
0x82: {  	_ =	shalt  }
0x83: {  	_ =	shalt  }
0x84: {  	_ =	shalt  }
0x85: {  	_ =	shalt  }
0x86: {  	_ =	shalt  }
0x87: {  	_ =	shalt  }
.Lfunc_end0:
.L_simem_size_0:
called_computation_lowered:
.L_overlay_start_0:
0x88: {  	s2 =	sld [smem:$0x3FD9]  }
0x89: {  	s3 =	sld [smem:$0x3FFE];
	_ =	sdelay $0x1  }
0x8a: {  	s1 =	srdreg.scid  }
0x8b: {  	s0 =	sand.u32 $0x1, s1  }
0x8c: {  	s16 =	sshll.u32 s0, $0xA;
	s2 =	sadd.s32 s3, s2  }
0x8d: {  	s2 =	sadd.s32 s2, s16  }
0x8e: {  	[smem:$0x3FBF] =	sst s2  }
0x8f: {  	_ = 	snop  }
0x90: {  	(tm) =	ssettm $0x1  }
0x91: {  	s17 =	sld [smem:$0x3FFB];
	_ =	sdelay $0x3  }
0x92: {  	_ =	strace s17  }
0x93: {  	s2 =	sld [smem:$0x3FFC];
	_ =	sdelay $0x3  }
0x94: {  	_ =	strace s2  }
0x95: {  	s2 =	sld [smem:$0x3FFD];
	_ =	sdelay $0x3  }
0x96: {  	_ =	strace s2  }
0x97: {  	_ =	strace $0x8FFFFFFF  }
0x98: {  	s18 =	sld [smem:$0x3FDB];
	_ =	sdelay $0x1  }
0x99: {  	s19 =	simm.s32 $_scs_section_size  }
0x9a: {  	s4 =	simm.s32 $_size__tile_overlayer_lowered;
	s5 =	simm.s32 $_tile_overlayer_lowered  }
0x9b: {  	s22 =	simm.s32 $0x1BFF;
	s21 =	sshll.u32 s5, $0x1;
	s2 =	sadd.s32 s19, s18  }
0x9c: {  	s6 =	simm.s32 $0x0;
	s20 =	sshll.u32 s4, $0x1;
	s4 =	sadd.s32 s21, s2  }
0x9d: {  	[timem:s6], [sflag:s22] =	dma.local [hbm:s4], s20  }
0x9e: {  	_ =	swait.ge [sflag:s22], s20  }
0x9f: {  	s3 =	ssub.s32 $0x0, s20;
	[sflag:s22] =	ssyncset.done $0x0  }
0xa0: {  	[sflag:s22] =	ssyncadd.s32 s3;
	_ =	sdelay $0x1  }
0xa1: {  	s23 =	simm.s32 $0x1B8B  }
0xa2: {  	_ =	swait.ge [sflag:s23], $0x1  }
0xa3: {  	[sflag:s23] =	ssyncset.done $0x0  }
0xa4: {  	s25 =	simm.s32 $0x1B8E;
	s24 =	sld [smem:$0x3FFE];
	[sflag:s23] =	ssyncadd.s32 $0xFFFFFFFF  }
0xa5: {  	s26 =	simm.s32 $execute0_lowered;
	[smem:$0x3FD2] =	sst s25  }
0xa6: {  	s4 =	sshll.u32 s26, $0x1;
	_ =	strace $0x80000046;
	[dreg:$0x1] =	wrdreg $0xFFFFFFFF  }
0xa7: {  	s28 =	simm.s32 $_size_execute0_lowered;
	s2 =	sadd.s32 s2, s4;
	[dreg:$0x0] =	wrdreg $0x0  }
0xa8: {  	s4 =	sshll.u32 s28, $0x1;
	[dreg:$0x2] =	wrdreg s2  }
0xa9: {  	[dreg:$0x3] =	wrdreg s4  }
0xaa: {  	[dreg:$0x4] =	wrdreg $0xC0  }
0xab: {  	_ =	task [dreg:s6], $0x5FFFF  }
0xac: {  	[dreg:$0x1] =	wrdreg $0xFFFFFFFF  }
0xad: {  	[dreg:$0x0] =	wrdreg $0x60  }
0xae: {  	[dreg:$0x2] =	wrdreg s24  }
0xaf: {  	[dreg:$0x3] =	wrdreg $0x48000  }
0xb0: {  	[dreg:$0x4] =	wrdreg $0x9  }
0xb1: {  	_ =	task.clear_ibuf [dreg:s6], $0x5FFFF;
	_ =	strace $0x90000046  }
0xb2: {  	s29 =	simm.s32 $0x9;
	_ =	strace $0x80000048  }
0xb3: {  	_ =	swait.ge [sflag:s29], $0x1  }
0xb4: {  	[sflag:s29] =	ssyncadd.s32 $0xFFFFFFFF  }
0xb5: {  	_ =	strace $0x90000048  }
0xb6: {  	_ =	sfence  }
0xb7: {  	s30 =	sld [smem:$0x0];
	_ =	sdelay $0x2  }
0xb8: {  	s31 =	sshll.u32 s1, $0xD;
	s1 =	sshrl.u32 s1, $0x2  }
0xb9: {  	s3 =	sand.u32 $0x4000, s31;
	s1 =	sadd.s32 s1, s30  }
0xba: {  	s0 =	sor.u32 s3, s0;
	s1 =	sshll.u32 s1, $0x11  }
0xbb: {  	s0 =	sor.u32 s1, s0  }
0xbc: {  	s0 =	sadd.s32 $0x8F2B, s0  }
0xbd: {  	[sflag:s0] =	ssyncadd.remote.s32 $0x1  }
0xbe: {  	_ =	sfence.sel $0xFFFF  }
0xbf: {  	[dreg:$0x0] =	wrdreg $0xFFFFFFFF;
	(pc) =	sbr.abs _section_cstart, $3  }
0xc0: {  	[dreg:$0x1] =	wrdreg $0xFFFFFFFF  }
0xc1: {  	_ =	task.clear_ibuf [dreg:s6], $0x2FFFF;
	_ =	strace $0x9FFFFFFF  }
0xc2: {  	(tm) =	ssettm $0x7FFFFFFF  }
0xc3: {  	_ =	shalt  }
tec
execute0_lowered:
.L_overlay_start_1:
0x0: {  	(tag) =	ssettag $0x1  }
0x1: {  	s5 =	rddreg [dreg:$0x0]  }
0x2: {  	s0 =	srdreg.scid;
	s2 =	rddreg [dreg:$0x1]  }
0x3: {  	s1 =	stileid.u32;
	s3 =	simm.s32 $0x0;
	s12 =	simm.s32 $0x80  }
0x4: {  	s13 =	simm.s32 $0x100;
	s14 =	simm.s32 $0x180;
	s15 =	simm.s32 $0x200  }
0x5: {  	s16 =	simm.s32 $0x280;
	s17 =	simm.s32 $0x300;
	s18 =	simm.s32 $0x380  }
0x6: {  	s19 =	simm.s32 $0x1;
	s4 =	sand.u32 $0x1, s0;
	s0 =	rddreg [dreg:$0x2]  }
0x7: {  	s7 =	smul.u32 $0x9E00, s1;
	[smem:$0x7FF] =	sst s3;
	s31 =	sshll.u32 s1, $0x6  }
0x8: {  	s6 =	sshll.u32 s4, $0x4;
	_ =	strace $0x80000047;
	s8 =	smul.u32 $0x13C00, s4  }
0x9: {  	s10 =	ssub.s32 $0x2, s4;
	s4 =	sadd.s32 $0x1FA00, s5;
	s6 =	sor.u32 s1, s6  }
0xa: {  	s20 =	sshrl.u32 s7, $0x3;
	s30 =	sshrl.u32 s10, $0x1;
	s11 =	sadd.s32 s7, s2  }
0xb: {  	s6 =	smul.u32 $0x500, s6;
	s8 =	sadd.s32 s8, s5;
	s10 =	ssub.s32 s10, s30  }
0xc: {  	s29 =	sadd.s32 s20, s5;
	s21 =	sadd.s32 $0x1FE00, s8;
	s8 =	smax.u32 s10, $0x1  }
0xd: {  	s10 =	simm.s32 $0x2;
	s9 =	sadd.s32 s6, s5;
	s5 =	sadd.s32 $0xBE00, s29  }
0xe: {  	s6 =	sor.u32 $0x1C02, s31;
	s20 =	sadd.s32 s20, s21;
	s21 =	simm.s32 $0x0  }
0xf: {  	s7 =	sadd.s32 $0x1E00, s9;
	s9 =	sshrl.u32 s11, $0x3;
	s11 =	simm.s32 $0x2800  }
.LBB2_1:
0x10: {  	[spmem:s9], [sflag:s6] =	dma.local [hbm:s5], $0x13C0  }
0x11: {  	_ =	swait.ge [sflag:s10], $0x13C0  }
0x12: {  	[sflag:s10] =	ssyncset.done $0x0  }
0x13: {  	[sflag:s10] =	ssyncadd.s32 $0xFFFFEC40  }
0x14: {  	[tilespmem:s11], [sflag:$0x2] =	stream.linear.gather [hbm4b:s4+s3], $0x2000, $0x38;
	[tilespmem:$0xE600] =	vst v63  }
0x15: {  	_ =	swait.ge [sflag:s10], $0x2000  }
0x16: {  	[sflag:s10] =	ssyncset.done $0x0  }
0x17: {  	[sflag:s10] =	ssyncadd.s32 $0xFFFFE000  }
0x18: {  	[tilespmem:s3], [sflag:$0x2] =	stream.linear.gather [hbm4b:s7+s3], $0x2800, $0x38;
	[tilespmem:$0xE600] =	vst v63  }
0x19: {  	_ =	swait.ge [sflag:s10], $0x2800  }
0x1a: {  	[sflag:s10] =	ssyncset.done $0x0  }
0x1b: {  	[sflag:s10] =	ssyncadd.s32 $0xFFFFD800  }
0x1c: {  	[bflag:$0x0] =	sbarrier.arrive $0xFFFF  }
0x1d: {  	[spmem:s2] =	stream.indirect.scatter.add.f32 [tilespmem:s11], [sflag:$0x1], $0x40, s3, s12, $0xb8;
	[tilespmem:$0xE600] =	vst v63  }
0x1e: {  	_ = 	snop  }
0x1f: {  	[spmem:s2] =	stream.indirect.scatter.add.f32 [tilespmem:s11], [sflag:$0x1], $0x40, s12, s12, $0xb8;
	[tilespmem:$0xE600] =	vst v63  }
0x20: {  	_ = 	snop  }
0x21: {  	[spmem:s2] =	stream.indirect.scatter.add.f32 [tilespmem:s11], [sflag:$0x1], $0x40, s13, s12, $0xb8;
	[tilespmem:$0xE600] =	vst v63  }
0x22: {  	_ = 	snop  }
0x23: {  	[spmem:s2] =	stream.indirect.scatter.add.f32 [tilespmem:s11], [sflag:$0x1], $0x40, s14, s12, $0xb8;
	[tilespmem:$0xE600] =	vst v63  }
0x24: {  	_ = 	snop  }
0x25: {  	[spmem:s2] =	stream.indirect.scatter.add.f32 [tilespmem:s11], [sflag:$0x1], $0x40, s15, s12, $0xb8;
	[tilespmem:$0xE600] =	vst v63  }
0x26: {  	_ = 	snop  }
0x27: {  	[spmem:s2] =	stream.indirect.scatter.add.f32 [tilespmem:s11], [sflag:$0x1], $0x40, s16, s12, $0xb8;
	[tilespmem:$0xE600] =	vst v63  }
0x28: {  	_ = 	snop  }
0x29: {  	[spmem:s2] =	stream.indirect.scatter.add.f32 [tilespmem:s11], [sflag:$0x1], $0x40, s17, s12, $0xb8;
	[tilespmem:$0xE600] =	vst v63  }
0x2a: {  	_ = 	snop  }
0x2b: {  	[spmem:s2] =	stream.indirect.scatter.add.f32 [tilespmem:s11], [sflag:$0x1], $0x40, s18, s12, $0xb8;
	[tilespmem:$0xE600] =	vst v63  }
0x2c: {  	s22 =	simm.s32 $0x400  }
0x2d: {  	[spmem:s2] =	stream.indirect.scatter.add.f32 [tilespmem:s11], [sflag:$0x1], $0x40, s22, s12, $0xb8;
	[tilespmem:$0xE600] =	vst v63  }
0x2e: {  	_ =	swait.ge [sflag:s19], $0x2000  }
0x2f: {  	s22 =	simm.s32 $0x1200;
	[sflag:s19] =	ssyncset.done $0x0  }
.LBB2_2:
0x30: {  	s23 =	sshra.s32 s22, $0x2;
	[sflag:s19] =	ssyncadd.s32 $0xFFFFE000;
	p0 =	sne.s32 s22, $0x9E00  }
0x31: {  	[spmem:s2] =	stream.indirect.scatter.add.f32 [tilespmem:s11], [sflag:$0x1], $0x40, s23, s12, $0xb8;
	[tilespmem:$0xE600] =	vst v63  }
.Ltmp0:
0x32: {  	_ = 	snop;
	(pc) =	sbr.rel @p0 .LBB2_2-.Ltmp0, $4  }
0x33: {  	_ = 	snop  }
0x34: {  	s22 =	sadd.s32 $0x200, s22  }
0x35: {  	_ =	swait.ge [sflag:s19], $0x2000  }
0x36: {  	[sflag:s19] =	ssyncset.done $0x0  }
0x37: {  	[sflag:s19] =	ssyncadd.s32 $0xFFFFE000  }
0x38: {  	_ =	swait.ge [sflag:s19], $0x2000  }
0x39: {  	[sflag:s19] =	ssyncset.done $0x0  }
0x3a: {  	[sflag:s19] =	ssyncadd.s32 $0xFFFFE000  }
0x3b: {  	_ =	swait.ge [sflag:s19], $0x2000  }
0x3c: {  	[sflag:s19] =	ssyncset.done $0x0  }
0x3d: {  	[sflag:s19] =	ssyncadd.s32 $0xFFFFE000  }
0x3e: {  	_ =	swait.ge [sflag:s19], $0x2000  }
0x3f: {  	[sflag:s19] =	ssyncset.done $0x0  }
0x40: {  	[sflag:s19] =	ssyncadd.s32 $0xFFFFE000  }
0x41: {  	_ =	swait.ge [sflag:s19], $0x2000  }
0x42: {  	[sflag:s19] =	ssyncset.done $0x0  }
0x43: {  	[sflag:s19] =	ssyncadd.s32 $0xFFFFE000  }
0x44: {  	_ =	swait.ge [sflag:s19], $0x2000  }
0x45: {  	[sflag:s19] =	ssyncset.done $0x0  }
0x46: {  	[sflag:s19] =	ssyncadd.s32 $0xFFFFE000  }
0x47: {  	_ =	swait.ge [sflag:s19], $0x2000  }
0x48: {  	[sflag:s19] =	ssyncset.done $0x0  }
0x49: {  	[sflag:s19] =	ssyncadd.s32 $0xFFFFE000  }
0x4a: {  	_ =	swait.ge [sflag:s19], $0x2000  }
0x4b: {  	[sflag:s19] =	ssyncset.done $0x0  }
0x4c: {  	[sflag:s19] =	ssyncadd.s32 $0xFFFFE000  }
0x4d: {  	_ =	swait.ge [sflag:s19], $0x2000  }
0x4e: {  	s21 =	sadd.s32 $0x1, s21;
	[sflag:s19] =	ssyncset.done $0x0  }
0x4f: {  	p0 =	sne.s32 s21, s8;
	[sflag:s19] =	ssyncadd.s32 $0xFFFFE000  }
.Ltmp1:
0x50: {  	[bflag:$0x0] =	sbarrier.arrive $0xFFFF;
	(pc) =	sbr.rel @p0 .LBB2_1-.Ltmp1, $4  }
0x51: {  	[hbm:s20], [sflag:s6] =	dma.local [spmem:s9], $0x13C0  }
0x52: {  	_ =	swait.ge [sflag:s10], $0x13C0  }
0x53: {  	[sflag:s10] =	ssyncset.done $0x0  }
0x54: {  	[sflag:s10] =	ssyncadd.s32 $0xFFFFEC40  }
0x55: {  	_ =	sfence.sel $0x180000  }
0x56: {  	[bflag:$0x0] =	sbarrier.arrive $0xFFFF  }
0x57: {  	p0 =	sne.s32 s1, $0x0;
	_ =	strace $0x90000047  }
0x58: {  	s0 =	sadd.s32 @!p0 $0x100000, s0;
	[bflag:$0x2] =	sbarrier.arrive $0xFFFF  }
0x59: {  	[sflag:s0] =	ssyncadd.tile.s32 @!p0 $0x1;
	_ =	shalt  }
.Lfunc_end2:
_tile_overlayer_lowered:
.L_overlay_start_2:
0x5a: {  	(tag) =	ssettag $0x2  }
0x5b: {  	s0 =	rddreg [dreg:$0x0];
	s2 =	stileid.u32  }
0x5c: {  	s1 =	rddreg [dreg:$0x1];
	p0 =	sne.s32 s2, $0x0  }
0x5d: {  	s3 =	rddreg [dreg:$0x2];
	[bflag:$0x3] =	sbarrier.arrive $0xFFFF;
	s2 =	simm.s32 @!p0 $0x1C02  }
0x5e: {  	[timem:s3], [sflag:s2] =	dma.local @!p0 [hbm:s0], s1  }
0x5f: {  	s0 =	simm.s32 @!p0 $0x2  }
0x60: {  	_ =	swait.ge @!p0 [sflag:s0], s1  }
0x61: {  	s1 =	ssub.s32 @!p0 $0x0, s1;
	[sflag:s0] =	ssyncset.done @!p0 $0x0  }
0x62: {  	[sflag:s0] =	ssyncadd.s32 @!p0 s1  }
0x63: {  	[bflag:$0x3] =	sbarrier.arrive $0xFFFF  }
0x64: {  	_ =	shalt  }

</sc_bundles>
